<compile_context>
chip_gen: v7x
topology: tpu7x:2x2x1
jax: 0.10.2.dev20260603
libtpu: 0.0.44.dev20260713+nightly
codegen_flags: <defaults>
</compile_context>

<pallas_src>
import functools

import jax
import jax.numpy as jnp
from jax import lax
from jax.experimental import pallas as pl
from jax.experimental.pallas import tpu as pltpu
from jax.experimental.pallas import tpu_sc as plsc

N_NODES = 10000
N_EDGES = 320000
FEATS = 128
MSG_W = 32
GW = 128
N_SUBCORES = 16
ZROWS = N_NODES // N_SUBCORES

BN = 1000
PACK = 4
BEP = 1000

_f32 = jnp.float32


def _mesh():
    return plsc.VectorSubcoreMesh(core_axis_name="core", subcore_axis_name="subcore")



def _sc_gather(tdst, tsrc, ei):
    grid = N_EDGES // GW
    srows = N_NODES // N_SUBCORES

    @functools.partial(
        pl.kernel,
        mesh=_mesh(),
        out_type=jax.ShapeDtypeStruct((N_EDGES, MSG_W), _f32),
        scratch_types=[
            pltpu.VMEM_SHARED((N_NODES, MSG_W), _f32),
            pltpu.VMEM_SHARED((N_NODES, MSG_W), _f32),
        ],
        compiler_params=pltpu.CompilerParams(use_tc_tiling_on_sc=False),
    )
    def k(td_hbm, ts_hbm, ei_hbm, g_hbm, tabd, tabs):
        s = lax.axis_index("subcore")
        pltpu.sync_copy(td_hbm.at[pl.ds(s * srows, srows)],
                        tabd.at[pl.ds(s * srows, srows)])
        pltpu.sync_copy(ts_hbm.at[pl.ds(s * srows, srows)],
                        tabs.at[pl.ds(s * srows, srows)])
        plsc.subcore_barrier()

        def body(si_vmem, di_vmem, g_vmem):
            pltpu.sync_copy(tabd.at[di_vmem.at[0]], g_vmem)
            pltpu.sync_copy(tabs.at[si_vmem.at[0]], g_vmem, add=True)

        pltpu.emit_pipeline(
            body,
            grid=(grid,),
            in_specs=[
                pl.BlockSpec((1, GW), lambda i: (0, i)),
                pl.BlockSpec((1, GW), lambda i: (1, i)),
            ],
            out_specs=[
                pl.BlockSpec((GW, MSG_W), lambda i: (i, 0)),
            ],
            core_axis_name=("core", "subcore"),
            dimension_semantics=(pltpu.PARALLEL,),
        )(ei_hbm, ei_hbm, g_hbm)

    return k(tdst, tsrc, ei)


def _sc_scatter_add(msg, ei, zrows):
    grid = N_EDGES // GW

    @functools.partial(
        pl.kernel,
        mesh=_mesh(),
        out_type=jax.ShapeDtypeStruct((2, N_NODES, MSG_W), _f32),
        scratch_types=[pltpu.VMEM_SHARED((N_NODES, MSG_W), _f32)],
        compiler_params=pltpu.CompilerParams(use_tc_tiling_on_sc=False),
    )
    def k(msg_hbm, di_hbm, z_hbm, out_hbm, acc):
        c = lax.axis_index("core")
        s = lax.axis_index("subcore")
        pltpu.sync_copy(z_hbm, acc.at[pl.ds(s * ZROWS, ZROWS)])
        plsc.subcore_barrier()

        def body(m_vmem, di_vmem):
            pltpu.sync_copy(m_vmem, acc.at[di_vmem.at[0]], add=True)

        pltpu.emit_pipeline(
            body,
            grid=(grid,),
            in_specs=[
                pl.BlockSpec((GW, MSG_W), lambda i: (i, 0)),
                pl.BlockSpec((1, GW), lambda i: (1, i)),
            ],
            out_specs=[],
            core_axis_name=("core", "subcore"),
            dimension_semantics=(pltpu.PARALLEL,),
        )(msg_hbm, di_hbm)

        plsc.subcore_barrier()
        pltpu.sync_copy(
            acc.at[pl.ds(s * ZROWS, ZROWS)],
            out_hbm.at[c].at[pl.ds(s * ZROWS, ZROWS)],
        )

    return k(msg, ei, zrows)



def _tc_tables(h, pos, wd, ws):

    def body(h_ref, p_ref, wd_ref, ws_ref, td_ref, ts_ref):
        hb = h_ref[...]
        pb = p_ref[...]
        z = jnp.zeros((hb.shape[0], MSG_W - 19), _f32)
        a = jnp.dot(hb, wd_ref[...], preferred_element_type=_f32)
        b = jnp.dot(hb, ws_ref[...], preferred_element_type=_f32)
        td_ref[...] = jnp.concatenate([a, pb, z], axis=1)
        ts_ref[...] = jnp.concatenate([b, -pb, z], axis=1)

    grid = (N_NODES // BN,)
    return pl.pallas_call(
        body,
        grid=grid,
        in_specs=[
            pl.BlockSpec((BN, FEATS), lambda i: (i, 0)),
            pl.BlockSpec((BN, 3), lambda i: (i, 0)),
            pl.BlockSpec((FEATS, 16), lambda i: (0, 0)),
            pl.BlockSpec((FEATS, 16), lambda i: (0, 0)),
        ],
        out_specs=[
            pl.BlockSpec((BN, MSG_W), lambda i: (i, 0)),
            pl.BlockSpec((BN, MSG_W), lambda i: (i, 0)),
        ],
        out_shape=(
            jax.ShapeDtypeStruct((N_NODES, MSG_W), _f32),
            jax.ShapeDtypeStruct((N_NODES, MSG_W), _f32),
        ),
    )(h, pos, wd, ws)


def _tc_edge(gin, eap, pw):

    def body(g_ref, ea_ref, eaw_ref, sp_ref, e2p_ref, x1p_ref,
             x2p_ref, b1_ref, b2_ref, bx1_ref, bx2_ref, out_ref):
        g = g_ref[...]
        pre = (g
               + jnp.dot(ea_ref[...], eaw_ref[...], preferred_element_type=_f32)
               + jnp.dot(g * g, sp_ref[...], preferred_element_type=_f32)
               + b1_ref[...])
        m1 = jax.nn.silu(pre)
        m = jax.nn.silu(jnp.dot(m1, e2p_ref[...], preferred_element_type=_f32)
                        + b2_ref[...])
        t = jax.nn.silu(jnp.dot(m, x1p_ref[...], preferred_element_type=_f32)
                        + bx1_ref[...])
        xwb = jnp.dot(t, x2p_ref[...], preferred_element_type=_f32) + bx2_ref[...]
        out_ref[...] = m + g * xwb

    rows = N_EDGES // PACK
    grid = (rows // BEP,)
    full = lambda shp: pl.BlockSpec(shp, lambda i: (0, 0))
    out = pl.pallas_call(
        body,
        grid=grid,
        in_specs=[
            pl.BlockSpec((BEP, 128), lambda i: (i, 0)),
            pl.BlockSpec((BEP, 16), lambda i: (i, 0)),
            full((16, 128)), full((128, 128)),
            full((128, 128)), full((128, 128)), full((128, 128)),
            full((1, 128)), full((1, 128)), full((1, 128)), full((1, 128)),
        ],
        out_specs=pl.BlockSpec((BEP, 128), lambda i: (i, 0)),
        out_shape=jax.ShapeDtypeStruct((rows, 128), _f32),
    )(gin, eap,
      pw['eaw'], pw['sp'], pw['e2p'], pw['x1p'], pw['x2p'],
      pw['b1'], pw['b2'], pw['bx1'], pw['bx2'])
    return out


def _tc_update(h, pos, p, h1a, h1b, bh1, h2w, bh2, wd, ws):

    def body(h_ref, pos_ref, p_ref, h1a_ref, h1b_ref, bh1_ref, h2w_ref,
             bh2_ref, wd_ref, ws_ref, hn_ref, td_ref, ts_ref):
        hb = h_ref[...]
        pb = pos_ref[...]
        agg = p_ref[0] + p_ref[1]
        magg = agg[:, :16]
        pagg = agg[:, 16:19]
        hu = jax.nn.silu(
            jnp.dot(hb, h1a_ref[...], preferred_element_type=_f32)
            + jnp.dot(magg, h1b_ref[...], preferred_element_type=_f32)
            + bh1_ref[...])
        hu = jnp.dot(hu, h2w_ref[...], preferred_element_type=_f32) + bh2_ref[...]
        hn = hb + hu
        pn = pb + pagg
        hn_ref[...] = hn
        z = jnp.zeros((hb.shape[0], MSG_W - 19), _f32)
        a = jnp.dot(hn, wd_ref[...], preferred_element_type=_f32)
        b = jnp.dot(hn, ws_ref[...], preferred_element_type=_f32)
        td_ref[...] = jnp.concatenate([a, pn, z], axis=1)
        ts_ref[...] = jnp.concatenate([b, -pn, z], axis=1)

    grid = (N_NODES // BN,)
    full = lambda shp: pl.BlockSpec(shp, lambda i: (0, 0))
    return pl.pallas_call(
        body,
        grid=grid,
        in_specs=[
            pl.BlockSpec((BN, FEATS), lambda i: (i, 0)),
            pl.BlockSpec((BN, 3), lambda i: (i, 0)),
            pl.BlockSpec((2, BN, MSG_W), lambda i: (0, i, 0)),
            full((FEATS, FEATS)), full((16, FEATS)), full((1, FEATS)),
            full((FEATS, FEATS)), full((1, FEATS)),
            full((FEATS, 16)), full((FEATS, 16)),
        ],
        out_specs=[
            pl.BlockSpec((BN, FEATS), lambda i: (i, 0)),
            pl.BlockSpec((BN, MSG_W), lambda i: (i, 0)),
            pl.BlockSpec((BN, MSG_W), lambda i: (i, 0)),
        ],
        out_shape=(
            jax.ShapeDtypeStruct((N_NODES, FEATS), _f32),
            jax.ShapeDtypeStruct((N_NODES, MSG_W), _f32),
            jax.ShapeDtypeStruct((N_NODES, MSG_W), _f32),
        ),
    )(h, pos, p, h1a, h1b, bh1, h2w, bh2, wd, ws)


def _tc_final(h, p, h1a, h1b, bh1, h2w, bh2, linw, linb):

    def body(h_ref, p_ref, h1a_ref, h1b_ref, bh1_ref, h2w_ref, bh2_ref,
             linw_ref, linb_ref, out_ref):
        hb = h_ref[...]
        agg = p_ref[0] + p_ref[1]
        magg = agg[:, :16]
        hu = jax.nn.silu(
            jnp.dot(hb, h1a_ref[...], preferred_element_type=_f32)
            + jnp.dot(magg, h1b_ref[...], preferred_element_type=_f32)
            + bh1_ref[...])
        hu = jnp.dot(hu, h2w_ref[...], preferred_element_type=_f32) + bh2_ref[...]
        hn = hb + hu
        out_ref[...] = (jnp.dot(hn, linw_ref[...], preferred_element_type=_f32)
                        + linb_ref[...])

    grid = (N_NODES // BN,)
    full = lambda shp: pl.BlockSpec(shp, lambda i: (0, 0))
    return pl.pallas_call(
        body,
        grid=grid,
        in_specs=[
            pl.BlockSpec((BN, FEATS), lambda i: (i, 0)),
            pl.BlockSpec((2, BN, MSG_W), lambda i: (0, i, 0)),
            full((FEATS, FEATS)), full((16, FEATS)), full((1, FEATS)),
            full((FEATS, FEATS)), full((1, FEATS)),
            full((FEATS, 16)), full((1, 16)),
        ],
        out_specs=pl.BlockSpec((BN, 16), lambda i: (i, 0)),
        out_shape=jax.ShapeDtypeStruct((N_NODES, 16), _f32),
    )(h, p, h1a, h1b, bh1, h2w, bh2, linw, linb)



def _layer_weights(p):
    w1, b1 = p['e1']
    return dict(
        wd=w1[:FEATS], ws=w1[FEATS:2 * FEATS],
        wd2=w1[2 * FEATS:2 * FEATS + 1], wea=w1[2 * FEATS + 1:],
        be1=b1.reshape(1, -1),
        e2w=p['e2'][0], be2=p['e2'][1].reshape(1, -1),
        x1w=p['x1'][0], bx1=p['x1'][1].reshape(1, -1),
        x2w=p['x2'][0], bx2=p['x2'][1].reshape(1, -1),
        h1a=p['h1'][0][:FEATS], h1b=p['h1'][0][FEATS:],
        bh1=p['h1'][1].reshape(1, -1),
        h2w=p['h2'][0], bh2=p['h2'][1].reshape(1, -1),
    )


def _embed(w, r0, c0, rr, cc):
    h, wd = w.shape
    row = [w]
    if c0:
        row.insert(0, jnp.zeros((h, c0), _f32))
    if cc - c0 - wd:
        row.append(jnp.zeros((h, cc - c0 - wd), _f32))
    mid = jnp.concatenate(row, axis=1) if len(row) > 1 else w
    col = [mid]
    if r0:
        col.insert(0, jnp.zeros((r0, cc), _f32))
    if rr - r0 - h:
        col.append(jnp.zeros((rr - r0 - h, cc), _f32))
    return jnp.concatenate(col, axis=0) if len(col) > 1 else mid


def _tc_prep(l0, l1):

    names = ('wd2', 'wea', 'e2w', 'x1w', 'x2w', 'be1', 'be2', 'bx1', 'bx2')
    ins = [l0[n] for n in names] + [l1[n] for n in names]

    def one(wd2, wea, e2w, x1w, x2w, be1, be2, bx1, bx2):
        wd2b = jnp.broadcast_to(wd2, (3, 16))
        x2b = jnp.broadcast_to(x2w, (16, 3))
        bx2b = jnp.broadcast_to(bx2, (1, 3))
        eaw = sum(_embed(wea, 4 * i, 32 * i, 16, 128) for i in range(PACK))
        sp = sum(_embed(wd2b, 32 * i + 16, 32 * i, 128, 128) for i in range(PACK))
        e2p = sum(_embed(e2w, 32 * i, 32 * i, 128, 128) for i in range(PACK))
        x1p = sum(_embed(x1w, 32 * i, 32 * i, 128, 128) for i in range(PACK))
        x2p = sum(_embed(x2b, 32 * i, 32 * i + 16, 128, 128) for i in range(PACK))
        b1 = sum(_embed(be1, 0, 32 * i, 1, 128) for i in range(PACK))
        b2 = sum(_embed(be2, 0, 32 * i, 1, 128) for i in range(PACK))
        bx1v = sum(_embed(bx1, 0, 32 * i, 1, 128) for i in range(PACK))
        bx2v = sum(_embed(bx2b, 0, 32 * i + 16, 1, 128) for i in range(PACK))
        return eaw, sp, e2p, x1p, x2p, b1, b2, bx1v, bx2v

    def body(*refs):
        in_refs = refs[:len(ins)]
        out_refs = refs[len(ins):]
        vals = [r[...] for r in in_refs]
        outs = one(*vals[:9]) + one(*vals[9:])
        for r, v in zip(out_refs, outs):
            r[...] = v

    full = lambda a: pl.BlockSpec(a.shape, lambda: tuple(0 for _ in a.shape))
    oshapes = []
    for _ in range(2):
        oshapes += [(16, 128), (128, 128), (128, 128), (128, 128), (128, 128),
                    (1, 128), (1, 128), (1, 128), (1, 128)]
    outs = pl.pallas_call(
        body,
        in_specs=[full(a) for a in ins],
        out_specs=[pl.BlockSpec(s, lambda: tuple(0 for _ in s)) for s in oshapes],
        out_shape=[jax.ShapeDtypeStruct(s, _f32) for s in oshapes],
    )(*ins)
    keys = ('eaw', 'sp', 'e2p', 'x1p', 'x2p', 'b1', 'b2', 'bx1', 'bx2')
    pw0 = dict(zip(keys, outs[:9]))
    pw1 = dict(zip(keys, outs[9:]))
    return pw0, pw1


def kernel(x, edge_index, edge_attr, pos, params):
    rows = N_EDGES // PACK
    zrows = jnp.zeros((ZROWS, MSG_W), _f32)
    ea_p = edge_attr.reshape(rows, PACK * 4)

    l0 = _layer_weights(params['layers'][0])
    l1 = _layer_weights(params['layers'][1])
    pw0, pw1 = _tc_prep(l0, l1)
    linw, linb = params['lin1']
    linb = linb.reshape(1, -1)

    td, ts = _tc_tables(x, pos, l0['wd'], l0['ws'])
    g = _sc_gather(td, ts, edge_index)
    msg = _tc_edge(g.reshape(rows, 128), ea_p, pw0)
    p0 = _sc_scatter_add(msg.reshape(N_EDGES, MSG_W), edge_index, zrows)

    h1, td2, ts2 = _tc_update(x, pos, p0, l0['h1a'], l0['h1b'], l0['bh1'],
                              l0['h2w'], l0['bh2'], l1['wd'], l1['ws'])

    g2 = _sc_gather(td2, ts2, edge_index)
    msg2 = _tc_edge(g2.reshape(rows, 128), ea_p, pw1)
    p1 = _sc_scatter_add(msg2.reshape(N_EDGES, MSG_W), edge_index, zrows)

    return _tc_final(h1, p1, l1['h1a'], l1['h1b'], l1['bh1'],
                     l1['h2w'], l1['bh2'], linw, linb)

# --- scband reference (transcript-rebuilt; emitter-appended) ---
"""Pipeline reference for scband-gnnmodel-11321533792722 (READ-ONLY COPY).

The authoritative reference and input builder live on the scoring server;
editing this copy changes nothing except your own understanding.
"""

import jax, jax.numpy as jnp
import numpy as np

N = 10000
E = 320000
FEATS = 128
POS_DIM = 3
M_DIM = 16
N_LAYERS = 2
NUM_CLASSES = 16
EDGE_DIM = 4


def _linear_params(key, fan_in, fan_out):
    k1, k2 = jax.random.split(key)
    s = 1.0 / np.sqrt(fan_in)
    W = jax.random.uniform(k1, (fan_in, fan_out), minval=-s, maxval=s, dtype=jnp.float32)
    b = jax.random.uniform(k2, (fan_out,), minval=-s, maxval=s, dtype=jnp.float32)
    return (W, b)


def _init_params(key):
    layers = []
    for _ in range(N_LAYERS):
        key, k1, k2, k3, k4, k5, k6 = jax.random.split(key, 7)
        layers.append({
            'e1': _linear_params(k1, 2 * FEATS + 1 + EDGE_DIM, M_DIM),
            'e2': _linear_params(k2, M_DIM, M_DIM),
            'x1': _linear_params(k3, M_DIM, M_DIM),
            'x2': _linear_params(k4, M_DIM, 1),
            'h1': _linear_params(k5, FEATS + M_DIM, FEATS),
            'h2': _linear_params(k6, FEATS, FEATS),
        })
    key, k = jax.random.split(key)
    return {'layers': layers, 'lin1': _linear_params(k, FEATS, NUM_CLASSES)}


def setup_inputs(seed: int = 0):
    key = jax.random.key(seed)
    k1, k2, k3, k4, kp = jax.random.split(key, 5)
    x = jax.random.normal(k1, (N, FEATS), dtype=jnp.float32)
    pos = jax.random.normal(k2, (N, POS_DIM), dtype=jnp.float32)
    edge_index = jax.random.randint(k3, (2, E), 0, N, dtype=jnp.int32)
    edge_attr = jax.random.normal(k4, (E, EDGE_DIM), dtype=jnp.float32)
    params = _init_params(kp)
    return {'x': x, 'edge_index': edge_index, 'edge_attr': edge_attr, 'pos': pos, 'params': params}


def _egnn_layer(h, pos, src, dst, edge_attr, p):
    # EGNN (Satorras et al.) sparse message passing layer.
    rel = pos[dst] - pos[src]                                   # gather
    d2 = jnp.sum(rel * rel, axis=-1, keepdims=True)
    ef = jnp.concatenate([h[dst], h[src], d2, edge_attr], axis=-1)  # gather
    m = jax.nn.silu(ef @ p['e1'][0] + p['e1'][1])
    m = jax.nn.silu(m @ p['e2'][0] + p['e2'][1])
    xw = jax.nn.silu(m @ p['x1'][0] + p['x1'][1]) @ p['x2'][0] + p['x2'][1]
    n = h.shape[0]
    pos_agg = jax.ops.segment_sum(rel * xw, dst, num_segments=n)    # scatter-add
    m_agg = jax.ops.segment_sum(m, dst, num_segments=n)             # scatter-add
    hu = jax.nn.silu(jnp.concatenate([h, m_agg], axis=-1) @ p['h1'][0] + p['h1'][1])
    hu = hu @ p['h2'][0] + p['h2'][1]
    return h + hu, pos + pos_agg


def reference(x, edge_index, edge_attr, pos, params):
    src = edge_index[0]
    dst = edge_index[1]
    h = x
    pp = pos
    for layer in params['layers']:
        h, pp = _egnn_layer(h, pp, src, dst, edge_attr, layer)
    W, b = params['lin1']
    out = h @ W + b
    return out

if __name__ == "__main__":
    import jax
    _d = setup_inputs()
    print(jax.jit(kernel)(*tuple(_d.values())))

</pallas_src>

<mosaic_0001>
#map = affine_map<(d0, d1) -> (0, 0)>
#map1 = affine_map<(d0, d1) -> (0, 0, 0)>
module attributes {stable_mosaic.version = 14 : i64} {
  func.func @k(%arg0: i32, %arg1: i32, %arg2: memref<320000x32xf32, #tpu.memory_space<hbm>>, %arg3: memref<2x320000xi32, #tpu.memory_space<hbm>>, %arg4: memref<625x32xf32, #tpu.memory_space<hbm>>, %arg5: memref<2x10000x32xf32, #tpu.memory_space<hbm>>, %arg6: memref<10000x32xf32, #tpu.memory_space<vmem_shared>>) attributes {dimension_semantics = [#tpu.dimension_semantics<core_parallel>, #tpu.dimension_semantics<subcore_parallel>], iteration_bounds = array<i64: 2, 16>, scalar_prefetch = 0 : i64, scratch_operands = 1 : i64, tpu.core_type = #tpu.core_type<sc_vector_subcore>, window_params = [{transform_indices = #map}, {transform_indices = #map}, {transform_indices = #map}, {transform_indices = #map1}]} {
    %mul3A = arith.constant 625 : i32
    %mul3A_0 = arith.muli %arg1, %mul3A : i32
    "tpu.region"() ({
      %run_scoped3A = tpu.sem_alloc : memref<!tpu.dma_semaphore, #tpu.memory_space<semaphore_mem>>
      %dma_start3A = arith.constant 0 : i32
      %dma_start3A_24 = tpu.memref_slice %arg6[%mul3A_0, %dma_start3A] : memref<10000x32xf32, #tpu.memory_space<vmem_shared>> -> memref<625x32xf32, #tpu.memory_space<vmem_shared>>
      tpu.enqueue_dma source(%arg4 : memref<625x32xf32, #tpu.memory_space<hbm>>) target(%dma_start3A_24 : memref<625x32xf32, #tpu.memory_space<vmem_shared>>) target_semaphore(%run_scoped3A : memref<!tpu.dma_semaphore, #tpu.memory_space<semaphore_mem>>)
      %dma_wait3A = arith.constant 0 : i32
      %dma_wait3A_25 = tpu.memref_slice %arg6[%mul3A_0, %dma_wait3A] : memref<10000x32xf32, #tpu.memory_space<vmem_shared>> -> memref<625x32xf32, #tpu.memory_space<vmem_shared>>
      tpu.wait_dma2 semaphore(%run_scoped3A : memref<!tpu.dma_semaphore, #tpu.memory_space<semaphore_mem>>) src(%arg4 : memref<625x32xf32, #tpu.memory_space<hbm>>) dst(%dma_wait3A_25 : memref<625x32xf32, #tpu.memory_space<vmem_shared>>)
      tpu.yield
    }) : () -> ()
    %barrier3A = arith.constant 0 : index
    tpu.barrier barrier_id(%barrier3A)
    %mul3A_1 = arith.constant 1 : i32
    %mul3A_2 = arith.muli %arg1, %mul3A_1 : i32
    %add3A = arith.constant 0 : i32
    %add3A_3 = arith.addi %add3A, %mul3A_2 : i32
    %mul3A_4 = arith.constant 16 : i32
    %mul3A_5 = arith.muli %arg0, %mul3A_4 : i32
    %add3A_6 = arith.addi %add3A_3, %mul3A_5 : i32
    %lt3A = arith.constant 4 : i32
    %lt3A_7 = arith.cmpi slt, %add3A_6, %lt3A : i32
    %jit3A = arith.constant 79 : i32
    %jit3A_8 = arith.constant 78 : i32
    %select_n3A = arith.select %lt3A_7, %jit3A, %jit3A_8 : i32
    %lt3A_9 = arith.constant 4 : i32
    %lt3A_10 = arith.cmpi slt, %add3A_6, %lt3A_9 : i32
    %mul3A_11 = arith.muli %add3A_6, %select_n3A : i32
    %mul3A_12 = arith.constant 78 : i32
    %mul3A_13 = arith.muli %add3A_6, %mul3A_12 : i32
    %add3A_14 = arith.constant 4 : i32
    %add3A_15 = arith.addi %mul3A_13, %add3A_14 : i32
    %select_n3A_16 = arith.select %lt3A_10, %mul3A_11, %add3A_15 : i32
    %mul3A_17 = arith.constant 1 : i32
    %mul3A_18 = arith.muli %mul3A_17, %select_n3A : i32
    "tpu.region"() ({
      %run_scoped3A = memref.alloca() : memref<2x128x32xf32, #tpu.memory_space<vmem>>
      %run_scoped3A_24 = tpu.sem_alloc : memref<2x!tpu.dma_semaphore, #tpu.memory_space<semaphore_mem>>
      %run_scoped3A_25 = memref.alloca() : memref<2x1x128xi32, #tpu.memory_space<vmem>>
      %run_scoped3A_26 = tpu.sem_alloc : memref<2x!tpu.dma_semaphore, #tpu.memory_space<semaphore_mem>>
      %gt3A = arith.constant 0 : i32
      %gt3A_27 = arith.cmpi sgt, %mul3A_18, %gt3A : i32
      %convert_element_type3A = arith.extui %gt3A_27 : i1 to i32
      %cond3A = arith.constant 0 : i32
      %cond3A_28 = arith.cmpi ne, %convert_element_type3A, %cond3A : i32
      scf.if %cond3A_28 {
        %mul3A_29 = arith.constant 1 : i32
        %mul3A_30 = arith.muli %mul3A_29, %select_n3A : i32
        %sub3A = arith.constant 1 : i32
        %sub3A_31 = arith.subi %mul3A_30, %sub3A : i32
        %eq3A = arith.constant 0 : i32
        %eq3A_32 = arith.cmpi eq, %sub3A_31, %eq3A : i32
        %add3A_33 = arith.constant 0 : i32
        %add3A_34 = arith.addi %add3A_33, %select_n3A_16 : i32
        %select_n3A_35 = arith.constant true
        %select_n3A_36 = arith.constant 0 : i32
        %select_n3A_37 = arith.constant -1 : i32
        %select_n3A_38 = arith.select %select_n3A_35, %select_n3A_37, %select_n3A_36 : i32
        %eq3A_39 = arith.constant -1 : i32
        %eq3A_40 = arith.cmpi eq, %select_n3A_38, %eq3A_39 : i32
        %sub3A_41 = arith.constant 1 : i32
        %sub3A_42 = arith.subi %select_n3A, %sub3A_41 : i32
        %select_n3A_43 = arith.select %eq3A_40, %sub3A_42, %select_n3A_38 : i32
        %add3A_44 = arith.addi %select_n3A_43, %select_n3A_16 : i32
        %select_n3A_45 = arith.constant true
        %select_n3A_46 = arith.constant 0 : i32
        %select_n3A_47 = arith.constant 1 : i32
        %select_n3A_48 = arith.select %select_n3A_45, %select_n3A_47, %select_n3A_46 : i32
        %eq3A_49 = arith.cmpi eq, %select_n3A_48, %select_n3A : i32
        %select_n3A_50 = arith.constant 0 : i32
        %select_n3A_51 = arith.select %eq3A_49, %select_n3A_50, %select_n3A_48 : i32
        %add3A_52 = arith.addi %select_n3A_51, %select_n3A_16 : i32
        %add3A_53 = arith.constant 1 : i32
        %add3A_54 = arith.addi %select_n3A_51, %add3A_53 : i32
        %select_n3A_55 = arith.constant true
        %select_n3A_56 = arith.select %select_n3A_55, %add3A_54, %select_n3A_51 : i32
        %eq3A_57 = arith.cmpi eq, %select_n3A_56, %select_n3A : i32
        %select_n3A_58 = arith.constant 0 : i32
        %select_n3A_59 = arith.select %eq3A_57, %select_n3A_58, %select_n3A_56 : i32
        %add3A_60 = arith.addi %select_n3A_59, %select_n3A_16 : i32
        "tpu.trace_start"() <{level = 10 : i32, message = "ep_initialize_0"}> : () -> ()
        %rem3A = arith.constant 0 : i32
        %rem3A_61 = arith.constant 2 : i32
        %rem3A_62 = arith.remui %rem3A, %rem3A_61 : i32
        %mul3A_63 = arith.constant 128 : i32
        %mul3A_64 = arith.muli %mul3A_63, %add3A_34 : i32
        %dma_start3A = arith.constant 0 : i32
        %dma_start3A_65 = arith.constant 0 : i32
        %dma_start3A_66 = tpu.memref_slice %run_scoped3A[%rem3A_62, %dma_start3A, %dma_start3A_65] : memref<2x128x32xf32, #tpu.memory_space<vmem>> -> memref<1x128x32xf32, #tpu.memory_space<vmem>>
        %dma_start3A_67 = tpu.memref_squeeze %dma_start3A_66 : memref<1x128x32xf32, #tpu.memory_space<vmem>> -> memref<128x32xf32, #tpu.memory_space<vmem>>
        %dma_start3A_68 = arith.constant 0 : i32
        %dma_start3A_69 = tpu.memref_slice %arg2[%mul3A_64, %dma_start3A_68] : memref<320000x32xf32, #tpu.memory_space<hbm>> -> memref<128x32xf32, #tpu.memory_space<hbm>>
        %dma_start3A_70 = tpu.memref_slice %run_scoped3A_24[%rem3A_62] : memref<2x!tpu.dma_semaphore, #tpu.memory_space<semaphore_mem>> -> memref<1x!tpu.dma_semaphore, #tpu.memory_space<semaphore_mem>>
        %dma_start3A_71 = tpu.memref_squeeze %dma_start3A_70 : memref<1x!tpu.dma_semaphore, #tpu.memory_space<semaphore_mem>> -> memref<!tpu.dma_semaphore, #tpu.memory_space<semaphore_mem>>
        %dma_start3A_72 = arith.constant 0 : i32
        %dma_start3A_73 = arith.constant 0 : i32
        %dma_start3A_74 = tpu.memref_slice %run_scoped3A[%rem3A_62, %dma_start3A_72, %dma_start3A_73] : memref<2x128x32xf32, #tpu.memory_space<vmem>> -> memref<1x128x32xf32, #tpu.memory_space<vmem>>
        %dma_start3A_75 = tpu.memref_squeeze %dma_start3A_74 : memref<1x128x32xf32, #tpu.memory_space<vmem>> -> memref<128x32xf32, #tpu.memory_space<vmem>>
        %dma_start3A_76 = arith.constant 0 : i32
        %dma_start3A_77 = tpu.memref_slice %arg2[%mul3A_64, %dma_start3A_76] : memref<320000x32xf32, #tpu.memory_space<hbm>> -> memref<128x32xf32, #tpu.memory_space<hbm>>
        tpu.enqueue_dma source(%dma_start3A_77 : memref<128x32xf32, #tpu.memory_space<hbm>>) target(%dma_start3A_75 : memref<128x32xf32, #tpu.memory_space<vmem>>) target_semaphore(%dma_start3A_71 : memref<!tpu.dma_semaphore, #tpu.memory_space<semaphore_mem>>)
        %add3A_78 = arith.constant 0 : i32
        %add3A_79 = arith.constant 1 : i32
        %add3A_80 = arith.addi %add3A_78, %add3A_79 : i32
        %select_n3A_81 = arith.constant true
        %select_n3A_82 = arith.constant 0 : i32
        %select_n3A_83 = arith.select %select_n3A_81, %add3A_80, %select_n3A_82 : i32
        %rem3A_84 = arith.constant 0 : i32
        %rem3A_85 = arith.constant 2 : i32
        %rem3A_86 = arith.remui %rem3A_84, %rem3A_85 : i32
        %mul3A_87 = arith.constant 128 : i32
        %mul3A_88 = arith.muli %mul3A_87, %add3A_34 : i32
        %dma_start3A_89 = arith.constant 0 : i32
        %dma_start3A_90 = arith.constant 0 : i32
        %dma_start3A_91 = tpu.memref_slice %run_scoped3A_25[%rem3A_86, %dma_start3A_89, %dma_start3A_90] : memref<2x1x128xi32, #tpu.memory_space<vmem>> -> memref<1x1x128xi32, #tpu.memory_space<vmem>>
        %dma_start3A_92 = tpu.memref_squeeze %dma_start3A_91 : memref<1x1x128xi32, #tpu.memory_space<vmem>> -> memref<1x128xi32, #tpu.memory_space<vmem>>
        %dma_start3A_93 = arith.constant 1 : i32
        %dma_start3A_94 = tpu.memref_slice %arg3[%dma_start3A_93, %mul3A_88] : memref<2x320000xi32, #tpu.memory_space<hbm>> -> memref<1x128xi32, #tpu.memory_space<hbm>>
        %dma_start3A_95 = tpu.memref_slice %run_scoped3A_26[%rem3A_86] : memref<2x!tpu.dma_semaphore, #tpu.memory_space<semaphore_mem>> -> memref<1x!tpu.dma_semaphore, #tpu.memory_space<semaphore_mem>>
        %dma_start3A_96 = tpu.memref_squeeze %dma_start3A_95 : memref<1x!tpu.dma_semaphore, #tpu.memory_space<semaphore_mem>> -> memref<!tpu.dma_semaphore, #tpu.memory_space<semaphore_mem>>
        %dma_start3A_97 = arith.constant 0 : i32
        %dma_start3A_98 = arith.constant 0 : i32
        %dma_start3A_99 = tpu.memref_slice %run_scoped3A_25[%rem3A_86, %dma_start3A_97, %dma_start3A_98] : memref<2x1x128xi32, #tpu.memory_space<vmem>> -> memref<1x1x128xi32, #tpu.memory_space<vmem>>
        %dma_start3A_100 = tpu.memref_squeeze %dma_start3A_99 : memref<1x1x128xi32, #tpu.memory_space<vmem>> -> memref<1x128xi32, #tpu.memory_space<vmem>>
        %dma_start3A_101 = arith.constant 1 : i32
        %dma_start3A_102 = tpu.memref_slice %arg3[%dma_start3A_101, %mul3A_88] : memref<2x320000xi32, #tpu.memory_space<hbm>> -> memref<1x128xi32, #tpu.memory_space<hbm>>
        tpu.enqueue_dma source(%dma_start3A_102 : memref<1x128xi32, #tpu.memory_space<hbm>>) target(%dma_start3A_100 : memref<1x128xi32, #tpu.memory_space<vmem>>) target_semaphore(%dma_start3A_96 : memref<!tpu.dma_semaphore, #tpu.memory_space<semaphore_mem>>)
        %add3A_103 = arith.constant 0 : i32
        %add3A_104 = arith.constant 1 : i32
        %add3A_105 = arith.addi %add3A_103, %add3A_104 : i32
        %select_n3A_106 = arith.constant true
        %select_n3A_107 = arith.constant 0 : i32
        %select_n3A_108 = arith.select %select_n3A_106, %add3A_105, %select_n3A_107 : i32
        %while3A = arith.constant 0 : i32
        %while3A_109 = arith.constant 0 : i32
        %while3A_110 = arith.constant 0 : i32
        %while3A_111 = arith.constant 0 : i32
        "tpu.trace_stop"() : () -> ()
        %while3A_112 = arith.subi %mul3A_18, %while3A : i32
        %while3A_113 = arith.addi %while3A, %while3A_112 : i32
        %while3A_114 = arith.constant 1 : i32
        %while3A_115 = arith.divsi %while3A_112, %while3A_114 : i32
        %while3A_116 = arith.muli %while3A_115, %while3A_114 : i32
        %while3A_117 = arith.addi %while3A, %while3A_116 : i32
        %while3A_118 = arith.constant 1 : i32
        %while3A_119:5 = scf.for %while3A_173 = %while3A to %while3A_117 step %while3A_118 iter_args(%while3A_174 = %select_n3A_83, %while3A_175 = %while3A_109, %while3A_176 = %select_n3A_108, %while3A_177 = %while3A_110, %while3A_178 = %while3A_111) -> (i32, i32, i32, i32, i32)  : i32 {
          %mul3A_179 = arith.constant 1 : i32
          %mul3A_180 = arith.muli %mul3A_179, %select_n3A : i32
          %eq3A_181 = arith.constant 0 : i32
          %eq3A_182 = arith.cmpi eq, %while3A_173, %eq3A_181 : i32
          %sub3A_183 = arith.constant 1 : i32
          %sub3A_184 = arith.subi %mul3A_180, %sub3A_183 : i32
          %eq3A_185 = arith.cmpi eq, %while3A_173, %sub3A_184 : i32
          %add3A_186 = arith.addi %while3A_178, %select_n3A_16 : i32
          %sub3A_187 = arith.constant 1 : i32
          %sub3A_188 = arith.subi %while3A_178, %sub3A_187 : i32
          %select_n3A_189 = arith.constant true
          %select_n3A_190 = arith.select %select_n3A_189, %sub3A_188, %while3A_178 : i32
          %eq3A_191 = arith.constant -1 : i32
          %eq3A_192 = arith.cmpi eq, %select_n3A_190, %eq3A_191 : i32
          %sub3A_193 = arith.constant 1 : i32
          %sub3A_194 = arith.subi %select_n3A, %sub3A_193 : i32
          %select_n3A_195 = arith.select %eq3A_192, %sub3A_194, %select_n3A_190 : i32
          %add3A_196 = arith.addi %select_n3A_195, %select_n3A_16 : i32
          %add3A_197 = arith.constant 1 : i32
          %add3A_198 = arith.addi %while3A_178, %add3A_197 : i32
          %select_n3A_199 = arith.constant true
          %select_n3A_200 = arith.select %select_n3A_199, %add3A_198, %while3A_178 : i32
          %eq3A_201 = arith.cmpi eq, %select_n3A_200, %select_n3A : i32
          %select_n3A_202 = arith.constant 0 : i32
          %select_n3A_203 = arith.select %eq3A_201, %select_n3A_202, %select_n3A_200 : i32
          %add3A_204 = arith.addi %select_n3A_203, %select_n3A_16 : i32
          %add3A_205 = arith.constant 1 : i32
          %add3A_206 = arith.addi %select_n3A_203, %add3A_205 : i32
          %select_n3A_207 = arith.constant true
          %select_n3A_208 = arith.select %select_n3A_207, %add3A_206, %select_n3A_203 : i32
          %eq3A_209 = arith.cmpi eq, %select_n3A_208, %select_n3A : i32
          %select_n3A_210 = arith.constant 0 : i32
          %select_n3A_211 = arith.select %eq3A_209, %select_n3A_210, %select_n3A_208 : i32
          %add3A_212 = arith.addi %select_n3A_211, %select_n3A_16 : i32
          %ne3A = arith.cmpi ne, %add3A_186, %add3A_204 : i32
          %or3A = arith.constant false
          %or3A_213 = arith.ori %or3A, %ne3A : i1
          %or3A_214 = arith.constant false
          %or3A_215 = arith.ori %or3A_213, %or3A_214 : i1
          %sub3A_216 = arith.constant 2 : i32
          %sub3A_217 = arith.subi %mul3A_180, %sub3A_216 : i32
          %add3A_218 = arith.constant 1 : i32
          %add3A_219 = arith.addi %sub3A_217, %add3A_218 : i32
          %ge3A = arith.cmpi sge, %while3A_173, %add3A_219 : i32
          %not3A = arith.constant true
          %not3A_220 = arith.xori %ge3A, %not3A : i1
          %and3A = arith.andi %or3A_215, %not3A_220 : i1
          %convert_element_type3A_221 = arith.extui %and3A : i1 to i32
          %cond3A_222 = arith.constant 0 : i32
          %cond3A_223 = arith.cmpi ne, %convert_element_type3A_221, %cond3A_222 : i32
          scf.if %cond3A_223 {
            "tpu.trace_start"() <{level = 10 : i32, message = "ep_copy_in"}> : () -> ()
            %rem3A_336 = arith.constant 2 : i32
            %rem3A_337 = arith.remui %while3A_174, %rem3A_336 : i32
            %mul3A_338 = arith.constant 128 : i32
            %mul3A_339 = arith.muli %mul3A_338, %add3A_204 : i32
            %dma_start3A_340 = arith.constant 0 : i32
            %dma_start3A_341 = arith.constant 0 : i32
            %dma_start3A_342 = tpu.memref_slice %run_scoped3A[%rem3A_337, %dma_start3A_340, %dma_start3A_341] : memref<2x128x32xf32, #tpu.memory_space<vmem>> -> memref<1x128x32xf32, #tpu.memory_space<vmem>>
            %dma_start3A_343 = tpu.memref_squeeze %dma_start3A_342 : memref<1x128x32xf32, #tpu.memory_space<vmem>> -> memref<128x32xf32, #tpu.memory_space<vmem>>
            %dma_start3A_344 = arith.constant 0 : i32
            %dma_start3A_345 = tpu.memref_slice %arg2[%mul3A_339, %dma_start3A_344] : memref<320000x32xf32, #tpu.memory_space<hbm>> -> memref<128x32xf32, #tpu.memory_space<hbm>>
            %dma_start3A_346 = tpu.memref_slice %run_scoped3A_24[%rem3A_337] : memref<2x!tpu.dma_semaphore, #tpu.memory_space<semaphore_mem>> -> memref<1x!tpu.dma_semaphore, #tpu.memory_space<semaphore_mem>>
            %dma_start3A_347 = tpu.memref_squeeze %dma_start3A_346 : memref<1x!tpu.dma_semaphore, #tpu.memory_space<semaphore_mem>> -> memref<!tpu.dma_semaphore, #tpu.memory_space<semaphore_mem>>
            %dma_start3A_348 = arith.constant 0 : i32
            %dma_start3A_349 = arith.constant 0 : i32
            %dma_start3A_350 = tpu.memref_slice %run_scoped3A[%rem3A_337, %dma_start3A_348, %dma_start3A_349] : memref<2x128x32xf32, #tpu.memory_space<vmem>> -> memref<1x128x32xf32, #tpu.memory_space<vmem>>
            %dma_start3A_351 = tpu.memref_squeeze %dma_start3A_350 : memref<1x128x32xf32, #tpu.memory_space<vmem>> -> memref<128x32xf32, #tpu.memory_space<vmem>>
            %dma_start3A_352 = arith.constant 0 : i32
            %dma_start3A_353 = tpu.memref_slice %arg2[%mul3A_339, %dma_start3A_352] : memref<320000x32xf32, #tpu.memory_space<hbm>> -> memref<128x32xf32, #tpu.memory_space<hbm>>
            tpu.enqueue_dma source(%dma_start3A_353 : memref<128x32xf32, #tpu.memory_space<hbm>>) target(%dma_start3A_351 : memref<128x32xf32, #tpu.memory_space<vmem>>) target_semaphore(%dma_start3A_347 : memref<!tpu.dma_semaphore, #tpu.memory_space<semaphore_mem>>)
            "tpu.trace_stop"() : () -> ()
          } else {
          }
          %and3A_224 = arith.constant true
          %and3A_225 = arith.andi %and3A, %and3A_224 : i1
          %add3A_226 = arith.constant 1 : i32
          %add3A_227 = arith.addi %while3A_174, %add3A_226 : i32
          %select_n3A_228 = arith.select %and3A_225, %add3A_227, %while3A_174 : i32
          %ne3A_229 = arith.cmpi ne, %add3A_186, %add3A_204 : i32
          %or3A_230 = arith.constant false
          %or3A_231 = arith.ori %or3A_230, %ne3A_229 : i1
          %sub3A_232 = arith.constant 2 : i32
          %sub3A_233 = arith.subi %mul3A_180, %sub3A_232 : i32
          %add3A_234 = arith.constant 1 : i32
          %add3A_235 = arith.addi %sub3A_233, %add3A_234 : i32
          %ge3A_236 = arith.cmpi sge, %while3A_173, %add3A_235 : i32
          %not3A_237 = arith.constant true
          %not3A_238 = arith.xori %ge3A_236, %not3A_237 : i1
          %and3A_239 = arith.andi %or3A_231, %not3A_238 : i1
          %convert_element_type3A_240 = arith.extui %and3A_239 : i1 to i32
          %cond3A_241 = arith.constant 0 : i32
          %cond3A_242 = arith.cmpi ne, %convert_element_type3A_240, %cond3A_241 : i32
          scf.if %cond3A_242 {
            "tpu.trace_start"() <{level = 10 : i32, message = "ep_copy_in"}> : () -> ()
            %rem3A_336 = arith.constant 2 : i32
            %rem3A_337 = arith.remui %while3A_176, %rem3A_336 : i32
            %mul3A_338 = arith.constant 128 : i32
            %mul3A_339 = arith.muli %mul3A_338, %add3A_204 : i32
            %dma_start3A_340 = arith.constant 0 : i32
            %dma_start3A_341 = arith.constant 0 : i32
            %dma_start3A_342 = tpu.memref_slice %run_scoped3A_25[%rem3A_337, %dma_start3A_340, %dma_start3A_341] : memref<2x1x128xi32, #tpu.memory_space<vmem>> -> memref<1x1x128xi32, #tpu.memory_space<vmem>>
            %dma_start3A_343 = tpu.memref_squeeze %dma_start3A_342 : memref<1x1x128xi32, #tpu.memory_space<vmem>> -> memref<1x128xi32, #tpu.memory_space<vmem>>
            %dma_start3A_344 = arith.constant 1 : i32
            %dma_start3A_345 = tpu.memref_slice %arg3[%dma_start3A_344, %mul3A_339] : memref<2x320000xi32, #tpu.memory_space<hbm>> -> memref<1x128xi32, #tpu.memory_space<hbm>>
            %dma_start3A_346 = tpu.memref_slice %run_scoped3A_26[%rem3A_337] : memref<2x!tpu.dma_semaphore, #tpu.memory_space<semaphore_mem>> -> memref<1x!tpu.dma_semaphore, #tpu.memory_space<semaphore_mem>>
            %dma_start3A_347 = tpu.memref_squeeze %dma_start3A_346 : memref<1x!tpu.dma_semaphore, #tpu.memory_space<semaphore_mem>> -> memref<!tpu.dma_semaphore, #tpu.memory_space<semaphore_mem>>
            %dma_start3A_348 = arith.constant 0 : i32
            %dma_start3A_349 = arith.constant 0 : i32
            %dma_start3A_350 = tpu.memref_slice %run_scoped3A_25[%rem3A_337, %dma_start3A_348, %dma_start3A_349] : memref<2x1x128xi32, #tpu.memory_space<vmem>> -> memref<1x1x128xi32, #tpu.memory_space<vmem>>
            %dma_start3A_351 = tpu.memref_squeeze %dma_start3A_350 : memref<1x1x128xi32, #tpu.memory_space<vmem>> -> memref<1x128xi32, #tpu.memory_space<vmem>>
            %dma_start3A_352 = arith.constant 1 : i32
            %dma_start3A_353 = tpu.memref_slice %arg3[%dma_start3A_352, %mul3A_339] : memref<2x320000xi32, #tpu.memory_space<hbm>> -> memref<1x128xi32, #tpu.memory_space<hbm>>
            tpu.enqueue_dma source(%dma_start3A_353 : memref<1x128xi32, #tpu.memory_space<hbm>>) target(%dma_start3A_351 : memref<1x128xi32, #tpu.memory_space<vmem>>) target_semaphore(%dma_start3A_347 : memref<!tpu.dma_semaphore, #tpu.memory_space<semaphore_mem>>)
            "tpu.trace_stop"() : () -> ()
          } else {
          }
          %and3A_243 = arith.constant true
          %and3A_244 = arith.andi %and3A_239, %and3A_243 : i1
          %add3A_245 = arith.constant 1 : i32
          %add3A_246 = arith.addi %while3A_176, %add3A_245 : i32
          %select_n3A_247 = arith.select %and3A_244, %add3A_246, %while3A_176 : i32
          %ne3A_248 = arith.cmpi ne, %add3A_186, %add3A_196 : i32
          %or3A_249 = arith.constant false
          %or3A_250 = arith.ori %or3A_249, %ne3A_248 : i1
          %or3A_251 = arith.constant false
          %or3A_252 = arith.ori %or3A_250, %or3A_251 : i1
          %or3A_253 = arith.ori %or3A_252, %eq3A_182 : i1
          %convert_element_type3A_254 = arith.extui %or3A_253 : i1 to i32
          %cond3A_255 = arith.constant 0 : i32
          %cond3A_256 = arith.cmpi ne, %convert_element_type3A_254, %cond3A_255 : i32
          scf.if %cond3A_256 {
            "tpu.trace_start"() <{level = 10 : i32, message = "ep_wait_in"}> : () -> ()
            %mul3A_336 = arith.constant 128 : i32
            %mul3A_337 = arith.muli %mul3A_336, %add3A_186 : i32
            %rem3A_338 = arith.constant 2 : i32
            %rem3A_339 = arith.remui %while3A_175, %rem3A_338 : i32
            %dma_wait3A = arith.constant 0 : i32
            %dma_wait3A_340 = arith.constant 0 : i32
            %dma_wait3A_341 = tpu.memref_slice %run_scoped3A[%rem3A_339, %dma_wait3A, %dma_wait3A_340] : memref<2x128x32xf32, #tpu.memory_space<vmem>> -> memref<1x128x32xf32, #tpu.memory_space<vmem>>
            %dma_wait3A_342 = tpu.memref_squeeze %dma_wait3A_341 : memref<1x128x32xf32, #tpu.memory_space<vmem>> -> memref<128x32xf32, #tpu.memory_space<vmem>>
            %dma_wait3A_343 = arith.constant 0 : i32
            %dma_wait3A_344 = tpu.memref_slice %arg2[%mul3A_337, %dma_wait3A_343] : memref<320000x32xf32, #tpu.memory_space<hbm>> -> memref<128x32xf32, #tpu.memory_space<hbm>>
            %dma_wait3A_345 = tpu.memref_slice %run_scoped3A_24[%rem3A_339] : memref<2x!tpu.dma_semaphore, #tpu.memory_space<semaphore_mem>> -> memref<1x!tpu.dma_semaphore, #tpu.memory_space<semaphore_mem>>
            %dma_wait3A_346 = tpu.memref_squeeze %dma_wait3A_345 : memref<1x!tpu.dma_semaphore, #tpu.memory_space<semaphore_mem>> -> memref<!tpu.dma_semaphore, #tpu.memory_space<semaphore_mem>>
            %dma_wait3A_347 = arith.constant 0 : i32
            %dma_wait3A_348 = arith.constant 0 : i32
            %dma_wait3A_349 = tpu.memref_slice %run_scoped3A[%rem3A_339, %dma_wait3A_347, %dma_wait3A_348] : memref<2x128x32xf32, #tpu.memory_space<vmem>> -> memref<1x128x32xf32, #tpu.memory_space<vmem>>
            %dma_wait3A_350 = tpu.memref_squeeze %dma_wait3A_349 : memref<1x128x32xf32, #tpu.memory_space<vmem>> -> memref<128x32xf32, #tpu.memory_space<vmem>>
            %dma_wait3A_351 = arith.constant 0 : i32
            %dma_wait3A_352 = tpu.memref_slice %arg2[%mul3A_337, %dma_wait3A_351] : memref<320000x32xf32, #tpu.memory_space<hbm>> -> memref<128x32xf32, #tpu.memory_space<hbm>>
            tpu.wait_dma2 semaphore(%dma_wait3A_346 : memref<!tpu.dma_semaphore, #tpu.memory_space<semaphore_mem>>) src(%dma_wait3A_352 : memref<128x32xf32, #tpu.memory_space<hbm>>) dst(%dma_wait3A_350 : memref<128x32xf32, #tpu.memory_space<vmem>>)
            "tpu.trace_stop"() : () -> ()
          } else {
          }
          %ne3A_257 = arith.cmpi ne, %add3A_186, %add3A_196 : i32
          %or3A_258 = arith.constant false
          %or3A_259 = arith.ori %or3A_258, %ne3A_257 : i1
          %or3A_260 = arith.ori %or3A_259, %eq3A_182 : i1
          %convert_element_type3A_261 = arith.extui %or3A_260 : i1 to i32
          %cond3A_262 = arith.constant 0 : i32
          %cond3A_263 = arith.cmpi ne, %convert_element_type3A_261, %cond3A_262 : i32
          scf.if %cond3A_263 {
            "tpu.trace_start"() <{level = 10 : i32, message = "ep_wait_in"}> : () -> ()
            %mul3A_336 = arith.constant 128 : i32
            %mul3A_337 = arith.muli %mul3A_336, %add3A_186 : i32
            %rem3A_338 = arith.constant 2 : i32
            %rem3A_339 = arith.remui %while3A_177, %rem3A_338 : i32
            %dma_wait3A = arith.constant 0 : i32
            %dma_wait3A_340 = arith.constant 0 : i32
            %dma_wait3A_341 = tpu.memref_slice %run_scoped3A_25[%rem3A_339, %dma_wait3A, %dma_wait3A_340] : memref<2x1x128xi32, #tpu.memory_space<vmem>> -> memref<1x1x128xi32, #tpu.memory_space<vmem>>
            %dma_wait3A_342 = tpu.memref_squeeze %dma_wait3A_341 : memref<1x1x128xi32, #tpu.memory_space<vmem>> -> memref<1x128xi32, #tpu.memory_space<vmem>>
            %dma_wait3A_343 = arith.constant 1 : i32
            %dma_wait3A_344 = tpu.memref_slice %arg3[%dma_wait3A_343, %mul3A_337] : memref<2x320000xi32, #tpu.memory_space<hbm>> -> memref<1x128xi32, #tpu.memory_space<hbm>>
            %dma_wait3A_345 = tpu.memref_slice %run_scoped3A_26[%rem3A_339] : memref<2x!tpu.dma_semaphore, #tpu.memory_space<semaphore_mem>> -> memref<1x!tpu.dma_semaphore, #tpu.memory_space<semaphore_mem>>
            %dma_wait3A_346 = tpu.memref_squeeze %dma_wait3A_345 : memref<1x!tpu.dma_semaphore, #tpu.memory_space<semaphore_mem>> -> memref<!tpu.dma_semaphore, #tpu.memory_space<semaphore_mem>>
            %dma_wait3A_347 = arith.constant 0 : i32
            %dma_wait3A_348 = arith.constant 0 : i32
            %dma_wait3A_349 = tpu.memref_slice %run_scoped3A_25[%rem3A_339, %dma_wait3A_347, %dma_wait3A_348] : memref<2x1x128xi32, #tpu.memory_space<vmem>> -> memref<1x1x128xi32, #tpu.memory_space<vmem>>
            %dma_wait3A_350 = tpu.memref_squeeze %dma_wait3A_349 : memref<1x1x128xi32, #tpu.memory_space<vmem>> -> memref<1x128xi32, #tpu.memory_space<vmem>>
            %dma_wait3A_351 = arith.constant 1 : i32
            %dma_wait3A_352 = tpu.memref_slice %arg3[%dma_wait3A_351, %mul3A_337] : memref<2x320000xi32, #tpu.memory_space<hbm>> -> memref<1x128xi32, #tpu.memory_space<hbm>>
            tpu.wait_dma2 semaphore(%dma_wait3A_346 : memref<!tpu.dma_semaphore, #tpu.memory_space<semaphore_mem>>) src(%dma_wait3A_352 : memref<1x128xi32, #tpu.memory_space<hbm>>) dst(%dma_wait3A_350 : memref<1x128xi32, #tpu.memory_space<vmem>>)
            "tpu.trace_stop"() : () -> ()
          } else {
          }
          %rem3A_264 = arith.constant 2 : i32
          %rem3A_265 = arith.remui %while3A_175, %rem3A_264 : i32
          %rem3A_266 = arith.constant 2 : i32
          %rem3A_267 = arith.remui %while3A_177, %rem3A_266 : i32
          %run_scoped3A_268 = arith.constant 0 : i32
          "tpu.trace_start"() <{level = 10 : i32, message = "ep_run_kernel"}> : () -> ()
          "tpu.region"() ({
            %run_scoped3A_336 = tpu.sem_alloc : memref<!tpu.dma_semaphore, #tpu.memory_space<semaphore_mem>>
            %dma_start3A_337 = arith.constant 0 : i32
            %dma_start3A_338 = arith.constant 0 : i32
            %dma_start3A_339 = tpu.memref_slice %run_scoped3A[%rem3A_265, %dma_start3A_337, %dma_start3A_338] : memref<2x128x32xf32, #tpu.memory_space<vmem>> -> memref<1x128x32xf32, #tpu.memory_space<vmem>>
            %dma_start3A_340 = tpu.memref_squeeze %dma_start3A_339 : memref<1x128x32xf32, #tpu.memory_space<vmem>> -> memref<128x32xf32, #tpu.memory_space<vmem>>
            %dma_start3A_341 = arith.constant 0 : i32
            %dma_start3A_342 = arith.constant 0 : i32
            %dma_start3A_343 = tpu.memref_slice %run_scoped3A_25[%rem3A_267, %dma_start3A_341, %dma_start3A_342] : memref<2x1x128xi32, #tpu.memory_space<vmem>> -> memref<1x1x128xi32, #tpu.memory_space<vmem>>
            %dma_start3A_344 = tpu.memref_squeeze %dma_start3A_343 : memref<1x1x128xi32, #tpu.memory_space<vmem>> -> memref<1x128xi32, #tpu.memory_space<vmem>>
            %dma_start3A_345 = arith.constant 0 : i32
            %dma_start3A_346 = tpu.memref_slice %dma_start3A_344[%run_scoped3A_268, %dma_start3A_345] : memref<1x128xi32, #tpu.memory_space<vmem>> -> memref<1x128xi32, #tpu.memory_space<vmem>>
            %dma_start3A_347 = tpu.memref_squeeze %dma_start3A_346 : memref<1x128xi32, #tpu.memory_space<vmem>> -> memref<128xi32, #tpu.memory_space<vmem>>
            %dma_start3A_348 = arith.constant 0 : i32
            %dma_start3A_349 = arith.constant 0 : i32
            %dma_start3A_350 = tpu.memref_slice %arg6[%dma_start3A_348, %dma_start3A_349] : memref<10000x32xf32, #tpu.memory_space<vmem_shared>> -> memref<10000x32xf32, #tpu.memory_space<vmem_shared>>
            tpu.enqueue_indirect_dma source(%dma_start3A_340 : memref<128x32xf32, #tpu.memory_space<vmem>>) target(%dma_start3A_350 : memref<10000x32xf32, #tpu.memory_space<vmem_shared>>) offsets(%dma_start3A_347 : memref<128xi32, #tpu.memory_space<vmem>>) semaphore(%run_scoped3A_336 : memref<!tpu.dma_semaphore, #tpu.memory_space<semaphore_mem>>) {add = true}
            %dma_wait3A = arith.constant 0 : i32
            %dma_wait3A_351 = arith.constant 0 : i32
            %dma_wait3A_352 = tpu.memref_slice %run_scoped3A[%rem3A_265, %dma_wait3A, %dma_wait3A_351] : memref<2x128x32xf32, #tpu.memory_space<vmem>> -> memref<1x128x32xf32, #tpu.memory_space<vmem>>
            %dma_wait3A_353 = tpu.memref_squeeze %dma_wait3A_352 : memref<1x128x32xf32, #tpu.memory_space<vmem>> -> memref<128x32xf32, #tpu.memory_space<vmem>>
            %dma_wait3A_354 = arith.constant 0 : i32
            %dma_wait3A_355 = arith.constant 0 : i32
            %dma_wait3A_356 = tpu.memref_slice %run_scoped3A_25[%rem3A_267, %dma_wait3A_354, %dma_wait3A_355] : memref<2x1x128xi32, #tpu.memory_space<vmem>> -> memref<1x1x128xi32, #tpu.memory_space<vmem>>
            %dma_wait3A_357 = tpu.memref_squeeze %dma_wait3A_356 : memref<1x1x128xi32, #tpu.memory_space<vmem>> -> memref<1x128xi32, #tpu.memory_space<vmem>>
            %dma_wait3A_358 = arith.constant 0 : i32
            %dma_wait3A_359 = tpu.memref_slice %dma_wait3A_357[%run_scoped3A_268, %dma_wait3A_358] : memref<1x128xi32, #tpu.memory_space<vmem>> -> memref<1x128xi32, #tpu.memory_space<vmem>>
            %dma_wait3A_360 = tpu.memref_squeeze %dma_wait3A_359 : memref<1x128xi32, #tpu.memory_space<vmem>> -> memref<128xi32, #tpu.memory_space<vmem>>
            %dma_wait3A_361 = arith.constant 0 : i32
            %dma_wait3A_362 = arith.constant 0 : i32
            %dma_wait3A_363 = tpu.memref_slice %arg6[%dma_wait3A_361, %dma_wait3A_362] : memref<10000x32xf32, #tpu.memory_space<vmem_shared>> -> memref<10000x32xf32, #tpu.memory_space<vmem_shared>>
            tpu.wait_indirect_dma semaphore(%run_scoped3A_336 : memref<!tpu.dma_semaphore, #tpu.memory_space<semaphore_mem>>) src(%dma_wait3A_353 : memref<128x32xf32, #tpu.memory_space<vmem>>) dst(%dma_wait3A_363 : memref<10000x32xf32, #tpu.memory_space<vmem_shared>>)
            tpu.yield
          }) : () -> ()
          "tpu.trace_stop"() : () -> ()
          %ne3A_269 = arith.cmpi ne, %add3A_186, %add3A_204 : i32
          %or3A_270 = arith.constant false
          %or3A_271 = arith.ori %or3A_270, %ne3A_269 : i1
          %or3A_272 = arith.constant false
          %or3A_273 = arith.ori %or3A_271, %or3A_272 : i1
          %or3A_274 = arith.ori %or3A_273, %eq3A_185 : i1
          %convert_element_type3A_275 = arith.extui %or3A_274 : i1 to i32
          %cond3A_276 = arith.constant 0 : i32
          %cond3A_277 = arith.cmpi ne, %convert_element_type3A_275, %cond3A_276 : i32
          scf.if %cond3A_277 {
          } else {
          }
          %and3A_278 = arith.constant false
          %and3A_279 = arith.andi %or3A_274, %and3A_278 : i1
          %ne3A_280 = arith.cmpi ne, %add3A_186, %add3A_204 : i32
          %or3A_281 = arith.constant false
          %or3A_282 = arith.ori %or3A_281, %ne3A_280 : i1
          %or3A_283 = arith.ori %or3A_282, %eq3A_185 : i1
          %convert_element_type3A_284 = arith.extui %or3A_283 : i1 to i32
          %cond3A_285 = arith.constant 0 : i32
          %cond3A_286 = arith.cmpi ne, %convert_element_type3A_284, %cond3A_285 : i32
          scf.if %cond3A_286 {
          } else {
          }
          %and3A_287 = arith.constant false
          %and3A_288 = arith.andi %or3A_283, %and3A_287 : i1
          %ne3A_289 = arith.cmpi ne, %add3A_186, %add3A_196 : i32
          %or3A_290 = arith.constant false
          %or3A_291 = arith.ori %or3A_290, %ne3A_289 : i1
          %or3A_292 = arith.constant false
          %or3A_293 = arith.ori %or3A_291, %or3A_292 : i1
          %not3A_294 = arith.constant true
          %not3A_295 = arith.xori %eq3A_182, %not3A_294 : i1
          %and3A_296 = arith.andi %or3A_293, %not3A_295 : i1
          %convert_element_type3A_297 = arith.extui %and3A_296 : i1 to i32
          %cond3A_298 = arith.constant 0 : i32
          %cond3A_299 = arith.cmpi ne, %convert_element_type3A_297, %cond3A_298 : i32
          scf.if %cond3A_299 {
          } else {
          }
          %and3A_300 = arith.constant false
          %and3A_301 = arith.andi %and3A_296, %and3A_300 : i1
          %ne3A_302 = arith.cmpi ne, %add3A_186, %add3A_196 : i32
          %or3A_303 = arith.constant false
          %or3A_304 = arith.ori %or3A_303, %ne3A_302 : i1
          %not3A_305 = arith.constant true
          %not3A_306 = arith.xori %eq3A_182, %not3A_305 : i1
          %and3A_307 = arith.andi %or3A_304, %not3A_306 : i1
          %convert_element_type3A_308 = arith.extui %and3A_307 : i1 to i32
          %cond3A_309 = arith.constant 0 : i32
          %cond3A_310 = arith.cmpi ne, %convert_element_type3A_308, %cond3A_309 : i32
          scf.if %cond3A_310 {
          } else {
          }
          %and3A_311 = arith.constant false
          %and3A_312 = arith.andi %and3A_307, %and3A_311 : i1
          %ne3A_313 = arith.cmpi ne, %add3A_186, %add3A_204 : i32
          %or3A_314 = arith.constant false
          %or3A_315 = arith.ori %or3A_314, %ne3A_313 : i1
          %or3A_316 = arith.constant false
          %or3A_317 = arith.ori %or3A_315, %or3A_316 : i1
          %or3A_318 = arith.ori %or3A_317, %eq3A_185 : i1
          %add3A_319 = arith.constant 1 : i32
          %add3A_320 = arith.addi %while3A_175, %add3A_319 : i32
          %select_n3A_321 = arith.select %or3A_318, %add3A_320, %while3A_175 : i32
          %ne3A_322 = arith.cmpi ne, %add3A_186, %add3A_204 : i32
          %or3A_323 = arith.constant false
          %or3A_324 = arith.ori %or3A_323, %ne3A_322 : i1
          %or3A_325 = arith.ori %or3A_324, %eq3A_185 : i1
          %add3A_326 = arith.constant 1 : i32
          %add3A_327 = arith.addi %while3A_177, %add3A_326 : i32
          %select_n3A_328 = arith.select %or3A_325, %add3A_327, %while3A_177 : i32
          %add3A_329 = arith.constant 1 : i32
          %add3A_330 = arith.addi %while3A_178, %add3A_329 : i32
          %select_n3A_331 = arith.constant true
          %select_n3A_332 = arith.select %select_n3A_331, %add3A_330, %while3A_178 : i32
          %eq3A_333 = arith.cmpi eq, %select_n3A_332, %select_n3A : i32
          %select_n3A_334 = arith.constant 0 : i32
          %select_n3A_335 = arith.select %eq3A_333, %select_n3A_334, %select_n3A_332 : i32
          scf.yield %select_n3A_228, %select_n3A_321, %select_n3A_247, %select_n3A_328, %select_n3A_335 : i32, i32, i32, i32, i32
        }
        %while3A_120 = arith.constant 1 : i32
        %while3A_121:5 = scf.for %while3A_173 = %while3A_117 to %while3A_113 step %while3A_120 iter_args(%while3A_174 = %while3A_119#0, %while3A_175 = %while3A_119#1, %while3A_176 = %while3A_119#2, %while3A_177 = %while3A_119#3, %while3A_178 = %while3A_119#4) -> (i32, i32, i32, i32, i32)  : i32 {
          %mul3A_179 = arith.constant 1 : i32
          %mul3A_180 = arith.muli %mul3A_179, %select_n3A : i32
          %eq3A_181 = arith.constant 0 : i32
          %eq3A_182 = arith.cmpi eq, %while3A_173, %eq3A_181 : i32
          %sub3A_183 = arith.constant 1 : i32
          %sub3A_184 = arith.subi %mul3A_180, %sub3A_183 : i32
          %eq3A_185 = arith.cmpi eq, %while3A_173, %sub3A_184 : i32
          %add3A_186 = arith.addi %while3A_178, %select_n3A_16 : i32
          %sub3A_187 = arith.constant 1 : i32
          %sub3A_188 = arith.subi %while3A_178, %sub3A_187 : i32
          %select_n3A_189 = arith.constant true
          %select_n3A_190 = arith.select %select_n3A_189, %sub3A_188, %while3A_178 : i32
          %eq3A_191 = arith.constant -1 : i32
          %eq3A_192 = arith.cmpi eq, %select_n3A_190, %eq3A_191 : i32
          %sub3A_193 = arith.constant 1 : i32
          %sub3A_194 = arith.subi %select_n3A, %sub3A_193 : i32
          %select_n3A_195 = arith.select %eq3A_192, %sub3A_194, %select_n3A_190 : i32
          %add3A_196 = arith.addi %select_n3A_195, %select_n3A_16 : i32
          %add3A_197 = arith.constant 1 : i32
          %add3A_198 = arith.addi %while3A_178, %add3A_197 : i32
          %select_n3A_199 = arith.constant true
          %select_n3A_200 = arith.select %select_n3A_199, %add3A_198, %while3A_178 : i32
          %eq3A_201 = arith.cmpi eq, %select_n3A_200, %select_n3A : i32
          %select_n3A_202 = arith.constant 0 : i32
          %select_n3A_203 = arith.select %eq3A_201, %select_n3A_202, %select_n3A_200 : i32
          %add3A_204 = arith.addi %select_n3A_203, %select_n3A_16 : i32
          %add3A_205 = arith.constant 1 : i32
          %add3A_206 = arith.addi %select_n3A_203, %add3A_205 : i32
          %select_n3A_207 = arith.constant true
          %select_n3A_208 = arith.select %select_n3A_207, %add3A_206, %select_n3A_203 : i32
          %eq3A_209 = arith.cmpi eq, %select_n3A_208, %select_n3A : i32
          %select_n3A_210 = arith.constant 0 : i32
          %select_n3A_211 = arith.select %eq3A_209, %select_n3A_210, %select_n3A_208 : i32
          %add3A_212 = arith.addi %select_n3A_211, %select_n3A_16 : i32
          %ne3A = arith.cmpi ne, %add3A_186, %add3A_204 : i32
          %or3A = arith.constant false
          %or3A_213 = arith.ori %or3A, %ne3A : i1
          %or3A_214 = arith.constant false
          %or3A_215 = arith.ori %or3A_213, %or3A_214 : i1
          %sub3A_216 = arith.constant 2 : i32
          %sub3A_217 = arith.subi %mul3A_180, %sub3A_216 : i32
          %add3A_218 = arith.constant 1 : i32
          %add3A_219 = arith.addi %sub3A_217, %add3A_218 : i32
          %ge3A = arith.cmpi sge, %while3A_173, %add3A_219 : i32
          %not3A = arith.constant true
          %not3A_220 = arith.xori %ge3A, %not3A : i1
          %and3A = arith.andi %or3A_215, %not3A_220 : i1
          %convert_element_type3A_221 = arith.extui %and3A : i1 to i32
          %cond3A_222 = arith.constant 0 : i32
          %cond3A_223 = arith.cmpi ne, %convert_element_type3A_221, %cond3A_222 : i32
          scf.if %cond3A_223 {
            "tpu.trace_start"() <{level = 10 : i32, message = "ep_copy_in"}> : () -> ()
            %rem3A_336 = arith.constant 2 : i32
            %rem3A_337 = arith.remui %while3A_174, %rem3A_336 : i32
            %mul3A_338 = arith.constant 128 : i32
            %mul3A_339 = arith.muli %mul3A_338, %add3A_204 : i32
            %dma_start3A_340 = arith.constant 0 : i32
            %dma_start3A_341 = arith.constant 0 : i32
            %dma_start3A_342 = tpu.memref_slice %run_scoped3A[%rem3A_337, %dma_start3A_340, %dma_start3A_341] : memref<2x128x32xf32, #tpu.memory_space<vmem>> -> memref<1x128x32xf32, #tpu.memory_space<vmem>>
            %dma_start3A_343 = tpu.memref_squeeze %dma_start3A_342 : memref<1x128x32xf32, #tpu.memory_space<vmem>> -> memref<128x32xf32, #tpu.memory_space<vmem>>
            %dma_start3A_344 = arith.constant 0 : i32
            %dma_start3A_345 = tpu.memref_slice %arg2[%mul3A_339, %dma_start3A_344] : memref<320000x32xf32, #tpu.memory_space<hbm>> -> memref<128x32xf32, #tpu.memory_space<hbm>>
            %dma_start3A_346 = tpu.memref_slice %run_scoped3A_24[%rem3A_337] : memref<2x!tpu.dma_semaphore, #tpu.memory_space<semaphore_mem>> -> memref<1x!tpu.dma_semaphore, #tpu.memory_space<semaphore_mem>>
            %dma_start3A_347 = tpu.memref_squeeze %dma_start3A_346 : memref<1x!tpu.dma_semaphore, #tpu.memory_space<semaphore_mem>> -> memref<!tpu.dma_semaphore, #tpu.memory_space<semaphore_mem>>
            %dma_start3A_348 = arith.constant 0 : i32
            %dma_start3A_349 = arith.constant 0 : i32
            %dma_start3A_350 = tpu.memref_slice %run_scoped3A[%rem3A_337, %dma_start3A_348, %dma_start3A_349] : memref<2x128x32xf32, #tpu.memory_space<vmem>> -> memref<1x128x32xf32, #tpu.memory_space<vmem>>
            %dma_start3A_351 = tpu.memref_squeeze %dma_start3A_350 : memref<1x128x32xf32, #tpu.memory_space<vmem>> -> memref<128x32xf32, #tpu.memory_space<vmem>>
            %dma_start3A_352 = arith.constant 0 : i32
            %dma_start3A_353 = tpu.memref_slice %arg2[%mul3A_339, %dma_start3A_352] : memref<320000x32xf32, #tpu.memory_space<hbm>> -> memref<128x32xf32, #tpu.memory_space<hbm>>
            tpu.enqueue_dma source(%dma_start3A_353 : memref<128x32xf32, #tpu.memory_space<hbm>>) target(%dma_start3A_351 : memref<128x32xf32, #tpu.memory_space<vmem>>) target_semaphore(%dma_start3A_347 : memref<!tpu.dma_semaphore, #tpu.memory_space<semaphore_mem>>)
            "tpu.trace_stop"() : () -> ()
          } else {
          }
          %and3A_224 = arith.constant true
          %and3A_225 = arith.andi %and3A, %and3A_224 : i1
          %add3A_226 = arith.constant 1 : i32
          %add3A_227 = arith.addi %while3A_174, %add3A_226 : i32
          %select_n3A_228 = arith.select %and3A_225, %add3A_227, %while3A_174 : i32
          %ne3A_229 = arith.cmpi ne, %add3A_186, %add3A_204 : i32
          %or3A_230 = arith.constant false
          %or3A_231 = arith.ori %or3A_230, %ne3A_229 : i1
          %sub3A_232 = arith.constant 2 : i32
          %sub3A_233 = arith.subi %mul3A_180, %sub3A_232 : i32
          %add3A_234 = arith.constant 1 : i32
          %add3A_235 = arith.addi %sub3A_233, %add3A_234 : i32
          %ge3A_236 = arith.cmpi sge, %while3A_173, %add3A_235 : i32
          %not3A_237 = arith.constant true
          %not3A_238 = arith.xori %ge3A_236, %not3A_237 : i1
          %and3A_239 = arith.andi %or3A_231, %not3A_238 : i1
          %convert_element_type3A_240 = arith.extui %and3A_239 : i1 to i32
          %cond3A_241 = arith.constant 0 : i32
          %cond3A_242 = arith.cmpi ne, %convert_element_type3A_240, %cond3A_241 : i32
          scf.if %cond3A_242 {
            "tpu.trace_start"() <{level = 10 : i32, message = "ep_copy_in"}> : () -> ()
            %rem3A_336 = arith.constant 2 : i32
            %rem3A_337 = arith.remui %while3A_176, %rem3A_336 : i32
            %mul3A_338 = arith.constant 128 : i32
            %mul3A_339 = arith.muli %mul3A_338, %add3A_204 : i32
            %dma_start3A_340 = arith.constant 0 : i32
            %dma_start3A_341 = arith.constant 0 : i32
            %dma_start3A_342 = tpu.memref_slice %run_scoped3A_25[%rem3A_337, %dma_start3A_340, %dma_start3A_341] : memref<2x1x128xi32, #tpu.memory_space<vmem>> -> memref<1x1x128xi32, #tpu.memory_space<vmem>>
            %dma_start3A_343 = tpu.memref_squeeze %dma_start3A_342 : memref<1x1x128xi32, #tpu.memory_space<vmem>> -> memref<1x128xi32, #tpu.memory_space<vmem>>
            %dma_start3A_344 = arith.constant 1 : i32
            %dma_start3A_345 = tpu.memref_slice %arg3[%dma_start3A_344, %mul3A_339] : memref<2x320000xi32, #tpu.memory_space<hbm>> -> memref<1x128xi32, #tpu.memory_space<hbm>>
            %dma_start3A_346 = tpu.memref_slice %run_scoped3A_26[%rem3A_337] : memref<2x!tpu.dma_semaphore, #tpu.memory_space<semaphore_mem>> -> memref<1x!tpu.dma_semaphore, #tpu.memory_space<semaphore_mem>>
            %dma_start3A_347 = tpu.memref_squeeze %dma_start3A_346 : memref<1x!tpu.dma_semaphore, #tpu.memory_space<semaphore_mem>> -> memref<!tpu.dma_semaphore, #tpu.memory_space<semaphore_mem>>
            %dma_start3A_348 = arith.constant 0 : i32
            %dma_start3A_349 = arith.constant 0 : i32
            %dma_start3A_350 = tpu.memref_slice %run_scoped3A_25[%rem3A_337, %dma_start3A_348, %dma_start3A_349] : memref<2x1x128xi32, #tpu.memory_space<vmem>> -> memref<1x1x128xi32, #tpu.memory_space<vmem>>
            %dma_start3A_351 = tpu.memref_squeeze %dma_start3A_350 : memref<1x1x128xi32, #tpu.memory_space<vmem>> -> memref<1x128xi32, #tpu.memory_space<vmem>>
            %dma_start3A_352 = arith.constant 1 : i32
            %dma_start3A_353 = tpu.memref_slice %arg3[%dma_start3A_352, %mul3A_339] : memref<2x320000xi32, #tpu.memory_space<hbm>> -> memref<1x128xi32, #tpu.memory_space<hbm>>
            tpu.enqueue_dma source(%dma_start3A_353 : memref<1x128xi32, #tpu.memory_space<hbm>>) target(%dma_start3A_351 : memref<1x128xi32, #tpu.memory_space<vmem>>) target_semaphore(%dma_start3A_347 : memref<!tpu.dma_semaphore, #tpu.memory_space<semaphore_mem>>)
            "tpu.trace_stop"() : () -> ()
          } else {
          }
          %and3A_243 = arith.constant true
          %and3A_244 = arith.andi %and3A_239, %and3A_243 : i1
          %add3A_245 = arith.constant 1 : i32
          %add3A_246 = arith.addi %while3A_176, %add3A_245 : i32
          %select_n3A_247 = arith.select %and3A_244, %add3A_246, %while3A_176 : i32
          %ne3A_248 = arith.cmpi ne, %add3A_186, %add3A_196 : i32
          %or3A_249 = arith.constant false
          %or3A_250 = arith.ori %or3A_249, %ne3A_248 : i1
          %or3A_251 = arith.constant false
          %or3A_252 = arith.ori %or3A_250, %or3A_251 : i1
          %or3A_253 = arith.ori %or3A_252, %eq3A_182 : i1
          %convert_element_type3A_254 = arith.extui %or3A_253 : i1 to i32
          %cond3A_255 = arith.constant 0 : i32
          %cond3A_256 = arith.cmpi ne, %convert_element_type3A_254, %cond3A_255 : i32
          scf.if %cond3A_256 {
            "tpu.trace_start"() <{level = 10 : i32, message = "ep_wait_in"}> : () -> ()
            %mul3A_336 = arith.constant 128 : i32
            %mul3A_337 = arith.muli %mul3A_336, %add3A_186 : i32
            %rem3A_338 = arith.constant 2 : i32
            %rem3A_339 = arith.remui %while3A_175, %rem3A_338 : i32
            %dma_wait3A = arith.constant 0 : i32
            %dma_wait3A_340 = arith.constant 0 : i32
            %dma_wait3A_341 = tpu.memref_slice %run_scoped3A[%rem3A_339, %dma_wait3A, %dma_wait3A_340] : memref<2x128x32xf32, #tpu.memory_space<vmem>> -> memref<1x128x32xf32, #tpu.memory_space<vmem>>
            %dma_wait3A_342 = tpu.memref_squeeze %dma_wait3A_341 : memref<1x128x32xf32, #tpu.memory_space<vmem>> -> memref<128x32xf32, #tpu.memory_space<vmem>>
            %dma_wait3A_343 = arith.constant 0 : i32
            %dma_wait3A_344 = tpu.memref_slice %arg2[%mul3A_337, %dma_wait3A_343] : memref<320000x32xf32, #tpu.memory_space<hbm>> -> memref<128x32xf32, #tpu.memory_space<hbm>>
            %dma_wait3A_345 = tpu.memref_slice %run_scoped3A_24[%rem3A_339] : memref<2x!tpu.dma_semaphore, #tpu.memory_space<semaphore_mem>> -> memref<1x!tpu.dma_semaphore, #tpu.memory_space<semaphore_mem>>
            %dma_wait3A_346 = tpu.memref_squeeze %dma_wait3A_345 : memref<1x!tpu.dma_semaphore, #tpu.memory_space<semaphore_mem>> -> memref<!tpu.dma_semaphore, #tpu.memory_space<semaphore_mem>>
            %dma_wait3A_347 = arith.constant 0 : i32
            %dma_wait3A_348 = arith.constant 0 : i32
            %dma_wait3A_349 = tpu.memref_slice %run_scoped3A[%rem3A_339, %dma_wait3A_347, %dma_wait3A_348] : memref<2x128x32xf32, #tpu.memory_space<vmem>> -> memref<1x128x32xf32, #tpu.memory_space<vmem>>
            %dma_wait3A_350 = tpu.memref_squeeze %dma_wait3A_349 : memref<1x128x32xf32, #tpu.memory_space<vmem>> -> memref<128x32xf32, #tpu.memory_space<vmem>>
            %dma_wait3A_351 = arith.constant 0 : i32
            %dma_wait3A_352 = tpu.memref_slice %arg2[%mul3A_337, %dma_wait3A_351] : memref<320000x32xf32, #tpu.memory_space<hbm>> -> memref<128x32xf32, #tpu.memory_space<hbm>>
            tpu.wait_dma2 semaphore(%dma_wait3A_346 : memref<!tpu.dma_semaphore, #tpu.memory_space<semaphore_mem>>) src(%dma_wait3A_352 : memref<128x32xf32, #tpu.memory_space<hbm>>) dst(%dma_wait3A_350 : memref<128x32xf32, #tpu.memory_space<vmem>>)
            "tpu.trace_stop"() : () -> ()
          } else {
          }
          %ne3A_257 = arith.cmpi ne, %add3A_186, %add3A_196 : i32
          %or3A_258 = arith.constant false
          %or3A_259 = arith.ori %or3A_258, %ne3A_257 : i1
          %or3A_260 = arith.ori %or3A_259, %eq3A_182 : i1
          %convert_element_type3A_261 = arith.extui %or3A_260 : i1 to i32
          %cond3A_262 = arith.constant 0 : i32
          %cond3A_263 = arith.cmpi ne, %convert_element_type3A_261, %cond3A_262 : i32
          scf.if %cond3A_263 {
            "tpu.trace_start"() <{level = 10 : i32, message = "ep_wait_in"}> : () -> ()
            %mul3A_336 = arith.constant 128 : i32
            %mul3A_337 = arith.muli %mul3A_336, %add3A_186 : i32
            %rem3A_338 = arith.constant 2 : i32
            %rem3A_339 = arith.remui %while3A_177, %rem3A_338 : i32
            %dma_wait3A = arith.constant 0 : i32
            %dma_wait3A_340 = arith.constant 0 : i32
            %dma_wait3A_341 = tpu.memref_slice %run_scoped3A_25[%rem3A_339, %dma_wait3A, %dma_wait3A_340] : memref<2x1x128xi32, #tpu.memory_space<vmem>> -> memref<1x1x128xi32, #tpu.memory_space<vmem>>
            %dma_wait3A_342 = tpu.memref_squeeze %dma_wait3A_341 : memref<1x1x128xi32, #tpu.memory_space<vmem>> -> memref<1x128xi32, #tpu.memory_space<vmem>>
            %dma_wait3A_343 = arith.constant 1 : i32
            %dma_wait3A_344 = tpu.memref_slice %arg3[%dma_wait3A_343, %mul3A_337] : memref<2x320000xi32, #tpu.memory_space<hbm>> -> memref<1x128xi32, #tpu.memory_space<hbm>>
            %dma_wait3A_345 = tpu.memref_slice %run_scoped3A_26[%rem3A_339] : memref<2x!tpu.dma_semaphore, #tpu.memory_space<semaphore_mem>> -> memref<1x!tpu.dma_semaphore, #tpu.memory_space<semaphore_mem>>
            %dma_wait3A_346 = tpu.memref_squeeze %dma_wait3A_345 : memref<1x!tpu.dma_semaphore, #tpu.memory_space<semaphore_mem>> -> memref<!tpu.dma_semaphore, #tpu.memory_space<semaphore_mem>>
            %dma_wait3A_347 = arith.constant 0 : i32
            %dma_wait3A_348 = arith.constant 0 : i32
            %dma_wait3A_349 = tpu.memref_slice %run_scoped3A_25[%rem3A_339, %dma_wait3A_347, %dma_wait3A_348] : memref<2x1x128xi32, #tpu.memory_space<vmem>> -> memref<1x1x128xi32, #tpu.memory_space<vmem>>
            %dma_wait3A_350 = tpu.memref_squeeze %dma_wait3A_349 : memref<1x1x128xi32, #tpu.memory_space<vmem>> -> memref<1x128xi32, #tpu.memory_space<vmem>>
            %dma_wait3A_351 = arith.constant 1 : i32
            %dma_wait3A_352 = tpu.memref_slice %arg3[%dma_wait3A_351, %mul3A_337] : memref<2x320000xi32, #tpu.memory_space<hbm>> -> memref<1x128xi32, #tpu.memory_space<hbm>>
            tpu.wait_dma2 semaphore(%dma_wait3A_346 : memref<!tpu.dma_semaphore, #tpu.memory_space<semaphore_mem>>) src(%dma_wait3A_352 : memref<1x128xi32, #tpu.memory_space<hbm>>) dst(%dma_wait3A_350 : memref<1x128xi32, #tpu.memory_space<vmem>>)
            "tpu.trace_stop"() : () -> ()
          } else {
          }
          %rem3A_264 = arith.constant 2 : i32
          %rem3A_265 = arith.remui %while3A_175, %rem3A_264 : i32
          %rem3A_266 = arith.constant 2 : i32
          %rem3A_267 = arith.remui %while3A_177, %rem3A_266 : i32
          %run_scoped3A_268 = arith.constant 0 : i32
          "tpu.trace_start"() <{level = 10 : i32, message = "ep_run_kernel"}> : () -> ()
          "tpu.region"() ({
            %run_scoped3A_336 = tpu.sem_alloc : memref<!tpu.dma_semaphore, #tpu.memory_space<semaphore_mem>>
            %dma_start3A_337 = arith.constant 0 : i32
            %dma_start3A_338 = arith.constant 0 : i32
            %dma_start3A_339 = tpu.memref_slice %run_scoped3A[%rem3A_265, %dma_start3A_337, %dma_start3A_338] : memref<2x128x32xf32, #tpu.memory_space<vmem>> -> memref<1x128x32xf32, #tpu.memory_space<vmem>>
            %dma_start3A_340 = tpu.memref_squeeze %dma_start3A_339 : memref<1x128x32xf32, #tpu.memory_space<vmem>> -> memref<128x32xf32, #tpu.memory_space<vmem>>
            %dma_start3A_341 = arith.constant 0 : i32
            %dma_start3A_342 = arith.constant 0 : i32
            %dma_start3A_343 = tpu.memref_slice %run_scoped3A_25[%rem3A_267, %dma_start3A_341, %dma_start3A_342] : memref<2x1x128xi32, #tpu.memory_space<vmem>> -> memref<1x1x128xi32, #tpu.memory_space<vmem>>
            %dma_start3A_344 = tpu.memref_squeeze %dma_start3A_343 : memref<1x1x128xi32, #tpu.memory_space<vmem>> -> memref<1x128xi32, #tpu.memory_space<vmem>>
            %dma_start3A_345 = arith.constant 0 : i32
            %dma_start3A_346 = tpu.memref_slice %dma_start3A_344[%run_scoped3A_268, %dma_start3A_345] : memref<1x128xi32, #tpu.memory_space<vmem>> -> memref<1x128xi32, #tpu.memory_space<vmem>>
            %dma_start3A_347 = tpu.memref_squeeze %dma_start3A_346 : memref<1x128xi32, #tpu.memory_space<vmem>> -> memref<128xi32, #tpu.memory_space<vmem>>
            %dma_start3A_348 = arith.constant 0 : i32
            %dma_start3A_349 = arith.constant 0 : i32
            %dma_start3A_350 = tpu.memref_slice %arg6[%dma_start3A_348, %dma_start3A_349] : memref<10000x32xf32, #tpu.memory_space<vmem_shared>> -> memref<10000x32xf32, #tpu.memory_space<vmem_shared>>
            tpu.enqueue_indirect_dma source(%dma_start3A_340 : memref<128x32xf32, #tpu.memory_space<vmem>>) target(%dma_start3A_350 : memref<10000x32xf32, #tpu.memory_space<vmem_shared>>) offsets(%dma_start3A_347 : memref<128xi32, #tpu.memory_space<vmem>>) semaphore(%run_scoped3A_336 : memref<!tpu.dma_semaphore, #tpu.memory_space<semaphore_mem>>) {add = true}
            %dma_wait3A = arith.constant 0 : i32
            %dma_wait3A_351 = arith.constant 0 : i32
            %dma_wait3A_352 = tpu.memref_slice %run_scoped3A[%rem3A_265, %dma_wait3A, %dma_wait3A_351] : memref<2x128x32xf32, #tpu.memory_space<vmem>> -> memref<1x128x32xf32, #tpu.memory_space<vmem>>
            %dma_wait3A_353 = tpu.memref_squeeze %dma_wait3A_352 : memref<1x128x32xf32, #tpu.memory_space<vmem>> -> memref<128x32xf32, #tpu.memory_space<vmem>>
            %dma_wait3A_354 = arith.constant 0 : i32
            %dma_wait3A_355 = arith.constant 0 : i32
            %dma_wait3A_356 = tpu.memref_slice %run_scoped3A_25[%rem3A_267, %dma_wait3A_354, %dma_wait3A_355] : memref<2x1x128xi32, #tpu.memory_space<vmem>> -> memref<1x1x128xi32, #tpu.memory_space<vmem>>
            %dma_wait3A_357 = tpu.memref_squeeze %dma_wait3A_356 : memref<1x1x128xi32, #tpu.memory_space<vmem>> -> memref<1x128xi32, #tpu.memory_space<vmem>>
            %dma_wait3A_358 = arith.constant 0 : i32
            %dma_wait3A_359 = tpu.memref_slice %dma_wait3A_357[%run_scoped3A_268, %dma_wait3A_358] : memref<1x128xi32, #tpu.memory_space<vmem>> -> memref<1x128xi32, #tpu.memory_space<vmem>>
            %dma_wait3A_360 = tpu.memref_squeeze %dma_wait3A_359 : memref<1x128xi32, #tpu.memory_space<vmem>> -> memref<128xi32, #tpu.memory_space<vmem>>
            %dma_wait3A_361 = arith.constant 0 : i32
            %dma_wait3A_362 = arith.constant 0 : i32
            %dma_wait3A_363 = tpu.memref_slice %arg6[%dma_wait3A_361, %dma_wait3A_362] : memref<10000x32xf32, #tpu.memory_space<vmem_shared>> -> memref<10000x32xf32, #tpu.memory_space<vmem_shared>>
            tpu.wait_indirect_dma semaphore(%run_scoped3A_336 : memref<!tpu.dma_semaphore, #tpu.memory_space<semaphore_mem>>) src(%dma_wait3A_353 : memref<128x32xf32, #tpu.memory_space<vmem>>) dst(%dma_wait3A_363 : memref<10000x32xf32, #tpu.memory_space<vmem_shared>>)
            tpu.yield
          }) : () -> ()
          "tpu.trace_stop"() : () -> ()
          %ne3A_269 = arith.cmpi ne, %add3A_186, %add3A_204 : i32
          %or3A_270 = arith.constant false
          %or3A_271 = arith.ori %or3A_270, %ne3A_269 : i1
          %or3A_272 = arith.constant false
          %or3A_273 = arith.ori %or3A_271, %or3A_272 : i1
          %or3A_274 = arith.ori %or3A_273, %eq3A_185 : i1
          %convert_element_type3A_275 = arith.extui %or3A_274 : i1 to i32
          %cond3A_276 = arith.constant 0 : i32
          %cond3A_277 = arith.cmpi ne, %convert_element_type3A_275, %cond3A_276 : i32
          scf.if %cond3A_277 {
          } else {
          }
          %and3A_278 = arith.constant false
          %and3A_279 = arith.andi %or3A_274, %and3A_278 : i1
          %ne3A_280 = arith.cmpi ne, %add3A_186, %add3A_204 : i32
          %or3A_281 = arith.constant false
          %or3A_282 = arith.ori %or3A_281, %ne3A_280 : i1
          %or3A_283 = arith.ori %or3A_282, %eq3A_185 : i1
          %convert_element_type3A_284 = arith.extui %or3A_283 : i1 to i32
          %cond3A_285 = arith.constant 0 : i32
          %cond3A_286 = arith.cmpi ne, %convert_element_type3A_284, %cond3A_285 : i32
          scf.if %cond3A_286 {
          } else {
          }
          %and3A_287 = arith.constant false
          %and3A_288 = arith.andi %or3A_283, %and3A_287 : i1
          %ne3A_289 = arith.cmpi ne, %add3A_186, %add3A_196 : i32
          %or3A_290 = arith.constant false
          %or3A_291 = arith.ori %or3A_290, %ne3A_289 : i1
          %or3A_292 = arith.constant false
          %or3A_293 = arith.ori %or3A_291, %or3A_292 : i1
          %not3A_294 = arith.constant true
          %not3A_295 = arith.xori %eq3A_182, %not3A_294 : i1
          %and3A_296 = arith.andi %or3A_293, %not3A_295 : i1
          %convert_element_type3A_297 = arith.extui %and3A_296 : i1 to i32
          %cond3A_298 = arith.constant 0 : i32
          %cond3A_299 = arith.cmpi ne, %convert_element_type3A_297, %cond3A_298 : i32
          scf.if %cond3A_299 {
          } else {
          }
          %and3A_300 = arith.constant false
          %and3A_301 = arith.andi %and3A_296, %and3A_300 : i1
          %ne3A_302 = arith.cmpi ne, %add3A_186, %add3A_196 : i32
          %or3A_303 = arith.constant false
          %or3A_304 = arith.ori %or3A_303, %ne3A_302 : i1
          %not3A_305 = arith.constant true
          %not3A_306 = arith.xori %eq3A_182, %not3A_305 : i1
          %and3A_307 = arith.andi %or3A_304, %not3A_306 : i1
          %convert_element_type3A_308 = arith.extui %and3A_307 : i1 to i32
          %cond3A_309 = arith.constant 0 : i32
          %cond3A_310 = arith.cmpi ne, %convert_element_type3A_308, %cond3A_309 : i32
          scf.if %cond3A_310 {
          } else {
          }
          %and3A_311 = arith.constant false
          %and3A_312 = arith.andi %and3A_307, %and3A_311 : i1
          %ne3A_313 = arith.cmpi ne, %add3A_186, %add3A_204 : i32
          %or3A_314 = arith.constant false
          %or3A_315 = arith.ori %or3A_314, %ne3A_313 : i1
          %or3A_316 = arith.constant false
          %or3A_317 = arith.ori %or3A_315, %or3A_316 : i1
          %or3A_318 = arith.ori %or3A_317, %eq3A_185 : i1
          %add3A_319 = arith.constant 1 : i32
          %add3A_320 = arith.addi %while3A_175, %add3A_319 : i32
          %select_n3A_321 = arith.select %or3A_318, %add3A_320, %while3A_175 : i32
          %ne3A_322 = arith.cmpi ne, %add3A_186, %add3A_204 : i32
          %or3A_323 = arith.constant false
          %or3A_324 = arith.ori %or3A_323, %ne3A_322 : i1
          %or3A_325 = arith.ori %or3A_324, %eq3A_185 : i1
          %add3A_326 = arith.constant 1 : i32
          %add3A_327 = arith.addi %while3A_177, %add3A_326 : i32
          %select_n3A_328 = arith.select %or3A_325, %add3A_327, %while3A_177 : i32
          %add3A_329 = arith.constant 1 : i32
          %add3A_330 = arith.addi %while3A_178, %add3A_329 : i32
          %select_n3A_331 = arith.constant true
          %select_n3A_332 = arith.select %select_n3A_331, %add3A_330, %while3A_178 : i32
          %eq3A_333 = arith.cmpi eq, %select_n3A_332, %select_n3A : i32
          %select_n3A_334 = arith.constant 0 : i32
          %select_n3A_335 = arith.select %eq3A_333, %select_n3A_334, %select_n3A_332 : i32
          scf.yield %select_n3A_228, %select_n3A_321, %select_n3A_247, %select_n3A_328, %select_n3A_335 : i32, i32, i32, i32, i32
        }
        %sub3A_122 = arith.constant 1 : i32
        %sub3A_123 = arith.subi %while3A_121#4, %sub3A_122 : i32
        %select_n3A_124 = arith.constant true
        %select_n3A_125 = arith.select %select_n3A_124, %sub3A_123, %while3A_121#4 : i32
        %eq3A_126 = arith.constant -1 : i32
        %eq3A_127 = arith.cmpi eq, %select_n3A_125, %eq3A_126 : i32
        %sub3A_128 = arith.constant 1 : i32
        %sub3A_129 = arith.subi %select_n3A, %sub3A_128 : i32
        %select_n3A_130 = arith.select %eq3A_127, %sub3A_129, %select_n3A_125 : i32
        %sub3A_131 = arith.constant 1 : i32
        %sub3A_132 = arith.subi %mul3A_18, %sub3A_131 : i32
        %mul3A_133 = arith.constant 1 : i32
        %mul3A_134 = arith.muli %mul3A_133, %select_n3A : i32
        %eq3A_135 = arith.constant 0 : i32
        %eq3A_136 = arith.cmpi eq, %sub3A_132, %eq3A_135 : i32
        %sub3A_137 = arith.constant 1 : i32
        %sub3A_138 = arith.subi %mul3A_134, %sub3A_137 : i32
        %eq3A_139 = arith.cmpi eq, %sub3A_132, %sub3A_138 : i32
        %add3A_140 = arith.addi %select_n3A_130, %select_n3A_16 : i32
        %sub3A_141 = arith.constant 1 : i32
        %sub3A_142 = arith.subi %select_n3A_130, %sub3A_141 : i32
        %select_n3A_143 = arith.constant true
        %select_n3A_144 = arith.select %select_n3A_143, %sub3A_142, %select_n3A_130 : i32
        %eq3A_145 = arith.constant -1 : i32
        %eq3A_146 = arith.cmpi eq, %select_n3A_144, %eq3A_145 : i32
        %sub3A_147 = arith.constant 1 : i32
        %sub3A_148 = arith.subi %select_n3A, %sub3A_147 : i32
        %select_n3A_149 = arith.select %eq3A_146, %sub3A_148, %select_n3A_144 : i32
        %add3A_150 = arith.addi %select_n3A_149, %select_n3A_16 : i32
        %add3A_151 = arith.constant 1 : i32
        %add3A_152 = arith.addi %select_n3A_130, %add3A_151 : i32
        %select_n3A_153 = arith.constant true
        %select_n3A_154 = arith.select %select_n3A_153, %add3A_152, %select_n3A_130 : i32
        %eq3A_155 = arith.cmpi eq, %select_n3A_154, %select_n3A : i32
        %select_n3A_156 = arith.constant 0 : i32
        %select_n3A_157 = arith.select %eq3A_155, %select_n3A_156, %select_n3A_154 : i32
        %add3A_158 = arith.addi %select_n3A_157, %select_n3A_16 : i32
        %add3A_159 = arith.constant 1 : i32
        %add3A_160 = arith.addi %select_n3A_157, %add3A_159 : i32
        %select_n3A_161 = arith.constant true
        %select_n3A_162 = arith.select %select_n3A_161, %add3A_160, %select_n3A_157 : i32
        %eq3A_163 = arith.cmpi eq, %select_n3A_162, %select_n3A : i32
        %select_n3A_164 = arith.constant 0 : i32
        %select_n3A_165 = arith.select %eq3A_163, %select_n3A_164, %select_n3A_162 : i32
        %add3A_166 = arith.addi %select_n3A_165, %select_n3A_16 : i32
        %convert_element_type3A_167 = arith.extui %eq3A_139 : i1 to i32
        %cond3A_168 = arith.constant 0 : i32
        %cond3A_169 = arith.cmpi ne, %convert_element_type3A_167, %cond3A_168 : i32
        scf.if %cond3A_169 {
        } else {
        }
        %convert_element_type3A_170 = arith.extui %eq3A_139 : i1 to i32
        %cond3A_171 = arith.constant 0 : i32
        %cond3A_172 = arith.cmpi ne, %convert_element_type3A_170, %cond3A_171 : i32
        scf.if %cond3A_172 {
        } else {
        }
      } else {
      }
      tpu.yield
    }) : () -> ()
    %barrier3A_19 = arith.constant 0 : index
    tpu.barrier barrier_id(%barrier3A_19)
    %mul3A_20 = arith.constant 625 : i32
    %mul3A_21 = arith.muli %arg1, %mul3A_20 : i32
    %mul3A_22 = arith.constant 625 : i32
    %mul3A_23 = arith.muli %arg1, %mul3A_22 : i32
    "tpu.region"() ({
      %run_scoped3A = tpu.sem_alloc : memref<!tpu.dma_semaphore, #tpu.memory_space<semaphore_mem>>
      %dma_start3A = arith.constant 0 : i32
      %dma_start3A_24 = arith.constant 0 : i32
      %dma_start3A_25 = tpu.memref_slice %arg5[%arg0, %dma_start3A, %dma_start3A_24] : memref<2x10000x32xf32, #tpu.memory_space<hbm>> -> memref<1x10000x32xf32, #tpu.memory_space<hbm>>
      %dma_start3A_26 = tpu.memref_squeeze %dma_start3A_25 : memref<1x10000x32xf32, #tpu.memory_space<hbm>> -> memref<10000x32xf32, #tpu.memory_space<hbm>>
      %dma_start3A_27 = arith.constant 0 : i32
      %dma_start3A_28 = tpu.memref_slice %dma_start3A_26[%mul3A_23, %dma_start3A_27] : memref<10000x32xf32, #tpu.memory_space<hbm>> -> memref<625x32xf32, #tpu.memory_space<hbm>>
      %dma_start3A_29 = arith.constant 0 : i32
      %dma_start3A_30 = tpu.memref_slice %arg6[%mul3A_21, %dma_start3A_29] : memref<10000x32xf32, #tpu.memory_space<vmem_shared>> -> memref<625x32xf32, #tpu.memory_space<vmem_shared>>
      tpu.enqueue_dma source(%dma_start3A_30 : memref<625x32xf32, #tpu.memory_space<vmem_shared>>) target(%dma_start3A_28 : memref<625x32xf32, #tpu.memory_space<hbm>>) target_semaphore(%run_scoped3A : memref<!tpu.dma_semaphore, #tpu.memory_space<semaphore_mem>>)
      %dma_wait3A = arith.constant 0 : i32
      %dma_wait3A_31 = arith.constant 0 : i32
      %dma_wait3A_32 = tpu.memref_slice %arg5[%arg0, %dma_wait3A, %dma_wait3A_31] : memref<2x10000x32xf32, #tpu.memory_space<hbm>> -> memref<1x10000x32xf32, #tpu.memory_space<hbm>>
      %dma_wait3A_33 = tpu.memref_squeeze %dma_wait3A_32 : memref<1x10000x32xf32, #tpu.memory_space<hbm>> -> memref<10000x32xf32, #tpu.memory_space<hbm>>
      %dma_wait3A_34 = arith.constant 0 : i32
      %dma_wait3A_35 = tpu.memref_slice %dma_wait3A_33[%mul3A_23, %dma_wait3A_34] : memref<10000x32xf32, #tpu.memory_space<hbm>> -> memref<625x32xf32, #tpu.memory_space<hbm>>
      %dma_wait3A_36 = arith.constant 0 : i32
      %dma_wait3A_37 = tpu.memref_slice %arg6[%mul3A_21, %dma_wait3A_36] : memref<10000x32xf32, #tpu.memory_space<vmem_shared>> -> memref<625x32xf32, #tpu.memory_space<vmem_shared>>
      tpu.wait_dma2 semaphore(%run_scoped3A : memref<!tpu.dma_semaphore, #tpu.memory_space<semaphore_mem>>) src(%dma_wait3A_37 : memref<625x32xf32, #tpu.memory_space<vmem_shared>>) dst(%dma_wait3A_35 : memref<625x32xf32, #tpu.memory_space<hbm>>)
      tpu.yield
    }) : () -> ()
    return
  }
}

#map = affine_map<(d0, d1) -> (0, 0)>
module attributes {stable_mosaic.version = 14 : i64} {
  func.func @k(%arg0: i32, %arg1: i32, %arg2: memref<10000x32xf32, #tpu.memory_space<hbm>>, %arg3: memref<10000x32xf32, #tpu.memory_space<hbm>>, %arg4: memref<2x320000xi32, #tpu.memory_space<hbm>>, %arg5: memref<320000x32xf32, #tpu.memory_space<hbm>>, %arg6: memref<10000x32xf32, #tpu.memory_space<vmem_shared>>, %arg7: memref<10000x32xf32, #tpu.memory_space<vmem_shared>>) attributes {dimension_semantics = [#tpu.dimension_semantics<core_parallel>, #tpu.dimension_semantics<subcore_parallel>], iteration_bounds = array<i64: 2, 16>, scalar_prefetch = 0 : i64, scratch_operands = 2 : i64, tpu.core_type = #tpu.core_type<sc_vector_subcore>, window_params = [{transform_indices = #map}, {transform_indices = #map}, {transform_indices = #map}, {transform_indices = #map}]} {
    %mul3A = arith.constant 625 : i32
    %mul3A_0 = arith.muli %arg1, %mul3A : i32
    %mul3A_1 = arith.constant 625 : i32
    %mul3A_2 = arith.muli %arg1, %mul3A_1 : i32
    "tpu.region"() ({
      %run_scoped3A = tpu.sem_alloc : memref<!tpu.dma_semaphore, #tpu.memory_space<semaphore_mem>>
      %dma_start3A = arith.constant 0 : i32
      %dma_start3A_25 = tpu.memref_slice %arg6[%mul3A_2, %dma_start3A] : memref<10000x32xf32, #tpu.memory_space<vmem_shared>> -> memref<625x32xf32, #tpu.memory_space<vmem_shared>>
      %dma_start3A_26 = arith.constant 0 : i32
      %dma_start3A_27 = tpu.memref_slice %arg2[%mul3A_0, %dma_start3A_26] : memref<10000x32xf32, #tpu.memory_space<hbm>> -> memref<625x32xf32, #tpu.memory_space<hbm>>
      tpu.enqueue_dma source(%dma_start3A_27 : memref<625x32xf32, #tpu.memory_space<hbm>>) target(%dma_start3A_25 : memref<625x32xf32, #tpu.memory_space<vmem_shared>>) target_semaphore(%run_scoped3A : memref<!tpu.dma_semaphore, #tpu.memory_space<semaphore_mem>>)
      %dma_wait3A = arith.constant 0 : i32
      %dma_wait3A_28 = tpu.memref_slice %arg6[%mul3A_2, %dma_wait3A] : memref<10000x32xf32, #tpu.memory_space<vmem_shared>> -> memref<625x32xf32, #tpu.memory_space<vmem_shared>>
      %dma_wait3A_29 = arith.constant 0 : i32
      %dma_wait3A_30 = tpu.memref_slice %arg2[%mul3A_0, %dma_wait3A_29] : memref<10000x32xf32, #tpu.memory_space<hbm>> -> memref<625x32xf32, #tpu.memory_space<hbm>>
      tpu.wait_dma2 semaphore(%run_scoped3A : memref<!tpu.dma_semaphore, #tpu.memory_space<semaphore_mem>>) src(%dma_wait3A_30 : memref<625x32xf32, #tpu.memory_space<hbm>>) dst(%dma_wait3A_28 : memref<625x32xf32, #tpu.memory_space<vmem_shared>>)
      tpu.yield
    }) : () -> ()
    %mul3A_3 = arith.constant 625 : i32
    %mul3A_4 = arith.muli %arg1, %mul3A_3 : i32
    %mul3A_5 = arith.constant 625 : i32
    %mul3A_6 = arith.muli %arg1, %mul3A_5 : i32
    "tpu.region"() ({
      %run_scoped3A = tpu.sem_alloc : memref<!tpu.dma_semaphore, #tpu.memory_space<semaphore_mem>>
      %dma_start3A = arith.constant 0 : i32
      %dma_start3A_25 = tpu.memref_slice %arg7[%mul3A_6, %dma_start3A] : memref<10000x32xf32, #tpu.memory_space<vmem_shared>> -> memref<625x32xf32, #tpu.memory_space<vmem_shared>>
      %dma_start3A_26 = arith.constant 0 : i32
      %dma_start3A_27 = tpu.memref_slice %arg3[%mul3A_4, %dma_start3A_26] : memref<10000x32xf32, #tpu.memory_space<hbm>> -> memref<625x32xf32, #tpu.memory_space<hbm>>
      tpu.enqueue_dma source(%dma_start3A_27 : memref<625x32xf32, #tpu.memory_space<hbm>>) target(%dma_start3A_25 : memref<625x32xf32, #tpu.memory_space<vmem_shared>>) target_semaphore(%run_scoped3A : memref<!tpu.dma_semaphore, #tpu.memory_space<semaphore_mem>>)
      %dma_wait3A = arith.constant 0 : i32
      %dma_wait3A_28 = tpu.memref_slice %arg7[%mul3A_6, %dma_wait3A] : memref<10000x32xf32, #tpu.memory_space<vmem_shared>> -> memref<625x32xf32, #tpu.memory_space<vmem_shared>>
      %dma_wait3A_29 = arith.constant 0 : i32
      %dma_wait3A_30 = tpu.memref_slice %arg3[%mul3A_4, %dma_wait3A_29] : memref<10000x32xf32, #tpu.memory_space<hbm>> -> memref<625x32xf32, #tpu.memory_space<hbm>>
      tpu.wait_dma2 semaphore(%run_scoped3A : memref<!tpu.dma_semaphore, #tpu.memory_space<semaphore_mem>>) src(%dma_wait3A_30 : memref<625x32xf32, #tpu.memory_space<hbm>>) dst(%dma_wait3A_28 : memref<625x32xf32, #tpu.memory_space<vmem_shared>>)
      tpu.yield
    }) : () -> ()
    %barrier3A = arith.constant 0 : index
    tpu.barrier barrier_id(%barrier3A)
    %mul3A_7 = arith.constant 1 : i32
    %mul3A_8 = arith.muli %arg1, %mul3A_7 : i32
    %add3A = arith.constant 0 : i32
    %add3A_9 = arith.addi %add3A, %mul3A_8 : i32
    %mul3A_10 = arith.constant 16 : i32
    %mul3A_11 = arith.muli %arg0, %mul3A_10 : i32
    %add3A_12 = arith.addi %add3A_9, %mul3A_11 : i32
    %lt3A = arith.constant 4 : i32
    %lt3A_13 = arith.cmpi slt, %add3A_12, %lt3A : i32
    %jit3A = arith.constant 79 : i32
    %jit3A_14 = arith.constant 78 : i32
    %select_n3A = arith.select %lt3A_13, %jit3A, %jit3A_14 : i32
    %lt3A_15 = arith.constant 4 : i32
    %lt3A_16 = arith.cmpi slt, %add3A_12, %lt3A_15 : i32
    %mul3A_17 = arith.muli %add3A_12, %select_n3A : i32
    %mul3A_18 = arith.constant 78 : i32
    %mul3A_19 = arith.muli %add3A_12, %mul3A_18 : i32
    %add3A_20 = arith.constant 4 : i32
    %add3A_21 = arith.addi %mul3A_19, %add3A_20 : i32
    %select_n3A_22 = arith.select %lt3A_16, %mul3A_17, %add3A_21 : i32
    %mul3A_23 = arith.constant 1 : i32
    %mul3A_24 = arith.muli %mul3A_23, %select_n3A : i32
    "tpu.region"() ({
      %run_scoped3A = memref.alloca() : memref<2x1x128xi32, #tpu.memory_space<vmem>>
      %run_scoped3A_25 = tpu.sem_alloc : memref<2x!tpu.dma_semaphore, #tpu.memory_space<semaphore_mem>>
      %run_scoped3A_26 = memref.alloca() : memref<2x1x128xi32, #tpu.memory_space<vmem>>
      %run_scoped3A_27 = tpu.sem_alloc : memref<2x!tpu.dma_semaphore, #tpu.memory_space<semaphore_mem>>
      %run_scoped3A_28 = memref.alloca() : memref<2x128x32xf32, #tpu.memory_space<vmem>>
      %run_scoped3A_29 = tpu.sem_alloc : memref<2x!tpu.dma_semaphore, #tpu.memory_space<semaphore_mem>>
      %gt3A = arith.constant 0 : i32
      %gt3A_30 = arith.cmpi sgt, %mul3A_24, %gt3A : i32
      %convert_element_type3A = arith.extui %gt3A_30 : i1 to i32
      %cond3A = arith.constant 0 : i32
      %cond3A_31 = arith.cmpi ne, %convert_element_type3A, %cond3A : i32
      scf.if %cond3A_31 {
        %mul3A_32 = arith.constant 1 : i32
        %mul3A_33 = arith.muli %mul3A_32, %select_n3A : i32
        %sub3A = arith.constant 1 : i32
        %sub3A_34 = arith.subi %mul3A_33, %sub3A : i32
        %eq3A = arith.constant 0 : i32
        %eq3A_35 = arith.cmpi eq, %sub3A_34, %eq3A : i32
        %add3A_36 = arith.constant 0 : i32
        %add3A_37 = arith.addi %add3A_36, %select_n3A_22 : i32
        %select_n3A_38 = arith.constant true
        %select_n3A_39 = arith.constant 0 : i32
        %select_n3A_40 = arith.constant -1 : i32
        %select_n3A_41 = arith.select %select_n3A_38, %select_n3A_40, %select_n3A_39 : i32
        %eq3A_42 = arith.constant -1 : i32
        %eq3A_43 = arith.cmpi eq, %select_n3A_41, %eq3A_42 : i32
        %sub3A_44 = arith.constant 1 : i32
        %sub3A_45 = arith.subi %select_n3A, %sub3A_44 : i32
        %select_n3A_46 = arith.select %eq3A_43, %sub3A_45, %select_n3A_41 : i32
        %add3A_47 = arith.addi %select_n3A_46, %select_n3A_22 : i32
        %select_n3A_48 = arith.constant true
        %select_n3A_49 = arith.constant 0 : i32
        %select_n3A_50 = arith.constant 1 : i32
        %select_n3A_51 = arith.select %select_n3A_48, %select_n3A_50, %select_n3A_49 : i32
        %eq3A_52 = arith.cmpi eq, %select_n3A_51, %select_n3A : i32
        %select_n3A_53 = arith.constant 0 : i32
        %select_n3A_54 = arith.select %eq3A_52, %select_n3A_53, %select_n3A_51 : i32
        %add3A_55 = arith.addi %select_n3A_54, %select_n3A_22 : i32
        %add3A_56 = arith.constant 1 : i32
        %add3A_57 = arith.addi %select_n3A_54, %add3A_56 : i32
        %select_n3A_58 = arith.constant true
        %select_n3A_59 = arith.select %select_n3A_58, %add3A_57, %select_n3A_54 : i32
        %eq3A_60 = arith.cmpi eq, %select_n3A_59, %select_n3A : i32
        %select_n3A_61 = arith.constant 0 : i32
        %select_n3A_62 = arith.select %eq3A_60, %select_n3A_61, %select_n3A_59 : i32
        %add3A_63 = arith.addi %select_n3A_62, %select_n3A_22 : i32
        "tpu.trace_start"() <{level = 10 : i32, message = "ep_initialize_0"}> : () -> ()
        %rem3A = arith.constant 0 : i32
        %rem3A_64 = arith.constant 2 : i32
        %rem3A_65 = arith.remui %rem3A, %rem3A_64 : i32
        %mul3A_66 = arith.constant 128 : i32
        %mul3A_67 = arith.muli %mul3A_66, %add3A_37 : i32
        %dma_start3A = arith.constant 0 : i32
        %dma_start3A_68 = arith.constant 0 : i32
        %dma_start3A_69 = tpu.memref_slice %run_scoped3A[%rem3A_65, %dma_start3A, %dma_start3A_68] : memref<2x1x128xi32, #tpu.memory_space<vmem>> -> memref<1x1x128xi32, #tpu.memory_space<vmem>>
        %dma_start3A_70 = tpu.memref_squeeze %dma_start3A_69 : memref<1x1x128xi32, #tpu.memory_space<vmem>> -> memref<1x128xi32, #tpu.memory_space<vmem>>
        %dma_start3A_71 = arith.constant 0 : i32
        %dma_start3A_72 = tpu.memref_slice %arg4[%dma_start3A_71, %mul3A_67] : memref<2x320000xi32, #tpu.memory_space<hbm>> -> memref<1x128xi32, #tpu.memory_space<hbm>>
        %dma_start3A_73 = tpu.memref_slice %run_scoped3A_25[%rem3A_65] : memref<2x!tpu.dma_semaphore, #tpu.memory_space<semaphore_mem>> -> memref<1x!tpu.dma_semaphore, #tpu.memory_space<semaphore_mem>>
        %dma_start3A_74 = tpu.memref_squeeze %dma_start3A_73 : memref<1x!tpu.dma_semaphore, #tpu.memory_space<semaphore_mem>> -> memref<!tpu.dma_semaphore, #tpu.memory_space<semaphore_mem>>
        %dma_start3A_75 = arith.constant 0 : i32
        %dma_start3A_76 = arith.constant 0 : i32
        %dma_start3A_77 = tpu.memref_slice %run_scoped3A[%rem3A_65, %dma_start3A_75, %dma_start3A_76] : memref<2x1x128xi32, #tpu.memory_space<vmem>> -> memref<1x1x128xi32, #tpu.memory_space<vmem>>
        %dma_start3A_78 = tpu.memref_squeeze %dma_start3A_77 : memref<1x1x128xi32, #tpu.memory_space<vmem>> -> memref<1x128xi32, #tpu.memory_space<vmem>>
        %dma_start3A_79 = arith.constant 0 : i32
        %dma_start3A_80 = tpu.memref_slice %arg4[%dma_start3A_79, %mul3A_67] : memref<2x320000xi32, #tpu.memory_space<hbm>> -> memref<1x128xi32, #tpu.memory_space<hbm>>
        tpu.enqueue_dma source(%dma_start3A_80 : memref<1x128xi32, #tpu.memory_space<hbm>>) target(%dma_start3A_78 : memref<1x128xi32, #tpu.memory_space<vmem>>) target_semaphore(%dma_start3A_74 : memref<!tpu.dma_semaphore, #tpu.memory_space<semaphore_mem>>)
        %add3A_81 = arith.constant 0 : i32
        %add3A_82 = arith.constant 1 : i32
        %add3A_83 = arith.addi %add3A_81, %add3A_82 : i32
        %select_n3A_84 = arith.constant true
        %select_n3A_85 = arith.constant 0 : i32
        %select_n3A_86 = arith.select %select_n3A_84, %add3A_83, %select_n3A_85 : i32
        %rem3A_87 = arith.constant 0 : i32
        %rem3A_88 = arith.constant 2 : i32
        %rem3A_89 = arith.remui %rem3A_87, %rem3A_88 : i32
        %mul3A_90 = arith.constant 128 : i32
        %mul3A_91 = arith.muli %mul3A_90, %add3A_37 : i32
        %dma_start3A_92 = arith.constant 0 : i32
        %dma_start3A_93 = arith.constant 0 : i32
        %dma_start3A_94 = tpu.memref_slice %run_scoped3A_26[%rem3A_89, %dma_start3A_92, %dma_start3A_93] : memref<2x1x128xi32, #tpu.memory_space<vmem>> -> memref<1x1x128xi32, #tpu.memory_space<vmem>>
        %dma_start3A_95 = tpu.memref_squeeze %dma_start3A_94 : memref<1x1x128xi32, #tpu.memory_space<vmem>> -> memref<1x128xi32, #tpu.memory_space<vmem>>
        %dma_start3A_96 = arith.constant 1 : i32
        %dma_start3A_97 = tpu.memref_slice %arg4[%dma_start3A_96, %mul3A_91] : memref<2x320000xi32, #tpu.memory_space<hbm>> -> memref<1x128xi32, #tpu.memory_space<hbm>>
        %dma_start3A_98 = tpu.memref_slice %run_scoped3A_27[%rem3A_89] : memref<2x!tpu.dma_semaphore, #tpu.memory_space<semaphore_mem>> -> memref<1x!tpu.dma_semaphore, #tpu.memory_space<semaphore_mem>>
        %dma_start3A_99 = tpu.memref_squeeze %dma_start3A_98 : memref<1x!tpu.dma_semaphore, #tpu.memory_space<semaphore_mem>> -> memref<!tpu.dma_semaphore, #tpu.memory_space<semaphore_mem>>
        %dma_start3A_100 = arith.constant 0 : i32
        %dma_start3A_101 = arith.constant 0 : i32
        %dma_start3A_102 = tpu.memref_slice %run_scoped3A_26[%rem3A_89, %dma_start3A_100, %dma_start3A_101] : memref<2x1x128xi32, #tpu.memory_space<vmem>> -> memref<1x1x128xi32, #tpu.memory_space<vmem>>
        %dma_start3A_103 = tpu.memref_squeeze %dma_start3A_102 : memref<1x1x128xi32, #tpu.memory_space<vmem>> -> memref<1x128xi32, #tpu.memory_space<vmem>>
        %dma_start3A_104 = arith.constant 1 : i32
        %dma_start3A_105 = tpu.memref_slice %arg4[%dma_start3A_104, %mul3A_91] : memref<2x320000xi32, #tpu.memory_space<hbm>> -> memref<1x128xi32, #tpu.memory_space<hbm>>
        tpu.enqueue_dma source(%dma_start3A_105 : memref<1x128xi32, #tpu.memory_space<hbm>>) target(%dma_start3A_103 : memref<1x128xi32, #tpu.memory_space<vmem>>) target_semaphore(%dma_start3A_99 : memref<!tpu.dma_semaphore, #tpu.memory_space<semaphore_mem>>)
        %add3A_106 = arith.constant 0 : i32
        %add3A_107 = arith.constant 1 : i32
        %add3A_108 = arith.addi %add3A_106, %add3A_107 : i32
        %select_n3A_109 = arith.constant true
        %select_n3A_110 = arith.constant 0 : i32
        %select_n3A_111 = arith.select %select_n3A_109, %add3A_108, %select_n3A_110 : i32
        %while3A = arith.constant 0 : i32
        %while3A_112 = arith.constant 0 : i32
        %while3A_113 = arith.constant 0 : i32
        %while3A_114 = arith.constant 0 : i32
        %while3A_115 = arith.constant 0 : i32
        %while3A_116 = arith.constant 0 : i32
        "tpu.trace_stop"() : () -> ()
        %while3A_117 = arith.subi %mul3A_24, %while3A : i32
        %while3A_118 = arith.addi %while3A, %while3A_117 : i32
        %while3A_119 = arith.constant 1 : i32
        %while3A_120 = arith.divsi %while3A_117, %while3A_119 : i32
        %while3A_121 = arith.muli %while3A_120, %while3A_119 : i32
        %while3A_122 = arith.addi %while3A, %while3A_121 : i32
        %while3A_123 = arith.constant 1 : i32
        %while3A_124:7 = scf.for %while3A_181 = %while3A to %while3A_122 step %while3A_123 iter_args(%while3A_182 = %select_n3A_86, %while3A_183 = %while3A_112, %while3A_184 = %select_n3A_111, %while3A_185 = %while3A_113, %while3A_186 = %while3A_114, %while3A_187 = %while3A_115, %while3A_188 = %while3A_116) -> (i32, i32, i32, i32, i32, i32, i32)  : i32 {
          %mul3A_189 = arith.constant 1 : i32
          %mul3A_190 = arith.muli %mul3A_189, %select_n3A : i32
          %eq3A_191 = arith.constant 0 : i32
          %eq3A_192 = arith.cmpi eq, %while3A_181, %eq3A_191 : i32
          %sub3A_193 = arith.constant 1 : i32
          %sub3A_194 = arith.subi %mul3A_190, %sub3A_193 : i32
          %eq3A_195 = arith.cmpi eq, %while3A_181, %sub3A_194 : i32
          %add3A_196 = arith.addi %while3A_188, %select_n3A_22 : i32
          %sub3A_197 = arith.constant 1 : i32
          %sub3A_198 = arith.subi %while3A_188, %sub3A_197 : i32
          %select_n3A_199 = arith.constant true
          %select_n3A_200 = arith.select %select_n3A_199, %sub3A_198, %while3A_188 : i32
          %eq3A_201 = arith.constant -1 : i32
          %eq3A_202 = arith.cmpi eq, %select_n3A_200, %eq3A_201 : i32
          %sub3A_203 = arith.constant 1 : i32
          %sub3A_204 = arith.subi %select_n3A, %sub3A_203 : i32
          %select_n3A_205 = arith.select %eq3A_202, %sub3A_204, %select_n3A_200 : i32
          %add3A_206 = arith.addi %select_n3A_205, %select_n3A_22 : i32
          %add3A_207 = arith.constant 1 : i32
          %add3A_208 = arith.addi %while3A_188, %add3A_207 : i32
          %select_n3A_209 = arith.constant true
          %select_n3A_210 = arith.select %select_n3A_209, %add3A_208, %while3A_188 : i32
          %eq3A_211 = arith.cmpi eq, %select_n3A_210, %select_n3A : i32
          %select_n3A_212 = arith.constant 0 : i32
          %select_n3A_213 = arith.select %eq3A_211, %select_n3A_212, %select_n3A_210 : i32
          %add3A_214 = arith.addi %select_n3A_213, %select_n3A_22 : i32
          %add3A_215 = arith.constant 1 : i32
          %add3A_216 = arith.addi %select_n3A_213, %add3A_215 : i32
          %select_n3A_217 = arith.constant true
          %select_n3A_218 = arith.select %select_n3A_217, %add3A_216, %select_n3A_213 : i32
          %eq3A_219 = arith.cmpi eq, %select_n3A_218, %select_n3A : i32
          %select_n3A_220 = arith.constant 0 : i32
          %select_n3A_221 = arith.select %eq3A_219, %select_n3A_220, %select_n3A_218 : i32
          %add3A_222 = arith.addi %select_n3A_221, %select_n3A_22 : i32
          %ne3A = arith.cmpi ne, %add3A_196, %add3A_214 : i32
          %or3A = arith.constant false
          %or3A_223 = arith.ori %or3A, %ne3A : i1
          %sub3A_224 = arith.constant 2 : i32
          %sub3A_225 = arith.subi %mul3A_190, %sub3A_224 : i32
          %add3A_226 = arith.constant 1 : i32
          %add3A_227 = arith.addi %sub3A_225, %add3A_226 : i32
          %ge3A = arith.cmpi sge, %while3A_181, %add3A_227 : i32
          %not3A = arith.constant true
          %not3A_228 = arith.xori %ge3A, %not3A : i1
          %and3A = arith.andi %or3A_223, %not3A_228 : i1
          %convert_element_type3A_229 = arith.extui %and3A : i1 to i32
          %cond3A_230 = arith.constant 0 : i32
          %cond3A_231 = arith.cmpi ne, %convert_element_type3A_229, %cond3A_230 : i32
          scf.if %cond3A_231 {
            "tpu.trace_start"() <{level = 10 : i32, message = "ep_copy_in"}> : () -> ()
            %rem3A_391 = arith.constant 2 : i32
            %rem3A_392 = arith.remui %while3A_182, %rem3A_391 : i32
            %mul3A_393 = arith.constant 128 : i32
            %mul3A_394 = arith.muli %mul3A_393, %add3A_214 : i32
            %dma_start3A_395 = arith.constant 0 : i32
            %dma_start3A_396 = arith.constant 0 : i32
            %dma_start3A_397 = tpu.memref_slice %run_scoped3A[%rem3A_392, %dma_start3A_395, %dma_start3A_396] : memref<2x1x128xi32, #tpu.memory_space<vmem>> -> memref<1x1x128xi32, #tpu.memory_space<vmem>>
            %dma_start3A_398 = tpu.memref_squeeze %dma_start3A_397 : memref<1x1x128xi32, #tpu.memory_space<vmem>> -> memref<1x128xi32, #tpu.memory_space<vmem>>
            %dma_start3A_399 = arith.constant 0 : i32
            %dma_start3A_400 = tpu.memref_slice %arg4[%dma_start3A_399, %mul3A_394] : memref<2x320000xi32, #tpu.memory_space<hbm>> -> memref<1x128xi32, #tpu.memory_space<hbm>>
            %dma_start3A_401 = tpu.memref_slice %run_scoped3A_25[%rem3A_392] : memref<2x!tpu.dma_semaphore, #tpu.memory_space<semaphore_mem>> -> memref<1x!tpu.dma_semaphore, #tpu.memory_space<semaphore_mem>>
            %dma_start3A_402 = tpu.memref_squeeze %dma_start3A_401 : memref<1x!tpu.dma_semaphore, #tpu.memory_space<semaphore_mem>> -> memref<!tpu.dma_semaphore, #tpu.memory_space<semaphore_mem>>
            %dma_start3A_403 = arith.constant 0 : i32
            %dma_start3A_404 = arith.constant 0 : i32
            %dma_start3A_405 = tpu.memref_slice %run_scoped3A[%rem3A_392, %dma_start3A_403, %dma_start3A_404] : memref<2x1x128xi32, #tpu.memory_space<vmem>> -> memref<1x1x128xi32, #tpu.memory_space<vmem>>
            %dma_start3A_406 = tpu.memref_squeeze %dma_start3A_405 : memref<1x1x128xi32, #tpu.memory_space<vmem>> -> memref<1x128xi32, #tpu.memory_space<vmem>>
            %dma_start3A_407 = arith.constant 0 : i32
            %dma_start3A_408 = tpu.memref_slice %arg4[%dma_start3A_407, %mul3A_394] : memref<2x320000xi32, #tpu.memory_space<hbm>> -> memref<1x128xi32, #tpu.memory_space<hbm>>
            tpu.enqueue_dma source(%dma_start3A_408 : memref<1x128xi32, #tpu.memory_space<hbm>>) target(%dma_start3A_406 : memref<1x128xi32, #tpu.memory_space<vmem>>) target_semaphore(%dma_start3A_402 : memref<!tpu.dma_semaphore, #tpu.memory_space<semaphore_mem>>)
            "tpu.trace_stop"() : () -> ()
          } else {
          }
          %and3A_232 = arith.constant true
          %and3A_233 = arith.andi %and3A, %and3A_232 : i1
          %add3A_234 = arith.constant 1 : i32
          %add3A_235 = arith.addi %while3A_182, %add3A_234 : i32
          %select_n3A_236 = arith.select %and3A_233, %add3A_235, %while3A_182 : i32
          %ne3A_237 = arith.cmpi ne, %add3A_196, %add3A_214 : i32
          %or3A_238 = arith.constant false
          %or3A_239 = arith.ori %or3A_238, %ne3A_237 : i1
          %sub3A_240 = arith.constant 2 : i32
          %sub3A_241 = arith.subi %mul3A_190, %sub3A_240 : i32
          %add3A_242 = arith.constant 1 : i32
          %add3A_243 = arith.addi %sub3A_241, %add3A_242 : i32
          %ge3A_244 = arith.cmpi sge, %while3A_181, %add3A_243 : i32
          %not3A_245 = arith.constant true
          %not3A_246 = arith.xori %ge3A_244, %not3A_245 : i1
          %and3A_247 = arith.andi %or3A_239, %not3A_246 : i1
          %convert_element_type3A_248 = arith.extui %and3A_247 : i1 to i32
          %cond3A_249 = arith.constant 0 : i32
          %cond3A_250 = arith.cmpi ne, %convert_element_type3A_248, %cond3A_249 : i32
          scf.if %cond3A_250 {
            "tpu.trace_start"() <{level = 10 : i32, message = "ep_copy_in"}> : () -> ()
            %rem3A_391 = arith.constant 2 : i32
            %rem3A_392 = arith.remui %while3A_184, %rem3A_391 : i32
            %mul3A_393 = arith.constant 128 : i32
            %mul3A_394 = arith.muli %mul3A_393, %add3A_214 : i32
            %dma_start3A_395 = arith.constant 0 : i32
            %dma_start3A_396 = arith.constant 0 : i32
            %dma_start3A_397 = tpu.memref_slice %run_scoped3A_26[%rem3A_392, %dma_start3A_395, %dma_start3A_396] : memref<2x1x128xi32, #tpu.memory_space<vmem>> -> memref<1x1x128xi32, #tpu.memory_space<vmem>>
            %dma_start3A_398 = tpu.memref_squeeze %dma_start3A_397 : memref<1x1x128xi32, #tpu.memory_space<vmem>> -> memref<1x128xi32, #tpu.memory_space<vmem>>
            %dma_start3A_399 = arith.constant 1 : i32
            %dma_start3A_400 = tpu.memref_slice %arg4[%dma_start3A_399, %mul3A_394] : memref<2x320000xi32, #tpu.memory_space<hbm>> -> memref<1x128xi32, #tpu.memory_space<hbm>>
            %dma_start3A_401 = tpu.memref_slice %run_scoped3A_27[%rem3A_392] : memref<2x!tpu.dma_semaphore, #tpu.memory_space<semaphore_mem>> -> memref<1x!tpu.dma_semaphore, #tpu.memory_space<semaphore_mem>>
            %dma_start3A_402 = tpu.memref_squeeze %dma_start3A_401 : memref<1x!tpu.dma_semaphore, #tpu.memory_space<semaphore_mem>> -> memref<!tpu.dma_semaphore, #tpu.memory_space<semaphore_mem>>
            %dma_start3A_403 = arith.constant 0 : i32
            %dma_start3A_404 = arith.constant 0 : i32
            %dma_start3A_405 = tpu.memref_slice %run_scoped3A_26[%rem3A_392, %dma_start3A_403, %dma_start3A_404] : memref<2x1x128xi32, #tpu.memory_space<vmem>> -> memref<1x1x128xi32, #tpu.memory_space<vmem>>
            %dma_start3A_406 = tpu.memref_squeeze %dma_start3A_405 : memref<1x1x128xi32, #tpu.memory_space<vmem>> -> memref<1x128xi32, #tpu.memory_space<vmem>>
            %dma_start3A_407 = arith.constant 1 : i32
            %dma_start3A_408 = tpu.memref_slice %arg4[%dma_start3A_407, %mul3A_394] : memref<2x320000xi32, #tpu.memory_space<hbm>> -> memref<1x128xi32, #tpu.memory_space<hbm>>
            tpu.enqueue_dma source(%dma_start3A_408 : memref<1x128xi32, #tpu.memory_space<hbm>>) target(%dma_start3A_406 : memref<1x128xi32, #tpu.memory_space<vmem>>) target_semaphore(%dma_start3A_402 : memref<!tpu.dma_semaphore, #tpu.memory_space<semaphore_mem>>)
            "tpu.trace_stop"() : () -> ()
          } else {
          }
          %and3A_251 = arith.constant true
          %and3A_252 = arith.andi %and3A_247, %and3A_251 : i1
          %add3A_253 = arith.constant 1 : i32
          %add3A_254 = arith.addi %while3A_184, %add3A_253 : i32
          %select_n3A_255 = arith.select %and3A_252, %add3A_254, %while3A_184 : i32
          %ne3A_256 = arith.cmpi ne, %add3A_196, %add3A_214 : i32
          %or3A_257 = arith.constant false
          %or3A_258 = arith.ori %or3A_257, %ne3A_256 : i1
          %or3A_259 = arith.constant false
          %or3A_260 = arith.ori %or3A_258, %or3A_259 : i1
          %sub3A_261 = arith.constant 2 : i32
          %sub3A_262 = arith.subi %mul3A_190, %sub3A_261 : i32
          %add3A_263 = arith.constant 1 : i32
          %add3A_264 = arith.addi %sub3A_262, %add3A_263 : i32
          %ge3A_265 = arith.cmpi sge, %while3A_181, %add3A_264 : i32
          %not3A_266 = arith.constant true
          %not3A_267 = arith.xori %ge3A_265, %not3A_266 : i1
          %and3A_268 = arith.andi %or3A_260, %not3A_267 : i1
          %ne3A_269 = arith.cmpi ne, %add3A_196, %add3A_206 : i32
          %or3A_270 = arith.constant false
          %or3A_271 = arith.ori %or3A_270, %ne3A_269 : i1
          %or3A_272 = arith.ori %or3A_271, %eq3A_192 : i1
          %convert_element_type3A_273 = arith.extui %or3A_272 : i1 to i32
          %cond3A_274 = arith.constant 0 : i32
          %cond3A_275 = arith.cmpi ne, %convert_element_type3A_273, %cond3A_274 : i32
          scf.if %cond3A_275 {
            "tpu.trace_start"() <{level = 10 : i32, message = "ep_wait_in"}> : () -> ()
            %mul3A_391 = arith.constant 128 : i32
            %mul3A_392 = arith.muli %mul3A_391, %add3A_196 : i32
            %rem3A_393 = arith.constant 2 : i32
            %rem3A_394 = arith.remui %while3A_183, %rem3A_393 : i32
            %dma_wait3A = arith.constant 0 : i32
            %dma_wait3A_395 = arith.constant 0 : i32
            %dma_wait3A_396 = tpu.memref_slice %run_scoped3A[%rem3A_394, %dma_wait3A, %dma_wait3A_395] : memref<2x1x128xi32, #tpu.memory_space<vmem>> -> memref<1x1x128xi32, #tpu.memory_space<vmem>>
            %dma_wait3A_397 = tpu.memref_squeeze %dma_wait3A_396 : memref<1x1x128xi32, #tpu.memory_space<vmem>> -> memref<1x128xi32, #tpu.memory_space<vmem>>
            %dma_wait3A_398 = arith.constant 0 : i32
            %dma_wait3A_399 = tpu.memref_slice %arg4[%dma_wait3A_398, %mul3A_392] : memref<2x320000xi32, #tpu.memory_space<hbm>> -> memref<1x128xi32, #tpu.memory_space<hbm>>
            %dma_wait3A_400 = tpu.memref_slice %run_scoped3A_25[%rem3A_394] : memref<2x!tpu.dma_semaphore, #tpu.memory_space<semaphore_mem>> -> memref<1x!tpu.dma_semaphore, #tpu.memory_space<semaphore_mem>>
            %dma_wait3A_401 = tpu.memref_squeeze %dma_wait3A_400 : memref<1x!tpu.dma_semaphore, #tpu.memory_space<semaphore_mem>> -> memref<!tpu.dma_semaphore, #tpu.memory_space<semaphore_mem>>
            %dma_wait3A_402 = arith.constant 0 : i32
            %dma_wait3A_403 = arith.constant 0 : i32
            %dma_wait3A_404 = tpu.memref_slice %run_scoped3A[%rem3A_394, %dma_wait3A_402, %dma_wait3A_403] : memref<2x1x128xi32, #tpu.memory_space<vmem>> -> memref<1x1x128xi32, #tpu.memory_space<vmem>>
            %dma_wait3A_405 = tpu.memref_squeeze %dma_wait3A_404 : memref<1x1x128xi32, #tpu.memory_space<vmem>> -> memref<1x128xi32, #tpu.memory_space<vmem>>
            %dma_wait3A_406 = arith.constant 0 : i32
            %dma_wait3A_407 = tpu.memref_slice %arg4[%dma_wait3A_406, %mul3A_392] : memref<2x320000xi32, #tpu.memory_space<hbm>> -> memref<1x128xi32, #tpu.memory_space<hbm>>
            tpu.wait_dma2 semaphore(%dma_wait3A_401 : memref<!tpu.dma_semaphore, #tpu.memory_space<semaphore_mem>>) src(%dma_wait3A_407 : memref<1x128xi32, #tpu.memory_space<hbm>>) dst(%dma_wait3A_405 : memref<1x128xi32, #tpu.memory_space<vmem>>)
            "tpu.trace_stop"() : () -> ()
          } else {
          }
          %ne3A_276 = arith.cmpi ne, %add3A_196, %add3A_206 : i32
          %or3A_277 = arith.constant false
          %or3A_278 = arith.ori %or3A_277, %ne3A_276 : i1
          %or3A_279 = arith.ori %or3A_278, %eq3A_192 : i1
          %convert_element_type3A_280 = arith.extui %or3A_279 : i1 to i32
          %cond3A_281 = arith.constant 0 : i32
          %cond3A_282 = arith.cmpi ne, %convert_element_type3A_280, %cond3A_281 : i32
          scf.if %cond3A_282 {
            "tpu.trace_start"() <{level = 10 : i32, message = "ep_wait_in"}> : () -> ()
            %mul3A_391 = arith.constant 128 : i32
            %mul3A_392 = arith.muli %mul3A_391, %add3A_196 : i32
            %rem3A_393 = arith.constant 2 : i32
            %rem3A_394 = arith.remui %while3A_185, %rem3A_393 : i32
            %dma_wait3A = arith.constant 0 : i32
            %dma_wait3A_395 = arith.constant 0 : i32
            %dma_wait3A_396 = tpu.memref_slice %run_scoped3A_26[%rem3A_394, %dma_wait3A, %dma_wait3A_395] : memref<2x1x128xi32, #tpu.memory_space<vmem>> -> memref<1x1x128xi32, #tpu.memory_space<vmem>>
            %dma_wait3A_397 = tpu.memref_squeeze %dma_wait3A_396 : memref<1x1x128xi32, #tpu.memory_space<vmem>> -> memref<1x128xi32, #tpu.memory_space<vmem>>
            %dma_wait3A_398 = arith.constant 1 : i32
            %dma_wait3A_399 = tpu.memref_slice %arg4[%dma_wait3A_398, %mul3A_392] : memref<2x320000xi32, #tpu.memory_space<hbm>> -> memref<1x128xi32, #tpu.memory_space<hbm>>
            %dma_wait3A_400 = tpu.memref_slice %run_scoped3A_27[%rem3A_394] : memref<2x!tpu.dma_semaphore, #tpu.memory_space<semaphore_mem>> -> memref<1x!tpu.dma_semaphore, #tpu.memory_space<semaphore_mem>>
            %dma_wait3A_401 = tpu.memref_squeeze %dma_wait3A_400 : memref<1x!tpu.dma_semaphore, #tpu.memory_space<semaphore_mem>> -> memref<!tpu.dma_semaphore, #tpu.memory_space<semaphore_mem>>
            %dma_wait3A_402 = arith.constant 0 : i32
            %dma_wait3A_403 = arith.constant 0 : i32
            %dma_wait3A_404 = tpu.memref_slice %run_scoped3A_26[%rem3A_394, %dma_wait3A_402, %dma_wait3A_403] : memref<2x1x128xi32, #tpu.memory_space<vmem>> -> memref<1x1x128xi32, #tpu.memory_space<vmem>>
            %dma_wait3A_405 = tpu.memref_squeeze %dma_wait3A_404 : memref<1x1x128xi32, #tpu.memory_space<vmem>> -> memref<1x128xi32, #tpu.memory_space<vmem>>
            %dma_wait3A_406 = arith.constant 1 : i32
            %dma_wait3A_407 = tpu.memref_slice %arg4[%dma_wait3A_406, %mul3A_392] : memref<2x320000xi32, #tpu.memory_space<hbm>> -> memref<1x128xi32, #tpu.memory_space<hbm>>
            tpu.wait_dma2 semaphore(%dma_wait3A_401 : memref<!tpu.dma_semaphore, #tpu.memory_space<semaphore_mem>>) src(%dma_wait3A_407 : memref<1x128xi32, #tpu.memory_space<hbm>>) dst(%dma_wait3A_405 : memref<1x128xi32, #tpu.memory_space<vmem>>)
            "tpu.trace_stop"() : () -> ()
          } else {
          }
          %ne3A_283 = arith.cmpi ne, %add3A_196, %add3A_206 : i32
          %or3A_284 = arith.constant false
          %or3A_285 = arith.ori %or3A_284, %ne3A_283 : i1
          %or3A_286 = arith.constant false
          %or3A_287 = arith.ori %or3A_285, %or3A_286 : i1
          %or3A_288 = arith.ori %or3A_287, %eq3A_192 : i1
          %convert_element_type3A_289 = arith.extui %or3A_288 : i1 to i32
          %cond3A_290 = arith.constant 0 : i32
          %cond3A_291 = arith.cmpi ne, %convert_element_type3A_289, %cond3A_290 : i32
          scf.if %cond3A_291 {
          } else {
          }
          %rem3A_292 = arith.constant 2 : i32
          %rem3A_293 = arith.remui %while3A_183, %rem3A_292 : i32
          %rem3A_294 = arith.constant 2 : i32
          %rem3A_295 = arith.remui %while3A_185, %rem3A_294 : i32
          %rem3A_296 = arith.constant 2 : i32
          %rem3A_297 = arith.remui %while3A_186, %rem3A_296 : i32
          %run_scoped3A_298 = arith.constant 0 : i32
          "tpu.trace_start"() <{level = 10 : i32, message = "ep_run_kernel"}> : () -> ()
          "tpu.region"() ({
            %run_scoped3A_391 = tpu.sem_alloc : memref<!tpu.dma_semaphore, #tpu.memory_space<semaphore_mem>>
            %dma_start3A_392 = arith.constant 0 : i32
            %dma_start3A_393 = arith.constant 0 : i32
            %dma_start3A_394 = tpu.memref_slice %run_scoped3A_28[%rem3A_297, %dma_start3A_392, %dma_start3A_393] : memref<2x128x32xf32, #tpu.memory_space<vmem>> -> memref<1x128x32xf32, #tpu.memory_space<vmem>>
            %dma_start3A_395 = tpu.memref_squeeze %dma_start3A_394 : memref<1x128x32xf32, #tpu.memory_space<vmem>> -> memref<128x32xf32, #tpu.memory_space<vmem>>
            %dma_start3A_396 = arith.constant 0 : i32
            %dma_start3A_397 = arith.constant 0 : i32
            %dma_start3A_398 = tpu.memref_slice %run_scoped3A_26[%rem3A_295, %dma_start3A_396, %dma_start3A_397] : memref<2x1x128xi32, #tpu.memory_space<vmem>> -> memref<1x1x128xi32, #tpu.memory_space<vmem>>
            %dma_start3A_399 = tpu.memref_squeeze %dma_start3A_398 : memref<1x1x128xi32, #tpu.memory_space<vmem>> -> memref<1x128xi32, #tpu.memory_space<vmem>>
            %dma_start3A_400 = arith.constant 0 : i32
            %dma_start3A_401 = tpu.memref_slice %dma_start3A_399[%run_scoped3A_298, %dma_start3A_400] : memref<1x128xi32, #tpu.memory_space<vmem>> -> memref<1x128xi32, #tpu.memory_space<vmem>>
            %dma_start3A_402 = tpu.memref_squeeze %dma_start3A_401 : memref<1x128xi32, #tpu.memory_space<vmem>> -> memref<128xi32, #tpu.memory_space<vmem>>
            %dma_start3A_403 = arith.constant 0 : i32
            %dma_start3A_404 = arith.constant 0 : i32
            %dma_start3A_405 = tpu.memref_slice %arg6[%dma_start3A_403, %dma_start3A_404] : memref<10000x32xf32, #tpu.memory_space<vmem_shared>> -> memref<10000x32xf32, #tpu.memory_space<vmem_shared>>
            tpu.enqueue_indirect_dma source(%dma_start3A_405 : memref<10000x32xf32, #tpu.memory_space<vmem_shared>>) target(%dma_start3A_395 : memref<128x32xf32, #tpu.memory_space<vmem>>) offsets(%dma_start3A_402 : memref<128xi32, #tpu.memory_space<vmem>>) semaphore(%run_scoped3A_391 : memref<!tpu.dma_semaphore, #tpu.memory_space<semaphore_mem>>)
            %dma_wait3A = arith.constant 0 : i32
            %dma_wait3A_406 = arith.constant 0 : i32
            %dma_wait3A_407 = tpu.memref_slice %run_scoped3A_28[%rem3A_297, %dma_wait3A, %dma_wait3A_406] : memref<2x128x32xf32, #tpu.memory_space<vmem>> -> memref<1x128x32xf32, #tpu.memory_space<vmem>>
            %dma_wait3A_408 = tpu.memref_squeeze %dma_wait3A_407 : memref<1x128x32xf32, #tpu.memory_space<vmem>> -> memref<128x32xf32, #tpu.memory_space<vmem>>
            %dma_wait3A_409 = arith.constant 0 : i32
            %dma_wait3A_410 = arith.constant 0 : i32
            %dma_wait3A_411 = tpu.memref_slice %run_scoped3A_26[%rem3A_295, %dma_wait3A_409, %dma_wait3A_410] : memref<2x1x128xi32, #tpu.memory_space<vmem>> -> memref<1x1x128xi32, #tpu.memory_space<vmem>>
            %dma_wait3A_412 = tpu.memref_squeeze %dma_wait3A_411 : memref<1x1x128xi32, #tpu.memory_space<vmem>> -> memref<1x128xi32, #tpu.memory_space<vmem>>
            %dma_wait3A_413 = arith.constant 0 : i32
            %dma_wait3A_414 = tpu.memref_slice %dma_wait3A_412[%run_scoped3A_298, %dma_wait3A_413] : memref<1x128xi32, #tpu.memory_space<vmem>> -> memref<1x128xi32, #tpu.memory_space<vmem>>
            %dma_wait3A_415 = tpu.memref_squeeze %dma_wait3A_414 : memref<1x128xi32, #tpu.memory_space<vmem>> -> memref<128xi32, #tpu.memory_space<vmem>>
            %dma_wait3A_416 = arith.constant 0 : i32
            %dma_wait3A_417 = arith.constant 0 : i32
            %dma_wait3A_418 = tpu.memref_slice %arg6[%dma_wait3A_416, %dma_wait3A_417] : memref<10000x32xf32, #tpu.memory_space<vmem_shared>> -> memref<10000x32xf32, #tpu.memory_space<vmem_shared>>
            tpu.wait_indirect_dma semaphore(%run_scoped3A_391 : memref<!tpu.dma_semaphore, #tpu.memory_space<semaphore_mem>>) src(%dma_wait3A_418 : memref<10000x32xf32, #tpu.memory_space<vmem_shared>>) dst(%dma_wait3A_408 : memref<128x32xf32, #tpu.memory_space<vmem>>)
            tpu.yield
          }) : () -> ()
          %run_scoped3A_299 = arith.constant 0 : i32
          "tpu.region"() ({
            %run_scoped3A_391 = tpu.sem_alloc : memref<!tpu.dma_semaphore, #tpu.memory_space<semaphore_mem>>
            %dma_start3A_392 = arith.constant 0 : i32
            %dma_start3A_393 = arith.constant 0 : i32
            %dma_start3A_394 = tpu.memref_slice %run_scoped3A_28[%rem3A_297, %dma_start3A_392, %dma_start3A_393] : memref<2x128x32xf32, #tpu.memory_space<vmem>> -> memref<1x128x32xf32, #tpu.memory_space<vmem>>
            %dma_start3A_395 = tpu.memref_squeeze %dma_start3A_394 : memref<1x128x32xf32, #tpu.memory_space<vmem>> -> memref<128x32xf32, #tpu.memory_space<vmem>>
            %dma_start3A_396 = arith.constant 0 : i32
            %dma_start3A_397 = arith.constant 0 : i32
            %dma_start3A_398 = tpu.memref_slice %run_scoped3A[%rem3A_293, %dma_start3A_396, %dma_start3A_397] : memref<2x1x128xi32, #tpu.memory_space<vmem>> -> memref<1x1x128xi32, #tpu.memory_space<vmem>>
            %dma_start3A_399 = tpu.memref_squeeze %dma_start3A_398 : memref<1x1x128xi32, #tpu.memory_space<vmem>> -> memref<1x128xi32, #tpu.memory_space<vmem>>
            %dma_start3A_400 = arith.constant 0 : i32
            %dma_start3A_401 = tpu.memref_slice %dma_start3A_399[%run_scoped3A_299, %dma_start3A_400] : memref<1x128xi32, #tpu.memory_space<vmem>> -> memref<1x128xi32, #tpu.memory_space<vmem>>
            %dma_start3A_402 = tpu.memref_squeeze %dma_start3A_401 : memref<1x128xi32, #tpu.memory_space<vmem>> -> memref<128xi32, #tpu.memory_space<vmem>>
            %dma_start3A_403 = arith.constant 0 : i32
            %dma_start3A_404 = arith.constant 0 : i32
            %dma_start3A_405 = tpu.memref_slice %arg7[%dma_start3A_403, %dma_start3A_404] : memref<10000x32xf32, #tpu.memory_space<vmem_shared>> -> memref<10000x32xf32, #tpu.memory_space<vmem_shared>>
            tpu.enqueue_indirect_dma source(%dma_start3A_405 : memref<10000x32xf32, #tpu.memory_space<vmem_shared>>) target(%dma_start3A_395 : memref<128x32xf32, #tpu.memory_space<vmem>>) offsets(%dma_start3A_402 : memref<128xi32, #tpu.memory_space<vmem>>) semaphore(%run_scoped3A_391 : memref<!tpu.dma_semaphore, #tpu.memory_space<semaphore_mem>>) {add = true}
            %dma_wait3A = arith.constant 0 : i32
            %dma_wait3A_406 = arith.constant 0 : i32
            %dma_wait3A_407 = tpu.memref_slice %run_scoped3A_28[%rem3A_297, %dma_wait3A, %dma_wait3A_406] : memref<2x128x32xf32, #tpu.memory_space<vmem>> -> memref<1x128x32xf32, #tpu.memory_space<vmem>>
            %dma_wait3A_408 = tpu.memref_squeeze %dma_wait3A_407 : memref<1x128x32xf32, #tpu.memory_space<vmem>> -> memref<128x32xf32, #tpu.memory_space<vmem>>
            %dma_wait3A_409 = arith.constant 0 : i32
            %dma_wait3A_410 = arith.constant 0 : i32
            %dma_wait3A_411 = tpu.memref_slice %run_scoped3A[%rem3A_293, %dma_wait3A_409, %dma_wait3A_410] : memref<2x1x128xi32, #tpu.memory_space<vmem>> -> memref<1x1x128xi32, #tpu.memory_space<vmem>>
            %dma_wait3A_412 = tpu.memref_squeeze %dma_wait3A_411 : memref<1x1x128xi32, #tpu.memory_space<vmem>> -> memref<1x128xi32, #tpu.memory_space<vmem>>
            %dma_wait3A_413 = arith.constant 0 : i32
            %dma_wait3A_414 = tpu.memref_slice %dma_wait3A_412[%run_scoped3A_299, %dma_wait3A_413] : memref<1x128xi32, #tpu.memory_space<vmem>> -> memref<1x128xi32, #tpu.memory_space<vmem>>
            %dma_wait3A_415 = tpu.memref_squeeze %dma_wait3A_414 : memref<1x128xi32, #tpu.memory_space<vmem>> -> memref<128xi32, #tpu.memory_space<vmem>>
            %dma_wait3A_416 = arith.constant 0 : i32
            %dma_wait3A_417 = arith.constant 0 : i32
            %dma_wait3A_418 = tpu.memref_slice %arg7[%dma_wait3A_416, %dma_wait3A_417] : memref<10000x32xf32, #tpu.memory_space<vmem_shared>> -> memref<10000x32xf32, #tpu.memory_space<vmem_shared>>
            tpu.wait_indirect_dma semaphore(%run_scoped3A_391 : memref<!tpu.dma_semaphore, #tpu.memory_space<semaphore_mem>>) src(%dma_wait3A_418 : memref<10000x32xf32, #tpu.memory_space<vmem_shared>>) dst(%dma_wait3A_408 : memref<128x32xf32, #tpu.memory_space<vmem>>)
            tpu.yield
          }) : () -> ()
          "tpu.trace_stop"() : () -> ()
          %ne3A_300 = arith.cmpi ne, %add3A_196, %add3A_214 : i32
          %or3A_301 = arith.constant false
          %or3A_302 = arith.ori %or3A_301, %ne3A_300 : i1
          %or3A_303 = arith.ori %or3A_302, %eq3A_195 : i1
          %convert_element_type3A_304 = arith.extui %or3A_303 : i1 to i32
          %cond3A_305 = arith.constant 0 : i32
          %cond3A_306 = arith.cmpi ne, %convert_element_type3A_304, %cond3A_305 : i32
          scf.if %cond3A_306 {
          } else {
          }
          %and3A_307 = arith.constant false
          %and3A_308 = arith.andi %or3A_303, %and3A_307 : i1
          %ne3A_309 = arith.cmpi ne, %add3A_196, %add3A_214 : i32
          %or3A_310 = arith.constant false
          %or3A_311 = arith.ori %or3A_310, %ne3A_309 : i1
          %or3A_312 = arith.ori %or3A_311, %eq3A_195 : i1
          %convert_element_type3A_313 = arith.extui %or3A_312 : i1 to i32
          %cond3A_314 = arith.constant 0 : i32
          %cond3A_315 = arith.cmpi ne, %convert_element_type3A_313, %cond3A_314 : i32
          scf.if %cond3A_315 {
          } else {
          }
          %and3A_316 = arith.constant false
          %and3A_317 = arith.andi %or3A_312, %and3A_316 : i1
          %ne3A_318 = arith.cmpi ne, %add3A_196, %add3A_214 : i32
          %or3A_319 = arith.constant false
          %or3A_320 = arith.ori %or3A_319, %ne3A_318 : i1
          %or3A_321 = arith.constant false
          %or3A_322 = arith.ori %or3A_320, %or3A_321 : i1
          %or3A_323 = arith.ori %or3A_322, %eq3A_195 : i1
          %convert_element_type3A_324 = arith.extui %or3A_323 : i1 to i32
          %cond3A_325 = arith.constant 0 : i32
          %cond3A_326 = arith.cmpi ne, %convert_element_type3A_324, %cond3A_325 : i32
          scf.if %cond3A_326 {
            "tpu.trace_start"() <{level = 10 : i32, message = "ep_copy_out"}> : () -> ()
            %rem3A_391 = arith.constant 2 : i32
            %rem3A_392 = arith.remui %while3A_186, %rem3A_391 : i32
            %mul3A_393 = arith.constant 128 : i32
            %mul3A_394 = arith.muli %mul3A_393, %add3A_196 : i32
            %dma_start3A_395 = arith.constant 0 : i32
            %dma_start3A_396 = arith.constant 0 : i32
            %dma_start3A_397 = tpu.memref_slice %run_scoped3A_28[%rem3A_392, %dma_start3A_395, %dma_start3A_396] : memref<2x128x32xf32, #tpu.memory_space<vmem>> -> memref<1x128x32xf32, #tpu.memory_space<vmem>>
            %dma_start3A_398 = tpu.memref_squeeze %dma_start3A_397 : memref<1x128x32xf32, #tpu.memory_space<vmem>> -> memref<128x32xf32, #tpu.memory_space<vmem>>
            %dma_start3A_399 = arith.constant 0 : i32
            %dma_start3A_400 = tpu.memref_slice %arg5[%mul3A_394, %dma_start3A_399] : memref<320000x32xf32, #tpu.memory_space<hbm>> -> memref<128x32xf32, #tpu.memory_space<hbm>>
            %dma_start3A_401 = tpu.memref_slice %run_scoped3A_29[%rem3A_392] : memref<2x!tpu.dma_semaphore, #tpu.memory_space<semaphore_mem>> -> memref<1x!tpu.dma_semaphore, #tpu.memory_space<semaphore_mem>>
            %dma_start3A_402 = tpu.memref_squeeze %dma_start3A_401 : memref<1x!tpu.dma_semaphore, #tpu.memory_space<semaphore_mem>> -> memref<!tpu.dma_semaphore, #tpu.memory_space<semaphore_mem>>
            %dma_start3A_403 = arith.constant 0 : i32
            %dma_start3A_404 = tpu.memref_slice %arg5[%mul3A_394, %dma_start3A_403] : memref<320000x32xf32, #tpu.memory_space<hbm>> -> memref<128x32xf32, #tpu.memory_space<hbm>>
            %dma_start3A_405 = arith.constant 0 : i32
            %dma_start3A_406 = arith.constant 0 : i32
            %dma_start3A_407 = tpu.memref_slice %run_scoped3A_28[%rem3A_392, %dma_start3A_405, %dma_start3A_406] : memref<2x128x32xf32, #tpu.memory_space<vmem>> -> memref<1x128x32xf32, #tpu.memory_space<vmem>>
            %dma_start3A_408 = tpu.memref_squeeze %dma_start3A_407 : memref<1x128x32xf32, #tpu.memory_space<vmem>> -> memref<128x32xf32, #tpu.memory_space<vmem>>
            tpu.enqueue_dma source(%dma_start3A_408 : memref<128x32xf32, #tpu.memory_space<vmem>>) target(%dma_start3A_404 : memref<128x32xf32, #tpu.memory_space<hbm>>) target_semaphore(%dma_start3A_402 : memref<!tpu.dma_semaphore, #tpu.memory_space<semaphore_mem>>)
            "tpu.trace_stop"() : () -> ()
          } else {
          }
          %and3A_327 = arith.constant true
          %and3A_328 = arith.andi %or3A_323, %and3A_327 : i1
          %add3A_329 = arith.constant 1 : i32
          %add3A_330 = arith.addi %while3A_186, %add3A_329 : i32
          %select_n3A_331 = arith.select %and3A_328, %add3A_330, %while3A_186 : i32
          %ne3A_332 = arith.cmpi ne, %add3A_196, %add3A_206 : i32
          %or3A_333 = arith.constant false
          %or3A_334 = arith.ori %or3A_333, %ne3A_332 : i1
          %not3A_335 = arith.constant true
          %not3A_336 = arith.xori %eq3A_192, %not3A_335 : i1
          %and3A_337 = arith.andi %or3A_334, %not3A_336 : i1
          %convert_element_type3A_338 = arith.extui %and3A_337 : i1 to i32
          %cond3A_339 = arith.constant 0 : i32
          %cond3A_340 = arith.cmpi ne, %convert_element_type3A_338, %cond3A_339 : i32
          scf.if %cond3A_340 {
          } else {
          }
          %and3A_341 = arith.constant false
          %and3A_342 = arith.andi %and3A_337, %and3A_341 : i1
          %ne3A_343 = arith.cmpi ne, %add3A_196, %add3A_206 : i32
          %or3A_344 = arith.constant false
          %or3A_345 = arith.ori %or3A_344, %ne3A_343 : i1
          %not3A_346 = arith.constant true
          %not3A_347 = arith.xori %eq3A_192, %not3A_346 : i1
          %and3A_348 = arith.andi %or3A_345, %not3A_347 : i1
          %convert_element_type3A_349 = arith.extui %and3A_348 : i1 to i32
          %cond3A_350 = arith.constant 0 : i32
          %cond3A_351 = arith.cmpi ne, %convert_element_type3A_349, %cond3A_350 : i32
          scf.if %cond3A_351 {
          } else {
          }
          %and3A_352 = arith.constant false
          %and3A_353 = arith.andi %and3A_348, %and3A_352 : i1
          %ne3A_354 = arith.cmpi ne, %add3A_196, %add3A_206 : i32
          %or3A_355 = arith.constant false
          %or3A_356 = arith.ori %or3A_355, %ne3A_354 : i1
          %or3A_357 = arith.constant false
          %or3A_358 = arith.ori %or3A_356, %or3A_357 : i1
          %not3A_359 = arith.constant true
          %not3A_360 = arith.xori %eq3A_192, %not3A_359 : i1
          %and3A_361 = arith.andi %or3A_358, %not3A_360 : i1
          %convert_element_type3A_362 = arith.extui %and3A_361 : i1 to i32
          %cond3A_363 = arith.constant 0 : i32
          %cond3A_364 = arith.cmpi ne, %convert_element_type3A_362, %cond3A_363 : i32
          scf.if %cond3A_364 {
            "tpu.trace_start"() <{level = 10 : i32, message = "ep_wait_out"}> : () -> ()
            %rem3A_391 = arith.constant 2 : i32
            %rem3A_392 = arith.remui %while3A_187, %rem3A_391 : i32
            %mul3A_393 = arith.constant 128 : i32
            %mul3A_394 = arith.muli %mul3A_393, %add3A_206 : i32
            %dma_wait3A = arith.constant 0 : i32
            %dma_wait3A_395 = arith.constant 0 : i32
            %dma_wait3A_396 = tpu.memref_slice %run_scoped3A_28[%rem3A_392, %dma_wait3A, %dma_wait3A_395] : memref<2x128x32xf32, #tpu.memory_space<vmem>> -> memref<1x128x32xf32, #tpu.memory_space<vmem>>
            %dma_wait3A_397 = tpu.memref_squeeze %dma_wait3A_396 : memref<1x128x32xf32, #tpu.memory_space<vmem>> -> memref<128x32xf32, #tpu.memory_space<vmem>>
            %dma_wait3A_398 = arith.constant 0 : i32
            %dma_wait3A_399 = tpu.memref_slice %arg5[%mul3A_394, %dma_wait3A_398] : memref<320000x32xf32, #tpu.memory_space<hbm>> -> memref<128x32xf32, #tpu.memory_space<hbm>>
            %dma_wait3A_400 = tpu.memref_slice %run_scoped3A_29[%rem3A_392] : memref<2x!tpu.dma_semaphore, #tpu.memory_space<semaphore_mem>> -> memref<1x!tpu.dma_semaphore, #tpu.memory_space<semaphore_mem>>
            %dma_wait3A_401 = tpu.memref_squeeze %dma_wait3A_400 : memref<1x!tpu.dma_semaphore, #tpu.memory_space<semaphore_mem>> -> memref<!tpu.dma_semaphore, #tpu.memory_space<semaphore_mem>>
            %dma_wait3A_402 = arith.constant 0 : i32
            %dma_wait3A_403 = tpu.memref_slice %arg5[%mul3A_394, %dma_wait3A_402] : memref<320000x32xf32, #tpu.memory_space<hbm>> -> memref<128x32xf32, #tpu.memory_space<hbm>>
            %dma_wait3A_404 = arith.constant 0 : i32
            %dma_wait3A_405 = arith.constant 0 : i32
            %dma_wait3A_406 = tpu.memref_slice %run_scoped3A_28[%rem3A_392, %dma_wait3A_404, %dma_wait3A_405] : memref<2x128x32xf32, #tpu.memory_space<vmem>> -> memref<1x128x32xf32, #tpu.memory_space<vmem>>
            %dma_wait3A_407 = tpu.memref_squeeze %dma_wait3A_406 : memref<1x128x32xf32, #tpu.memory_space<vmem>> -> memref<128x32xf32, #tpu.memory_space<vmem>>
            tpu.wait_dma2 semaphore(%dma_wait3A_401 : memref<!tpu.dma_semaphore, #tpu.memory_space<semaphore_mem>>) src(%dma_wait3A_407 : memref<128x32xf32, #tpu.memory_space<vmem>>) dst(%dma_wait3A_403 : memref<128x32xf32, #tpu.memory_space<hbm>>)
            "tpu.trace_stop"() : () -> ()
          } else {
          }
          %and3A_365 = arith.constant true
          %and3A_366 = arith.andi %and3A_361, %and3A_365 : i1
          %add3A_367 = arith.constant 1 : i32
          %add3A_368 = arith.addi %while3A_187, %add3A_367 : i32
          %select_n3A_369 = arith.select %and3A_366, %add3A_368, %while3A_187 : i32
          %ne3A_370 = arith.cmpi ne, %add3A_196, %add3A_214 : i32
          %or3A_371 = arith.constant false
          %or3A_372 = arith.ori %or3A_371, %ne3A_370 : i1
          %or3A_373 = arith.ori %or3A_372, %eq3A_195 : i1
          %add3A_374 = arith.constant 1 : i32
          %add3A_375 = arith.addi %while3A_183, %add3A_374 : i32
          %select_n3A_376 = arith.select %or3A_373, %add3A_375, %while3A_183 : i32
          %ne3A_377 = arith.cmpi ne, %add3A_196, %add3A_214 : i32
          %or3A_378 = arith.constant false
          %or3A_379 = arith.ori %or3A_378, %ne3A_377 : i1
          %or3A_380 = arith.ori %or3A_379, %eq3A_195 : i1
          %add3A_381 = arith.constant 1 : i32
          %add3A_382 = arith.addi %while3A_185, %add3A_381 : i32
          %select_n3A_383 = arith.select %or3A_380, %add3A_382, %while3A_185 : i32
          %add3A_384 = arith.constant 1 : i32
          %add3A_385 = arith.addi %while3A_188, %add3A_384 : i32
          %select_n3A_386 = arith.constant true
          %select_n3A_387 = arith.select %select_n3A_386, %add3A_385, %while3A_188 : i32
          %eq3A_388 = arith.cmpi eq, %select_n3A_387, %select_n3A : i32
          %select_n3A_389 = arith.constant 0 : i32
          %select_n3A_390 = arith.select %eq3A_388, %select_n3A_389, %select_n3A_387 : i32
          scf.yield %select_n3A_236, %select_n3A_376, %select_n3A_255, %select_n3A_383, %select_n3A_331, %select_n3A_369, %select_n3A_390 : i32, i32, i32, i32, i32, i32, i32
        }
        %while3A_125 = arith.constant 1 : i32
        %while3A_126:7 = scf.for %while3A_181 = %while3A_122 to %while3A_118 step %while3A_125 iter_args(%while3A_182 = %while3A_124#0, %while3A_183 = %while3A_124#1, %while3A_184 = %while3A_124#2, %while3A_185 = %while3A_124#3, %while3A_186 = %while3A_124#4, %while3A_187 = %while3A_124#5, %while3A_188 = %while3A_124#6) -> (i32, i32, i32, i32, i32, i32, i32)  : i32 {
          %mul3A_189 = arith.constant 1 : i32
          %mul3A_190 = arith.muli %mul3A_189, %select_n3A : i32
          %eq3A_191 = arith.constant 0 : i32
          %eq3A_192 = arith.cmpi eq, %while3A_181, %eq3A_191 : i32
          %sub3A_193 = arith.constant 1 : i32
          %sub3A_194 = arith.subi %mul3A_190, %sub3A_193 : i32
          %eq3A_195 = arith.cmpi eq, %while3A_181, %sub3A_194 : i32
          %add3A_196 = arith.addi %while3A_188, %select_n3A_22 : i32
          %sub3A_197 = arith.constant 1 : i32
          %sub3A_198 = arith.subi %while3A_188, %sub3A_197 : i32
          %select_n3A_199 = arith.constant true
          %select_n3A_200 = arith.select %select_n3A_199, %sub3A_198, %while3A_188 : i32
          %eq3A_201 = arith.constant -1 : i32
          %eq3A_202 = arith.cmpi eq, %select_n3A_200, %eq3A_201 : i32
          %sub3A_203 = arith.constant 1 : i32
          %sub3A_204 = arith.subi %select_n3A, %sub3A_203 : i32
          %select_n3A_205 = arith.select %eq3A_202, %sub3A_204, %select_n3A_200 : i32
          %add3A_206 = arith.addi %select_n3A_205, %select_n3A_22 : i32
          %add3A_207 = arith.constant 1 : i32
          %add3A_208 = arith.addi %while3A_188, %add3A_207 : i32
          %select_n3A_209 = arith.constant true
          %select_n3A_210 = arith.select %select_n3A_209, %add3A_208, %while3A_188 : i32
          %eq3A_211 = arith.cmpi eq, %select_n3A_210, %select_n3A : i32
          %select_n3A_212 = arith.constant 0 : i32
          %select_n3A_213 = arith.select %eq3A_211, %select_n3A_212, %select_n3A_210 : i32
          %add3A_214 = arith.addi %select_n3A_213, %select_n3A_22 : i32
          %add3A_215 = arith.constant 1 : i32
          %add3A_216 = arith.addi %select_n3A_213, %add3A_215 : i32
          %select_n3A_217 = arith.constant true
          %select_n3A_218 = arith.select %select_n3A_217, %add3A_216, %select_n3A_213 : i32
          %eq3A_219 = arith.cmpi eq, %select_n3A_218, %select_n3A : i32
          %select_n3A_220 = arith.constant 0 : i32
          %select_n3A_221 = arith.select %eq3A_219, %select_n3A_220, %select_n3A_218 : i32
          %add3A_222 = arith.addi %select_n3A_221, %select_n3A_22 : i32
          %ne3A = arith.cmpi ne, %add3A_196, %add3A_214 : i32
          %or3A = arith.constant false
          %or3A_223 = arith.ori %or3A, %ne3A : i1
          %sub3A_224 = arith.constant 2 : i32
          %sub3A_225 = arith.subi %mul3A_190, %sub3A_224 : i32
          %add3A_226 = arith.constant 1 : i32
          %add3A_227 = arith.addi %sub3A_225, %add3A_226 : i32
          %ge3A = arith.cmpi sge, %while3A_181, %add3A_227 : i32
          %not3A = arith.constant true
          %not3A_228 = arith.xori %ge3A, %not3A : i1
          %and3A = arith.andi %or3A_223, %not3A_228 : i1
          %convert_element_type3A_229 = arith.extui %and3A : i1 to i32
          %cond3A_230 = arith.constant 0 : i32
          %cond3A_231 = arith.cmpi ne, %convert_element_type3A_229, %cond3A_230 : i32
          scf.if %cond3A_231 {
            "tpu.trace_start"() <{level = 10 : i32, message = "ep_copy_in"}> : () -> ()
            %rem3A_391 = arith.constant 2 : i32
            %rem3A_392 = arith.remui %while3A_182, %rem3A_391 : i32
            %mul3A_393 = arith.constant 128 : i32
            %mul3A_394 = arith.muli %mul3A_393, %add3A_214 : i32
            %dma_start3A_395 = arith.constant 0 : i32
            %dma_start3A_396 = arith.constant 0 : i32
            %dma_start3A_397 = tpu.memref_slice %run_scoped3A[%rem3A_392, %dma_start3A_395, %dma_start3A_396] : memref<2x1x128xi32, #tpu.memory_space<vmem>> -> memref<1x1x128xi32, #tpu.memory_space<vmem>>
            %dma_start3A_398 = tpu.memref_squeeze %dma_start3A_397 : memref<1x1x128xi32, #tpu.memory_space<vmem>> -> memref<1x128xi32, #tpu.memory_space<vmem>>
            %dma_start3A_399 = arith.constant 0 : i32
            %dma_start3A_400 = tpu.memref_slice %arg4[%dma_start3A_399, %mul3A_394] : memref<2x320000xi32, #tpu.memory_space<hbm>> -> memref<1x128xi32, #tpu.memory_space<hbm>>
            %dma_start3A_401 = tpu.memref_slice %run_scoped3A_25[%rem3A_392] : memref<2x!tpu.dma_semaphore, #tpu.memory_space<semaphore_mem>> -> memref<1x!tpu.dma_semaphore, #tpu.memory_space<semaphore_mem>>
            %dma_start3A_402 = tpu.memref_squeeze %dma_start3A_401 : memref<1x!tpu.dma_semaphore, #tpu.memory_space<semaphore_mem>> -> memref<!tpu.dma_semaphore, #tpu.memory_space<semaphore_mem>>
            %dma_start3A_403 = arith.constant 0 : i32
            %dma_start3A_404 = arith.constant 0 : i32
            %dma_start3A_405 = tpu.memref_slice %run_scoped3A[%rem3A_392, %dma_start3A_403, %dma_start3A_404] : memref<2x1x128xi32, #tpu.memory_space<vmem>> -> memref<1x1x128xi32, #tpu.memory_space<vmem>>
            %dma_start3A_406 = tpu.memref_squeeze %dma_start3A_405 : memref<1x1x128xi32, #tpu.memory_space<vmem>> -> memref<1x128xi32, #tpu.memory_space<vmem>>
            %dma_start3A_407 = arith.constant 0 : i32
            %dma_start3A_408 = tpu.memref_slice %arg4[%dma_start3A_407, %mul3A_394] : memref<2x320000xi32, #tpu.memory_space<hbm>> -> memref<1x128xi32, #tpu.memory_space<hbm>>
            tpu.enqueue_dma source(%dma_start3A_408 : memref<1x128xi32, #tpu.memory_space<hbm>>) target(%dma_start3A_406 : memref<1x128xi32, #tpu.memory_space<vmem>>) target_semaphore(%dma_start3A_402 : memref<!tpu.dma_semaphore, #tpu.memory_space<semaphore_mem>>)
            "tpu.trace_stop"() : () -> ()
          } else {
          }
          %and3A_232 = arith.constant true
          %and3A_233 = arith.andi %and3A, %and3A_232 : i1
          %add3A_234 = arith.constant 1 : i32
          %add3A_235 = arith.addi %while3A_182, %add3A_234 : i32
          %select_n3A_236 = arith.select %and3A_233, %add3A_235, %while3A_182 : i32
          %ne3A_237 = arith.cmpi ne, %add3A_196, %add3A_214 : i32
          %or3A_238 = arith.constant false
          %or3A_239 = arith.ori %or3A_238, %ne3A_237 : i1
          %sub3A_240 = arith.constant 2 : i32
          %sub3A_241 = arith.subi %mul3A_190, %sub3A_240 : i32
          %add3A_242 = arith.constant 1 : i32
          %add3A_243 = arith.addi %sub3A_241, %add3A_242 : i32
          %ge3A_244 = arith.cmpi sge, %while3A_181, %add3A_243 : i32
          %not3A_245 = arith.constant true
          %not3A_246 = arith.xori %ge3A_244, %not3A_245 : i1
          %and3A_247 = arith.andi %or3A_239, %not3A_246 : i1
          %convert_element_type3A_248 = arith.extui %and3A_247 : i1 to i32
          %cond3A_249 = arith.constant 0 : i32
          %cond3A_250 = arith.cmpi ne, %convert_element_type3A_248, %cond3A_249 : i32
          scf.if %cond3A_250 {
            "tpu.trace_start"() <{level = 10 : i32, message = "ep_copy_in"}> : () -> ()
            %rem3A_391 = arith.constant 2 : i32
            %rem3A_392 = arith.remui %while3A_184, %rem3A_391 : i32
            %mul3A_393 = arith.constant 128 : i32
            %mul3A_394 = arith.muli %mul3A_393, %add3A_214 : i32
            %dma_start3A_395 = arith.constant 0 : i32
            %dma_start3A_396 = arith.constant 0 : i32
            %dma_start3A_397 = tpu.memref_slice %run_scoped3A_26[%rem3A_392, %dma_start3A_395, %dma_start3A_396] : memref<2x1x128xi32, #tpu.memory_space<vmem>> -> memref<1x1x128xi32, #tpu.memory_space<vmem>>
            %dma_start3A_398 = tpu.memref_squeeze %dma_start3A_397 : memref<1x1x128xi32, #tpu.memory_space<vmem>> -> memref<1x128xi32, #tpu.memory_space<vmem>>
            %dma_start3A_399 = arith.constant 1 : i32
            %dma_start3A_400 = tpu.memref_slice %arg4[%dma_start3A_399, %mul3A_394] : memref<2x320000xi32, #tpu.memory_space<hbm>> -> memref<1x128xi32, #tpu.memory_space<hbm>>
            %dma_start3A_401 = tpu.memref_slice %run_scoped3A_27[%rem3A_392] : memref<2x!tpu.dma_semaphore, #tpu.memory_space<semaphore_mem>> -> memref<1x!tpu.dma_semaphore, #tpu.memory_space<semaphore_mem>>
            %dma_start3A_402 = tpu.memref_squeeze %dma_start3A_401 : memref<1x!tpu.dma_semaphore, #tpu.memory_space<semaphore_mem>> -> memref<!tpu.dma_semaphore, #tpu.memory_space<semaphore_mem>>
            %dma_start3A_403 = arith.constant 0 : i32
            %dma_start3A_404 = arith.constant 0 : i32
            %dma_start3A_405 = tpu.memref_slice %run_scoped3A_26[%rem3A_392, %dma_start3A_403, %dma_start3A_404] : memref<2x1x128xi32, #tpu.memory_space<vmem>> -> memref<1x1x128xi32, #tpu.memory_space<vmem>>
            %dma_start3A_406 = tpu.memref_squeeze %dma_start3A_405 : memref<1x1x128xi32, #tpu.memory_space<vmem>> -> memref<1x128xi32, #tpu.memory_space<vmem>>
            %dma_start3A_407 = arith.constant 1 : i32
            %dma_start3A_408 = tpu.memref_slice %arg4[%dma_start3A_407, %mul3A_394] : memref<2x320000xi32, #tpu.memory_space<hbm>> -> memref<1x128xi32, #tpu.memory_space<hbm>>
            tpu.enqueue_dma source(%dma_start3A_408 : memref<1x128xi32, #tpu.memory_space<hbm>>) target(%dma_start3A_406 : memref<1x128xi32, #tpu.memory_space<vmem>>) target_semaphore(%dma_start3A_402 : memref<!tpu.dma_semaphore, #tpu.memory_space<semaphore_mem>>)
            "tpu.trace_stop"() : () -> ()
          } else {
          }
          %and3A_251 = arith.constant true
          %and3A_252 = arith.andi %and3A_247, %and3A_251 : i1
          %add3A_253 = arith.constant 1 : i32
          %add3A_254 = arith.addi %while3A_184, %add3A_253 : i32
          %select_n3A_255 = arith.select %and3A_252, %add3A_254, %while3A_184 : i32
          %ne3A_256 = arith.cmpi ne, %add3A_196, %add3A_214 : i32
          %or3A_257 = arith.constant false
          %or3A_258 = arith.ori %or3A_257, %ne3A_256 : i1
          %or3A_259 = arith.constant false
          %or3A_260 = arith.ori %or3A_258, %or3A_259 : i1
          %sub3A_261 = arith.constant 2 : i32
          %sub3A_262 = arith.subi %mul3A_190, %sub3A_261 : i32
          %add3A_263 = arith.constant 1 : i32
          %add3A_264 = arith.addi %sub3A_262, %add3A_263 : i32
          %ge3A_265 = arith.cmpi sge, %while3A_181, %add3A_264 : i32
          %not3A_266 = arith.constant true
          %not3A_267 = arith.xori %ge3A_265, %not3A_266 : i1
          %and3A_268 = arith.andi %or3A_260, %not3A_267 : i1
          %ne3A_269 = arith.cmpi ne, %add3A_196, %add3A_206 : i32
          %or3A_270 = arith.constant false
          %or3A_271 = arith.ori %or3A_270, %ne3A_269 : i1
          %or3A_272 = arith.ori %or3A_271, %eq3A_192 : i1
          %convert_element_type3A_273 = arith.extui %or3A_272 : i1 to i32
          %cond3A_274 = arith.constant 0 : i32
          %cond3A_275 = arith.cmpi ne, %convert_element_type3A_273, %cond3A_274 : i32
          scf.if %cond3A_275 {
            "tpu.trace_start"() <{level = 10 : i32, message = "ep_wait_in"}> : () -> ()
            %mul3A_391 = arith.constant 128 : i32
            %mul3A_392 = arith.muli %mul3A_391, %add3A_196 : i32
            %rem3A_393 = arith.constant 2 : i32
            %rem3A_394 = arith.remui %while3A_183, %rem3A_393 : i32
            %dma_wait3A = arith.constant 0 : i32
            %dma_wait3A_395 = arith.constant 0 : i32
            %dma_wait3A_396 = tpu.memref_slice %run_scoped3A[%rem3A_394, %dma_wait3A, %dma_wait3A_395] : memref<2x1x128xi32, #tpu.memory_space<vmem>> -> memref<1x1x128xi32, #tpu.memory_space<vmem>>
            %dma_wait3A_397 = tpu.memref_squeeze %dma_wait3A_396 : memref<1x1x128xi32, #tpu.memory_space<vmem>> -> memref<1x128xi32, #tpu.memory_space<vmem>>
            %dma_wait3A_398 = arith.constant 0 : i32
            %dma_wait3A_399 = tpu.memref_slice %arg4[%dma_wait3A_398, %mul3A_392] : memref<2x320000xi32, #tpu.memory_space<hbm>> -> memref<1x128xi32, #tpu.memory_space<hbm>>
            %dma_wait3A_400 = tpu.memref_slice %run_scoped3A_25[%rem3A_394] : memref<2x!tpu.dma_semaphore, #tpu.memory_space<semaphore_mem>> -> memref<1x!tpu.dma_semaphore, #tpu.memory_space<semaphore_mem>>
            %dma_wait3A_401 = tpu.memref_squeeze %dma_wait3A_400 : memref<1x!tpu.dma_semaphore, #tpu.memory_space<semaphore_mem>> -> memref<!tpu.dma_semaphore, #tpu.memory_space<semaphore_mem>>
            %dma_wait3A_402 = arith.constant 0 : i32
            %dma_wait3A_403 = arith.constant 0 : i32
            %dma_wait3A_404 = tpu.memref_slice %run_scoped3A[%rem3A_394, %dma_wait3A_402, %dma_wait3A_403] : memref<2x1x128xi32, #tpu.memory_space<vmem>> -> memref<1x1x128xi32, #tpu.memory_space<vmem>>
            %dma_wait3A_405 = tpu.memref_squeeze %dma_wait3A_404 : memref<1x1x128xi32, #tpu.memory_space<vmem>> -> memref<1x128xi32, #tpu.memory_space<vmem>>
            %dma_wait3A_406 = arith.constant 0 : i32
            %dma_wait3A_407 = tpu.memref_slice %arg4[%dma_wait3A_406, %mul3A_392] : memref<2x320000xi32, #tpu.memory_space<hbm>> -> memref<1x128xi32, #tpu.memory_space<hbm>>
            tpu.wait_dma2 semaphore(%dma_wait3A_401 : memref<!tpu.dma_semaphore, #tpu.memory_space<semaphore_mem>>) src(%dma_wait3A_407 : memref<1x128xi32, #tpu.memory_space<hbm>>) dst(%dma_wait3A_405 : memref<1x128xi32, #tpu.memory_space<vmem>>)
            "tpu.trace_stop"() : () -> ()
          } else {
          }
          %ne3A_276 = arith.cmpi ne, %add3A_196, %add3A_206 : i32
          %or3A_277 = arith.constant false
          %or3A_278 = arith.ori %or3A_277, %ne3A_276 : i1
          %or3A_279 = arith.ori %or3A_278, %eq3A_192 : i1
          %convert_element_type3A_280 = arith.extui %or3A_279 : i1 to i32
          %cond3A_281 = arith.constant 0 : i32
          %cond3A_282 = arith.cmpi ne, %convert_element_type3A_280, %cond3A_281 : i32
          scf.if %cond3A_282 {
            "tpu.trace_start"() <{level = 10 : i32, message = "ep_wait_in"}> : () -> ()
            %mul3A_391 = arith.constant 128 : i32
            %mul3A_392 = arith.muli %mul3A_391, %add3A_196 : i32
            %rem3A_393 = arith.constant 2 : i32
            %rem3A_394 = arith.remui %while3A_185, %rem3A_393 : i32
            %dma_wait3A = arith.constant 0 : i32
            %dma_wait3A_395 = arith.constant 0 : i32
            %dma_wait3A_396 = tpu.memref_slice %run_scoped3A_26[%rem3A_394, %dma_wait3A, %dma_wait3A_395] : memref<2x1x128xi32, #tpu.memory_space<vmem>> -> memref<1x1x128xi32, #tpu.memory_space<vmem>>
            %dma_wait3A_397 = tpu.memref_squeeze %dma_wait3A_396 : memref<1x1x128xi32, #tpu.memory_space<vmem>> -> memref<1x128xi32, #tpu.memory_space<vmem>>
            %dma_wait3A_398 = arith.constant 1 : i32
            %dma_wait3A_399 = tpu.memref_slice %arg4[%dma_wait3A_398, %mul3A_392] : memref<2x320000xi32, #tpu.memory_space<hbm>> -> memref<1x128xi32, #tpu.memory_space<hbm>>
            %dma_wait3A_400 = tpu.memref_slice %run_scoped3A_27[%rem3A_394] : memref<2x!tpu.dma_semaphore, #tpu.memory_space<semaphore_mem>> -> memref<1x!tpu.dma_semaphore, #tpu.memory_space<semaphore_mem>>
            %dma_wait3A_401 = tpu.memref_squeeze %dma_wait3A_400 : memref<1x!tpu.dma_semaphore, #tpu.memory_space<semaphore_mem>> -> memref<!tpu.dma_semaphore, #tpu.memory_space<semaphore_mem>>
            %dma_wait3A_402 = arith.constant 0 : i32
            %dma_wait3A_403 = arith.constant 0 : i32
            %dma_wait3A_404 = tpu.memref_slice %run_scoped3A_26[%rem3A_394, %dma_wait3A_402, %dma_wait3A_403] : memref<2x1x128xi32, #tpu.memory_space<vmem>> -> memref<1x1x128xi32, #tpu.memory_space<vmem>>
            %dma_wait3A_405 = tpu.memref_squeeze %dma_wait3A_404 : memref<1x1x128xi32, #tpu.memory_space<vmem>> -> memref<1x128xi32, #tpu.memory_space<vmem>>
            %dma_wait3A_406 = arith.constant 1 : i32
            %dma_wait3A_407 = tpu.memref_slice %arg4[%dma_wait3A_406, %mul3A_392] : memref<2x320000xi32, #tpu.memory_space<hbm>> -> memref<1x128xi32, #tpu.memory_space<hbm>>
            tpu.wait_dma2 semaphore(%dma_wait3A_401 : memref<!tpu.dma_semaphore, #tpu.memory_space<semaphore_mem>>) src(%dma_wait3A_407 : memref<1x128xi32, #tpu.memory_space<hbm>>) dst(%dma_wait3A_405 : memref<1x128xi32, #tpu.memory_space<vmem>>)
            "tpu.trace_stop"() : () -> ()
          } else {
          }
          %ne3A_283 = arith.cmpi ne, %add3A_196, %add3A_206 : i32
          %or3A_284 = arith.constant false
          %or3A_285 = arith.ori %or3A_284, %ne3A_283 : i1
          %or3A_286 = arith.constant false
          %or3A_287 = arith.ori %or3A_285, %or3A_286 : i1
          %or3A_288 = arith.ori %or3A_287, %eq3A_192 : i1
          %convert_element_type3A_289 = arith.extui %or3A_288 : i1 to i32
          %cond3A_290 = arith.constant 0 : i32
          %cond3A_291 = arith.cmpi ne, %convert_element_type3A_289, %cond3A_290 : i32
          scf.if %cond3A_291 {
          } else {
          }
          %rem3A_292 = arith.constant 2 : i32
          %rem3A_293 = arith.remui %while3A_183, %rem3A_292 : i32
          %rem3A_294 = arith.constant 2 : i32
          %rem3A_295 = arith.remui %while3A_185, %rem3A_294 : i32
          %rem3A_296 = arith.constant 2 : i32
          %rem3A_297 = arith.remui %while3A_186, %rem3A_296 : i32
          %run_scoped3A_298 = arith.constant 0 : i32
          "tpu.trace_start"() <{level = 10 : i32, message = "ep_run_kernel"}> : () -> ()
          "tpu.region"() ({
            %run_scoped3A_391 = tpu.sem_alloc : memref<!tpu.dma_semaphore, #tpu.memory_space<semaphore_mem>>
            %dma_start3A_392 = arith.constant 0 : i32
            %dma_start3A_393 = arith.constant 0 : i32
            %dma_start3A_394 = tpu.memref_slice %run_scoped3A_28[%rem3A_297, %dma_start3A_392, %dma_start3A_393] : memref<2x128x32xf32, #tpu.memory_space<vmem>> -> memref<1x128x32xf32, #tpu.memory_space<vmem>>
            %dma_start3A_395 = tpu.memref_squeeze %dma_start3A_394 : memref<1x128x32xf32, #tpu.memory_space<vmem>> -> memref<128x32xf32, #tpu.memory_space<vmem>>
            %dma_start3A_396 = arith.constant 0 : i32
            %dma_start3A_397 = arith.constant 0 : i32
            %dma_start3A_398 = tpu.memref_slice %run_scoped3A_26[%rem3A_295, %dma_start3A_396, %dma_start3A_397] : memref<2x1x128xi32, #tpu.memory_space<vmem>> -> memref<1x1x128xi32, #tpu.memory_space<vmem>>
            %dma_start3A_399 = tpu.memref_squeeze %dma_start3A_398 : memref<1x1x128xi32, #tpu.memory_space<vmem>> -> memref<1x128xi32, #tpu.memory_space<vmem>>
            %dma_start3A_400 = arith.constant 0 : i32
            %dma_start3A_401 = tpu.memref_slice %dma_start3A_399[%run_scoped3A_298, %dma_start3A_400] : memref<1x128xi32, #tpu.memory_space<vmem>> -> memref<1x128xi32, #tpu.memory_space<vmem>>
            %dma_start3A_402 = tpu.memref_squeeze %dma_start3A_401 : memref<1x128xi32, #tpu.memory_space<vmem>> -> memref<128xi32, #tpu.memory_space<vmem>>
            %dma_start3A_403 = arith.constant 0 : i32
            %dma_start3A_404 = arith.constant 0 : i32
            %dma_start3A_405 = tpu.memref_slice %arg6[%dma_start3A_403, %dma_start3A_404] : memref<10000x32xf32, #tpu.memory_space<vmem_shared>> -> memref<10000x32xf32, #tpu.memory_space<vmem_shared>>
            tpu.enqueue_indirect_dma source(%dma_start3A_405 : memref<10000x32xf32, #tpu.memory_space<vmem_shared>>) target(%dma_start3A_395 : memref<128x32xf32, #tpu.memory_space<vmem>>) offsets(%dma_start3A_402 : memref<128xi32, #tpu.memory_space<vmem>>) semaphore(%run_scoped3A_391 : memref<!tpu.dma_semaphore, #tpu.memory_space<semaphore_mem>>)
            %dma_wait3A = arith.constant 0 : i32
            %dma_wait3A_406 = arith.constant 0 : i32
            %dma_wait3A_407 = tpu.memref_slice %run_scoped3A_28[%rem3A_297, %dma_wait3A, %dma_wait3A_406] : memref<2x128x32xf32, #tpu.memory_space<vmem>> -> memref<1x128x32xf32, #tpu.memory_space<vmem>>
            %dma_wait3A_408 = tpu.memref_squeeze %dma_wait3A_407 : memref<1x128x32xf32, #tpu.memory_space<vmem>> -> memref<128x32xf32, #tpu.memory_space<vmem>>
            %dma_wait3A_409 = arith.constant 0 : i32
            %dma_wait3A_410 = arith.constant 0 : i32
            %dma_wait3A_411 = tpu.memref_slice %run_scoped3A_26[%rem3A_295, %dma_wait3A_409, %dma_wait3A_410] : memref<2x1x128xi32, #tpu.memory_space<vmem>> -> memref<1x1x128xi32, #tpu.memory_space<vmem>>
            %dma_wait3A_412 = tpu.memref_squeeze %dma_wait3A_411 : memref<1x1x128xi32, #tpu.memory_space<vmem>> -> memref<1x128xi32, #tpu.memory_space<vmem>>
            %dma_wait3A_413 = arith.constant 0 : i32
            %dma_wait3A_414 = tpu.memref_slice %dma_wait3A_412[%run_scoped3A_298, %dma_wait3A_413] : memref<1x128xi32, #tpu.memory_space<vmem>> -> memref<1x128xi32, #tpu.memory_space<vmem>>
            %dma_wait3A_415 = tpu.memref_squeeze %dma_wait3A_414 : memref<1x128xi32, #tpu.memory_space<vmem>> -> memref<128xi32, #tpu.memory_space<vmem>>
            %dma_wait3A_416 = arith.constant 0 : i32
            %dma_wait3A_417 = arith.constant 0 : i32
            %dma_wait3A_418 = tpu.memref_slice %arg6[%dma_wait3A_416, %dma_wait3A_417] : memref<10000x32xf32, #tpu.memory_space<vmem_shared>> -> memref<10000x32xf32, #tpu.memory_space<vmem_shared>>
            tpu.wait_indirect_dma semaphore(%run_scoped3A_391 : memref<!tpu.dma_semaphore, #tpu.memory_space<semaphore_mem>>) src(%dma_wait3A_418 : memref<10000x32xf32, #tpu.memory_space<vmem_shared>>) dst(%dma_wait3A_408 : memref<128x32xf32, #tpu.memory_space<vmem>>)
            tpu.yield
          }) : () -> ()
          %run_scoped3A_299 = arith.constant 0 : i32
          "tpu.region"() ({
            %run_scoped3A_391 = tpu.sem_alloc : memref<!tpu.dma_semaphore, #tpu.memory_space<semaphore_mem>>
            %dma_start3A_392 = arith.constant 0 : i32
            %dma_start3A_393 = arith.constant 0 : i32
            %dma_start3A_394 = tpu.memref_slice %run_scoped3A_28[%rem3A_297, %dma_start3A_392, %dma_start3A_393] : memref<2x128x32xf32, #tpu.memory_space<vmem>> -> memref<1x128x32xf32, #tpu.memory_space<vmem>>
            %dma_start3A_395 = tpu.memref_squeeze %dma_start3A_394 : memref<1x128x32xf32, #tpu.memory_space<vmem>> -> memref<128x32xf32, #tpu.memory_space<vmem>>
            %dma_start3A_396 = arith.constant 0 : i32
            %dma_start3A_397 = arith.constant 0 : i32
            %dma_start3A_398 = tpu.memref_slice %run_scoped3A[%rem3A_293, %dma_start3A_396, %dma_start3A_397] : memref<2x1x128xi32, #tpu.memory_space<vmem>> -> memref<1x1x128xi32, #tpu.memory_space<vmem>>
            %dma_start3A_399 = tpu.memref_squeeze %dma_start3A_398 : memref<1x1x128xi32, #tpu.memory_space<vmem>> -> memref<1x128xi32, #tpu.memory_space<vmem>>
            %dma_start3A_400 = arith.constant 0 : i32
            %dma_start3A_401 = tpu.memref_slice %dma_start3A_399[%run_scoped3A_299, %dma_start3A_400] : memref<1x128xi32, #tpu.memory_space<vmem>> -> memref<1x128xi32, #tpu.memory_space<vmem>>
            %dma_start3A_402 = tpu.memref_squeeze %dma_start3A_401 : memref<1x128xi32, #tpu.memory_space<vmem>> -> memref<128xi32, #tpu.memory_space<vmem>>
            %dma_start3A_403 = arith.constant 0 : i32
            %dma_start3A_404 = arith.constant 0 : i32
            %dma_start3A_405 = tpu.memref_slice %arg7[%dma_start3A_403, %dma_start3A_404] : memref<10000x32xf32, #tpu.memory_space<vmem_shared>> -> memref<10000x32xf32, #tpu.memory_space<vmem_shared>>
            tpu.enqueue_indirect_dma source(%dma_start3A_405 : memref<10000x32xf32, #tpu.memory_space<vmem_shared>>) target(%dma_start3A_395 : memref<128x32xf32, #tpu.memory_space<vmem>>) offsets(%dma_start3A_402 : memref<128xi32, #tpu.memory_space<vmem>>) semaphore(%run_scoped3A_391 : memref<!tpu.dma_semaphore, #tpu.memory_space<semaphore_mem>>) {add = true}
            %dma_wait3A = arith.constant 0 : i32
            %dma_wait3A_406 = arith.constant 0 : i32
            %dma_wait3A_407 = tpu.memref_slice %run_scoped3A_28[%rem3A_297, %dma_wait3A, %dma_wait3A_406] : memref<2x128x32xf32, #tpu.memory_space<vmem>> -> memref<1x128x32xf32, #tpu.memory_space<vmem>>
            %dma_wait3A_408 = tpu.memref_squeeze %dma_wait3A_407 : memref<1x128x32xf32, #tpu.memory_space<vmem>> -> memref<128x32xf32, #tpu.memory_space<vmem>>
            %dma_wait3A_409 = arith.constant 0 : i32
            %dma_wait3A_410 = arith.constant 0 : i32
            %dma_wait3A_411 = tpu.memref_slice %run_scoped3A[%rem3A_293, %dma_wait3A_409, %dma_wait3A_410] : memref<2x1x128xi32, #tpu.memory_space<vmem>> -> memref<1x1x128xi32, #tpu.memory_space<vmem>>
            %dma_wait3A_412 = tpu.memref_squeeze %dma_wait3A_411 : memref<1x1x128xi32, #tpu.memory_space<vmem>> -> memref<1x128xi32, #tpu.memory_space<vmem>>
            %dma_wait3A_413 = arith.constant 0 : i32
            %dma_wait3A_414 = tpu.memref_slice %dma_wait3A_412[%run_scoped3A_299, %dma_wait3A_413] : memref<1x128xi32, #tpu.memory_space<vmem>> -> memref<1x128xi32, #tpu.memory_space<vmem>>
            %dma_wait3A_415 = tpu.memref_squeeze %dma_wait3A_414 : memref<1x128xi32, #tpu.memory_space<vmem>> -> memref<128xi32, #tpu.memory_space<vmem>>
            %dma_wait3A_416 = arith.constant 0 : i32
            %dma_wait3A_417 = arith.constant 0 : i32
            %dma_wait3A_418 = tpu.memref_slice %arg7[%dma_wait3A_416, %dma_wait3A_417] : memref<10000x32xf32, #tpu.memory_space<vmem_shared>> -> memref<10000x32xf32, #tpu.memory_space<vmem_shared>>
            tpu.wait_indirect_dma semaphore(%run_scoped3A_391 : memref<!tpu.dma_semaphore, #tpu.memory_space<semaphore_mem>>) src(%dma_wait3A_418 : memref<10000x32xf32, #tpu.memory_space<vmem_shared>>) dst(%dma_wait3A_408 : memref<128x32xf32, #tpu.memory_space<vmem>>)
            tpu.yield
          }) : () -> ()
          "tpu.trace_stop"() : () -> ()
          %ne3A_300 = arith.cmpi ne, %add3A_196, %add3A_214 : i32
          %or3A_301 = arith.constant false
          %or3A_302 = arith.ori %or3A_301, %ne3A_300 : i1
          %or3A_303 = arith.ori %or3A_302, %eq3A_195 : i1
          %convert_element_type3A_304 = arith.extui %or3A_303 : i1 to i32
          %cond3A_305 = arith.constant 0 : i32
          %cond3A_306 = arith.cmpi ne, %convert_element_type3A_304, %cond3A_305 : i32
          scf.if %cond3A_306 {
          } else {
          }
          %and3A_307 = arith.constant false
          %and3A_308 = arith.andi %or3A_303, %and3A_307 : i1
          %ne3A_309 = arith.cmpi ne, %add3A_196, %add3A_214 : i32
          %or3A_310 = arith.constant false
          %or3A_311 = arith.ori %or3A_310, %ne3A_309 : i1
          %or3A_312 = arith.ori %or3A_311, %eq3A_195 : i1
          %convert_element_type3A_313 = arith.extui %or3A_312 : i1 to i32
          %cond3A_314 = arith.constant 0 : i32
          %cond3A_315 = arith.cmpi ne, %convert_element_type3A_313, %cond3A_314 : i32
          scf.if %cond3A_315 {
          } else {
          }
          %and3A_316 = arith.constant false
          %and3A_317 = arith.andi %or3A_312, %and3A_316 : i1
          %ne3A_318 = arith.cmpi ne, %add3A_196, %add3A_214 : i32
          %or3A_319 = arith.constant false
          %or3A_320 = arith.ori %or3A_319, %ne3A_318 : i1
          %or3A_321 = arith.constant false
          %or3A_322 = arith.ori %or3A_320, %or3A_321 : i1
          %or3A_323 = arith.ori %or3A_322, %eq3A_195 : i1
          %convert_element_type3A_324 = arith.extui %or3A_323 : i1 to i32
          %cond3A_325 = arith.constant 0 : i32
          %cond3A_326 = arith.cmpi ne, %convert_element_type3A_324, %cond3A_325 : i32
          scf.if %cond3A_326 {
            "tpu.trace_start"() <{level = 10 : i32, message = "ep_copy_out"}> : () -> ()
            %rem3A_391 = arith.constant 2 : i32
            %rem3A_392 = arith.remui %while3A_186, %rem3A_391 : i32
            %mul3A_393 = arith.constant 128 : i32
            %mul3A_394 = arith.muli %mul3A_393, %add3A_196 : i32
            %dma_start3A_395 = arith.constant 0 : i32
            %dma_start3A_396 = arith.constant 0 : i32
            %dma_start3A_397 = tpu.memref_slice %run_scoped3A_28[%rem3A_392, %dma_start3A_395, %dma_start3A_396] : memref<2x128x32xf32, #tpu.memory_space<vmem>> -> memref<1x128x32xf32, #tpu.memory_space<vmem>>
            %dma_start3A_398 = tpu.memref_squeeze %dma_start3A_397 : memref<1x128x32xf32, #tpu.memory_space<vmem>> -> memref<128x32xf32, #tpu.memory_space<vmem>>
            %dma_start3A_399 = arith.constant 0 : i32
            %dma_start3A_400 = tpu.memref_slice %arg5[%mul3A_394, %dma_start3A_399] : memref<320000x32xf32, #tpu.memory_space<hbm>> -> memref<128x32xf32, #tpu.memory_space<hbm>>
            %dma_start3A_401 = tpu.memref_slice %run_scoped3A_29[%rem3A_392] : memref<2x!tpu.dma_semaphore, #tpu.memory_space<semaphore_mem>> -> memref<1x!tpu.dma_semaphore, #tpu.memory_space<semaphore_mem>>
            %dma_start3A_402 = tpu.memref_squeeze %dma_start3A_401 : memref<1x!tpu.dma_semaphore, #tpu.memory_space<semaphore_mem>> -> memref<!tpu.dma_semaphore, #tpu.memory_space<semaphore_mem>>
            %dma_start3A_403 = arith.constant 0 : i32
            %dma_start3A_404 = tpu.memref_slice %arg5[%mul3A_394, %dma_start3A_403] : memref<320000x32xf32, #tpu.memory_space<hbm>> -> memref<128x32xf32, #tpu.memory_space<hbm>>
            %dma_start3A_405 = arith.constant 0 : i32
            %dma_start3A_406 = arith.constant 0 : i32
            %dma_start3A_407 = tpu.memref_slice %run_scoped3A_28[%rem3A_392, %dma_start3A_405, %dma_start3A_406] : memref<2x128x32xf32, #tpu.memory_space<vmem>> -> memref<1x128x32xf32, #tpu.memory_space<vmem>>
            %dma_start3A_408 = tpu.memref_squeeze %dma_start3A_407 : memref<1x128x32xf32, #tpu.memory_space<vmem>> -> memref<128x32xf32, #tpu.memory_space<vmem>>
            tpu.enqueue_dma source(%dma_start3A_408 : memref<128x32xf32, #tpu.memory_space<vmem>>) target(%dma_start3A_404 : memref<128x32xf32, #tpu.memory_space<hbm>>) target_semaphore(%dma_start3A_402 : memref<!tpu.dma_semaphore, #tpu.memory_space<semaphore_mem>>)
            "tpu.trace_stop"() : () -> ()
          } else {
          }
          %and3A_327 = arith.constant true
          %and3A_328 = arith.andi %or3A_323, %and3A_327 : i1
          %add3A_329 = arith.constant 1 : i32
          %add3A_330 = arith.addi %while3A_186, %add3A_329 : i32
          %select_n3A_331 = arith.select %and3A_328, %add3A_330, %while3A_186 : i32
          %ne3A_332 = arith.cmpi ne, %add3A_196, %add3A_206 : i32
          %or3A_333 = arith.constant false
          %or3A_334 = arith.ori %or3A_333, %ne3A_332 : i1
          %not3A_335 = arith.constant true
          %not3A_336 = arith.xori %eq3A_192, %not3A_335 : i1
          %and3A_337 = arith.andi %or3A_334, %not3A_336 : i1
          %convert_element_type3A_338 = arith.extui %and3A_337 : i1 to i32
          %cond3A_339 = arith.constant 0 : i32
          %cond3A_340 = arith.cmpi ne, %convert_element_type3A_338, %cond3A_339 : i32
          scf.if %cond3A_340 {
          } else {
          }
          %and3A_341 = arith.constant false
          %and3A_342 = arith.andi %and3A_337, %and3A_341 : i1
          %ne3A_343 = arith.cmpi ne, %add3A_196, %add3A_206 : i32
          %or3A_344 = arith.constant false
          %or3A_345 = arith.ori %or3A_344, %ne3A_343 : i1
          %not3A_346 = arith.constant true
          %not3A_347 = arith.xori %eq3A_192, %not3A_346 : i1
          %and3A_348 = arith.andi %or3A_345, %not3A_347 : i1
          %convert_element_type3A_349 = arith.extui %and3A_348 : i1 to i32
          %cond3A_350 = arith.constant 0 : i32
          %cond3A_351 = arith.cmpi ne, %convert_element_type3A_349, %cond3A_350 : i32
          scf.if %cond3A_351 {
          } else {
          }
          %and3A_352 = arith.constant false
          %and3A_353 = arith.andi %and3A_348, %and3A_352 : i1
          %ne3A_354 = arith.cmpi ne, %add3A_196, %add3A_206 : i32
          %or3A_355 = arith.constant false
          %or3A_356 = arith.ori %or3A_355, %ne3A_354 : i1
          %or3A_357 = arith.constant false
          %or3A_358 = arith.ori %or3A_356, %or3A_357 : i1
          %not3A_359 = arith.constant true
          %not3A_360 = arith.xori %eq3A_192, %not3A_359 : i1
          %and3A_361 = arith.andi %or3A_358, %not3A_360 : i1
          %convert_element_type3A_362 = arith.extui %and3A_361 : i1 to i32
          %cond3A_363 = arith.constant 0 : i32
          %cond3A_364 = arith.cmpi ne, %convert_element_type3A_362, %cond3A_363 : i32
          scf.if %cond3A_364 {
            "tpu.trace_start"() <{level = 10 : i32, message = "ep_wait_out"}> : () -> ()
            %rem3A_391 = arith.constant 2 : i32
            %rem3A_392 = arith.remui %while3A_187, %rem3A_391 : i32
            %mul3A_393 = arith.constant 128 : i32
            %mul3A_394 = arith.muli %mul3A_393, %add3A_206 : i32
            %dma_wait3A = arith.constant 0 : i32
            %dma_wait3A_395 = arith.constant 0 : i32
            %dma_wait3A_396 = tpu.memref_slice %run_scoped3A_28[%rem3A_392, %dma_wait3A, %dma_wait3A_395] : memref<2x128x32xf32, #tpu.memory_space<vmem>> -> memref<1x128x32xf32, #tpu.memory_space<vmem>>
            %dma_wait3A_397 = tpu.memref_squeeze %dma_wait3A_396 : memref<1x128x32xf32, #tpu.memory_space<vmem>> -> memref<128x32xf32, #tpu.memory_space<vmem>>
            %dma_wait3A_398 = arith.constant 0 : i32
            %dma_wait3A_399 = tpu.memref_slice %arg5[%mul3A_394, %dma_wait3A_398] : memref<320000x32xf32, #tpu.memory_space<hbm>> -> memref<128x32xf32, #tpu.memory_space<hbm>>
            %dma_wait3A_400 = tpu.memref_slice %run_scoped3A_29[%rem3A_392] : memref<2x!tpu.dma_semaphore, #tpu.memory_space<semaphore_mem>> -> memref<1x!tpu.dma_semaphore, #tpu.memory_space<semaphore_mem>>
            %dma_wait3A_401 = tpu.memref_squeeze %dma_wait3A_400 : memref<1x!tpu.dma_semaphore, #tpu.memory_space<semaphore_mem>> -> memref<!tpu.dma_semaphore, #tpu.memory_space<semaphore_mem>>
            %dma_wait3A_402 = arith.constant 0 : i32
            %dma_wait3A_403 = tpu.memref_slice %arg5[%mul3A_394, %dma_wait3A_402] : memref<320000x32xf32, #tpu.memory_space<hbm>> -> memref<128x32xf32, #tpu.memory_space<hbm>>
            %dma_wait3A_404 = arith.constant 0 : i32
            %dma_wait3A_405 = arith.constant 0 : i32
            %dma_wait3A_406 = tpu.memref_slice %run_scoped3A_28[%rem3A_392, %dma_wait3A_404, %dma_wait3A_405] : memref<2x128x32xf32, #tpu.memory_space<vmem>> -> memref<1x128x32xf32, #tpu.memory_space<vmem>>
            %dma_wait3A_407 = tpu.memref_squeeze %dma_wait3A_406 : memref<1x128x32xf32, #tpu.memory_space<vmem>> -> memref<128x32xf32, #tpu.memory_space<vmem>>
            tpu.wait_dma2 semaphore(%dma_wait3A_401 : memref<!tpu.dma_semaphore, #tpu.memory_space<semaphore_mem>>) src(%dma_wait3A_407 : memref<128x32xf32, #tpu.memory_space<vmem>>) dst(%dma_wait3A_403 : memref<128x32xf32, #tpu.memory_space<hbm>>)
            "tpu.trace_stop"() : () -> ()
          } else {
          }
          %and3A_365 = arith.constant true
          %and3A_366 = arith.andi %and3A_361, %and3A_365 : i1
          %add3A_367 = arith.constant 1 : i32
          %add3A_368 = arith.addi %while3A_187, %add3A_367 : i32
          %select_n3A_369 = arith.select %and3A_366, %add3A_368, %while3A_187 : i32
          %ne3A_370 = arith.cmpi ne, %add3A_196, %add3A_214 : i32
          %or3A_371 = arith.constant false
          %or3A_372 = arith.ori %or3A_371, %ne3A_370 : i1
          %or3A_373 = arith.ori %or3A_372, %eq3A_195 : i1
          %add3A_374 = arith.constant 1 : i32
          %add3A_375 = arith.addi %while3A_183, %add3A_374 : i32
          %select_n3A_376 = arith.select %or3A_373, %add3A_375, %while3A_183 : i32
          %ne3A_377 = arith.cmpi ne, %add3A_196, %add3A_214 : i32
          %or3A_378 = arith.constant false
          %or3A_379 = arith.ori %or3A_378, %ne3A_377 : i1
          %or3A_380 = arith.ori %or3A_379, %eq3A_195 : i1
          %add3A_381 = arith.constant 1 : i32
          %add3A_382 = arith.addi %while3A_185, %add3A_381 : i32
          %select_n3A_383 = arith.select %or3A_380, %add3A_382, %while3A_185 : i32
          %add3A_384 = arith.constant 1 : i32
          %add3A_385 = arith.addi %while3A_188, %add3A_384 : i32
          %select_n3A_386 = arith.constant true
          %select_n3A_387 = arith.select %select_n3A_386, %add3A_385, %while3A_188 : i32
          %eq3A_388 = arith.cmpi eq, %select_n3A_387, %select_n3A : i32
          %select_n3A_389 = arith.constant 0 : i32
          %select_n3A_390 = arith.select %eq3A_388, %select_n3A_389, %select_n3A_387 : i32
          scf.yield %select_n3A_236, %select_n3A_376, %select_n3A_255, %select_n3A_383, %select_n3A_331, %select_n3A_369, %select_n3A_390 : i32, i32, i32, i32, i32, i32, i32
        }
        %sub3A_127 = arith.constant 1 : i32
        %sub3A_128 = arith.subi %while3A_126#6, %sub3A_127 : i32
        %select_n3A_129 = arith.constant true
        %select_n3A_130 = arith.select %select_n3A_129, %sub3A_128, %while3A_126#6 : i32
        %eq3A_131 = arith.constant -1 : i32
        %eq3A_132 = arith.cmpi eq, %select_n3A_130, %eq3A_131 : i32
        %sub3A_133 = arith.constant 1 : i32
        %sub3A_134 = arith.subi %select_n3A, %sub3A_133 : i32
        %select_n3A_135 = arith.select %eq3A_132, %sub3A_134, %select_n3A_130 : i32
        %sub3A_136 = arith.constant 1 : i32
        %sub3A_137 = arith.subi %mul3A_24, %sub3A_136 : i32
        %mul3A_138 = arith.constant 1 : i32
        %mul3A_139 = arith.muli %mul3A_138, %select_n3A : i32
        %eq3A_140 = arith.constant 0 : i32
        %eq3A_141 = arith.cmpi eq, %sub3A_137, %eq3A_140 : i32
        %sub3A_142 = arith.constant 1 : i32
        %sub3A_143 = arith.subi %mul3A_139, %sub3A_142 : i32
        %eq3A_144 = arith.cmpi eq, %sub3A_137, %sub3A_143 : i32
        %add3A_145 = arith.addi %select_n3A_135, %select_n3A_22 : i32
        %sub3A_146 = arith.constant 1 : i32
        %sub3A_147 = arith.subi %select_n3A_135, %sub3A_146 : i32
        %select_n3A_148 = arith.constant true
        %select_n3A_149 = arith.select %select_n3A_148, %sub3A_147, %select_n3A_135 : i32
        %eq3A_150 = arith.constant -1 : i32
        %eq3A_151 = arith.cmpi eq, %select_n3A_149, %eq3A_150 : i32
        %sub3A_152 = arith.constant 1 : i32
        %sub3A_153 = arith.subi %select_n3A, %sub3A_152 : i32
        %select_n3A_154 = arith.select %eq3A_151, %sub3A_153, %select_n3A_149 : i32
        %add3A_155 = arith.addi %select_n3A_154, %select_n3A_22 : i32
        %add3A_156 = arith.constant 1 : i32
        %add3A_157 = arith.addi %select_n3A_135, %add3A_156 : i32
        %select_n3A_158 = arith.constant true
        %select_n3A_159 = arith.select %select_n3A_158, %add3A_157, %select_n3A_135 : i32
        %eq3A_160 = arith.cmpi eq, %select_n3A_159, %select_n3A : i32
        %select_n3A_161 = arith.constant 0 : i32
        %select_n3A_162 = arith.select %eq3A_160, %select_n3A_161, %select_n3A_159 : i32
        %add3A_163 = arith.addi %select_n3A_162, %select_n3A_22 : i32
        %add3A_164 = arith.constant 1 : i32
        %add3A_165 = arith.addi %select_n3A_162, %add3A_164 : i32
        %select_n3A_166 = arith.constant true
        %select_n3A_167 = arith.select %select_n3A_166, %add3A_165, %select_n3A_162 : i32
        %eq3A_168 = arith.cmpi eq, %select_n3A_167, %select_n3A : i32
        %select_n3A_169 = arith.constant 0 : i32
        %select_n3A_170 = arith.select %eq3A_168, %select_n3A_169, %select_n3A_167 : i32
        %add3A_171 = arith.addi %select_n3A_170, %select_n3A_22 : i32
        %convert_element_type3A_172 = arith.extui %eq3A_144 : i1 to i32
        %cond3A_173 = arith.constant 0 : i32
        %cond3A_174 = arith.cmpi ne, %convert_element_type3A_172, %cond3A_173 : i32
        scf.if %cond3A_174 {
        } else {
        }
        %convert_element_type3A_175 = arith.extui %eq3A_144 : i1 to i32
        %cond3A_176 = arith.constant 0 : i32
        %cond3A_177 = arith.cmpi ne, %convert_element_type3A_175, %cond3A_176 : i32
        scf.if %cond3A_177 {
        } else {
        }
        %convert_element_type3A_178 = arith.extui %eq3A_144 : i1 to i32
        %cond3A_179 = arith.constant 0 : i32
        %cond3A_180 = arith.cmpi ne, %convert_element_type3A_178, %cond3A_179 : i32
        scf.if %cond3A_180 {
          "tpu.trace_start"() <{level = 10 : i32, message = "ep_finalize"}> : () -> ()
          %rem3A_181 = arith.constant 2 : i32
          %rem3A_182 = arith.remui %while3A_126#5, %rem3A_181 : i32
          %mul3A_183 = arith.constant 128 : i32
          %mul3A_184 = arith.muli %mul3A_183, %add3A_145 : i32
          %dma_wait3A = arith.constant 0 : i32
          %dma_wait3A_185 = arith.constant 0 : i32
          %dma_wait3A_186 = tpu.memref_slice %run_scoped3A_28[%rem3A_182, %dma_wait3A, %dma_wait3A_185] : memref<2x128x32xf32, #tpu.memory_space<vmem>> -> memref<1x128x32xf32, #tpu.memory_space<vmem>>
          %dma_wait3A_187 = tpu.memref_squeeze %dma_wait3A_186 : memref<1x128x32xf32, #tpu.memory_space<vmem>> -> memref<128x32xf32, #tpu.memory_space<vmem>>
          %dma_wait3A_188 = arith.constant 0 : i32
          %dma_wait3A_189 = tpu.memref_slice %arg5[%mul3A_184, %dma_wait3A_188] : memref<320000x32xf32, #tpu.memory_space<hbm>> -> memref<128x32xf32, #tpu.memory_space<hbm>>
          %dma_wait3A_190 = tpu.memref_slice %run_scoped3A_29[%rem3A_182] : memref<2x!tpu.dma_semaphore, #tpu.memory_space<semaphore_mem>> -> memref<1x!tpu.dma_semaphore, #tpu.memory_space<semaphore_mem>>
          %dma_wait3A_191 = tpu.memref_squeeze %dma_wait3A_190 : memref<1x!tpu.dma_semaphore, #tpu.memory_space<semaphore_mem>> -> memref<!tpu.dma_semaphore, #tpu.memory_space<semaphore_mem>>
          %dma_wait3A_192 = arith.constant 0 : i32
          %dma_wait3A_193 = tpu.memref_slice %arg5[%mul3A_184, %dma_wait3A_192] : memref<320000x32xf32, #tpu.memory_space<hbm>> -> memref<128x32xf32, #tpu.memory_space<hbm>>
          %dma_wait3A_194 = arith.constant 0 : i32
          %dma_wait3A_195 = arith.constant 0 : i32
          %dma_wait3A_196 = tpu.memref_slice %run_scoped3A_28[%rem3A_182, %dma_wait3A_194, %dma_wait3A_195] : memref<2x128x32xf32, #tpu.memory_space<vmem>> -> memref<1x128x32xf32, #tpu.memory_space<vmem>>
          %dma_wait3A_197 = tpu.memref_squeeze %dma_wait3A_196 : memref<1x128x32xf32, #tpu.memory_space<vmem>> -> memref<128x32xf32, #tpu.memory_space<vmem>>
          tpu.wait_dma2 semaphore(%dma_wait3A_191 : memref<!tpu.dma_semaphore, #tpu.memory_space<semaphore_mem>>) src(%dma_wait3A_197 : memref<128x32xf32, #tpu.memory_space<vmem>>) dst(%dma_wait3A_193 : memref<128x32xf32, #tpu.memory_space<hbm>>)
          "tpu.trace_stop"() : () -> ()
        } else {
        }
      } else {
      }
      tpu.yield
    }) : () -> ()
    return
  }
}

#map = affine_map<(d0, d1) -> (0, 0)>
module attributes {stable_mosaic.version = 14 : i64} {
  func.func @k(%arg0: i32, %arg1: i32, %arg2: memref<10000x32xf32, #tpu.memory_space<hbm>>, %arg3: memref<10000x32xf32, #tpu.memory_space<hbm>>, %arg4: memref<2x320000xi32, #tpu.memory_space<hbm>>, %arg5: memref<320000x32xf32, #tpu.memory_space<hbm>>, %arg6: memref<10000x32xf32, #tpu.memory_space<vmem_shared>>, %arg7: memref<10000x32xf32, #tpu.memory_space<vmem_shared>>) attributes {dimension_semantics = [#tpu.dimension_semantics<core_parallel>, #tpu.dimension_semantics<subcore_parallel>], iteration_bounds = array<i64: 2, 16>, scalar_prefetch = 0 : i64, scratch_operands = 2 : i64, tpu.core_type = #tpu.core_type<sc_vector_subcore>, window_params = [{transform_indices = #map}, {transform_indices = #map}, {transform_indices = #map}, {transform_indices = #map}]} {
    %mul3A = arith.constant 625 : i32
    %mul3A_0 = arith.muli %arg1, %mul3A : i32
    %mul3A_1 = arith.constant 625 : i32
    %mul3A_2 = arith.muli %arg1, %mul3A_1 : i32
    "tpu.region"() ({
      %run_scoped3A = tpu.sem_alloc : memref<!tpu.dma_semaphore, #tpu.memory_space<semaphore_mem>>
      %dma_start3A = arith.constant 0 : i32
      %dma_start3A_25 = tpu.memref_slice %arg6[%mul3A_2, %dma_start3A] : memref<10000x32xf32, #tpu.memory_space<vmem_shared>> -> memref<625x32xf32, #tpu.memory_space<vmem_shared>>
      %dma_start3A_26 = arith.constant 0 : i32
      %dma_start3A_27 = tpu.memref_slice %arg2[%mul3A_0, %dma_start3A_26] : memref<10000x32xf32, #tpu.memory_space<hbm>> -> memref<625x32xf32, #tpu.memory_space<hbm>>
      tpu.enqueue_dma source(%dma_start3A_27 : memref<625x32xf32, #tpu.memory_space<hbm>>) target(%dma_start3A_25 : memref<625x32xf32, #tpu.memory_space<vmem_shared>>) target_semaphore(%run_scoped3A : memref<!tpu.dma_semaphore, #tpu.memory_space<semaphore_mem>>)
      %dma_wait3A = arith.constant 0 : i32
      %dma_wait3A_28 = tpu.memref_slice %arg6[%mul3A_2, %dma_wait3A] : memref<10000x32xf32, #tpu.memory_space<vmem_shared>> -> memref<625x32xf32, #tpu.memory_space<vmem_shared>>
      %dma_wait3A_29 = arith.constant 0 : i32
      %dma_wait3A_30 = tpu.memref_slice %arg2[%mul3A_0, %dma_wait3A_29] : memref<10000x32xf32, #tpu.memory_space<hbm>> -> memref<625x32xf32, #tpu.memory_space<hbm>>
      tpu.wait_dma2 semaphore(%run_scoped3A : memref<!tpu.dma_semaphore, #tpu.memory_space<semaphore_mem>>) src(%dma_wait3A_30 : memref<625x32xf32, #tpu.memory_space<hbm>>) dst(%dma_wait3A_28 : memref<625x32xf32, #tpu.memory_space<vmem_shared>>)
      tpu.yield
    }) : () -> ()
    %mul3A_3 = arith.constant 625 : i32
    %mul3A_4 = arith.muli %arg1, %mul3A_3 : i32
    %mul3A_5 = arith.constant 625 : i32
    %mul3A_6 = arith.muli %arg1, %mul3A_5 : i32
    "tpu.region"() ({
      %run_scoped3A = tpu.sem_alloc : memref<!tpu.dma_semaphore, #tpu.memory_space<semaphore_mem>>
      %dma_start3A = arith.constant 0 : i32
      %dma_start3A_25 = tpu.memref_slice %arg7[%mul3A_6, %dma_start3A] : memref<10000x32xf32, #tpu.memory_space<vmem_shared>> -> memref<625x32xf32, #tpu.memory_space<vmem_shared>>
      %dma_start3A_26 = arith.constant 0 : i32
      %dma_start3A_27 = tpu.memref_slice %arg3[%mul3A_4, %dma_start3A_26] : memref<10000x32xf32, #tpu.memory_space<hbm>> -> memref<625x32xf32, #tpu.memory_space<hbm>>
      tpu.enqueue_dma source(%dma_start3A_27 : memref<625x32xf32, #tpu.memory_space<hbm>>) target(%dma_start3A_25 : memref<625x32xf32, #tpu.memory_space<vmem_shared>>) target_semaphore(%run_scoped3A : memref<!tpu.dma_semaphore, #tpu.memory_space<semaphore_mem>>)
      %dma_wait3A = arith.constant 0 : i32
      %dma_wait3A_28 = tpu.memref_slice %arg7[%mul3A_6, %dma_wait3A] : memref<10000x32xf32, #tpu.memory_space<vmem_shared>> -> memref<625x32xf32, #tpu.memory_space<vmem_shared>>
      %dma_wait3A_29 = arith.constant 0 : i32
      %dma_wait3A_30 = tpu.memref_slice %arg3[%mul3A_4, %dma_wait3A_29] : memref<10000x32xf32, #tpu.memory_space<hbm>> -> memref<625x32xf32, #tpu.memory_space<hbm>>
      tpu.wait_dma2 semaphore(%run_scoped3A : memref<!tpu.dma_semaphore, #tpu.memory_space<semaphore_mem>>) src(%dma_wait3A_30 : memref<625x32xf32, #tpu.memory_space<hbm>>) dst(%dma_wait3A_28 : memref<625x32xf32, #tpu.memory_space<vmem_shared>>)
      tpu.yield
    }) : () -> ()
    %barrier3A = arith.constant 0 : index
    tpu.barrier barrier_id(%barrier3A)
    %mul3A_7 = arith.constant 1 : i32
    %mul3A_8 = arith.muli %arg1, %mul3A_7 : i32
    %add3A = arith.constant 0 : i32
    %add3A_9 = arith.addi %add3A, %mul3A_8 : i32
    %mul3A_10 = arith.constant 16 : i32
    %mul3A_11 = arith.muli %arg0, %mul3A_10 : i32
    %add3A_12 = arith.addi %add3A_9, %mul3A_11 : i32
    %lt3A = arith.constant 4 : i32
    %lt3A_13 = arith.cmpi slt, %add3A_12, %lt3A : i32
    %jit3A = arith.constant 79 : i32
    %jit3A_14 = arith.constant 78 : i32
    %select_n3A = arith.select %lt3A_13, %jit3A, %jit3A_14 : i32
    %lt3A_15 = arith.constant 4 : i32
    %lt3A_16 = arith.cmpi slt, %add3A_12, %lt3A_15 : i32
    %mul3A_17 = arith.muli %add3A_12, %select_n3A : i32
    %mul3A_18 = arith.constant 78 : i32
    %mul3A_19 = arith.muli %add3A_12, %mul3A_18 : i32
    %add3A_20 = arith.constant 4 : i32
    %add3A_21 = arith.addi %mul3A_19, %add3A_20 : i32
    %select_n3A_22 = arith.select %lt3A_16, %mul3A_17, %add3A_21 : i32
    %mul3A_23 = arith.constant 1 : i32
    %mul3A_24 = arith.muli %mul3A_23, %select_n3A : i32
    "tpu.region"() ({
      %run_scoped3A = memref.alloca() : memref<2x1x128xi32, #tpu.memory_space<vmem>>
      %run_scoped3A_25 = tpu.sem_alloc : memref<2x!tpu.dma_semaphore, #tpu.memory_space<semaphore_mem>>
      %run_scoped3A_26 = memref.alloca() : memref<2x1x128xi32, #tpu.memory_space<vmem>>
      %run_scoped3A_27 = tpu.sem_alloc : memref<2x!tpu.dma_semaphore, #tpu.memory_space<semaphore_mem>>
      %run_scoped3A_28 = memref.alloca() : memref<2x128x32xf32, #tpu.memory_space<vmem>>
      %run_scoped3A_29 = tpu.sem_alloc : memref<2x!tpu.dma_semaphore, #tpu.memory_space<semaphore_mem>>
      %gt3A = arith.constant 0 : i32
      %gt3A_30 = arith.cmpi sgt, %mul3A_24, %gt3A : i32
      %convert_element_type3A = arith.extui %gt3A_30 : i1 to i32
      %cond3A = arith.constant 0 : i32
      %cond3A_31 = arith.cmpi ne, %convert_element_type3A, %cond3A : i32
      scf.if %cond3A_31 {
        %mul3A_32 = arith.constant 1 : i32
        %mul3A_33 = arith.muli %mul3A_32, %select_n3A : i32
        %sub3A = arith.constant 1 : i32
        %sub3A_34 = arith.subi %mul3A_33, %sub3A : i32
        %eq3A = arith.constant 0 : i32
        %eq3A_35 = arith.cmpi eq, %sub3A_34, %eq3A : i32
        %add3A_36 = arith.constant 0 : i32
        %add3A_37 = arith.addi %add3A_36, %select_n3A_22 : i32
        %select_n3A_38 = arith.constant true
        %select_n3A_39 = arith.constant 0 : i32
        %select_n3A_40 = arith.constant -1 : i32
        %select_n3A_41 = arith.select %select_n3A_38, %select_n3A_40, %select_n3A_39 : i32
        %eq3A_42 = arith.constant -1 : i32
        %eq3A_43 = arith.cmpi eq, %select_n3A_41, %eq3A_42 : i32
        %sub3A_44 = arith.constant 1 : i32
        %sub3A_45 = arith.subi %select_n3A, %sub3A_44 : i32
        %select_n3A_46 = arith.select %eq3A_43, %sub3A_45, %select_n3A_41 : i32
        %add3A_47 = arith.addi %select_n3A_46, %select_n3A_22 : i32
        %select_n3A_48 = arith.constant true
        %select_n3A_49 = arith.constant 0 : i32
        %select_n3A_50 = arith.constant 1 : i32
        %select_n3A_51 = arith.select %select_n3A_48, %select_n3A_50, %select_n3A_49 : i32
        %eq3A_52 = arith.cmpi eq, %select_n3A_51, %select_n3A : i32
        %select_n3A_53 = arith.constant 0 : i32
        %select_n3A_54 = arith.select %eq3A_52, %select_n3A_53, %select_n3A_51 : i32
        %add3A_55 = arith.addi %select_n3A_54, %select_n3A_22 : i32
        %add3A_56 = arith.constant 1 : i32
        %add3A_57 = arith.addi %select_n3A_54, %add3A_56 : i32
        %select_n3A_58 = arith.constant true
        %select_n3A_59 = arith.select %select_n3A_58, %add3A_57, %select_n3A_54 : i32
        %eq3A_60 = arith.cmpi eq, %select_n3A_59, %select_n3A : i32
        %select_n3A_61 = arith.constant 0 : i32
        %select_n3A_62 = arith.select %eq3A_60, %select_n3A_61, %select_n3A_59 : i32
        %add3A_63 = arith.addi %select_n3A_62, %select_n3A_22 : i32
        "tpu.trace_start"() <{level = 10 : i32, message = "ep_initialize_0"}> : () -> ()
        %rem3A = arith.constant 0 : i32
        %rem3A_64 = arith.constant 2 : i32
        %rem3A_65 = arith.remui %rem3A, %rem3A_64 : i32
        %mul3A_66 = arith.constant 128 : i32
        %mul3A_67 = arith.muli %mul3A_66, %add3A_37 : i32
        %dma_start3A = arith.constant 0 : i32
        %dma_start3A_68 = arith.constant 0 : i32
        %dma_start3A_69 = tpu.memref_slice %run_scoped3A[%rem3A_65, %dma_start3A, %dma_start3A_68] : memref<2x1x128xi32, #tpu.memory_space<vmem>> -> memref<1x1x128xi32, #tpu.memory_space<vmem>>
        %dma_start3A_70 = tpu.memref_squeeze %dma_start3A_69 : memref<1x1x128xi32, #tpu.memory_space<vmem>> -> memref<1x128xi32, #tpu.memory_space<vmem>>
        %dma_start3A_71 = arith.constant 0 : i32
        %dma_start3A_72 = tpu.memref_slice %arg4[%dma_start3A_71, %mul3A_67] : memref<2x320000xi32, #tpu.memory_space<hbm>> -> memref<1x128xi32, #tpu.memory_space<hbm>>
        %dma_start3A_73 = tpu.memref_slice %run_scoped3A_25[%rem3A_65] : memref<2x!tpu.dma_semaphore, #tpu.memory_space<semaphore_mem>> -> memref<1x!tpu.dma_semaphore, #tpu.memory_space<semaphore_mem>>
        %dma_start3A_74 = tpu.memref_squeeze %dma_start3A_73 : memref<1x!tpu.dma_semaphore, #tpu.memory_space<semaphore_mem>> -> memref<!tpu.dma_semaphore, #tpu.memory_space<semaphore_mem>>
        %dma_start3A_75 = arith.constant 0 : i32
        %dma_start3A_76 = arith.constant 0 : i32
        %dma_start3A_77 = tpu.memref_slice %run_scoped3A[%rem3A_65, %dma_start3A_75, %dma_start3A_76] : memref<2x1x128xi32, #tpu.memory_space<vmem>> -> memref<1x1x128xi32, #tpu.memory_space<vmem>>
        %dma_start3A_78 = tpu.memref_squeeze %dma_start3A_77 : memref<1x1x128xi32, #tpu.memory_space<vmem>> -> memref<1x128xi32, #tpu.memory_space<vmem>>
        %dma_start3A_79 = arith.constant 0 : i32
        %dma_start3A_80 = tpu.memref_slice %arg4[%dma_start3A_79, %mul3A_67] : memref<2x320000xi32, #tpu.memory_space<hbm>> -> memref<1x128xi32, #tpu.memory_space<hbm>>
        tpu.enqueue_dma source(%dma_start3A_80 : memref<1x128xi32, #tpu.memory_space<hbm>>) target(%dma_start3A_78 : memref<1x128xi32, #tpu.memory_space<vmem>>) target_semaphore(%dma_start3A_74 : memref<!tpu.dma_semaphore, #tpu.memory_space<semaphore_mem>>)
        %add3A_81 = arith.constant 0 : i32
        %add3A_82 = arith.constant 1 : i32
        %add3A_83 = arith.addi %add3A_81, %add3A_82 : i32
        %select_n3A_84 = arith.constant true
        %select_n3A_85 = arith.constant 0 : i32
        %select_n3A_86 = arith.select %select_n3A_84, %add3A_83, %select_n3A_85 : i32
        %rem3A_87 = arith.constant 0 : i32
        %rem3A_88 = arith.constant 2 : i32
        %rem3A_89 = arith.remui %rem3A_87, %rem3A_88 : i32
        %mul3A_90 = arith.constant 128 : i32
        %mul3A_91 = arith.muli %mul3A_90, %add3A_37 : i32
        %dma_start3A_92 = arith.constant 0 : i32
        %dma_start3A_93 = arith.constant 0 : i32
        %dma_start3A_94 = tpu.memref_slice %run_scoped3A_26[%rem3A_89, %dma_start3A_92, %dma_start3A_93] : memref<2x1x128xi32, #tpu.memory_space<vmem>> -> memref<1x1x128xi32, #tpu.memory_space<vmem>>
        %dma_start3A_95 = tpu.memref_squeeze %dma_start3A_94 : memref<1x1x128xi32, #tpu.memory_space<vmem>> -> memref<1x128xi32, #tpu.memory_space<vmem>>
        %dma_start3A_96 = arith.constant 1 : i32
        %dma_start3A_97 = tpu.memref_slice %arg4[%dma_start3A_96, %mul3A_91] : memref<2x320000xi32, #tpu.memory_space<hbm>> -> memref<1x128xi32, #tpu.memory_space<hbm>>
        %dma_start3A_98 = tpu.memref_slice %run_scoped3A_27[%rem3A_89] : memref<2x!tpu.dma_semaphore, #tpu.memory_space<semaphore_mem>> -> memref<1x!tpu.dma_semaphore, #tpu.memory_space<semaphore_mem>>
        %dma_start3A_99 = tpu.memref_squeeze %dma_start3A_98 : memref<1x!tpu.dma_semaphore, #tpu.memory_space<semaphore_mem>> -> memref<!tpu.dma_semaphore, #tpu.memory_space<semaphore_mem>>
        %dma_start3A_100 = arith.constant 0 : i32
        %dma_start3A_101 = arith.constant 0 : i32
        %dma_start3A_102 = tpu.memref_slice %run_scoped3A_26[%rem3A_89, %dma_start3A_100, %dma_start3A_101] : memref<2x1x128xi32, #tpu.memory_space<vmem>> -> memref<1x1x128xi32, #tpu.memory_space<vmem>>
        %dma_start3A_103 = tpu.memref_squeeze %dma_start3A_102 : memref<1x1x128xi32, #tpu.memory_space<vmem>> -> memref<1x128xi32, #tpu.memory_space<vmem>>
        %dma_start3A_104 = arith.constant 1 : i32
        %dma_start3A_105 = tpu.memref_slice %arg4[%dma_start3A_104, %mul3A_91] : memref<2x320000xi32, #tpu.memory_space<hbm>> -> memref<1x128xi32, #tpu.memory_space<hbm>>
        tpu.enqueue_dma source(%dma_start3A_105 : memref<1x128xi32, #tpu.memory_space<hbm>>) target(%dma_start3A_103 : memref<1x128xi32, #tpu.memory_space<vmem>>) target_semaphore(%dma_start3A_99 : memref<!tpu.dma_semaphore, #tpu.memory_space<semaphore_mem>>)
        %add3A_106 = arith.constant 0 : i32
        %add3A_107 = arith.constant 1 : i32
        %add3A_108 = arith.addi %add3A_106, %add3A_107 : i32
        %select_n3A_109 = arith.constant true
        %select_n3A_110 = arith.constant 0 : i32
        %select_n3A_111 = arith.select %select_n3A_109, %add3A_108, %select_n3A_110 : i32
        %while3A = arith.constant 0 : i32
        %while3A_112 = arith.constant 0 : i32
        %while3A_113 = arith.constant 0 : i32
        %while3A_114 = arith.constant 0 : i32
        %while3A_115 = arith.constant 0 : i32
        %while3A_116 = arith.constant 0 : i32
        "tpu.trace_stop"() : () -> ()
        %while3A_117 = arith.subi %mul3A_24, %while3A : i32
        %while3A_118 = arith.addi %while3A, %while3A_117 : i32
        %while3A_119 = arith.constant 1 : i32
        %while3A_120 = arith.divsi %while3A_117, %while3A_119 : i32
        %while3A_121 = arith.muli %while3A_120, %while3A_119 : i32
        %while3A_122 = arith.addi %while3A, %while3A_121 : i32
        %while3A_123 = arith.constant 1 : i32
        %while3A_124:7 = scf.for %while3A_181 = %while3A to %while3A_122 step %while3A_123 iter_args(%while3A_182 = %select_n3A_86, %while3A_183 = %while3A_112, %while3A_184 = %select_n3A_111, %while3A_185 = %while3A_113, %while3A_186 = %while3A_114, %while3A_187 = %while3A_115, %while3A_188 = %while3A_116) -> (i32, i32, i32, i32, i32, i32, i32)  : i32 {
          %mul3A_189 = arith.constant 1 : i32
          %mul3A_190 = arith.muli %mul3A_189, %select_n3A : i32
          %eq3A_191 = arith.constant 0 : i32
          %eq3A_192 = arith.cmpi eq, %while3A_181, %eq3A_191 : i32
          %sub3A_193 = arith.constant 1 : i32
          %sub3A_194 = arith.subi %mul3A_190, %sub3A_193 : i32
          %eq3A_195 = arith.cmpi eq, %while3A_181, %sub3A_194 : i32
          %add3A_196 = arith.addi %while3A_188, %select_n3A_22 : i32
          %sub3A_197 = arith.constant 1 : i32
          %sub3A_198 = arith.subi %while3A_188, %sub3A_197 : i32
          %select_n3A_199 = arith.constant true
          %select_n3A_200 = arith.select %select_n3A_199, %sub3A_198, %while3A_188 : i32
          %eq3A_201 = arith.constant -1 : i32
          %eq3A_202 = arith.cmpi eq, %select_n3A_200, %eq3A_201 : i32
          %sub3A_203 = arith.constant 1 : i32
          %sub3A_204 = arith.subi %select_n3A, %sub3A_203 : i32
          %select_n3A_205 = arith.select %eq3A_202, %sub3A_204, %select_n3A_200 : i32
          %add3A_206 = arith.addi %select_n3A_205, %select_n3A_22 : i32
          %add3A_207 = arith.constant 1 : i32
          %add3A_208 = arith.addi %while3A_188, %add3A_207 : i32
          %select_n3A_209 = arith.constant true
          %select_n3A_210 = arith.select %select_n3A_209, %add3A_208, %while3A_188 : i32
          %eq3A_211 = arith.cmpi eq, %select_n3A_210, %select_n3A : i32
          %select_n3A_212 = arith.constant 0 : i32
          %select_n3A_213 = arith.select %eq3A_211, %select_n3A_212, %select_n3A_210 : i32
          %add3A_214 = arith.addi %select_n3A_213, %select_n3A_22 : i32
          %add3A_215 = arith.constant 1 : i32
          %add3A_216 = arith.addi %select_n3A_213, %add3A_215 : i32
          %select_n3A_217 = arith.constant true
          %select_n3A_218 = arith.select %select_n3A_217, %add3A_216, %select_n3A_213 : i32
          %eq3A_219 = arith.cmpi eq, %select_n3A_218, %select_n3A : i32
          %select_n3A_220 = arith.constant 0 : i32
          %select_n3A_221 = arith.select %eq3A_219, %select_n3A_220, %select_n3A_218 : i32
          %add3A_222 = arith.addi %select_n3A_221, %select_n3A_22 : i32
          %ne3A = arith.cmpi ne, %add3A_196, %add3A_214 : i32
          %or3A = arith.constant false
          %or3A_223 = arith.ori %or3A, %ne3A : i1
          %sub3A_224 = arith.constant 2 : i32
          %sub3A_225 = arith.subi %mul3A_190, %sub3A_224 : i32
          %add3A_226 = arith.constant 1 : i32
          %add3A_227 = arith.addi %sub3A_225, %add3A_226 : i32
          %ge3A = arith.cmpi sge, %while3A_181, %add3A_227 : i32
          %not3A = arith.constant true
          %not3A_228 = arith.xori %ge3A, %not3A : i1
          %and3A = arith.andi %or3A_223, %not3A_228 : i1
          %convert_element_type3A_229 = arith.extui %and3A : i1 to i32
          %cond3A_230 = arith.constant 0 : i32
          %cond3A_231 = arith.cmpi ne, %convert_element_type3A_229, %cond3A_230 : i32
          scf.if %cond3A_231 {
            "tpu.trace_start"() <{level = 10 : i32, message = "ep_copy_in"}> : () -> ()
            %rem3A_391 = arith.constant 2 : i32
            %rem3A_392 = arith.remui %while3A_182, %rem3A_391 : i32
            %mul3A_393 = arith.constant 128 : i32
            %mul3A_394 = arith.muli %mul3A_393, %add3A_214 : i32
            %dma_start3A_395 = arith.constant 0 : i32
            %dma_start3A_396 = arith.constant 0 : i32
            %dma_start3A_397 = tpu.memref_slice %run_scoped3A[%rem3A_392, %dma_start3A_395, %dma_start3A_396] : memref<2x1x128xi32, #tpu.memory_space<vmem>> -> memref<1x1x128xi32, #tpu.memory_space<vmem>>
            %dma_start3A_398 = tpu.memref_squeeze %dma_start3A_397 : memref<1x1x128xi32, #tpu.memory_space<vmem>> -> memref<1x128xi32, #tpu.memory_space<vmem>>
            %dma_start3A_399 = arith.constant 0 : i32
            %dma_start3A_400 = tpu.memref_slice %arg4[%dma_start3A_399, %mul3A_394] : memref<2x320000xi32, #tpu.memory_space<hbm>> -> memref<1x128xi32, #tpu.memory_space<hbm>>
            %dma_start3A_401 = tpu.memref_slice %run_scoped3A_25[%rem3A_392] : memref<2x!tpu.dma_semaphore, #tpu.memory_space<semaphore_mem>> -> memref<1x!tpu.dma_semaphore, #tpu.memory_space<semaphore_mem>>
            %dma_start3A_402 = tpu.memref_squeeze %dma_start3A_401 : memref<1x!tpu.dma_semaphore, #tpu.memory_space<semaphore_mem>> -> memref<!tpu.dma_semaphore, #tpu.memory_space<semaphore_mem>>
            %dma_start3A_403 = arith.constant 0 : i32
            %dma_start3A_404 = arith.constant 0 : i32
            %dma_start3A_405 = tpu.memref_slice %run_scoped3A[%rem3A_392, %dma_start3A_403, %dma_start3A_404] : memref<2x1x128xi32, #tpu.memory_space<vmem>> -> memref<1x1x128xi32, #tpu.memory_space<vmem>>
            %dma_start3A_406 = tpu.memref_squeeze %dma_start3A_405 : memref<1x1x128xi32, #tpu.memory_space<vmem>> -> memref<1x128xi32, #tpu.memory_space<vmem>>
            %dma_start3A_407 = arith.constant 0 : i32
            %dma_start3A_408 = tpu.memref_slice %arg4[%dma_start3A_407, %mul3A_394] : memref<2x320000xi32, #tpu.memory_space<hbm>> -> memref<1x128xi32, #tpu.memory_space<hbm>>
            tpu.enqueue_dma source(%dma_start3A_408 : memref<1x128xi32, #tpu.memory_space<hbm>>) target(%dma_start3A_406 : memref<1x128xi32, #tpu.memory_space<vmem>>) target_semaphore(%dma_start3A_402 : memref<!tpu.dma_semaphore, #tpu.memory_space<semaphore_mem>>)
            "tpu.trace_stop"() : () -> ()
          } else {
          }
          %and3A_232 = arith.constant true
          %and3A_233 = arith.andi %and3A, %and3A_232 : i1
          %add3A_234 = arith.constant 1 : i32
          %add3A_235 = arith.addi %while3A_182, %add3A_234 : i32
          %select_n3A_236 = arith.select %and3A_233, %add3A_235, %while3A_182 : i32
          %ne3A_237 = arith.cmpi ne, %add3A_196, %add3A_214 : i32
          %or3A_238 = arith.constant false
          %or3A_239 = arith.ori %or3A_238, %ne3A_237 : i1
          %sub3A_240 = arith.constant 2 : i32
          %sub3A_241 = arith.subi %mul3A_190, %sub3A_240 : i32
          %add3A_242 = arith.constant 1 : i32
          %add3A_243 = arith.addi %sub3A_241, %add3A_242 : i32
          %ge3A_244 = arith.cmpi sge, %while3A_181, %add3A_243 : i32
          %not3A_245 = arith.constant true
          %not3A_246 = arith.xori %ge3A_244, %not3A_245 : i1
          %and3A_247 = arith.andi %or3A_239, %not3A_246 : i1
          %convert_element_type3A_248 = arith.extui %and3A_247 : i1 to i32
          %cond3A_249 = arith.constant 0 : i32
          %cond3A_250 = arith.cmpi ne, %convert_element_type3A_248, %cond3A_249 : i32
          scf.if %cond3A_250 {
            "tpu.trace_start"() <{level = 10 : i32, message = "ep_copy_in"}> : () -> ()
            %rem3A_391 = arith.constant 2 : i32
            %rem3A_392 = arith.remui %while3A_184, %rem3A_391 : i32
            %mul3A_393 = arith.constant 128 : i32
            %mul3A_394 = arith.muli %mul3A_393, %add3A_214 : i32
            %dma_start3A_395 = arith.constant 0 : i32
            %dma_start3A_396 = arith.constant 0 : i32
            %dma_start3A_397 = tpu.memref_slice %run_scoped3A_26[%rem3A_392, %dma_start3A_395, %dma_start3A_396] : memref<2x1x128xi32, #tpu.memory_space<vmem>> -> memref<1x1x128xi32, #tpu.memory_space<vmem>>
            %dma_start3A_398 = tpu.memref_squeeze %dma_start3A_397 : memref<1x1x128xi32, #tpu.memory_space<vmem>> -> memref<1x128xi32, #tpu.memory_space<vmem>>
            %dma_start3A_399 = arith.constant 1 : i32
            %dma_start3A_400 = tpu.memref_slice %arg4[%dma_start3A_399, %mul3A_394] : memref<2x320000xi32, #tpu.memory_space<hbm>> -> memref<1x128xi32, #tpu.memory_space<hbm>>
            %dma_start3A_401 = tpu.memref_slice %run_scoped3A_27[%rem3A_392] : memref<2x!tpu.dma_semaphore, #tpu.memory_space<semaphore_mem>> -> memref<1x!tpu.dma_semaphore, #tpu.memory_space<semaphore_mem>>
            %dma_start3A_402 = tpu.memref_squeeze %dma_start3A_401 : memref<1x!tpu.dma_semaphore, #tpu.memory_space<semaphore_mem>> -> memref<!tpu.dma_semaphore, #tpu.memory_space<semaphore_mem>>
            %dma_start3A_403 = arith.constant 0 : i32
            %dma_start3A_404 = arith.constant 0 : i32
            %dma_start3A_405 = tpu.memref_slice %run_scoped3A_26[%rem3A_392, %dma_start3A_403, %dma_start3A_404] : memref<2x1x128xi32, #tpu.memory_space<vmem>> -> memref<1x1x128xi32, #tpu.memory_space<vmem>>
            %dma_start3A_406 = tpu.memref_squeeze %dma_start3A_405 : memref<1x1x128xi32, #tpu.memory_space<vmem>> -> memref<1x128xi32, #tpu.memory_space<vmem>>
            %dma_start3A_407 = arith.constant 1 : i32
            %dma_start3A_408 = tpu.memref_slice %arg4[%dma_start3A_407, %mul3A_394] : memref<2x320000xi32, #tpu.memory_space<hbm>> -> memref<1x128xi32, #tpu.memory_space<hbm>>
            tpu.enqueue_dma source(%dma_start3A_408 : memref<1x128xi32, #tpu.memory_space<hbm>>) target(%dma_start3A_406 : memref<1x128xi32, #tpu.memory_space<vmem>>) target_semaphore(%dma_start3A_402 : memref<!tpu.dma_semaphore, #tpu.memory_space<semaphore_mem>>)
            "tpu.trace_stop"() : () -> ()
          } else {
          }
          %and3A_251 = arith.constant true
          %and3A_252 = arith.andi %and3A_247, %and3A_251 : i1
          %add3A_253 = arith.constant 1 : i32
          %add3A_254 = arith.addi %while3A_184, %add3A_253 : i32
          %select_n3A_255 = arith.select %and3A_252, %add3A_254, %while3A_184 : i32
          %ne3A_256 = arith.cmpi ne, %add3A_196, %add3A_214 : i32
          %or3A_257 = arith.constant false
          %or3A_258 = arith.ori %or3A_257, %ne3A_256 : i1
          %or3A_259 = arith.constant false
          %or3A_260 = arith.ori %or3A_258, %or3A_259 : i1
          %sub3A_261 = arith.constant 2 : i32
          %sub3A_262 = arith.subi %mul3A_190, %sub3A_261 : i32
          %add3A_263 = arith.constant 1 : i32
          %add3A_264 = arith.addi %sub3A_262, %add3A_263 : i32
          %ge3A_265 = arith.cmpi sge, %while3A_181, %add3A_264 : i32
          %not3A_266 = arith.constant true
          %not3A_267 = arith.xori %ge3A_265, %not3A_266 : i1
          %and3A_268 = arith.andi %or3A_260, %not3A_267 : i1
          %ne3A_269 = arith.cmpi ne, %add3A_196, %add3A_206 : i32
          %or3A_270 = arith.constant false
          %or3A_271 = arith.ori %or3A_270, %ne3A_269 : i1
          %or3A_272 = arith.ori %or3A_271, %eq3A_192 : i1
          %convert_element_type3A_273 = arith.extui %or3A_272 : i1 to i32
          %cond3A_274 = arith.constant 0 : i32
          %cond3A_275 = arith.cmpi ne, %convert_element_type3A_273, %cond3A_274 : i32
          scf.if %cond3A_275 {
            "tpu.trace_start"() <{level = 10 : i32, message = "ep_wait_in"}> : () -> ()
            %mul3A_391 = arith.constant 128 : i32
            %mul3A_392 = arith.muli %mul3A_391, %add3A_196 : i32
            %rem3A_393 = arith.constant 2 : i32
            %rem3A_394 = arith.remui %while3A_183, %rem3A_393 : i32
            %dma_wait3A = arith.constant 0 : i32
            %dma_wait3A_395 = arith.constant 0 : i32
            %dma_wait3A_396 = tpu.memref_slice %run_scoped3A[%rem3A_394, %dma_wait3A, %dma_wait3A_395] : memref<2x1x128xi32, #tpu.memory_space<vmem>> -> memref<1x1x128xi32, #tpu.memory_space<vmem>>
            %dma_wait3A_397 = tpu.memref_squeeze %dma_wait3A_396 : memref<1x1x128xi32, #tpu.memory_space<vmem>> -> memref<1x128xi32, #tpu.memory_space<vmem>>
            %dma_wait3A_398 = arith.constant 0 : i32
            %dma_wait3A_399 = tpu.memref_slice %arg4[%dma_wait3A_398, %mul3A_392] : memref<2x320000xi32, #tpu.memory_space<hbm>> -> memref<1x128xi32, #tpu.memory_space<hbm>>
            %dma_wait3A_400 = tpu.memref_slice %run_scoped3A_25[%rem3A_394] : memref<2x!tpu.dma_semaphore, #tpu.memory_space<semaphore_mem>> -> memref<1x!tpu.dma_semaphore, #tpu.memory_space<semaphore_mem>>
            %dma_wait3A_401 = tpu.memref_squeeze %dma_wait3A_400 : memref<1x!tpu.dma_semaphore, #tpu.memory_space<semaphore_mem>> -> memref<!tpu.dma_semaphore, #tpu.memory_space<semaphore_mem>>
            %dma_wait3A_402 = arith.constant 0 : i32
            %dma_wait3A_403 = arith.constant 0 : i32
            %dma_wait3A_404 = tpu.memref_slice %run_scoped3A[%rem3A_394, %dma_wait3A_402, %dma_wait3A_403] : memref<2x1x128xi32, #tpu.memory_space<vmem>> -> memref<1x1x128xi32, #tpu.memory_space<vmem>>
            %dma_wait3A_405 = tpu.memref_squeeze %dma_wait3A_404 : memref<1x1x128xi32, #tpu.memory_space<vmem>> -> memref<1x128xi32, #tpu.memory_space<vmem>>
            %dma_wait3A_406 = arith.constant 0 : i32
            %dma_wait3A_407 = tpu.memref_slice %arg4[%dma_wait3A_406, %mul3A_392] : memref<2x320000xi32, #tpu.memory_space<hbm>> -> memref<1x128xi32, #tpu.memory_space<hbm>>
            tpu.wait_dma2 semaphore(%dma_wait3A_401 : memref<!tpu.dma_semaphore, #tpu.memory_space<semaphore_mem>>) src(%dma_wait3A_407 : memref<1x128xi32, #tpu.memory_space<hbm>>) dst(%dma_wait3A_405 : memref<1x128xi32, #tpu.memory_space<vmem>>)
            "tpu.trace_stop"() : () -> ()
          } else {
          }
          %ne3A_276 = arith.cmpi ne, %add3A_196, %add3A_206 : i32
          %or3A_277 = arith.constant false
          %or3A_278 = arith.ori %or3A_277, %ne3A_276 : i1
          %or3A_279 = arith.ori %or3A_278, %eq3A_192 : i1
          %convert_element_type3A_280 = arith.extui %or3A_279 : i1 to i32
          %cond3A_281 = arith.constant 0 : i32
          %cond3A_282 = arith.cmpi ne, %convert_element_type3A_280, %cond3A_281 : i32
          scf.if %cond3A_282 {
            "tpu.trace_start"() <{level = 10 : i32, message = "ep_wait_in"}> : () -> ()
            %mul3A_391 = arith.constant 128 : i32
            %mul3A_392 = arith.muli %mul3A_391, %add3A_196 : i32
            %rem3A_393 = arith.constant 2 : i32
            %rem3A_394 = arith.remui %while3A_185, %rem3A_393 : i32
            %dma_wait3A = arith.constant 0 : i32
            %dma_wait3A_395 = arith.constant 0 : i32
            %dma_wait3A_396 = tpu.memref_slice %run_scoped3A_26[%rem3A_394, %dma_wait3A, %dma_wait3A_395] : memref<2x1x128xi32, #tpu.memory_space<vmem>> -> memref<1x1x128xi32, #tpu.memory_space<vmem>>
            %dma_wait3A_397 = tpu.memref_squeeze %dma_wait3A_396 : memref<1x1x128xi32, #tpu.memory_space<vmem>> -> memref<1x128xi32, #tpu.memory_space<vmem>>
            %dma_wait3A_398 = arith.constant 1 : i32
            %dma_wait3A_399 = tpu.memref_slice %arg4[%dma_wait3A_398, %mul3A_392] : memref<2x320000xi32, #tpu.memory_space<hbm>> -> memref<1x128xi32, #tpu.memory_space<hbm>>
            %dma_wait3A_400 = tpu.memref_slice %run_scoped3A_27[%rem3A_394] : memref<2x!tpu.dma_semaphore, #tpu.memory_space<semaphore_mem>> -> memref<1x!tpu.dma_semaphore, #tpu.memory_space<semaphore_mem>>
            %dma_wait3A_401 = tpu.memref_squeeze %dma_wait3A_400 : memref<1x!tpu.dma_semaphore, #tpu.memory_space<semaphore_mem>> -> memref<!tpu.dma_semaphore, #tpu.memory_space<semaphore_mem>>
            %dma_wait3A_402 = arith.constant 0 : i32
            %dma_wait3A_403 = arith.constant 0 : i32
            %dma_wait3A_404 = tpu.memref_slice %run_scoped3A_26[%rem3A_394, %dma_wait3A_402, %dma_wait3A_403] : memref<2x1x128xi32, #tpu.memory_space<vmem>> -> memref<1x1x128xi32, #tpu.memory_space<vmem>>
            %dma_wait3A_405 = tpu.memref_squeeze %dma_wait3A_404 : memref<1x1x128xi32, #tpu.memory_space<vmem>> -> memref<1x128xi32, #tpu.memory_space<vmem>>
            %dma_wait3A_406 = arith.constant 1 : i32
            %dma_wait3A_407 = tpu.memref_slice %arg4[%dma_wait3A_406, %mul3A_392] : memref<2x320000xi32, #tpu.memory_space<hbm>> -> memref<1x128xi32, #tpu.memory_space<hbm>>
            tpu.wait_dma2 semaphore(%dma_wait3A_401 : memref<!tpu.dma_semaphore, #tpu.memory_space<semaphore_mem>>) src(%dma_wait3A_407 : memref<1x128xi32, #tpu.memory_space<hbm>>) dst(%dma_wait3A_405 : memref<1x128xi32, #tpu.memory_space<vmem>>)
            "tpu.trace_stop"() : () -> ()
          } else {
          }
          %ne3A_283 = arith.cmpi ne, %add3A_196, %add3A_206 : i32
          %or3A_284 = arith.constant false
          %or3A_285 = arith.ori %or3A_284, %ne3A_283 : i1
          %or3A_286 = arith.constant false
          %or3A_287 = arith.ori %or3A_285, %or3A_286 : i1
          %or3A_288 = arith.ori %or3A_287, %eq3A_192 : i1
          %convert_element_type3A_289 = arith.extui %or3A_288 : i1 to i32
          %cond3A_290 = arith.constant 0 : i32
          %cond3A_291 = arith.cmpi ne, %convert_element_type3A_289, %cond3A_290 : i32
          scf.if %cond3A_291 {
          } else {
          }
          %rem3A_292 = arith.constant 2 : i32
          %rem3A_293 = arith.remui %while3A_183, %rem3A_292 : i32
          %rem3A_294 = arith.constant 2 : i32
          %rem3A_295 = arith.remui %while3A_185, %rem3A_294 : i32
          %rem3A_296 = arith.constant 2 : i32
          %rem3A_297 = arith.remui %while3A_186, %rem3A_296 : i32
          %run_scoped3A_298 = arith.constant 0 : i32
          "tpu.trace_start"() <{level = 10 : i32, message = "ep_run_kernel"}> : () -> ()
          "tpu.region"() ({
            %run_scoped3A_391 = tpu.sem_alloc : memref<!tpu.dma_semaphore, #tpu.memory_space<semaphore_mem>>
            %dma_start3A_392 = arith.constant 0 : i32
            %dma_start3A_393 = arith.constant 0 : i32
            %dma_start3A_394 = tpu.memref_slice %run_scoped3A_28[%rem3A_297, %dma_start3A_392, %dma_start3A_393] : memref<2x128x32xf32, #tpu.memory_space<vmem>> -> memref<1x128x32xf32, #tpu.memory_space<vmem>>
            %dma_start3A_395 = tpu.memref_squeeze %dma_start3A_394 : memref<1x128x32xf32, #tpu.memory_space<vmem>> -> memref<128x32xf32, #tpu.memory_space<vmem>>
            %dma_start3A_396 = arith.constant 0 : i32
            %dma_start3A_397 = arith.constant 0 : i32
            %dma_start3A_398 = tpu.memref_slice %run_scoped3A_26[%rem3A_295, %dma_start3A_396, %dma_start3A_397] : memref<2x1x128xi32, #tpu.memory_space<vmem>> -> memref<1x1x128xi32, #tpu.memory_space<vmem>>
            %dma_start3A_399 = tpu.memref_squeeze %dma_start3A_398 : memref<1x1x128xi32, #tpu.memory_space<vmem>> -> memref<1x128xi32, #tpu.memory_space<vmem>>
            %dma_start3A_400 = arith.constant 0 : i32
            %dma_start3A_401 = tpu.memref_slice %dma_start3A_399[%run_scoped3A_298, %dma_start3A_400] : memref<1x128xi32, #tpu.memory_space<vmem>> -> memref<1x128xi32, #tpu.memory_space<vmem>>
            %dma_start3A_402 = tpu.memref_squeeze %dma_start3A_401 : memref<1x128xi32, #tpu.memory_space<vmem>> -> memref<128xi32, #tpu.memory_space<vmem>>
            %dma_start3A_403 = arith.constant 0 : i32
            %dma_start3A_404 = arith.constant 0 : i32
            %dma_start3A_405 = tpu.memref_slice %arg6[%dma_start3A_403, %dma_start3A_404] : memref<10000x32xf32, #tpu.memory_space<vmem_shared>> -> memref<10000x32xf32, #tpu.memory_space<vmem_shared>>
            tpu.enqueue_indirect_dma source(%dma_start3A_405 : memref<10000x32xf32, #tpu.memory_space<vmem_shared>>) target(%dma_start3A_395 : memref<128x32xf32, #tpu.memory_space<vmem>>) offsets(%dma_start3A_402 : memref<128xi32, #tpu.memory_space<vmem>>) semaphore(%run_scoped3A_391 : memref<!tpu.dma_semaphore, #tpu.memory_space<semaphore_mem>>)
            %dma_wait3A = arith.constant 0 : i32
            %dma_wait3A_406 = arith.constant 0 : i32
            %dma_wait3A_407 = tpu.memref_slice %run_scoped3A_28[%rem3A_297, %dma_wait3A, %dma_wait3A_406] : memref<2x128x32xf32, #tpu.memory_space<vmem>> -> memref<1x128x32xf32, #tpu.memory_space<vmem>>
            %dma_wait3A_408 = tpu.memref_squeeze %dma_wait3A_407 : memref<1x128x32xf32, #tpu.memory_space<vmem>> -> memref<128x32xf32, #tpu.memory_space<vmem>>
            %dma_wait3A_409 = arith.constant 0 : i32
            %dma_wait3A_410 = arith.constant 0 : i32
            %dma_wait3A_411 = tpu.memref_slice %run_scoped3A_26[%rem3A_295, %dma_wait3A_409, %dma_wait3A_410] : memref<2x1x128xi32, #tpu.memory_space<vmem>> -> memref<1x1x128xi32, #tpu.memory_space<vmem>>
            %dma_wait3A_412 = tpu.memref_squeeze %dma_wait3A_411 : memref<1x1x128xi32, #tpu.memory_space<vmem>> -> memref<1x128xi32, #tpu.memory_space<vmem>>
            %dma_wait3A_413 = arith.constant 0 : i32
            %dma_wait3A_414 = tpu.memref_slice %dma_wait3A_412[%run_scoped3A_298, %dma_wait3A_413] : memref<1x128xi32, #tpu.memory_space<vmem>> -> memref<1x128xi32, #tpu.memory_space<vmem>>
            %dma_wait3A_415 = tpu.memref_squeeze %dma_wait3A_414 : memref<1x128xi32, #tpu.memory_space<vmem>> -> memref<128xi32, #tpu.memory_space<vmem>>
            %dma_wait3A_416 = arith.constant 0 : i32
            %dma_wait3A_417 = arith.constant 0 : i32
            %dma_wait3A_418 = tpu.memref_slice %arg6[%dma_wait3A_416, %dma_wait3A_417] : memref<10000x32xf32, #tpu.memory_space<vmem_shared>> -> memref<10000x32xf32, #tpu.memory_space<vmem_shared>>
            tpu.wait_indirect_dma semaphore(%run_scoped3A_391 : memref<!tpu.dma_semaphore, #tpu.memory_space<semaphore_mem>>) src(%dma_wait3A_418 : memref<10000x32xf32, #tpu.memory_space<vmem_shared>>) dst(%dma_wait3A_408 : memref<128x32xf32, #tpu.memory_space<vmem>>)
            tpu.yield
          }) : () -> ()
          %run_scoped3A_299 = arith.constant 0 : i32
          "tpu.region"() ({
            %run_scoped3A_391 = tpu.sem_alloc : memref<!tpu.dma_semaphore, #tpu.memory_space<semaphore_mem>>
            %dma_start3A_392 = arith.constant 0 : i32
            %dma_start3A_393 = arith.constant 0 : i32
            %dma_start3A_394 = tpu.memref_slice %run_scoped3A_28[%rem3A_297, %dma_start3A_392, %dma_start3A_393] : memref<2x128x32xf32, #tpu.memory_space<vmem>> -> memref<1x128x32xf32, #tpu.memory_space<vmem>>
            %dma_start3A_395 = tpu.memref_squeeze %dma_start3A_394 : memref<1x128x32xf32, #tpu.memory_space<vmem>> -> memref<128x32xf32, #tpu.memory_space<vmem>>
            %dma_start3A_396 = arith.constant 0 : i32
            %dma_start3A_397 = arith.constant 0 : i32
            %dma_start3A_398 = tpu.memref_slice %run_scoped3A[%rem3A_293, %dma_start3A_396, %dma_start3A_397] : memref<2x1x128xi32, #tpu.memory_space<vmem>> -> memref<1x1x128xi32, #tpu.memory_space<vmem>>
            %dma_start3A_399 = tpu.memref_squeeze %dma_start3A_398 : memref<1x1x128xi32, #tpu.memory_space<vmem>> -> memref<1x128xi32, #tpu.memory_space<vmem>>
            %dma_start3A_400 = arith.constant 0 : i32
            %dma_start3A_401 = tpu.memref_slice %dma_start3A_399[%run_scoped3A_299, %dma_start3A_400] : memref<1x128xi32, #tpu.memory_space<vmem>> -> memref<1x128xi32, #tpu.memory_space<vmem>>
            %dma_start3A_402 = tpu.memref_squeeze %dma_start3A_401 : memref<1x128xi32, #tpu.memory_space<vmem>> -> memref<128xi32, #tpu.memory_space<vmem>>
            %dma_start3A_403 = arith.constant 0 : i32
            %dma_start3A_404 = arith.constant 0 : i32
            %dma_start3A_405 = tpu.memref_slice %arg7[%dma_start3A_403, %dma_start3A_404] : memref<10000x32xf32, #tpu.memory_space<vmem_shared>> -> memref<10000x32xf32, #tpu.memory_space<vmem_shared>>
            tpu.enqueue_indirect_dma source(%dma_start3A_405 : memref<10000x32xf32, #tpu.memory_space<vmem_shared>>) target(%dma_start3A_395 : memref<128x32xf32, #tpu.memory_space<vmem>>) offsets(%dma_start3A_402 : memref<128xi32, #tpu.memory_space<vmem>>) semaphore(%run_scoped3A_391 : memref<!tpu.dma_semaphore, #tpu.memory_space<semaphore_mem>>) {add = true}
            %dma_wait3A = arith.constant 0 : i32
            %dma_wait3A_406 = arith.constant 0 : i32
            %dma_wait3A_407 = tpu.memref_slice %run_scoped3A_28[%rem3A_297, %dma_wait3A, %dma_wait3A_406] : memref<2x128x32xf32, #tpu.memory_space<vmem>> -> memref<1x128x32xf32, #tpu.memory_space<vmem>>
            %dma_wait3A_408 = tpu.memref_squeeze %dma_wait3A_407 : memref<1x128x32xf32, #tpu.memory_space<vmem>> -> memref<128x32xf32, #tpu.memory_space<vmem>>
            %dma_wait3A_409 = arith.constant 0 : i32
            %dma_wait3A_410 = arith.constant 0 : i32
            %dma_wait3A_411 = tpu.memref_slice %run_scoped3A[%rem3A_293, %dma_wait3A_409, %dma_wait3A_410] : memref<2x1x128xi32, #tpu.memory_space<vmem>> -> memref<1x1x128xi32, #tpu.memory_space<vmem>>
            %dma_wait3A_412 = tpu.memref_squeeze %dma_wait3A_411 : memref<1x1x128xi32, #tpu.memory_space<vmem>> -> memref<1x128xi32, #tpu.memory_space<vmem>>
            %dma_wait3A_413 = arith.constant 0 : i32
            %dma_wait3A_414 = tpu.memref_slice %dma_wait3A_412[%run_scoped3A_299, %dma_wait3A_413] : memref<1x128xi32, #tpu.memory_space<vmem>> -> memref<1x128xi32, #tpu.memory_space<vmem>>
            %dma_wait3A_415 = tpu.memref_squeeze %dma_wait3A_414 : memref<1x128xi32, #tpu.memory_space<vmem>> -> memref<128xi32, #tpu.memory_space<vmem>>
            %dma_wait3A_416 = arith.constant 0 : i32
            %dma_wait3A_417 = arith.constant 0 : i32
            %dma_wait3A_418 = tpu.memref_slice %arg7[%dma_wait3A_416, %dma_wait3A_417] : memref<10000x32xf32, #tpu.memory_space<vmem_shared>> -> memref<10000x32xf32, #tpu.memory_space<vmem_shared>>
            tpu.wait_indirect_dma semaphore(%run_scoped3A_391 : memref<!tpu.dma_semaphore, #tpu.memory_space<semaphore_mem>>) src(%dma_wait3A_418 : memref<10000x32xf32, #tpu.memory_space<vmem_shared>>) dst(%dma_wait3A_408 : memref<128x32xf32, #tpu.memory_space<vmem>>)
            tpu.yield
          }) : () -> ()
          "tpu.trace_stop"() : () -> ()
          %ne3A_300 = arith.cmpi ne, %add3A_196, %add3A_214 : i32
          %or3A_301 = arith.constant false
          %or3A_302 = arith.ori %or3A_301, %ne3A_300 : i1
          %or3A_303 = arith.ori %or3A_302, %eq3A_195 : i1
          %convert_element_type3A_304 = arith.extui %or3A_303 : i1 to i32
          %cond3A_305 = arith.constant 0 : i32
          %cond3A_306 = arith.cmpi ne, %convert_element_type3A_304, %cond3A_305 : i32
          scf.if %cond3A_306 {
          } else {
          }
          %and3A_307 = arith.constant false
          %and3A_308 = arith.andi %or3A_303, %and3A_307 : i1
          %ne3A_309 = arith.cmpi ne, %add3A_196, %add3A_214 : i32
          %or3A_310 = arith.constant false
          %or3A_311 = arith.ori %or3A_310, %ne3A_309 : i1
          %or3A_312 = arith.ori %or3A_311, %eq3A_195 : i1
          %convert_element_type3A_313 = arith.extui %or3A_312 : i1 to i32
          %cond3A_314 = arith.constant 0 : i32
          %cond3A_315 = arith.cmpi ne, %convert_element_type3A_313, %cond3A_314 : i32
          scf.if %cond3A_315 {
          } else {
          }
          %and3A_316 = arith.constant false
          %and3A_317 = arith.andi %or3A_312, %and3A_316 : i1
          %ne3A_318 = arith.cmpi ne, %add3A_196, %add3A_214 : i32
          %or3A_319 = arith.constant false
          %or3A_320 = arith.ori %or3A_319, %ne3A_318 : i1
          %or3A_321 = arith.constant false
          %or3A_322 = arith.ori %or3A_320, %or3A_321 : i1
          %or3A_323 = arith.ori %or3A_322, %eq3A_195 : i1
          %convert_element_type3A_324 = arith.extui %or3A_323 : i1 to i32
          %cond3A_325 = arith.constant 0 : i32
          %cond3A_326 = arith.cmpi ne, %convert_element_type3A_324, %cond3A_325 : i32
          scf.if %cond3A_326 {
            "tpu.trace_start"() <{level = 10 : i32, message = "ep_copy_out"}> : () -> ()
            %rem3A_391 = arith.constant 2 : i32
            %rem3A_392 = arith.remui %while3A_186, %rem3A_391 : i32
            %mul3A_393 = arith.constant 128 : i32
            %mul3A_394 = arith.muli %mul3A_393, %add3A_196 : i32
            %dma_start3A_395 = arith.constant 0 : i32
            %dma_start3A_396 = arith.constant 0 : i32
            %dma_start3A_397 = tpu.memref_slice %run_scoped3A_28[%rem3A_392, %dma_start3A_395, %dma_start3A_396] : memref<2x128x32xf32, #tpu.memory_space<vmem>> -> memref<1x128x32xf32, #tpu.memory_space<vmem>>
            %dma_start3A_398 = tpu.memref_squeeze %dma_start3A_397 : memref<1x128x32xf32, #tpu.memory_space<vmem>> -> memref<128x32xf32, #tpu.memory_space<vmem>>
            %dma_start3A_399 = arith.constant 0 : i32
            %dma_start3A_400 = tpu.memref_slice %arg5[%mul3A_394, %dma_start3A_399] : memref<320000x32xf32, #tpu.memory_space<hbm>> -> memref<128x32xf32, #tpu.memory_space<hbm>>
            %dma_start3A_401 = tpu.memref_slice %run_scoped3A_29[%rem3A_392] : memref<2x!tpu.dma_semaphore, #tpu.memory_space<semaphore_mem>> -> memref<1x!tpu.dma_semaphore, #tpu.memory_space<semaphore_mem>>
            %dma_start3A_402 = tpu.memref_squeeze %dma_start3A_401 : memref<1x!tpu.dma_semaphore, #tpu.memory_space<semaphore_mem>> -> memref<!tpu.dma_semaphore, #tpu.memory_space<semaphore_mem>>
            %dma_start3A_403 = arith.constant 0 : i32
            %dma_start3A_404 = tpu.memref_slice %arg5[%mul3A_394, %dma_start3A_403] : memref<320000x32xf32, #tpu.memory_space<hbm>> -> memref<128x32xf32, #tpu.memory_space<hbm>>
            %dma_start3A_405 = arith.constant 0 : i32
            %dma_start3A_406 = arith.constant 0 : i32
            %dma_start3A_407 = tpu.memref_slice %run_scoped3A_28[%rem3A_392, %dma_start3A_405, %dma_start3A_406] : memref<2x128x32xf32, #tpu.memory_space<vmem>> -> memref<1x128x32xf32, #tpu.memory_space<vmem>>
            %dma_start3A_408 = tpu.memref_squeeze %dma_start3A_407 : memref<1x128x32xf32, #tpu.memory_space<vmem>> -> memref<128x32xf32, #tpu.memory_space<vmem>>
            tpu.enqueue_dma source(%dma_start3A_408 : memref<128x32xf32, #tpu.memory_space<vmem>>) target(%dma_start3A_404 : memref<128x32xf32, #tpu.memory_space<hbm>>) target_semaphore(%dma_start3A_402 : memref<!tpu.dma_semaphore, #tpu.memory_space<semaphore_mem>>)
            "tpu.trace_stop"() : () -> ()
          } else {
          }
          %and3A_327 = arith.constant true
          %and3A_328 = arith.andi %or3A_323, %and3A_327 : i1
          %add3A_329 = arith.constant 1 : i32
          %add3A_330 = arith.addi %while3A_186, %add3A_329 : i32
          %select_n3A_331 = arith.select %and3A_328, %add3A_330, %while3A_186 : i32
          %ne3A_332 = arith.cmpi ne, %add3A_196, %add3A_206 : i32
          %or3A_333 = arith.constant false
          %or3A_334 = arith.ori %or3A_333, %ne3A_332 : i1
          %not3A_335 = arith.constant true
          %not3A_336 = arith.xori %eq3A_192, %not3A_335 : i1
          %and3A_337 = arith.andi %or3A_334, %not3A_336 : i1
          %convert_element_type3A_338 = arith.extui %and3A_337 : i1 to i32
          %cond3A_339 = arith.constant 0 : i32
          %cond3A_340 = arith.cmpi ne, %convert_element_type3A_338, %cond3A_339 : i32
          scf.if %cond3A_340 {
          } else {
          }
          %and3A_341 = arith.constant false
          %and3A_342 = arith.andi %and3A_337, %and3A_341 : i1
          %ne3A_343 = arith.cmpi ne, %add3A_196, %add3A_206 : i32
          %or3A_344 = arith.constant false
          %or3A_345 = arith.ori %or3A_344, %ne3A_343 : i1
          %not3A_346 = arith.constant true
          %not3A_347 = arith.xori %eq3A_192, %not3A_346 : i1
          %and3A_348 = arith.andi %or3A_345, %not3A_347 : i1
          %convert_element_type3A_349 = arith.extui %and3A_348 : i1 to i32
          %cond3A_350 = arith.constant 0 : i32
          %cond3A_351 = arith.cmpi ne, %convert_element_type3A_349, %cond3A_350 : i32
          scf.if %cond3A_351 {
          } else {
          }
          %and3A_352 = arith.constant false
          %and3A_353 = arith.andi %and3A_348, %and3A_352 : i1
          %ne3A_354 = arith.cmpi ne, %add3A_196, %add3A_206 : i32
          %or3A_355 = arith.constant false
          %or3A_356 = arith.ori %or3A_355, %ne3A_354 : i1
          %or3A_357 = arith.constant false
          %or3A_358 = arith.ori %or3A_356, %or3A_357 : i1
          %not3A_359 = arith.constant true
          %not3A_360 = arith.xori %eq3A_192, %not3A_359 : i1
          %and3A_361 = arith.andi %or3A_358, %not3A_360 : i1
          %convert_element_type3A_362 = arith.extui %and3A_361 : i1 to i32
          %cond3A_363 = arith.constant 0 : i32
          %cond3A_364 = arith.cmpi ne, %convert_element_type3A_362, %cond3A_363 : i32
          scf.if %cond3A_364 {
            "tpu.trace_start"() <{level = 10 : i32, message = "ep_wait_out"}> : () -> ()
            %rem3A_391 = arith.constant 2 : i32
            %rem3A_392 = arith.remui %while3A_187, %rem3A_391 : i32
            %mul3A_393 = arith.constant 128 : i32
            %mul3A_394 = arith.muli %mul3A_393, %add3A_206 : i32
            %dma_wait3A = arith.constant 0 : i32
            %dma_wait3A_395 = arith.constant 0 : i32
            %dma_wait3A_396 = tpu.memref_slice %run_scoped3A_28[%rem3A_392, %dma_wait3A, %dma_wait3A_395] : memref<2x128x32xf32, #tpu.memory_space<vmem>> -> memref<1x128x32xf32, #tpu.memory_space<vmem>>
            %dma_wait3A_397 = tpu.memref_squeeze %dma_wait3A_396 : memref<1x128x32xf32, #tpu.memory_space<vmem>> -> memref<128x32xf32, #tpu.memory_space<vmem>>
            %dma_wait3A_398 = arith.constant 0 : i32
            %dma_wait3A_399 = tpu.memref_slice %arg5[%mul3A_394, %dma_wait3A_398] : memref<320000x32xf32, #tpu.memory_space<hbm>> -> memref<128x32xf32, #tpu.memory_space<hbm>>
            %dma_wait3A_400 = tpu.memref_slice %run_scoped3A_29[%rem3A_392] : memref<2x!tpu.dma_semaphore, #tpu.memory_space<semaphore_mem>> -> memref<1x!tpu.dma_semaphore, #tpu.memory_space<semaphore_mem>>
            %dma_wait3A_401 = tpu.memref_squeeze %dma_wait3A_400 : memref<1x!tpu.dma_semaphore, #tpu.memory_space<semaphore_mem>> -> memref<!tpu.dma_semaphore, #tpu.memory_space<semaphore_mem>>
            %dma_wait3A_402 = arith.constant 0 : i32
            %dma_wait3A_403 = tpu.memref_slice %arg5[%mul3A_394, %dma_wait3A_402] : memref<320000x32xf32, #tpu.memory_space<hbm>> -> memref<128x32xf32, #tpu.memory_space<hbm>>
            %dma_wait3A_404 = arith.constant 0 : i32
            %dma_wait3A_405 = arith.constant 0 : i32
            %dma_wait3A_406 = tpu.memref_slice %run_scoped3A_28[%rem3A_392, %dma_wait3A_404, %dma_wait3A_405] : memref<2x128x32xf32, #tpu.memory_space<vmem>> -> memref<1x128x32xf32, #tpu.memory_space<vmem>>
            %dma_wait3A_407 = tpu.memref_squeeze %dma_wait3A_406 : memref<1x128x32xf32, #tpu.memory_space<vmem>> -> memref<128x32xf32, #tpu.memory_space<vmem>>
            tpu.wait_dma2 semaphore(%dma_wait3A_401 : memref<!tpu.dma_semaphore, #tpu.memory_space<semaphore_mem>>) src(%dma_wait3A_407 : memref<128x32xf32, #tpu.memory_space<vmem>>) dst(%dma_wait3A_403 : memref<128x32xf32, #tpu.memory_space<hbm>>)
            "tpu.trace_stop"() : () -> ()
          } else {
          }
          %and3A_365 = arith.constant true
          %and3A_366 = arith.andi %and3A_361, %and3A_365 : i1
          %add3A_367 = arith.constant 1 : i32
          %add3A_368 = arith.addi %while3A_187, %add3A_367 : i32
          %select_n3A_369 = arith.select %and3A_366, %add3A_368, %while3A_187 : i32
          %ne3A_370 = arith.cmpi ne, %add3A_196, %add3A_214 : i32
          %or3A_371 = arith.constant false
          %or3A_372 = arith.ori %or3A_371, %ne3A_370 : i1
          %or3A_373 = arith.ori %or3A_372, %eq3A_195 : i1
          %add3A_374 = arith.constant 1 : i32
          %add3A_375 = arith.addi %while3A_183, %add3A_374 : i32
          %select_n3A_376 = arith.select %or3A_373, %add3A_375, %while3A_183 : i32
          %ne3A_377 = arith.cmpi ne, %add3A_196, %add3A_214 : i32
          %or3A_378 = arith.constant false
          %or3A_379 = arith.ori %or3A_378, %ne3A_377 : i1
          %or3A_380 = arith.ori %or3A_379, %eq3A_195 : i1
          %add3A_381 = arith.constant 1 : i32
          %add3A_382 = arith.addi %while3A_185, %add3A_381 : i32
          %select_n3A_383 = arith.select %or3A_380, %add3A_382, %while3A_185 : i32
          %add3A_384 = arith.constant 1 : i32
          %add3A_385 = arith.addi %while3A_188, %add3A_384 : i32
          %select_n3A_386 = arith.constant true
          %select_n3A_387 = arith.select %select_n3A_386, %add3A_385, %while3A_188 : i32
          %eq3A_388 = arith.cmpi eq, %select_n3A_387, %select_n3A : i32
          %select_n3A_389 = arith.constant 0 : i32
          %select_n3A_390 = arith.select %eq3A_388, %select_n3A_389, %select_n3A_387 : i32
          scf.yield %select_n3A_236, %select_n3A_376, %select_n3A_255, %select_n3A_383, %select_n3A_331, %select_n3A_369, %select_n3A_390 : i32, i32, i32, i32, i32, i32, i32
        }
        %while3A_125 = arith.constant 1 : i32
        %while3A_126:7 = scf.for %while3A_181 = %while3A_122 to %while3A_118 step %while3A_125 iter_args(%while3A_182 = %while3A_124#0, %while3A_183 = %while3A_124#1, %while3A_184 = %while3A_124#2, %while3A_185 = %while3A_124#3, %while3A_186 = %while3A_124#4, %while3A_187 = %while3A_124#5, %while3A_188 = %while3A_124#6) -> (i32, i32, i32, i32, i32, i32, i32)  : i32 {
          %mul3A_189 = arith.constant 1 : i32
          %mul3A_190 = arith.muli %mul3A_189, %select_n3A : i32
          %eq3A_191 = arith.constant 0 : i32
          %eq3A_192 = arith.cmpi eq, %while3A_181, %eq3A_191 : i32
          %sub3A_193 = arith.constant 1 : i32
          %sub3A_194 = arith.subi %mul3A_190, %sub3A_193 : i32
          %eq3A_195 = arith.cmpi eq, %while3A_181, %sub3A_194 : i32
          %add3A_196 = arith.addi %while3A_188, %select_n3A_22 : i32
          %sub3A_197 = arith.constant 1 : i32
          %sub3A_198 = arith.subi %while3A_188, %sub3A_197 : i32
          %select_n3A_199 = arith.constant true
          %select_n3A_200 = arith.select %select_n3A_199, %sub3A_198, %while3A_188 : i32
          %eq3A_201 = arith.constant -1 : i32
          %eq3A_202 = arith.cmpi eq, %select_n3A_200, %eq3A_201 : i32
          %sub3A_203 = arith.constant 1 : i32
          %sub3A_204 = arith.subi %select_n3A, %sub3A_203 : i32
          %select_n3A_205 = arith.select %eq3A_202, %sub3A_204, %select_n3A_200 : i32
          %add3A_206 = arith.addi %select_n3A_205, %select_n3A_22 : i32
          %add3A_207 = arith.constant 1 : i32
          %add3A_208 = arith.addi %while3A_188, %add3A_207 : i32
          %select_n3A_209 = arith.constant true
          %select_n3A_210 = arith.select %select_n3A_209, %add3A_208, %while3A_188 : i32
          %eq3A_211 = arith.cmpi eq, %select_n3A_210, %select_n3A : i32
          %select_n3A_212 = arith.constant 0 : i32
          %select_n3A_213 = arith.select %eq3A_211, %select_n3A_212, %select_n3A_210 : i32
          %add3A_214 = arith.addi %select_n3A_213, %select_n3A_22 : i32
          %add3A_215 = arith.constant 1 : i32
          %add3A_216 = arith.addi %select_n3A_213, %add3A_215 : i32
          %select_n3A_217 = arith.constant true
          %select_n3A_218 = arith.select %select_n3A_217, %add3A_216, %select_n3A_213 : i32
          %eq3A_219 = arith.cmpi eq, %select_n3A_218, %select_n3A : i32
          %select_n3A_220 = arith.constant 0 : i32
          %select_n3A_221 = arith.select %eq3A_219, %select_n3A_220, %select_n3A_218 : i32
          %add3A_222 = arith.addi %select_n3A_221, %select_n3A_22 : i32
          %ne3A = arith.cmpi ne, %add3A_196, %add3A_214 : i32
          %or3A = arith.constant false
          %or3A_223 = arith.ori %or3A, %ne3A : i1
          %sub3A_224 = arith.constant 2 : i32
          %sub3A_225 = arith.subi %mul3A_190, %sub3A_224 : i32
          %add3A_226 = arith.constant 1 : i32
          %add3A_227 = arith.addi %sub3A_225, %add3A_226 : i32
          %ge3A = arith.cmpi sge, %while3A_181, %add3A_227 : i32
          %not3A = arith.constant true
          %not3A_228 = arith.xori %ge3A, %not3A : i1
          %and3A = arith.andi %or3A_223, %not3A_228 : i1
          %convert_element_type3A_229 = arith.extui %and3A : i1 to i32
          %cond3A_230 = arith.constant 0 : i32
          %cond3A_231 = arith.cmpi ne, %convert_element_type3A_229, %cond3A_230 : i32
          scf.if %cond3A_231 {
            "tpu.trace_start"() <{level = 10 : i32, message = "ep_copy_in"}> : () -> ()
            %rem3A_391 = arith.constant 2 : i32
            %rem3A_392 = arith.remui %while3A_182, %rem3A_391 : i32
            %mul3A_393 = arith.constant 128 : i32
            %mul3A_394 = arith.muli %mul3A_393, %add3A_214 : i32
            %dma_start3A_395 = arith.constant 0 : i32
            %dma_start3A_396 = arith.constant 0 : i32
            %dma_start3A_397 = tpu.memref_slice %run_scoped3A[%rem3A_392, %dma_start3A_395, %dma_start3A_396] : memref<2x1x128xi32, #tpu.memory_space<vmem>> -> memref<1x1x128xi32, #tpu.memory_space<vmem>>
            %dma_start3A_398 = tpu.memref_squeeze %dma_start3A_397 : memref<1x1x128xi32, #tpu.memory_space<vmem>> -> memref<1x128xi32, #tpu.memory_space<vmem>>
            %dma_start3A_399 = arith.constant 0 : i32
            %dma_start3A_400 = tpu.memref_slice %arg4[%dma_start3A_399, %mul3A_394] : memref<2x320000xi32, #tpu.memory_space<hbm>> -> memref<1x128xi32, #tpu.memory_space<hbm>>
            %dma_start3A_401 = tpu.memref_slice %run_scoped3A_25[%rem3A_392] : memref<2x!tpu.dma_semaphore, #tpu.memory_space<semaphore_mem>> -> memref<1x!tpu.dma_semaphore, #tpu.memory_space<semaphore_mem>>
            %dma_start3A_402 = tpu.memref_squeeze %dma_start3A_401 : memref<1x!tpu.dma_semaphore, #tpu.memory_space<semaphore_mem>> -> memref<!tpu.dma_semaphore, #tpu.memory_space<semaphore_mem>>
            %dma_start3A_403 = arith.constant 0 : i32
            %dma_start3A_404 = arith.constant 0 : i32
            %dma_start3A_405 = tpu.memref_slice %run_scoped3A[%rem3A_392, %dma_start3A_403, %dma_start3A_404] : memref<2x1x128xi32, #tpu.memory_space<vmem>> -> memref<1x1x128xi32, #tpu.memory_space<vmem>>
            %dma_start3A_406 = tpu.memref_squeeze %dma_start3A_405 : memref<1x1x128xi32, #tpu.memory_space<vmem>> -> memref<1x128xi32, #tpu.memory_space<vmem>>
            %dma_start3A_407 = arith.constant 0 : i32
            %dma_start3A_408 = tpu.memref_slice %arg4[%dma_start3A_407, %mul3A_394] : memref<2x320000xi32, #tpu.memory_space<hbm>> -> memref<1x128xi32, #tpu.memory_space<hbm>>
            tpu.enqueue_dma source(%dma_start3A_408 : memref<1x128xi32, #tpu.memory_space<hbm>>) target(%dma_start3A_406 : memref<1x128xi32, #tpu.memory_space<vmem>>) target_semaphore(%dma_start3A_402 : memref<!tpu.dma_semaphore, #tpu.memory_space<semaphore_mem>>)
            "tpu.trace_stop"() : () -> ()
          } else {
          }
          %and3A_232 = arith.constant true
          %and3A_233 = arith.andi %and3A, %and3A_232 : i1
          %add3A_234 = arith.constant 1 : i32
          %add3A_235 = arith.addi %while3A_182, %add3A_234 : i32
          %select_n3A_236 = arith.select %and3A_233, %add3A_235, %while3A_182 : i32
          %ne3A_237 = arith.cmpi ne, %add3A_196, %add3A_214 : i32
          %or3A_238 = arith.constant false
          %or3A_239 = arith.ori %or3A_238, %ne3A_237 : i1
          %sub3A_240 = arith.constant 2 : i32
          %sub3A_241 = arith.subi %mul3A_190, %sub3A_240 : i32
          %add3A_242 = arith.constant 1 : i32
          %add3A_243 = arith.addi %sub3A_241, %add3A_242 : i32
          %ge3A_244 = arith.cmpi sge, %while3A_181, %add3A_243 : i32
          %not3A_245 = arith.constant true
          %not3A_246 = arith.xori %ge3A_244, %not3A_245 : i1
          %and3A_247 = arith.andi %or3A_239, %not3A_246 : i1
          %convert_element_type3A_248 = arith.extui %and3A_247 : i1 to i32
          %cond3A_249 = arith.constant 0 : i32
          %cond3A_250 = arith.cmpi ne, %convert_element_type3A_248, %cond3A_249 : i32
          scf.if %cond3A_250 {
            "tpu.trace_start"() <{level = 10 : i32, message = "ep_copy_in"}> : () -> ()
            %rem3A_391 = arith.constant 2 : i32
            %rem3A_392 = arith.remui %while3A_184, %rem3A_391 : i32
            %mul3A_393 = arith.constant 128 : i32
            %mul3A_394 = arith.muli %mul3A_393, %add3A_214 : i32
            %dma_start3A_395 = arith.constant 0 : i32
            %dma_start3A_396 = arith.constant 0 : i32
            %dma_start3A_397 = tpu.memref_slice %run_scoped3A_26[%rem3A_392, %dma_start3A_395, %dma_start3A_396] : memref<2x1x128xi32, #tpu.memory_space<vmem>> -> memref<1x1x128xi32, #tpu.memory_space<vmem>>
            %dma_start3A_398 = tpu.memref_squeeze %dma_start3A_397 : memref<1x1x128xi32, #tpu.memory_space<vmem>> -> memref<1x128xi32, #tpu.memory_space<vmem>>
            %dma_start3A_399 = arith.constant 1 : i32
            %dma_start3A_400 = tpu.memref_slice %arg4[%dma_start3A_399, %mul3A_394] : memref<2x320000xi32, #tpu.memory_space<hbm>> -> memref<1x128xi32, #tpu.memory_space<hbm>>
            %dma_start3A_401 = tpu.memref_slice %run_scoped3A_27[%rem3A_392] : memref<2x!tpu.dma_semaphore, #tpu.memory_space<semaphore_mem>> -> memref<1x!tpu.dma_semaphore, #tpu.memory_space<semaphore_mem>>
            %dma_start3A_402 = tpu.memref_squeeze %dma_start3A_401 : memref<1x!tpu.dma_semaphore, #tpu.memory_space<semaphore_mem>> -> memref<!tpu.dma_semaphore, #tpu.memory_space<semaphore_mem>>
            %dma_start3A_403 = arith.constant 0 : i32
            %dma_start3A_404 = arith.constant 0 : i32
            %dma_start3A_405 = tpu.memref_slice %run_scoped3A_26[%rem3A_392, %dma_start3A_403, %dma_start3A_404] : memref<2x1x128xi32, #tpu.memory_space<vmem>> -> memref<1x1x128xi32, #tpu.memory_space<vmem>>
            %dma_start3A_406 = tpu.memref_squeeze %dma_start3A_405 : memref<1x1x128xi32, #tpu.memory_space<vmem>> -> memref<1x128xi32, #tpu.memory_space<vmem>>
            %dma_start3A_407 = arith.constant 1 : i32
            %dma_start3A_408 = tpu.memref_slice %arg4[%dma_start3A_407, %mul3A_394] : memref<2x320000xi32, #tpu.memory_space<hbm>> -> memref<1x128xi32, #tpu.memory_space<hbm>>
            tpu.enqueue_dma source(%dma_start3A_408 : memref<1x128xi32, #tpu.memory_space<hbm>>) target(%dma_start3A_406 : memref<1x128xi32, #tpu.memory_space<vmem>>) target_semaphore(%dma_start3A_402 : memref<!tpu.dma_semaphore, #tpu.memory_space<semaphore_mem>>)
            "tpu.trace_stop"() : () -> ()
          } else {
          }
          %and3A_251 = arith.constant true
          %and3A_252 = arith.andi %and3A_247, %and3A_251 : i1
          %add3A_253 = arith.constant 1 : i32
          %add3A_254 = arith.addi %while3A_184, %add3A_253 : i32
          %select_n3A_255 = arith.select %and3A_252, %add3A_254, %while3A_184 : i32
          %ne3A_256 = arith.cmpi ne, %add3A_196, %add3A_214 : i32
          %or3A_257 = arith.constant false
          %or3A_258 = arith.ori %or3A_257, %ne3A_256 : i1
          %or3A_259 = arith.constant false
          %or3A_260 = arith.ori %or3A_258, %or3A_259 : i1
          %sub3A_261 = arith.constant 2 : i32
          %sub3A_262 = arith.subi %mul3A_190, %sub3A_261 : i32
          %add3A_263 = arith.constant 1 : i32
          %add3A_264 = arith.addi %sub3A_262, %add3A_263 : i32
          %ge3A_265 = arith.cmpi sge, %while3A_181, %add3A_264 : i32
          %not3A_266 = arith.constant true
          %not3A_267 = arith.xori %ge3A_265, %not3A_266 : i1
          %and3A_268 = arith.andi %or3A_260, %not3A_267 : i1
          %ne3A_269 = arith.cmpi ne, %add3A_196, %add3A_206 : i32
          %or3A_270 = arith.constant false
          %or3A_271 = arith.ori %or3A_270, %ne3A_269 : i1
          %or3A_272 = arith.ori %or3A_271, %eq3A_192 : i1
          %convert_element_type3A_273 = arith.extui %or3A_272 : i1 to i32
          %cond3A_274 = arith.constant 0 : i32
          %cond3A_275 = arith.cmpi ne, %convert_element_type3A_273, %cond3A_274 : i32
          scf.if %cond3A_275 {
            "tpu.trace_start"() <{level = 10 : i32, message = "ep_wait_in"}> : () -> ()
            %mul3A_391 = arith.constant 128 : i32
            %mul3A_392 = arith.muli %mul3A_391, %add3A_196 : i32
            %rem3A_393 = arith.constant 2 : i32
            %rem3A_394 = arith.remui %while3A_183, %rem3A_393 : i32
            %dma_wait3A = arith.constant 0 : i32
            %dma_wait3A_395 = arith.constant 0 : i32
            %dma_wait3A_396 = tpu.memref_slice %run_scoped3A[%rem3A_394, %dma_wait3A, %dma_wait3A_395] : memref<2x1x128xi32, #tpu.memory_space<vmem>> -> memref<1x1x128xi32, #tpu.memory_space<vmem>>
            %dma_wait3A_397 = tpu.memref_squeeze %dma_wait3A_396 : memref<1x1x128xi32, #tpu.memory_space<vmem>> -> memref<1x128xi32, #tpu.memory_space<vmem>>
            %dma_wait3A_398 = arith.constant 0 : i32
            %dma_wait3A_399 = tpu.memref_slice %arg4[%dma_wait3A_398, %mul3A_392] : memref<2x320000xi32, #tpu.memory_space<hbm>> -> memref<1x128xi32, #tpu.memory_space<hbm>>
            %dma_wait3A_400 = tpu.memref_slice %run_scoped3A_25[%rem3A_394] : memref<2x!tpu.dma_semaphore, #tpu.memory_space<semaphore_mem>> -> memref<1x!tpu.dma_semaphore, #tpu.memory_space<semaphore_mem>>
            %dma_wait3A_401 = tpu.memref_squeeze %dma_wait3A_400 : memref<1x!tpu.dma_semaphore, #tpu.memory_space<semaphore_mem>> -> memref<!tpu.dma_semaphore, #tpu.memory_space<semaphore_mem>>
            %dma_wait3A_402 = arith.constant 0 : i32
            %dma_wait3A_403 = arith.constant 0 : i32
            %dma_wait3A_404 = tpu.memref_slice %run_scoped3A[%rem3A_394, %dma_wait3A_402, %dma_wait3A_403] : memref<2x1x128xi32, #tpu.memory_space<vmem>> -> memref<1x1x128xi32, #tpu.memory_space<vmem>>
            %dma_wait3A_405 = tpu.memref_squeeze %dma_wait3A_404 : memref<1x1x128xi32, #tpu.memory_space<vmem>> -> memref<1x128xi32, #tpu.memory_space<vmem>>
            %dma_wait3A_406 = arith.constant 0 : i32
            %dma_wait3A_407 = tpu.memref_slice %arg4[%dma_wait3A_406, %mul3A_392] : memref<2x320000xi32, #tpu.memory_space<hbm>> -> memref<1x128xi32, #tpu.memory_space<hbm>>
            tpu.wait_dma2 semaphore(%dma_wait3A_401 : memref<!tpu.dma_semaphore, #tpu.memory_space<semaphore_mem>>) src(%dma_wait3A_407 : memref<1x128xi32, #tpu.memory_space<hbm>>) dst(%dma_wait3A_405 : memref<1x128xi32, #tpu.memory_space<vmem>>)
            "tpu.trace_stop"() : () -> ()
          } else {
          }
          %ne3A_276 = arith.cmpi ne, %add3A_196, %add3A_206 : i32
          %or3A_277 = arith.constant false
          %or3A_278 = arith.ori %or3A_277, %ne3A_276 : i1
          %or3A_279 = arith.ori %or3A_278, %eq3A_192 : i1
          %convert_element_type3A_280 = arith.extui %or3A_279 : i1 to i32
          %cond3A_281 = arith.constant 0 : i32
          %cond3A_282 = arith.cmpi ne, %convert_element_type3A_280, %cond3A_281 : i32
          scf.if %cond3A_282 {
            "tpu.trace_start"() <{level = 10 : i32, message = "ep_wait_in"}> : () -> ()
            %mul3A_391 = arith.constant 128 : i32
            %mul3A_392 = arith.muli %mul3A_391, %add3A_196 : i32
            %rem3A_393 = arith.constant 2 : i32
            %rem3A_394 = arith.remui %while3A_185, %rem3A_393 : i32
            %dma_wait3A = arith.constant 0 : i32
            %dma_wait3A_395 = arith.constant 0 : i32
            %dma_wait3A_396 = tpu.memref_slice %run_scoped3A_26[%rem3A_394, %dma_wait3A, %dma_wait3A_395] : memref<2x1x128xi32, #tpu.memory_space<vmem>> -> memref<1x1x128xi32, #tpu.memory_space<vmem>>
            %dma_wait3A_397 = tpu.memref_squeeze %dma_wait3A_396 : memref<1x1x128xi32, #tpu.memory_space<vmem>> -> memref<1x128xi32, #tpu.memory_space<vmem>>
            %dma_wait3A_398 = arith.constant 1 : i32
            %dma_wait3A_399 = tpu.memref_slice %arg4[%dma_wait3A_398, %mul3A_392] : memref<2x320000xi32, #tpu.memory_space<hbm>> -> memref<1x128xi32, #tpu.memory_space<hbm>>
            %dma_wait3A_400 = tpu.memref_slice %run_scoped3A_27[%rem3A_394] : memref<2x!tpu.dma_semaphore, #tpu.memory_space<semaphore_mem>> -> memref<1x!tpu.dma_semaphore, #tpu.memory_space<semaphore_mem>>
            %dma_wait3A_401 = tpu.memref_squeeze %dma_wait3A_400 : memref<1x!tpu.dma_semaphore, #tpu.memory_space<semaphore_mem>> -> memref<!tpu.dma_semaphore, #tpu.memory_space<semaphore_mem>>
            %dma_wait3A_402 = arith.constant 0 : i32
            %dma_wait3A_403 = arith.constant 0 : i32
            %dma_wait3A_404 = tpu.memref_slice %run_scoped3A_26[%rem3A_394, %dma_wait3A_402, %dma_wait3A_403] : memref<2x1x128xi32, #tpu.memory_space<vmem>> -> memref<1x1x128xi32, #tpu.memory_space<vmem>>
            %dma_wait3A_405 = tpu.memref_squeeze %dma_wait3A_404 : memref<1x1x128xi32, #tpu.memory_space<vmem>> -> memref<1x128xi32, #tpu.memory_space<vmem>>
            %dma_wait3A_406 = arith.constant 1 : i32
            %dma_wait3A_407 = tpu.memref_slice %arg4[%dma_wait3A_406, %mul3A_392] : memref<2x320000xi32, #tpu.memory_space<hbm>> -> memref<1x128xi32, #tpu.memory_space<hbm>>
            tpu.wait_dma2 semaphore(%dma_wait3A_401 : memref<!tpu.dma_semaphore, #tpu.memory_space<semaphore_mem>>) src(%dma_wait3A_407 : memref<1x128xi32, #tpu.memory_space<hbm>>) dst(%dma_wait3A_405 : memref<1x128xi32, #tpu.memory_space<vmem>>)
            "tpu.trace_stop"() : () -> ()
          } else {
          }
          %ne3A_283 = arith.cmpi ne, %add3A_196, %add3A_206 : i32
          %or3A_284 = arith.constant false
          %or3A_285 = arith.ori %or3A_284, %ne3A_283 : i1
          %or3A_286 = arith.constant false
          %or3A_287 = arith.ori %or3A_285, %or3A_286 : i1
          %or3A_288 = arith.ori %or3A_287, %eq3A_192 : i1
          %convert_element_type3A_289 = arith.extui %or3A_288 : i1 to i32
          %cond3A_290 = arith.constant 0 : i32
          %cond3A_291 = arith.cmpi ne, %convert_element_type3A_289, %cond3A_290 : i32
          scf.if %cond3A_291 {
          } else {
          }
          %rem3A_292 = arith.constant 2 : i32
          %rem3A_293 = arith.remui %while3A_183, %rem3A_292 : i32
          %rem3A_294 = arith.constant 2 : i32
          %rem3A_295 = arith.remui %while3A_185, %rem3A_294 : i32
          %rem3A_296 = arith.constant 2 : i32
          %rem3A_297 = arith.remui %while3A_186, %rem3A_296 : i32
          %run_scoped3A_298 = arith.constant 0 : i32
          "tpu.trace_start"() <{level = 10 : i32, message = "ep_run_kernel"}> : () -> ()
          "tpu.region"() ({
            %run_scoped3A_391 = tpu.sem_alloc : memref<!tpu.dma_semaphore, #tpu.memory_space<semaphore_mem>>
            %dma_start3A_392 = arith.constant 0 : i32
            %dma_start3A_393 = arith.constant 0 : i32
            %dma_start3A_394 = tpu.memref_slice %run_scoped3A_28[%rem3A_297, %dma_start3A_392, %dma_start3A_393] : memref<2x128x32xf32, #tpu.memory_space<vmem>> -> memref<1x128x32xf32, #tpu.memory_space<vmem>>
            %dma_start3A_395 = tpu.memref_squeeze %dma_start3A_394 : memref<1x128x32xf32, #tpu.memory_space<vmem>> -> memref<128x32xf32, #tpu.memory_space<vmem>>
            %dma_start3A_396 = arith.constant 0 : i32
            %dma_start3A_397 = arith.constant 0 : i32
            %dma_start3A_398 = tpu.memref_slice %run_scoped3A_26[%rem3A_295, %dma_start3A_396, %dma_start3A_397] : memref<2x1x128xi32, #tpu.memory_space<vmem>> -> memref<1x1x128xi32, #tpu.memory_space<vmem>>
            %dma_start3A_399 = tpu.memref_squeeze %dma_start3A_398 : memref<1x1x128xi32, #tpu.memory_space<vmem>> -> memref<1x128xi32, #tpu.memory_space<vmem>>
            %dma_start3A_400 = arith.constant 0 : i32
            %dma_start3A_401 = tpu.memref_slice %dma_start3A_399[%run_scoped3A_298, %dma_start3A_400] : memref<1x128xi32, #tpu.memory_space<vmem>> -> memref<1x128xi32, #tpu.memory_space<vmem>>
            %dma_start3A_402 = tpu.memref_squeeze %dma_start3A_401 : memref<1x128xi32, #tpu.memory_space<vmem>> -> memref<128xi32, #tpu.memory_space<vmem>>
            %dma_start3A_403 = arith.constant 0 : i32
            %dma_start3A_404 = arith.constant 0 : i32
            %dma_start3A_405 = tpu.memref_slice %arg6[%dma_start3A_403, %dma_start3A_404] : memref<10000x32xf32, #tpu.memory_space<vmem_shared>> -> memref<10000x32xf32, #tpu.memory_space<vmem_shared>>
            tpu.enqueue_indirect_dma source(%dma_start3A_405 : memref<10000x32xf32, #tpu.memory_space<vmem_shared>>) target(%dma_start3A_395 : memref<128x32xf32, #tpu.memory_space<vmem>>) offsets(%dma_start3A_402 : memref<128xi32, #tpu.memory_space<vmem>>) semaphore(%run_scoped3A_391 : memref<!tpu.dma_semaphore, #tpu.memory_space<semaphore_mem>>)
            %dma_wait3A = arith.constant 0 : i32
            %dma_wait3A_406 = arith.constant 0 : i32
            %dma_wait3A_407 = tpu.memref_slice %run_scoped3A_28[%rem3A_297, %dma_wait3A, %dma_wait3A_406] : memref<2x128x32xf32, #tpu.memory_space<vmem>> -> memref<1x128x32xf32, #tpu.memory_space<vmem>>
            %dma_wait3A_408 = tpu.memref_squeeze %dma_wait3A_407 : memref<1x128x32xf32, #tpu.memory_space<vmem>> -> memref<128x32xf32, #tpu.memory_space<vmem>>
            %dma_wait3A_409 = arith.constant 0 : i32
            %dma_wait3A_410 = arith.constant 0 : i32
            %dma_wait3A_411 = tpu.memref_slice %run_scoped3A_26[%rem3A_295, %dma_wait3A_409, %dma_wait3A_410] : memref<2x1x128xi32, #tpu.memory_space<vmem>> -> memref<1x1x128xi32, #tpu.memory_space<vmem>>
            %dma_wait3A_412 = tpu.memref_squeeze %dma_wait3A_411 : memref<1x1x128xi32, #tpu.memory_space<vmem>> -> memref<1x128xi32, #tpu.memory_space<vmem>>
            %dma_wait3A_413 = arith.constant 0 : i32
            %dma_wait3A_414 = tpu.memref_slice %dma_wait3A_412[%run_scoped3A_298, %dma_wait3A_413] : memref<1x128xi32, #tpu.memory_space<vmem>> -> memref<1x128xi32, #tpu.memory_space<vmem>>
            %dma_wait3A_415 = tpu.memref_squeeze %dma_wait3A_414 : memref<1x128xi32, #tpu.memory_space<vmem>> -> memref<128xi32, #tpu.memory_space<vmem>>
            %dma_wait3A_416 = arith.constant 0 : i32
            %dma_wait3A_417 = arith.constant 0 : i32
            %dma_wait3A_418 = tpu.memref_slice %arg6[%dma_wait3A_416, %dma_wait3A_417] : memref<10000x32xf32, #tpu.memory_space<vmem_shared>> -> memref<10000x32xf32, #tpu.memory_space<vmem_shared>>
            tpu.wait_indirect_dma semaphore(%run_scoped3A_391 : memref<!tpu.dma_semaphore, #tpu.memory_space<semaphore_mem>>) src(%dma_wait3A_418 : memref<10000x32xf32, #tpu.memory_space<vmem_shared>>) dst(%dma_wait3A_408 : memref<128x32xf32, #tpu.memory_space<vmem>>)
            tpu.yield
          }) : () -> ()
          %run_scoped3A_299 = arith.constant 0 : i32
          "tpu.region"() ({
            %run_scoped3A_391 = tpu.sem_alloc : memref<!tpu.dma_semaphore, #tpu.memory_space<semaphore_mem>>
            %dma_start3A_392 = arith.constant 0 : i32
            %dma_start3A_393 = arith.constant 0 : i32
            %dma_start3A_394 = tpu.memref_slice %run_scoped3A_28[%rem3A_297, %dma_start3A_392, %dma_start3A_393] : memref<2x128x32xf32, #tpu.memory_space<vmem>> -> memref<1x128x32xf32, #tpu.memory_space<vmem>>
            %dma_start3A_395 = tpu.memref_squeeze %dma_start3A_394 : memref<1x128x32xf32, #tpu.memory_space<vmem>> -> memref<128x32xf32, #tpu.memory_space<vmem>>
            %dma_start3A_396 = arith.constant 0 : i32
            %dma_start3A_397 = arith.constant 0 : i32
            %dma_start3A_398 = tpu.memref_slice %run_scoped3A[%rem3A_293, %dma_start3A_396, %dma_start3A_397] : memref<2x1x128xi32, #tpu.memory_space<vmem>> -> memref<1x1x128xi32, #tpu.memory_space<vmem>>
            %dma_start3A_399 = tpu.memref_squeeze %dma_start3A_398 : memref<1x1x128xi32, #tpu.memory_space<vmem>> -> memref<1x128xi32, #tpu.memory_space<vmem>>
            %dma_start3A_400 = arith.constant 0 : i32
            %dma_start3A_401 = tpu.memref_slice %dma_start3A_399[%run_scoped3A_299, %dma_start3A_400] : memref<1x128xi32, #tpu.memory_space<vmem>> -> memref<1x128xi32, #tpu.memory_space<vmem>>
            %dma_start3A_402 = tpu.memref_squeeze %dma_start3A_401 : memref<1x128xi32, #tpu.memory_space<vmem>> -> memref<128xi32, #tpu.memory_space<vmem>>
            %dma_start3A_403 = arith.constant 0 : i32
            %dma_start3A_404 = arith.constant 0 : i32
            %dma_start3A_405 = tpu.memref_slice %arg7[%dma_start3A_403, %dma_start3A_404] : memref<10000x32xf32, #tpu.memory_space<vmem_shared>> -> memref<10000x32xf32, #tpu.memory_space<vmem_shared>>
            tpu.enqueue_indirect_dma source(%dma_start3A_405 : memref<10000x32xf32, #tpu.memory_space<vmem_shared>>) target(%dma_start3A_395 : memref<128x32xf32, #tpu.memory_space<vmem>>) offsets(%dma_start3A_402 : memref<128xi32, #tpu.memory_space<vmem>>) semaphore(%run_scoped3A_391 : memref<!tpu.dma_semaphore, #tpu.memory_space<semaphore_mem>>) {add = true}
            %dma_wait3A = arith.constant 0 : i32
            %dma_wait3A_406 = arith.constant 0 : i32
            %dma_wait3A_407 = tpu.memref_slice %run_scoped3A_28[%rem3A_297, %dma_wait3A, %dma_wait3A_406] : memref<2x128x32xf32, #tpu.memory_space<vmem>> -> memref<1x128x32xf32, #tpu.memory_space<vmem>>
            %dma_wait3A_408 = tpu.memref_squeeze %dma_wait3A_407 : memref<1x128x32xf32, #tpu.memory_space<vmem>> -> memref<128x32xf32, #tpu.memory_space<vmem>>
            %dma_wait3A_409 = arith.constant 0 : i32
            %dma_wait3A_410 = arith.constant 0 : i32
            %dma_wait3A_411 = tpu.memref_slice %run_scoped3A[%rem3A_293, %dma_wait3A_409, %dma_wait3A_410] : memref<2x1x128xi32, #tpu.memory_space<vmem>> -> memref<1x1x128xi32, #tpu.memory_space<vmem>>
            %dma_wait3A_412 = tpu.memref_squeeze %dma_wait3A_411 : memref<1x1x128xi32, #tpu.memory_space<vmem>> -> memref<1x128xi32, #tpu.memory_space<vmem>>
            %dma_wait3A_413 = arith.constant 0 : i32
            %dma_wait3A_414 = tpu.memref_slice %dma_wait3A_412[%run_scoped3A_299, %dma_wait3A_413] : memref<1x128xi32, #tpu.memory_space<vmem>> -> memref<1x128xi32, #tpu.memory_space<vmem>>
            %dma_wait3A_415 = tpu.memref_squeeze %dma_wait3A_414 : memref<1x128xi32, #tpu.memory_space<vmem>> -> memref<128xi32, #tpu.memory_space<vmem>>
            %dma_wait3A_416 = arith.constant 0 : i32
            %dma_wait3A_417 = arith.constant 0 : i32
            %dma_wait3A_418 = tpu.memref_slice %arg7[%dma_wait3A_416, %dma_wait3A_417] : memref<10000x32xf32, #tpu.memory_space<vmem_shared>> -> memref<10000x32xf32, #tpu.memory_space<vmem_shared>>
            tpu.wait_indirect_dma semaphore(%run_scoped3A_391 : memref<!tpu.dma_semaphore, #tpu.memory_space<semaphore_mem>>) src(%dma_wait3A_418 : memref<10000x32xf32, #tpu.memory_space<vmem_shared>>) dst(%dma_wait3A_408 : memref<128x32xf32, #tpu.memory_space<vmem>>)
            tpu.yield
          }) : () -> ()
          "tpu.trace_stop"() : () -> ()
          %ne3A_300 = arith.cmpi ne, %add3A_196, %add3A_214 : i32
          %or3A_301 = arith.constant false
          %or3A_302 = arith.ori %or3A_301, %ne3A_300 : i1
          %or3A_303 = arith.ori %or3A_302, %eq3A_195 : i1
          %convert_element_type3A_304 = arith.extui %or3A_303 : i1 to i32
          %cond3A_305 = arith.constant 0 : i32
          %cond3A_306 = arith.cmpi ne, %convert_element_type3A_304, %cond3A_305 : i32
          scf.if %cond3A_306 {
          } else {
          }
          %and3A_307 = arith.constant false
          %and3A_308 = arith.andi %or3A_303, %and3A_307 : i1
          %ne3A_309 = arith.cmpi ne, %add3A_196, %add3A_214 : i32
          %or3A_310 = arith.constant false
          %or3A_311 = arith.ori %or3A_310, %ne3A_309 : i1
          %or3A_312 = arith.ori %or3A_311, %eq3A_195 : i1
          %convert_element_type3A_313 = arith.extui %or3A_312 : i1 to i32
          %cond3A_314 = arith.constant 0 : i32
          %cond3A_315 = arith.cmpi ne, %convert_element_type3A_313, %cond3A_314 : i32
          scf.if %cond3A_315 {
          } else {
          }
          %and3A_316 = arith.constant false
          %and3A_317 = arith.andi %or3A_312, %and3A_316 : i1
          %ne3A_318 = arith.cmpi ne, %add3A_196, %add3A_214 : i32
          %or3A_319 = arith.constant false
          %or3A_320 = arith.ori %or3A_319, %ne3A_318 : i1
          %or3A_321 = arith.constant false
          %or3A_322 = arith.ori %or3A_320, %or3A_321 : i1
          %or3A_323 = arith.ori %or3A_322, %eq3A_195 : i1
          %convert_element_type3A_324 = arith.extui %or3A_323 : i1 to i32
          %cond3A_325 = arith.constant 0 : i32
          %cond3A_326 = arith.cmpi ne, %convert_element_type3A_324, %cond3A_325 : i32
          scf.if %cond3A_326 {
            "tpu.trace_start"() <{level = 10 : i32, message = "ep_copy_out"}> : () -> ()
            %rem3A_391 = arith.constant 2 : i32
            %rem3A_392 = arith.remui %while3A_186, %rem3A_391 : i32
            %mul3A_393 = arith.constant 128 : i32
            %mul3A_394 = arith.muli %mul3A_393, %add3A_196 : i32
            %dma_start3A_395 = arith.constant 0 : i32
            %dma_start3A_396 = arith.constant 0 : i32
            %dma_start3A_397 = tpu.memref_slice %run_scoped3A_28[%rem3A_392, %dma_start3A_395, %dma_start3A_396] : memref<2x128x32xf32, #tpu.memory_space<vmem>> -> memref<1x128x32xf32, #tpu.memory_space<vmem>>
            %dma_start3A_398 = tpu.memref_squeeze %dma_start3A_397 : memref<1x128x32xf32, #tpu.memory_space<vmem>> -> memref<128x32xf32, #tpu.memory_space<vmem>>
            %dma_start3A_399 = arith.constant 0 : i32
            %dma_start3A_400 = tpu.memref_slice %arg5[%mul3A_394, %dma_start3A_399] : memref<320000x32xf32, #tpu.memory_space<hbm>> -> memref<128x32xf32, #tpu.memory_space<hbm>>
            %dma_start3A_401 = tpu.memref_slice %run_scoped3A_29[%rem3A_392] : memref<2x!tpu.dma_semaphore, #tpu.memory_space<semaphore_mem>> -> memref<1x!tpu.dma_semaphore, #tpu.memory_space<semaphore_mem>>
            %dma_start3A_402 = tpu.memref_squeeze %dma_start3A_401 : memref<1x!tpu.dma_semaphore, #tpu.memory_space<semaphore_mem>> -> memref<!tpu.dma_semaphore, #tpu.memory_space<semaphore_mem>>
            %dma_start3A_403 = arith.constant 0 : i32
            %dma_start3A_404 = tpu.memref_slice %arg5[%mul3A_394, %dma_start3A_403] : memref<320000x32xf32, #tpu.memory_space<hbm>> -> memref<128x32xf32, #tpu.memory_space<hbm>>
            %dma_start3A_405 = arith.constant 0 : i32
            %dma_start3A_406 = arith.constant 0 : i32
            %dma_start3A_407 = tpu.memref_slice %run_scoped3A_28[%rem3A_392, %dma_start3A_405, %dma_start3A_406] : memref<2x128x32xf32, #tpu.memory_space<vmem>> -> memref<1x128x32xf32, #tpu.memory_space<vmem>>
            %dma_start3A_408 = tpu.memref_squeeze %dma_start3A_407 : memref<1x128x32xf32, #tpu.memory_space<vmem>> -> memref<128x32xf32, #tpu.memory_space<vmem>>
            tpu.enqueue_dma source(%dma_start3A_408 : memref<128x32xf32, #tpu.memory_space<vmem>>) target(%dma_start3A_404 : memref<128x32xf32, #tpu.memory_space<hbm>>) target_semaphore(%dma_start3A_402 : memref<!tpu.dma_semaphore, #tpu.memory_space<semaphore_mem>>)
            "tpu.trace_stop"() : () -> ()
          } else {
          }
          %and3A_327 = arith.constant true
          %and3A_328 = arith.andi %or3A_323, %and3A_327 : i1
          %add3A_329 = arith.constant 1 : i32
          %add3A_330 = arith.addi %while3A_186, %add3A_329 : i32
          %select_n3A_331 = arith.select %and3A_328, %add3A_330, %while3A_186 : i32
          %ne3A_332 = arith.cmpi ne, %add3A_196, %add3A_206 : i32
          %or3A_333 = arith.constant false
          %or3A_334 = arith.ori %or3A_333, %ne3A_332 : i1
          %not3A_335 = arith.constant true
          %not3A_336 = arith.xori %eq3A_192, %not3A_335 : i1
          %and3A_337 = arith.andi %or3A_334, %not3A_336 : i1
          %convert_element_type3A_338 = arith.extui %and3A_337 : i1 to i32
          %cond3A_339 = arith.constant 0 : i32
          %cond3A_340 = arith.cmpi ne, %convert_element_type3A_338, %cond3A_339 : i32
          scf.if %cond3A_340 {
          } else {
          }
          %and3A_341 = arith.constant false
          %and3A_342 = arith.andi %and3A_337, %and3A_341 : i1
          %ne3A_343 = arith.cmpi ne, %add3A_196, %add3A_206 : i32
          %or3A_344 = arith.constant false
          %or3A_345 = arith.ori %or3A_344, %ne3A_343 : i1
          %not3A_346 = arith.constant true
          %not3A_347 = arith.xori %eq3A_192, %not3A_346 : i1
          %and3A_348 = arith.andi %or3A_345, %not3A_347 : i1
          %convert_element_type3A_349 = arith.extui %and3A_348 : i1 to i32
          %cond3A_350 = arith.constant 0 : i32
          %cond3A_351 = arith.cmpi ne, %convert_element_type3A_349, %cond3A_350 : i32
          scf.if %cond3A_351 {
          } else {
          }
          %and3A_352 = arith.constant false
          %and3A_353 = arith.andi %and3A_348, %and3A_352 : i1
          %ne3A_354 = arith.cmpi ne, %add3A_196, %add3A_206 : i32
          %or3A_355 = arith.constant false
          %or3A_356 = arith.ori %or3A_355, %ne3A_354 : i1
          %or3A_357 = arith.constant false
          %or3A_358 = arith.ori %or3A_356, %or3A_357 : i1
          %not3A_359 = arith.constant true
          %not3A_360 = arith.xori %eq3A_192, %not3A_359 : i1
          %and3A_361 = arith.andi %or3A_358, %not3A_360 : i1
          %convert_element_type3A_362 = arith.extui %and3A_361 : i1 to i32
          %cond3A_363 = arith.constant 0 : i32
          %cond3A_364 = arith.cmpi ne, %convert_element_type3A_362, %cond3A_363 : i32
          scf.if %cond3A_364 {
            "tpu.trace_start"() <{level = 10 : i32, message = "ep_wait_out"}> : () -> ()
            %rem3A_391 = arith.constant 2 : i32
            %rem3A_392 = arith.remui %while3A_187, %rem3A_391 : i32
            %mul3A_393 = arith.constant 128 : i32
            %mul3A_394 = arith.muli %mul3A_393, %add3A_206 : i32
            %dma_wait3A = arith.constant 0 : i32
            %dma_wait3A_395 = arith.constant 0 : i32
            %dma_wait3A_396 = tpu.memref_slice %run_scoped3A_28[%rem3A_392, %dma_wait3A, %dma_wait3A_395] : memref<2x128x32xf32, #tpu.memory_space<vmem>> -> memref<1x128x32xf32, #tpu.memory_space<vmem>>
            %dma_wait3A_397 = tpu.memref_squeeze %dma_wait3A_396 : memref<1x128x32xf32, #tpu.memory_space<vmem>> -> memref<128x32xf32, #tpu.memory_space<vmem>>
            %dma_wait3A_398 = arith.constant 0 : i32
            %dma_wait3A_399 = tpu.memref_slice %arg5[%mul3A_394, %dma_wait3A_398] : memref<320000x32xf32, #tpu.memory_space<hbm>> -> memref<128x32xf32, #tpu.memory_space<hbm>>
            %dma_wait3A_400 = tpu.memref_slice %run_scoped3A_29[%rem3A_392] : memref<2x!tpu.dma_semaphore, #tpu.memory_space<semaphore_mem>> -> memref<1x!tpu.dma_semaphore, #tpu.memory_space<semaphore_mem>>
            %dma_wait3A_401 = tpu.memref_squeeze %dma_wait3A_400 : memref<1x!tpu.dma_semaphore, #tpu.memory_space<semaphore_mem>> -> memref<!tpu.dma_semaphore, #tpu.memory_space<semaphore_mem>>
            %dma_wait3A_402 = arith.constant 0 : i32
            %dma_wait3A_403 = tpu.memref_slice %arg5[%mul3A_394, %dma_wait3A_402] : memref<320000x32xf32, #tpu.memory_space<hbm>> -> memref<128x32xf32, #tpu.memory_space<hbm>>
            %dma_wait3A_404 = arith.constant 0 : i32
            %dma_wait3A_405 = arith.constant 0 : i32
            %dma_wait3A_406 = tpu.memref_slice %run_scoped3A_28[%rem3A_392, %dma_wait3A_404, %dma_wait3A_405] : memref<2x128x32xf32, #tpu.memory_space<vmem>> -> memref<1x128x32xf32, #tpu.memory_space<vmem>>
            %dma_wait3A_407 = tpu.memref_squeeze %dma_wait3A_406 : memref<1x128x32xf32, #tpu.memory_space<vmem>> -> memref<128x32xf32, #tpu.memory_space<vmem>>
            tpu.wait_dma2 semaphore(%dma_wait3A_401 : memref<!tpu.dma_semaphore, #tpu.memory_space<semaphore_mem>>) src(%dma_wait3A_407 : memref<128x32xf32, #tpu.memory_space<vmem>>) dst(%dma_wait3A_403 : memref<128x32xf32, #tpu.memory_space<hbm>>)
            "tpu.trace_stop"() : () -> ()
          } else {
          }
          %and3A_365 = arith.constant true
          %and3A_366 = arith.andi %and3A_361, %and3A_365 : i1
          %add3A_367 = arith.constant 1 : i32
          %add3A_368 = arith.addi %while3A_187, %add3A_367 : i32
          %select_n3A_369 = arith.select %and3A_366, %add3A_368, %while3A_187 : i32
          %ne3A_370 = arith.cmpi ne, %add3A_196, %add3A_214 : i32
          %or3A_371 = arith.constant false
          %or3A_372 = arith.ori %or3A_371, %ne3A_370 : i1
          %or3A_373 = arith.ori %or3A_372, %eq3A_195 : i1
          %add3A_374 = arith.constant 1 : i32
          %add3A_375 = arith.addi %while3A_183, %add3A_374 : i32
          %select_n3A_376 = arith.select %or3A_373, %add3A_375, %while3A_183 : i32
          %ne3A_377 = arith.cmpi ne, %add3A_196, %add3A_214 : i32
          %or3A_378 = arith.constant false
          %or3A_379 = arith.ori %or3A_378, %ne3A_377 : i1
          %or3A_380 = arith.ori %or3A_379, %eq3A_195 : i1
          %add3A_381 = arith.constant 1 : i32
          %add3A_382 = arith.addi %while3A_185, %add3A_381 : i32
          %select_n3A_383 = arith.select %or3A_380, %add3A_382, %while3A_185 : i32
          %add3A_384 = arith.constant 1 : i32
          %add3A_385 = arith.addi %while3A_188, %add3A_384 : i32
          %select_n3A_386 = arith.constant true
          %select_n3A_387 = arith.select %select_n3A_386, %add3A_385, %while3A_188 : i32
          %eq3A_388 = arith.cmpi eq, %select_n3A_387, %select_n3A : i32
          %select_n3A_389 = arith.constant 0 : i32
          %select_n3A_390 = arith.select %eq3A_388, %select_n3A_389, %select_n3A_387 : i32
          scf.yield %select_n3A_236, %select_n3A_376, %select_n3A_255, %select_n3A_383, %select_n3A_331, %select_n3A_369, %select_n3A_390 : i32, i32, i32, i32, i32, i32, i32
        }
        %sub3A_127 = arith.constant 1 : i32
        %sub3A_128 = arith.subi %while3A_126#6, %sub3A_127 : i32
        %select_n3A_129 = arith.constant true
        %select_n3A_130 = arith.select %select_n3A_129, %sub3A_128, %while3A_126#6 : i32
        %eq3A_131 = arith.constant -1 : i32
        %eq3A_132 = arith.cmpi eq, %select_n3A_130, %eq3A_131 : i32
        %sub3A_133 = arith.constant 1 : i32
        %sub3A_134 = arith.subi %select_n3A, %sub3A_133 : i32
        %select_n3A_135 = arith.select %eq3A_132, %sub3A_134, %select_n3A_130 : i32
        %sub3A_136 = arith.constant 1 : i32
        %sub3A_137 = arith.subi %mul3A_24, %sub3A_136 : i32
        %mul3A_138 = arith.constant 1 : i32
        %mul3A_139 = arith.muli %mul3A_138, %select_n3A : i32
        %eq3A_140 = arith.constant 0 : i32
        %eq3A_141 = arith.cmpi eq, %sub3A_137, %eq3A_140 : i32
        %sub3A_142 = arith.constant 1 : i32
        %sub3A_143 = arith.subi %mul3A_139, %sub3A_142 : i32
        %eq3A_144 = arith.cmpi eq, %sub3A_137, %sub3A_143 : i32
        %add3A_145 = arith.addi %select_n3A_135, %select_n3A_22 : i32
        %sub3A_146 = arith.constant 1 : i32
        %sub3A_147 = arith.subi %select_n3A_135, %sub3A_146 : i32
        %select_n3A_148 = arith.constant true
        %select_n3A_149 = arith.select %select_n3A_148, %sub3A_147, %select_n3A_135 : i32
        %eq3A_150 = arith.constant -1 : i32
        %eq3A_151 = arith.cmpi eq, %select_n3A_149, %eq3A_150 : i32
        %sub3A_152 = arith.constant 1 : i32
        %sub3A_153 = arith.subi %select_n3A, %sub3A_152 : i32
        %select_n3A_154 = arith.select %eq3A_151, %sub3A_153, %select_n3A_149 : i32
        %add3A_155 = arith.addi %select_n3A_154, %select_n3A_22 : i32
        %add3A_156 = arith.constant 1 : i32
        %add3A_157 = arith.addi %select_n3A_135, %add3A_156 : i32
        %select_n3A_158 = arith.constant true
        %select_n3A_159 = arith.select %select_n3A_158, %add3A_157, %select_n3A_135 : i32
        %eq3A_160 = arith.cmpi eq, %select_n3A_159, %select_n3A : i32
        %select_n3A_161 = arith.constant 0 : i32
        %select_n3A_162 = arith.select %eq3A_160, %select_n3A_161, %select_n3A_159 : i32
        %add3A_163 = arith.addi %select_n3A_162, %select_n3A_22 : i32
        %add3A_164 = arith.constant 1 : i32
        %add3A_165 = arith.addi %select_n3A_162, %add3A_164 : i32
        %select_n3A_166 = arith.constant true
        %select_n3A_167 = arith.select %select_n3A_166, %add3A_165, %select_n3A_162 : i32
        %eq3A_168 = arith.cmpi eq, %select_n3A_167, %select_n3A : i32
        %select_n3A_169 = arith.constant 0 : i32
        %select_n3A_170 = arith.select %eq3A_168, %select_n3A_169, %select_n3A_167 : i32
        %add3A_171 = arith.addi %select_n3A_170, %select_n3A_22 : i32
        %convert_element_type3A_172 = arith.extui %eq3A_144 : i1 to i32
        %cond3A_173 = arith.constant 0 : i32
        %cond3A_174 = arith.cmpi ne, %convert_element_type3A_172, %cond3A_173 : i32
        scf.if %cond3A_174 {
        } else {
        }
        %convert_element_type3A_175 = arith.extui %eq3A_144 : i1 to i32
        %cond3A_176 = arith.constant 0 : i32
        %cond3A_177 = arith.cmpi ne, %convert_element_type3A_175, %cond3A_176 : i32
        scf.if %cond3A_177 {
        } else {
        }
        %convert_element_type3A_178 = arith.extui %eq3A_144 : i1 to i32
        %cond3A_179 = arith.constant 0 : i32
        %cond3A_180 = arith.cmpi ne, %convert_element_type3A_178, %cond3A_179 : i32
        scf.if %cond3A_180 {
          "tpu.trace_start"() <{level = 10 : i32, message = "ep_finalize"}> : () -> ()
          %rem3A_181 = arith.constant 2 : i32
          %rem3A_182 = arith.remui %while3A_126#5, %rem3A_181 : i32
          %mul3A_183 = arith.constant 128 : i32
          %mul3A_184 = arith.muli %mul3A_183, %add3A_145 : i32
          %dma_wait3A = arith.constant 0 : i32
          %dma_wait3A_185 = arith.constant 0 : i32
          %dma_wait3A_186 = tpu.memref_slice %run_scoped3A_28[%rem3A_182, %dma_wait3A, %dma_wait3A_185] : memref<2x128x32xf32, #tpu.memory_space<vmem>> -> memref<1x128x32xf32, #tpu.memory_space<vmem>>
          %dma_wait3A_187 = tpu.memref_squeeze %dma_wait3A_186 : memref<1x128x32xf32, #tpu.memory_space<vmem>> -> memref<128x32xf32, #tpu.memory_space<vmem>>
          %dma_wait3A_188 = arith.constant 0 : i32
          %dma_wait3A_189 = tpu.memref_slice %arg5[%mul3A_184, %dma_wait3A_188] : memref<320000x32xf32, #tpu.memory_space<hbm>> -> memref<128x32xf32, #tpu.memory_space<hbm>>
          %dma_wait3A_190 = tpu.memref_slice %run_scoped3A_29[%rem3A_182] : memref<2x!tpu.dma_semaphore, #tpu.memory_space<semaphore_mem>> -> memref<1x!tpu.dma_semaphore, #tpu.memory_space<semaphore_mem>>
          %dma_wait3A_191 = tpu.memref_squeeze %dma_wait3A_190 : memref<1x!tpu.dma_semaphore, #tpu.memory_space<semaphore_mem>> -> memref<!tpu.dma_semaphore, #tpu.memory_space<semaphore_mem>>
          %dma_wait3A_192 = arith.constant 0 : i32
          %dma_wait3A_193 = tpu.memref_slice %arg5[%mul3A_184, %dma_wait3A_192] : memref<320000x32xf32, #tpu.memory_space<hbm>> -> memref<128x32xf32, #tpu.memory_space<hbm>>
          %dma_wait3A_194 = arith.constant 0 : i32
          %dma_wait3A_195 = arith.constant 0 : i32
          %dma_wait3A_196 = tpu.memref_slice %run_scoped3A_28[%rem3A_182, %dma_wait3A_194, %dma_wait3A_195] : memref<2x128x32xf32, #tpu.memory_space<vmem>> -> memref<1x128x32xf32, #tpu.memory_space<vmem>>
          %dma_wait3A_197 = tpu.memref_squeeze %dma_wait3A_196 : memref<1x128x32xf32, #tpu.memory_space<vmem>> -> memref<128x32xf32, #tpu.memory_space<vmem>>
          tpu.wait_dma2 semaphore(%dma_wait3A_191 : memref<!tpu.dma_semaphore, #tpu.memory_space<semaphore_mem>>) src(%dma_wait3A_197 : memref<128x32xf32, #tpu.memory_space<vmem>>) dst(%dma_wait3A_193 : memref<128x32xf32, #tpu.memory_space<hbm>>)
          "tpu.trace_stop"() : () -> ()
        } else {
        }
      } else {
      }
      tpu.yield
    }) : () -> ()
    return
  }
}

#map = affine_map<(d0, d1) -> (0, 0)>
#map1 = affine_map<(d0, d1) -> (0, 0, 0)>
module attributes {stable_mosaic.version = 14 : i64} {
  func.func @k(%arg0: i32, %arg1: i32, %arg2: memref<320000x32xf32, #tpu.memory_space<hbm>>, %arg3: memref<2x320000xi32, #tpu.memory_space<hbm>>, %arg4: memref<625x32xf32, #tpu.memory_space<hbm>>, %arg5: memref<2x10000x32xf32, #tpu.memory_space<hbm>>, %arg6: memref<10000x32xf32, #tpu.memory_space<vmem_shared>>) attributes {dimension_semantics = [#tpu.dimension_semantics<core_parallel>, #tpu.dimension_semantics<subcore_parallel>], iteration_bounds = array<i64: 2, 16>, scalar_prefetch = 0 : i64, scratch_operands = 1 : i64, tpu.core_type = #tpu.core_type<sc_vector_subcore>, window_params = [{transform_indices = #map}, {transform_indices = #map}, {transform_indices = #map}, {transform_indices = #map1}]} {
    %mul3A = arith.constant 625 : i32
    %mul3A_0 = arith.muli %arg1, %mul3A : i32
    "tpu.region"() ({
      %run_scoped3A = tpu.sem_alloc : memref<!tpu.dma_semaphore, #tpu.memory_space<semaphore_mem>>
      %dma_start3A = arith.constant 0 : i32
      %dma_start3A_24 = tpu.memref_slice %arg6[%mul3A_0, %dma_start3A] : memref<10000x32xf32, #tpu.memory_space<vmem_shared>> -> memref<625x32xf32, #tpu.memory_space<vmem_shared>>
      tpu.enqueue_dma source(%arg4 : memref<625x32xf32, #tpu.memory_space<hbm>>) target(%dma_start3A_24 : memref<625x32xf32, #tpu.memory_space<vmem_shared>>) target_semaphore(%run_scoped3A : memref<!tpu.dma_semaphore, #tpu.memory_space<semaphore_mem>>)
      %dma_wait3A = arith.constant 0 : i32
      %dma_wait3A_25 = tpu.memref_slice %arg6[%mul3A_0, %dma_wait3A] : memref<10000x32xf32, #tpu.memory_space<vmem_shared>> -> memref<625x32xf32, #tpu.memory_space<vmem_shared>>
      tpu.wait_dma2 semaphore(%run_scoped3A : memref<!tpu.dma_semaphore, #tpu.memory_space<semaphore_mem>>) src(%arg4 : memref<625x32xf32, #tpu.memory_space<hbm>>) dst(%dma_wait3A_25 : memref<625x32xf32, #tpu.memory_space<vmem_shared>>)
      tpu.yield
    }) : () -> ()
    %barrier3A = arith.constant 0 : index
    tpu.barrier barrier_id(%barrier3A)
    %mul3A_1 = arith.constant 1 : i32
    %mul3A_2 = arith.muli %arg1, %mul3A_1 : i32
    %add3A = arith.constant 0 : i32
    %add3A_3 = arith.addi %add3A, %mul3A_2 : i32
    %mul3A_4 = arith.constant 16 : i32
    %mul3A_5 = arith.muli %arg0, %mul3A_4 : i32
    %add3A_6 = arith.addi %add3A_3, %mul3A_5 : i32
    %lt3A = arith.constant 4 : i32
    %lt3A_7 = arith.cmpi slt, %add3A_6, %lt3A : i32
    %jit3A = arith.constant 79 : i32
    %jit3A_8 = arith.constant 78 : i32
    %select_n3A = arith.select %lt3A_7, %jit3A, %jit3A_8 : i32
    %lt3A_9 = arith.constant 4 : i32
    %lt3A_10 = arith.cmpi slt, %add3A_6, %lt3A_9 : i32
    %mul3A_11 = arith.muli %add3A_6, %select_n3A : i32
    %mul3A_12 = arith.constant 78 : i32
    %mul3A_13 = arith.muli %add3A_6, %mul3A_12 : i32
    %add3A_14 = arith.constant 4 : i32
    %add3A_15 = arith.addi %mul3A_13, %add3A_14 : i32
    %select_n3A_16 = arith.select %lt3A_10, %mul3A_11, %add3A_15 : i32
    %mul3A_17 = arith.constant 1 : i32
    %mul3A_18 = arith.muli %mul3A_17, %select_n3A : i32
    "tpu.region"() ({
      %run_scoped3A = memref.alloca() : memref<2x128x32xf32, #tpu.memory_space<vmem>>
      %run_scoped3A_24 = tpu.sem_alloc : memref<2x!tpu.dma_semaphore, #tpu.memory_space<semaphore_mem>>
      %run_scoped3A_25 = memref.alloca() : memref<2x1x128xi32, #tpu.memory_space<vmem>>
      %run_scoped3A_26 = tpu.sem_alloc : memref<2x!tpu.dma_semaphore, #tpu.memory_space<semaphore_mem>>
      %gt3A = arith.constant 0 : i32
      %gt3A_27 = arith.cmpi sgt, %mul3A_18, %gt3A : i32
      %convert_element_type3A = arith.extui %gt3A_27 : i1 to i32
      %cond3A = arith.constant 0 : i32
      %cond3A_28 = arith.cmpi ne, %convert_element_type3A, %cond3A : i32
      scf.if %cond3A_28 {
        %mul3A_29 = arith.constant 1 : i32
        %mul3A_30 = arith.muli %mul3A_29, %select_n3A : i32
        %sub3A = arith.constant 1 : i32
        %sub3A_31 = arith.subi %mul3A_30, %sub3A : i32
        %eq3A = arith.constant 0 : i32
        %eq3A_32 = arith.cmpi eq, %sub3A_31, %eq3A : i32
        %add3A_33 = arith.constant 0 : i32
        %add3A_34 = arith.addi %add3A_33, %select_n3A_16 : i32
        %select_n3A_35 = arith.constant true
        %select_n3A_36 = arith.constant 0 : i32
        %select_n3A_37 = arith.constant -1 : i32
        %select_n3A_38 = arith.select %select_n3A_35, %select_n3A_37, %select_n3A_36 : i32
        %eq3A_39 = arith.constant -1 : i32
        %eq3A_40 = arith.cmpi eq, %select_n3A_38, %eq3A_39 : i32
        %sub3A_41 = arith.constant 1 : i32
        %sub3A_42 = arith.subi %select_n3A, %sub3A_41 : i32
        %select_n3A_43 = arith.select %eq3A_40, %sub3A_42, %select_n3A_38 : i32
        %add3A_44 = arith.addi %select_n3A_43, %select_n3A_16 : i32
        %select_n3A_45 = arith.constant true
        %select_n3A_46 = arith.constant 0 : i32
        %select_n3A_47 = arith.constant 1 : i32
        %select_n3A_48 = arith.select %select_n3A_45, %select_n3A_47, %select_n3A_46 : i32
        %eq3A_49 = arith.cmpi eq, %select_n3A_48, %select_n3A : i32
        %select_n3A_50 = arith.constant 0 : i32
        %select_n3A_51 = arith.select %eq3A_49, %select_n3A_50, %select_n3A_48 : i32
        %add3A_52 = arith.addi %select_n3A_51, %select_n3A_16 : i32
        %add3A_53 = arith.constant 1 : i32
        %add3A_54 = arith.addi %select_n3A_51, %add3A_53 : i32
        %select_n3A_55 = arith.constant true
        %select_n3A_56 = arith.select %select_n3A_55, %add3A_54, %select_n3A_51 : i32
        %eq3A_57 = arith.cmpi eq, %select_n3A_56, %select_n3A : i32
        %select_n3A_58 = arith.constant 0 : i32
        %select_n3A_59 = arith.select %eq3A_57, %select_n3A_58, %select_n3A_56 : i32
        %add3A_60 = arith.addi %select_n3A_59, %select_n3A_16 : i32
        "tpu.trace_start"() <{level = 10 : i32, message = "ep_initialize_0"}> : () -> ()
        %rem3A = arith.constant 0 : i32
        %rem3A_61 = arith.constant 2 : i32
        %rem3A_62 = arith.remui %rem3A, %rem3A_61 : i32
        %mul3A_63 = arith.constant 128 : i32
        %mul3A_64 = arith.muli %mul3A_63, %add3A_34 : i32
        %dma_start3A = arith.constant 0 : i32
        %dma_start3A_65 = arith.constant 0 : i32
        %dma_start3A_66 = tpu.memref_slice %run_scoped3A[%rem3A_62, %dma_start3A, %dma_start3A_65] : memref<2x128x32xf32, #tpu.memory_space<vmem>> -> memref<1x128x32xf32, #tpu.memory_space<vmem>>
        %dma_start3A_67 = tpu.memref_squeeze %dma_start3A_66 : memref<1x128x32xf32, #tpu.memory_space<vmem>> -> memref<128x32xf32, #tpu.memory_space<vmem>>
        %dma_start3A_68 = arith.constant 0 : i32
        %dma_start3A_69 = tpu.memref_slice %arg2[%mul3A_64, %dma_start3A_68] : memref<320000x32xf32, #tpu.memory_space<hbm>> -> memref<128x32xf32, #tpu.memory_space<hbm>>
        %dma_start3A_70 = tpu.memref_slice %run_scoped3A_24[%rem3A_62] : memref<2x!tpu.dma_semaphore, #tpu.memory_space<semaphore_mem>> -> memref<1x!tpu.dma_semaphore, #tpu.memory_space<semaphore_mem>>
        %dma_start3A_71 = tpu.memref_squeeze %dma_start3A_70 : memref<1x!tpu.dma_semaphore, #tpu.memory_space<semaphore_mem>> -> memref<!tpu.dma_semaphore, #tpu.memory_space<semaphore_mem>>
        %dma_start3A_72 = arith.constant 0 : i32
        %dma_start3A_73 = arith.constant 0 : i32
        %dma_start3A_74 = tpu.memref_slice %run_scoped3A[%rem3A_62, %dma_start3A_72, %dma_start3A_73] : memref<2x128x32xf32, #tpu.memory_space<vmem>> -> memref<1x128x32xf32, #tpu.memory_space<vmem>>
        %dma_start3A_75 = tpu.memref_squeeze %dma_start3A_74 : memref<1x128x32xf32, #tpu.memory_space<vmem>> -> memref<128x32xf32, #tpu.memory_space<vmem>>
        %dma_start3A_76 = arith.constant 0 : i32
        %dma_start3A_77 = tpu.memref_slice %arg2[%mul3A_64, %dma_start3A_76] : memref<320000x32xf32, #tpu.memory_space<hbm>> -> memref<128x32xf32, #tpu.memory_space<hbm>>
        tpu.enqueue_dma source(%dma_start3A_77 : memref<128x32xf32, #tpu.memory_space<hbm>>) target(%dma_start3A_75 : memref<128x32xf32, #tpu.memory_space<vmem>>) target_semaphore(%dma_start3A_71 : memref<!tpu.dma_semaphore, #tpu.memory_space<semaphore_mem>>)
        %add3A_78 = arith.constant 0 : i32
        %add3A_79 = arith.constant 1 : i32
        %add3A_80 = arith.addi %add3A_78, %add3A_79 : i32
        %select_n3A_81 = arith.constant true
        %select_n3A_82 = arith.constant 0 : i32
        %select_n3A_83 = arith.select %select_n3A_81, %add3A_80, %select_n3A_82 : i32
        %rem3A_84 = arith.constant 0 : i32
        %rem3A_85 = arith.constant 2 : i32
        %rem3A_86 = arith.remui %rem3A_84, %rem3A_85 : i32
        %mul3A_87 = arith.constant 128 : i32
        %mul3A_88 = arith.muli %mul3A_87, %add3A_34 : i32
        %dma_start3A_89 = arith.constant 0 : i32
        %dma_start3A_90 = arith.constant 0 : i32
        %dma_start3A_91 = tpu.memref_slice %run_scoped3A_25[%rem3A_86, %dma_start3A_89, %dma_start3A_90] : memref<2x1x128xi32, #tpu.memory_space<vmem>> -> memref<1x1x128xi32, #tpu.memory_space<vmem>>
        %dma_start3A_92 = tpu.memref_squeeze %dma_start3A_91 : memref<1x1x128xi32, #tpu.memory_space<vmem>> -> memref<1x128xi32, #tpu.memory_space<vmem>>
        %dma_start3A_93 = arith.constant 1 : i32
        %dma_start3A_94 = tpu.memref_slice %arg3[%dma_start3A_93, %mul3A_88] : memref<2x320000xi32, #tpu.memory_space<hbm>> -> memref<1x128xi32, #tpu.memory_space<hbm>>
        %dma_start3A_95 = tpu.memref_slice %run_scoped3A_26[%rem3A_86] : memref<2x!tpu.dma_semaphore, #tpu.memory_space<semaphore_mem>> -> memref<1x!tpu.dma_semaphore, #tpu.memory_space<semaphore_mem>>
        %dma_start3A_96 = tpu.memref_squeeze %dma_start3A_95 : memref<1x!tpu.dma_semaphore, #tpu.memory_space<semaphore_mem>> -> memref<!tpu.dma_semaphore, #tpu.memory_space<semaphore_mem>>
        %dma_start3A_97 = arith.constant 0 : i32
        %dma_start3A_98 = arith.constant 0 : i32
        %dma_start3A_99 = tpu.memref_slice %run_scoped3A_25[%rem3A_86, %dma_start3A_97, %dma_start3A_98] : memref<2x1x128xi32, #tpu.memory_space<vmem>> -> memref<1x1x128xi32, #tpu.memory_space<vmem>>
        %dma_start3A_100 = tpu.memref_squeeze %dma_start3A_99 : memref<1x1x128xi32, #tpu.memory_space<vmem>> -> memref<1x128xi32, #tpu.memory_space<vmem>>
        %dma_start3A_101 = arith.constant 1 : i32
        %dma_start3A_102 = tpu.memref_slice %arg3[%dma_start3A_101, %mul3A_88] : memref<2x320000xi32, #tpu.memory_space<hbm>> -> memref<1x128xi32, #tpu.memory_space<hbm>>
        tpu.enqueue_dma source(%dma_start3A_102 : memref<1x128xi32, #tpu.memory_space<hbm>>) target(%dma_start3A_100 : memref<1x128xi32, #tpu.memory_space<vmem>>) target_semaphore(%dma_start3A_96 : memref<!tpu.dma_semaphore, #tpu.memory_space<semaphore_mem>>)
        %add3A_103 = arith.constant 0 : i32
        %add3A_104 = arith.constant 1 : i32
        %add3A_105 = arith.addi %add3A_103, %add3A_104 : i32
        %select_n3A_106 = arith.constant true
        %select_n3A_107 = arith.constant 0 : i32
        %select_n3A_108 = arith.select %select_n3A_106, %add3A_105, %select_n3A_107 : i32
        %while3A = arith.constant 0 : i32
        %while3A_109 = arith.constant 0 : i32
        %while3A_110 = arith.constant 0 : i32
        %while3A_111 = arith.constant 0 : i32
        "tpu.trace_stop"() : () -> ()
        %while3A_112 = arith.subi %mul3A_18, %while3A : i32
        %while3A_113 = arith.addi %while3A, %while3A_112 : i32
        %while3A_114 = arith.constant 1 : i32
        %while3A_115 = arith.divsi %while3A_112, %while3A_114 : i32
        %while3A_116 = arith.muli %while3A_115, %while3A_114 : i32
        %while3A_117 = arith.addi %while3A, %while3A_116 : i32
        %while3A_118 = arith.constant 1 : i32
        %while3A_119:5 = scf.for %while3A_173 = %while3A to %while3A_117 step %while3A_118 iter_args(%while3A_174 = %select_n3A_83, %while3A_175 = %while3A_109, %while3A_176 = %select_n3A_108, %while3A_177 = %while3A_110, %while3A_178 = %while3A_111) -> (i32, i32, i32, i32, i32)  : i32 {
          %mul3A_179 = arith.constant 1 : i32
          %mul3A_180 = arith.muli %mul3A_179, %select_n3A : i32
          %eq3A_181 = arith.constant 0 : i32
          %eq3A_182 = arith.cmpi eq, %while3A_173, %eq3A_181 : i32
          %sub3A_183 = arith.constant 1 : i32
          %sub3A_184 = arith.subi %mul3A_180, %sub3A_183 : i32
          %eq3A_185 = arith.cmpi eq, %while3A_173, %sub3A_184 : i32
          %add3A_186 = arith.addi %while3A_178, %select_n3A_16 : i32
          %sub3A_187 = arith.constant 1 : i32
          %sub3A_188 = arith.subi %while3A_178, %sub3A_187 : i32
          %select_n3A_189 = arith.constant true
          %select_n3A_190 = arith.select %select_n3A_189, %sub3A_188, %while3A_178 : i32
          %eq3A_191 = arith.constant -1 : i32
          %eq3A_192 = arith.cmpi eq, %select_n3A_190, %eq3A_191 : i32
          %sub3A_193 = arith.constant 1 : i32
          %sub3A_194 = arith.subi %select_n3A, %sub3A_193 : i32
          %select_n3A_195 = arith.select %eq3A_192, %sub3A_194, %select_n3A_190 : i32
          %add3A_196 = arith.addi %select_n3A_195, %select_n3A_16 : i32
          %add3A_197 = arith.constant 1 : i32
          %add3A_198 = arith.addi %while3A_178, %add3A_197 : i32
          %select_n3A_199 = arith.constant true
          %select_n3A_200 = arith.select %select_n3A_199, %add3A_198, %while3A_178 : i32
          %eq3A_201 = arith.cmpi eq, %select_n3A_200, %select_n3A : i32
          %select_n3A_202 = arith.constant 0 : i32
          %select_n3A_203 = arith.select %eq3A_201, %select_n3A_202, %select_n3A_200 : i32
          %add3A_204 = arith.addi %select_n3A_203, %select_n3A_16 : i32
          %add3A_205 = arith.constant 1 : i32
          %add3A_206 = arith.addi %select_n3A_203, %add3A_205 : i32
          %select_n3A_207 = arith.constant true
          %select_n3A_208 = arith.select %select_n3A_207, %add3A_206, %select_n3A_203 : i32
          %eq3A_209 = arith.cmpi eq, %select_n3A_208, %select_n3A : i32
          %select_n3A_210 = arith.constant 0 : i32
          %select_n3A_211 = arith.select %eq3A_209, %select_n3A_210, %select_n3A_208 : i32
          %add3A_212 = arith.addi %select_n3A_211, %select_n3A_16 : i32
          %ne3A = arith.cmpi ne, %add3A_186, %add3A_204 : i32
          %or3A = arith.constant false
          %or3A_213 = arith.ori %or3A, %ne3A : i1
          %or3A_214 = arith.constant false
          %or3A_215 = arith.ori %or3A_213, %or3A_214 : i1
          %sub3A_216 = arith.constant 2 : i32
          %sub3A_217 = arith.subi %mul3A_180, %sub3A_216 : i32
          %add3A_218 = arith.constant 1 : i32
          %add3A_219 = arith.addi %sub3A_217, %add3A_218 : i32
          %ge3A = arith.cmpi sge, %while3A_173, %add3A_219 : i32
          %not3A = arith.constant true
          %not3A_220 = arith.xori %ge3A, %not3A : i1
          %and3A = arith.andi %or3A_215, %not3A_220 : i1
          %convert_element_type3A_221 = arith.extui %and3A : i1 to i32
          %cond3A_222 = arith.constant 0 : i32
          %cond3A_223 = arith.cmpi ne, %convert_element_type3A_221, %cond3A_222 : i32
          scf.if %cond3A_223 {
            "tpu.trace_start"() <{level = 10 : i32, message = "ep_copy_in"}> : () -> ()
            %rem3A_336 = arith.constant 2 : i32
            %rem3A_337 = arith.remui %while3A_174, %rem3A_336 : i32
            %mul3A_338 = arith.constant 128 : i32
            %mul3A_339 = arith.muli %mul3A_338, %add3A_204 : i32
            %dma_start3A_340 = arith.constant 0 : i32
            %dma_start3A_341 = arith.constant 0 : i32
            %dma_start3A_342 = tpu.memref_slice %run_scoped3A[%rem3A_337, %dma_start3A_340, %dma_start3A_341] : memref<2x128x32xf32, #tpu.memory_space<vmem>> -> memref<1x128x32xf32, #tpu.memory_space<vmem>>
            %dma_start3A_343 = tpu.memref_squeeze %dma_start3A_342 : memref<1x128x32xf32, #tpu.memory_space<vmem>> -> memref<128x32xf32, #tpu.memory_space<vmem>>
            %dma_start3A_344 = arith.constant 0 : i32
            %dma_start3A_345 = tpu.memref_slice %arg2[%mul3A_339, %dma_start3A_344] : memref<320000x32xf32, #tpu.memory_space<hbm>> -> memref<128x32xf32, #tpu.memory_space<hbm>>
            %dma_start3A_346 = tpu.memref_slice %run_scoped3A_24[%rem3A_337] : memref<2x!tpu.dma_semaphore, #tpu.memory_space<semaphore_mem>> -> memref<1x!tpu.dma_semaphore, #tpu.memory_space<semaphore_mem>>
            %dma_start3A_347 = tpu.memref_squeeze %dma_start3A_346 : memref<1x!tpu.dma_semaphore, #tpu.memory_space<semaphore_mem>> -> memref<!tpu.dma_semaphore, #tpu.memory_space<semaphore_mem>>
            %dma_start3A_348 = arith.constant 0 : i32
            %dma_start3A_349 = arith.constant 0 : i32
            %dma_start3A_350 = tpu.memref_slice %run_scoped3A[%rem3A_337, %dma_start3A_348, %dma_start3A_349] : memref<2x128x32xf32, #tpu.memory_space<vmem>> -> memref<1x128x32xf32, #tpu.memory_space<vmem>>
            %dma_start3A_351 = tpu.memref_squeeze %dma_start3A_350 : memref<1x128x32xf32, #tpu.memory_space<vmem>> -> memref<128x32xf32, #tpu.memory_space<vmem>>
            %dma_start3A_352 = arith.constant 0 : i32
            %dma_start3A_353 = tpu.memref_slice %arg2[%mul3A_339, %dma_start3A_352] : memref<320000x32xf32, #tpu.memory_space<hbm>> -> memref<128x32xf32, #tpu.memory_space<hbm>>
            tpu.enqueue_dma source(%dma_start3A_353 : memref<128x32xf32, #tpu.memory_space<hbm>>) target(%dma_start3A_351 : memref<128x32xf32, #tpu.memory_space<vmem>>) target_semaphore(%dma_start3A_347 : memref<!tpu.dma_semaphore, #tpu.memory_space<semaphore_mem>>)
            "tpu.trace_stop"() : () -> ()
          } else {
          }
          %and3A_224 = arith.constant true
          %and3A_225 = arith.andi %and3A, %and3A_224 : i1
          %add3A_226 = arith.constant 1 : i32
          %add3A_227 = arith.addi %while3A_174, %add3A_226 : i32
          %select_n3A_228 = arith.select %and3A_225, %add3A_227, %while3A_174 : i32
          %ne3A_229 = arith.cmpi ne, %add3A_186, %add3A_204 : i32
          %or3A_230 = arith.constant false
          %or3A_231 = arith.ori %or3A_230, %ne3A_229 : i1
          %sub3A_232 = arith.constant 2 : i32
          %sub3A_233 = arith.subi %mul3A_180, %sub3A_232 : i32
          %add3A_234 = arith.constant 1 : i32
          %add3A_235 = arith.addi %sub3A_233, %add3A_234 : i32
          %ge3A_236 = arith.cmpi sge, %while3A_173, %add3A_235 : i32
          %not3A_237 = arith.constant true
          %not3A_238 = arith.xori %ge3A_236, %not3A_237 : i1
          %and3A_239 = arith.andi %or3A_231, %not3A_238 : i1
          %convert_element_type3A_240 = arith.extui %and3A_239 : i1 to i32
          %cond3A_241 = arith.constant 0 : i32
          %cond3A_242 = arith.cmpi ne, %convert_element_type3A_240, %cond3A_241 : i32
          scf.if %cond3A_242 {
            "tpu.trace_start"() <{level = 10 : i32, message = "ep_copy_in"}> : () -> ()
            %rem3A_336 = arith.constant 2 : i32
            %rem3A_337 = arith.remui %while3A_176, %rem3A_336 : i32
            %mul3A_338 = arith.constant 128 : i32
            %mul3A_339 = arith.muli %mul3A_338, %add3A_204 : i32
            %dma_start3A_340 = arith.constant 0 : i32
            %dma_start3A_341 = arith.constant 0 : i32
            %dma_start3A_342 = tpu.memref_slice %run_scoped3A_25[%rem3A_337, %dma_start3A_340, %dma_start3A_341] : memref<2x1x128xi32, #tpu.memory_space<vmem>> -> memref<1x1x128xi32, #tpu.memory_space<vmem>>
            %dma_start3A_343 = tpu.memref_squeeze %dma_start3A_342 : memref<1x1x128xi32, #tpu.memory_space<vmem>> -> memref<1x128xi32, #tpu.memory_space<vmem>>
            %dma_start3A_344 = arith.constant 1 : i32
            %dma_start3A_345 = tpu.memref_slice %arg3[%dma_start3A_344, %mul3A_339] : memref<2x320000xi32, #tpu.memory_space<hbm>> -> memref<1x128xi32, #tpu.memory_space<hbm>>
            %dma_start3A_346 = tpu.memref_slice %run_scoped3A_26[%rem3A_337] : memref<2x!tpu.dma_semaphore, #tpu.memory_space<semaphore_mem>> -> memref<1x!tpu.dma_semaphore, #tpu.memory_space<semaphore_mem>>
            %dma_start3A_347 = tpu.memref_squeeze %dma_start3A_346 : memref<1x!tpu.dma_semaphore, #tpu.memory_space<semaphore_mem>> -> memref<!tpu.dma_semaphore, #tpu.memory_space<semaphore_mem>>
            %dma_start3A_348 = arith.constant 0 : i32
            %dma_start3A_349 = arith.constant 0 : i32
            %dma_start3A_350 = tpu.memref_slice %run_scoped3A_25[%rem3A_337, %dma_start3A_348, %dma_start3A_349] : memref<2x1x128xi32, #tpu.memory_space<vmem>> -> memref<1x1x128xi32, #tpu.memory_space<vmem>>
            %dma_start3A_351 = tpu.memref_squeeze %dma_start3A_350 : memref<1x1x128xi32, #tpu.memory_space<vmem>> -> memref<1x128xi32, #tpu.memory_space<vmem>>
            %dma_start3A_352 = arith.constant 1 : i32
            %dma_start3A_353 = tpu.memref_slice %arg3[%dma_start3A_352, %mul3A_339] : memref<2x320000xi32, #tpu.memory_space<hbm>> -> memref<1x128xi32, #tpu.memory_space<hbm>>
            tpu.enqueue_dma source(%dma_start3A_353 : memref<1x128xi32, #tpu.memory_space<hbm>>) target(%dma_start3A_351 : memref<1x128xi32, #tpu.memory_space<vmem>>) target_semaphore(%dma_start3A_347 : memref<!tpu.dma_semaphore, #tpu.memory_space<semaphore_mem>>)
            "tpu.trace_stop"() : () -> ()
          } else {
          }
          %and3A_243 = arith.constant true
          %and3A_244 = arith.andi %and3A_239, %and3A_243 : i1
          %add3A_245 = arith.constant 1 : i32
          %add3A_246 = arith.addi %while3A_176, %add3A_245 : i32
          %select_n3A_247 = arith.select %and3A_244, %add3A_246, %while3A_176 : i32
          %ne3A_248 = arith.cmpi ne, %add3A_186, %add3A_196 : i32
          %or3A_249 = arith.constant false
          %or3A_250 = arith.ori %or3A_249, %ne3A_248 : i1
          %or3A_251 = arith.constant false
          %or3A_252 = arith.ori %or3A_250, %or3A_251 : i1
          %or3A_253 = arith.ori %or3A_252, %eq3A_182 : i1
          %convert_element_type3A_254 = arith.extui %or3A_253 : i1 to i32
          %cond3A_255 = arith.constant 0 : i32
          %cond3A_256 = arith.cmpi ne, %convert_element_type3A_254, %cond3A_255 : i32
          scf.if %cond3A_256 {
            "tpu.trace_start"() <{level = 10 : i32, message = "ep_wait_in"}> : () -> ()
            %mul3A_336 = arith.constant 128 : i32
            %mul3A_337 = arith.muli %mul3A_336, %add3A_186 : i32
            %rem3A_338 = arith.constant 2 : i32
            %rem3A_339 = arith.remui %while3A_175, %rem3A_338 : i32
            %dma_wait3A = arith.constant 0 : i32
            %dma_wait3A_340 = arith.constant 0 : i32
            %dma_wait3A_341 = tpu.memref_slice %run_scoped3A[%rem3A_339, %dma_wait3A, %dma_wait3A_340] : memref<2x128x32xf32, #tpu.memory_space<vmem>> -> memref<1x128x32xf32, #tpu.memory_space<vmem>>
            %dma_wait3A_342 = tpu.memref_squeeze %dma_wait3A_341 : memref<1x128x32xf32, #tpu.memory_space<vmem>> -> memref<128x32xf32, #tpu.memory_space<vmem>>
            %dma_wait3A_343 = arith.constant 0 : i32
            %dma_wait3A_344 = tpu.memref_slice %arg2[%mul3A_337, %dma_wait3A_343] : memref<320000x32xf32, #tpu.memory_space<hbm>> -> memref<128x32xf32, #tpu.memory_space<hbm>>
            %dma_wait3A_345 = tpu.memref_slice %run_scoped3A_24[%rem3A_339] : memref<2x!tpu.dma_semaphore, #tpu.memory_space<semaphore_mem>> -> memref<1x!tpu.dma_semaphore, #tpu.memory_space<semaphore_mem>>
            %dma_wait3A_346 = tpu.memref_squeeze %dma_wait3A_345 : memref<1x!tpu.dma_semaphore, #tpu.memory_space<semaphore_mem>> -> memref<!tpu.dma_semaphore, #tpu.memory_space<semaphore_mem>>
            %dma_wait3A_347 = arith.constant 0 : i32
            %dma_wait3A_348 = arith.constant 0 : i32
            %dma_wait3A_349 = tpu.memref_slice %run_scoped3A[%rem3A_339, %dma_wait3A_347, %dma_wait3A_348] : memref<2x128x32xf32, #tpu.memory_space<vmem>> -> memref<1x128x32xf32, #tpu.memory_space<vmem>>
            %dma_wait3A_350 = tpu.memref_squeeze %dma_wait3A_349 : memref<1x128x32xf32, #tpu.memory_space<vmem>> -> memref<128x32xf32, #tpu.memory_space<vmem>>
            %dma_wait3A_351 = arith.constant 0 : i32
            %dma_wait3A_352 = tpu.memref_slice %arg2[%mul3A_337, %dma_wait3A_351] : memref<320000x32xf32, #tpu.memory_space<hbm>> -> memref<128x32xf32, #tpu.memory_space<hbm>>
            tpu.wait_dma2 semaphore(%dma_wait3A_346 : memref<!tpu.dma_semaphore, #tpu.memory_space<semaphore_mem>>) src(%dma_wait3A_352 : memref<128x32xf32, #tpu.memory_space<hbm>>) dst(%dma_wait3A_350 : memref<128x32xf32, #tpu.memory_space<vmem>>)
            "tpu.trace_stop"() : () -> ()
          } else {
          }
          %ne3A_257 = arith.cmpi ne, %add3A_186, %add3A_196 : i32
          %or3A_258 = arith.constant false
          %or3A_259 = arith.ori %or3A_258, %ne3A_257 : i1
          %or3A_260 = arith.ori %or3A_259, %eq3A_182 : i1
          %convert_element_type3A_261 = arith.extui %or3A_260 : i1 to i32
          %cond3A_262 = arith.constant 0 : i32
          %cond3A_263 = arith.cmpi ne, %convert_element_type3A_261, %cond3A_262 : i32
          scf.if %cond3A_263 {
            "tpu.trace_start"() <{level = 10 : i32, message = "ep_wait_in"}> : () -> ()
            %mul3A_336 = arith.constant 128 : i32
            %mul3A_337 = arith.muli %mul3A_336, %add3A_186 : i32
            %rem3A_338 = arith.constant 2 : i32
            %rem3A_339 = arith.remui %while3A_177, %rem3A_338 : i32
            %dma_wait3A = arith.constant 0 : i32
            %dma_wait3A_340 = arith.constant 0 : i32
            %dma_wait3A_341 = tpu.memref_slice %run_scoped3A_25[%rem3A_339, %dma_wait3A, %dma_wait3A_340] : memref<2x1x128xi32, #tpu.memory_space<vmem>> -> memref<1x1x128xi32, #tpu.memory_space<vmem>>
            %dma_wait3A_342 = tpu.memref_squeeze %dma_wait3A_341 : memref<1x1x128xi32, #tpu.memory_space<vmem>> -> memref<1x128xi32, #tpu.memory_space<vmem>>
            %dma_wait3A_343 = arith.constant 1 : i32
            %dma_wait3A_344 = tpu.memref_slice %arg3[%dma_wait3A_343, %mul3A_337] : memref<2x320000xi32, #tpu.memory_space<hbm>> -> memref<1x128xi32, #tpu.memory_space<hbm>>
            %dma_wait3A_345 = tpu.memref_slice %run_scoped3A_26[%rem3A_339] : memref<2x!tpu.dma_semaphore, #tpu.memory_space<semaphore_mem>> -> memref<1x!tpu.dma_semaphore, #tpu.memory_space<semaphore_mem>>
            %dma_wait3A_346 = tpu.memref_squeeze %dma_wait3A_345 : memref<1x!tpu.dma_semaphore, #tpu.memory_space<semaphore_mem>> -> memref<!tpu.dma_semaphore, #tpu.memory_space<semaphore_mem>>
            %dma_wait3A_347 = arith.constant 0 : i32
            %dma_wait3A_348 = arith.constant 0 : i32
            %dma_wait3A_349 = tpu.memref_slice %run_scoped3A_25[%rem3A_339, %dma_wait3A_347, %dma_wait3A_348] : memref<2x1x128xi32, #tpu.memory_space<vmem>> -> memref<1x1x128xi32, #tpu.memory_space<vmem>>
            %dma_wait3A_350 = tpu.memref_squeeze %dma_wait3A_349 : memref<1x1x128xi32, #tpu.memory_space<vmem>> -> memref<1x128xi32, #tpu.memory_space<vmem>>
            %dma_wait3A_351 = arith.constant 1 : i32
            %dma_wait3A_352 = tpu.memref_slice %arg3[%dma_wait3A_351, %mul3A_337] : memref<2x320000xi32, #tpu.memory_space<hbm>> -> memref<1x128xi32, #tpu.memory_space<hbm>>
            tpu.wait_dma2 semaphore(%dma_wait3A_346 : memref<!tpu.dma_semaphore, #tpu.memory_space<semaphore_mem>>) src(%dma_wait3A_352 : memref<1x128xi32, #tpu.memory_space<hbm>>) dst(%dma_wait3A_350 : memref<1x128xi32, #tpu.memory_space<vmem>>)
            "tpu.trace_stop"() : () -> ()
          } else {
          }
          %rem3A_264 = arith.constant 2 : i32
          %rem3A_265 = arith.remui %while3A_175, %rem3A_264 : i32
          %rem3A_266 = arith.constant 2 : i32
          %rem3A_267 = arith.remui %while3A_177, %rem3A_266 : i32
          %run_scoped3A_268 = arith.constant 0 : i32
          "tpu.trace_start"() <{level = 10 : i32, message = "ep_run_kernel"}> : () -> ()
          "tpu.region"() ({
            %run_scoped3A_336 = tpu.sem_alloc : memref<!tpu.dma_semaphore, #tpu.memory_space<semaphore_mem>>
            %dma_start3A_337 = arith.constant 0 : i32
            %dma_start3A_338 = arith.constant 0 : i32
            %dma_start3A_339 = tpu.memref_slice %run_scoped3A[%rem3A_265, %dma_start3A_337, %dma_start3A_338] : memref<2x128x32xf32, #tpu.memory_space<vmem>> -> memref<1x128x32xf32, #tpu.memory_space<vmem>>
            %dma_start3A_340 = tpu.memref_squeeze %dma_start3A_339 : memref<1x128x32xf32, #tpu.memory_space<vmem>> -> memref<128x32xf32, #tpu.memory_space<vmem>>
            %dma_start3A_341 = arith.constant 0 : i32
            %dma_start3A_342 = arith.constant 0 : i32
            %dma_start3A_343 = tpu.memref_slice %run_scoped3A_25[%rem3A_267, %dma_start3A_341, %dma_start3A_342] : memref<2x1x128xi32, #tpu.memory_space<vmem>> -> memref<1x1x128xi32, #tpu.memory_space<vmem>>
            %dma_start3A_344 = tpu.memref_squeeze %dma_start3A_343 : memref<1x1x128xi32, #tpu.memory_space<vmem>> -> memref<1x128xi32, #tpu.memory_space<vmem>>
            %dma_start3A_345 = arith.constant 0 : i32
            %dma_start3A_346 = tpu.memref_slice %dma_start3A_344[%run_scoped3A_268, %dma_start3A_345] : memref<1x128xi32, #tpu.memory_space<vmem>> -> memref<1x128xi32, #tpu.memory_space<vmem>>
            %dma_start3A_347 = tpu.memref_squeeze %dma_start3A_346 : memref<1x128xi32, #tpu.memory_space<vmem>> -> memref<128xi32, #tpu.memory_space<vmem>>
            %dma_start3A_348 = arith.constant 0 : i32
            %dma_start3A_349 = arith.constant 0 : i32
            %dma_start3A_350 = tpu.memref_slice %arg6[%dma_start3A_348, %dma_start3A_349] : memref<10000x32xf32, #tpu.memory_space<vmem_shared>> -> memref<10000x32xf32, #tpu.memory_space<vmem_shared>>
            tpu.enqueue_indirect_dma source(%dma_start3A_340 : memref<128x32xf32, #tpu.memory_space<vmem>>) target(%dma_start3A_350 : memref<10000x32xf32, #tpu.memory_space<vmem_shared>>) offsets(%dma_start3A_347 : memref<128xi32, #tpu.memory_space<vmem>>) semaphore(%run_scoped3A_336 : memref<!tpu.dma_semaphore, #tpu.memory_space<semaphore_mem>>) {add = true}
            %dma_wait3A = arith.constant 0 : i32
            %dma_wait3A_351 = arith.constant 0 : i32
            %dma_wait3A_352 = tpu.memref_slice %run_scoped3A[%rem3A_265, %dma_wait3A, %dma_wait3A_351] : memref<2x128x32xf32, #tpu.memory_space<vmem>> -> memref<1x128x32xf32, #tpu.memory_space<vmem>>
            %dma_wait3A_353 = tpu.memref_squeeze %dma_wait3A_352 : memref<1x128x32xf32, #tpu.memory_space<vmem>> -> memref<128x32xf32, #tpu.memory_space<vmem>>
            %dma_wait3A_354 = arith.constant 0 : i32
            %dma_wait3A_355 = arith.constant 0 : i32
            %dma_wait3A_356 = tpu.memref_slice %run_scoped3A_25[%rem3A_267, %dma_wait3A_354, %dma_wait3A_355] : memref<2x1x128xi32, #tpu.memory_space<vmem>> -> memref<1x1x128xi32, #tpu.memory_space<vmem>>
            %dma_wait3A_357 = tpu.memref_squeeze %dma_wait3A_356 : memref<1x1x128xi32, #tpu.memory_space<vmem>> -> memref<1x128xi32, #tpu.memory_space<vmem>>
            %dma_wait3A_358 = arith.constant 0 : i32
            %dma_wait3A_359 = tpu.memref_slice %dma_wait3A_357[%run_scoped3A_268, %dma_wait3A_358] : memref<1x128xi32, #tpu.memory_space<vmem>> -> memref<1x128xi32, #tpu.memory_space<vmem>>
            %dma_wait3A_360 = tpu.memref_squeeze %dma_wait3A_359 : memref<1x128xi32, #tpu.memory_space<vmem>> -> memref<128xi32, #tpu.memory_space<vmem>>
            %dma_wait3A_361 = arith.constant 0 : i32
            %dma_wait3A_362 = arith.constant 0 : i32
            %dma_wait3A_363 = tpu.memref_slice %arg6[%dma_wait3A_361, %dma_wait3A_362] : memref<10000x32xf32, #tpu.memory_space<vmem_shared>> -> memref<10000x32xf32, #tpu.memory_space<vmem_shared>>
            tpu.wait_indirect_dma semaphore(%run_scoped3A_336 : memref<!tpu.dma_semaphore, #tpu.memory_space<semaphore_mem>>) src(%dma_wait3A_353 : memref<128x32xf32, #tpu.memory_space<vmem>>) dst(%dma_wait3A_363 : memref<10000x32xf32, #tpu.memory_space<vmem_shared>>)
            tpu.yield
          }) : () -> ()
          "tpu.trace_stop"() : () -> ()
          %ne3A_269 = arith.cmpi ne, %add3A_186, %add3A_204 : i32
          %or3A_270 = arith.constant false
          %or3A_271 = arith.ori %or3A_270, %ne3A_269 : i1
          %or3A_272 = arith.constant false
          %or3A_273 = arith.ori %or3A_271, %or3A_272 : i1
          %or3A_274 = arith.ori %or3A_273, %eq3A_185 : i1
          %convert_element_type3A_275 = arith.extui %or3A_274 : i1 to i32
          %cond3A_276 = arith.constant 0 : i32
          %cond3A_277 = arith.cmpi ne, %convert_element_type3A_275, %cond3A_276 : i32
          scf.if %cond3A_277 {
          } else {
          }
          %and3A_278 = arith.constant false
          %and3A_279 = arith.andi %or3A_274, %and3A_278 : i1
          %ne3A_280 = arith.cmpi ne, %add3A_186, %add3A_204 : i32
          %or3A_281 = arith.constant false
          %or3A_282 = arith.ori %or3A_281, %ne3A_280 : i1
          %or3A_283 = arith.ori %or3A_282, %eq3A_185 : i1
          %convert_element_type3A_284 = arith.extui %or3A_283 : i1 to i32
          %cond3A_285 = arith.constant 0 : i32
          %cond3A_286 = arith.cmpi ne, %convert_element_type3A_284, %cond3A_285 : i32
          scf.if %cond3A_286 {
          } else {
          }
          %and3A_287 = arith.constant false
          %and3A_288 = arith.andi %or3A_283, %and3A_287 : i1
          %ne3A_289 = arith.cmpi ne, %add3A_186, %add3A_196 : i32
          %or3A_290 = arith.constant false
          %or3A_291 = arith.ori %or3A_290, %ne3A_289 : i1
          %or3A_292 = arith.constant false
          %or3A_293 = arith.ori %or3A_291, %or3A_292 : i1
          %not3A_294 = arith.constant true
          %not3A_295 = arith.xori %eq3A_182, %not3A_294 : i1
          %and3A_296 = arith.andi %or3A_293, %not3A_295 : i1
          %convert_element_type3A_297 = arith.extui %and3A_296 : i1 to i32
          %cond3A_298 = arith.constant 0 : i32
          %cond3A_299 = arith.cmpi ne, %convert_element_type3A_297, %cond3A_298 : i32
          scf.if %cond3A_299 {
          } else {
          }
          %and3A_300 = arith.constant false
          %and3A_301 = arith.andi %and3A_296, %and3A_300 : i1
          %ne3A_302 = arith.cmpi ne, %add3A_186, %add3A_196 : i32
          %or3A_303 = arith.constant false
          %or3A_304 = arith.ori %or3A_303, %ne3A_302 : i1
          %not3A_305 = arith.constant true
          %not3A_306 = arith.xori %eq3A_182, %not3A_305 : i1
          %and3A_307 = arith.andi %or3A_304, %not3A_306 : i1
          %convert_element_type3A_308 = arith.extui %and3A_307 : i1 to i32
          %cond3A_309 = arith.constant 0 : i32
          %cond3A_310 = arith.cmpi ne, %convert_element_type3A_308, %cond3A_309 : i32
          scf.if %cond3A_310 {
          } else {
          }
          %and3A_311 = arith.constant false
          %and3A_312 = arith.andi %and3A_307, %and3A_311 : i1
          %ne3A_313 = arith.cmpi ne, %add3A_186, %add3A_204 : i32
          %or3A_314 = arith.constant false
          %or3A_315 = arith.ori %or3A_314, %ne3A_313 : i1
          %or3A_316 = arith.constant false
          %or3A_317 = arith.ori %or3A_315, %or3A_316 : i1
          %or3A_318 = arith.ori %or3A_317, %eq3A_185 : i1
          %add3A_319 = arith.constant 1 : i32
          %add3A_320 = arith.addi %while3A_175, %add3A_319 : i32
          %select_n3A_321 = arith.select %or3A_318, %add3A_320, %while3A_175 : i32
          %ne3A_322 = arith.cmpi ne, %add3A_186, %add3A_204 : i32
          %or3A_323 = arith.constant false
          %or3A_324 = arith.ori %or3A_323, %ne3A_322 : i1
          %or3A_325 = arith.ori %or3A_324, %eq3A_185 : i1
          %add3A_326 = arith.constant 1 : i32
          %add3A_327 = arith.addi %while3A_177, %add3A_326 : i32
          %select_n3A_328 = arith.select %or3A_325, %add3A_327, %while3A_177 : i32
          %add3A_329 = arith.constant 1 : i32
          %add3A_330 = arith.addi %while3A_178, %add3A_329 : i32
          %select_n3A_331 = arith.constant true
          %select_n3A_332 = arith.select %select_n3A_331, %add3A_330, %while3A_178 : i32
          %eq3A_333 = arith.cmpi eq, %select_n3A_332, %select_n3A : i32
          %select_n3A_334 = arith.constant 0 : i32
          %select_n3A_335 = arith.select %eq3A_333, %select_n3A_334, %select_n3A_332 : i32
          scf.yield %select_n3A_228, %select_n3A_321, %select_n3A_247, %select_n3A_328, %select_n3A_335 : i32, i32, i32, i32, i32
        }
        %while3A_120 = arith.constant 1 : i32
        %while3A_121:5 = scf.for %while3A_173 = %while3A_117 to %while3A_113 step %while3A_120 iter_args(%while3A_174 = %while3A_119#0, %while3A_175 = %while3A_119#1, %while3A_176 = %while3A_119#2, %while3A_177 = %while3A_119#3, %while3A_178 = %while3A_119#4) -> (i32, i32, i32, i32, i32)  : i32 {
          %mul3A_179 = arith.constant 1 : i32
          %mul3A_180 = arith.muli %mul3A_179, %select_n3A : i32
          %eq3A_181 = arith.constant 0 : i32
          %eq3A_182 = arith.cmpi eq, %while3A_173, %eq3A_181 : i32
          %sub3A_183 = arith.constant 1 : i32
          %sub3A_184 = arith.subi %mul3A_180, %sub3A_183 : i32
          %eq3A_185 = arith.cmpi eq, %while3A_173, %sub3A_184 : i32
          %add3A_186 = arith.addi %while3A_178, %select_n3A_16 : i32
          %sub3A_187 = arith.constant 1 : i32
          %sub3A_188 = arith.subi %while3A_178, %sub3A_187 : i32
          %select_n3A_189 = arith.constant true
          %select_n3A_190 = arith.select %select_n3A_189, %sub3A_188, %while3A_178 : i32
          %eq3A_191 = arith.constant -1 : i32
          %eq3A_192 = arith.cmpi eq, %select_n3A_190, %eq3A_191 : i32
          %sub3A_193 = arith.constant 1 : i32
          %sub3A_194 = arith.subi %select_n3A, %sub3A_193 : i32
          %select_n3A_195 = arith.select %eq3A_192, %sub3A_194, %select_n3A_190 : i32
          %add3A_196 = arith.addi %select_n3A_195, %select_n3A_16 : i32
          %add3A_197 = arith.constant 1 : i32
          %add3A_198 = arith.addi %while3A_178, %add3A_197 : i32
          %select_n3A_199 = arith.constant true
          %select_n3A_200 = arith.select %select_n3A_199, %add3A_198, %while3A_178 : i32
          %eq3A_201 = arith.cmpi eq, %select_n3A_200, %select_n3A : i32
          %select_n3A_202 = arith.constant 0 : i32
          %select_n3A_203 = arith.select %eq3A_201, %select_n3A_202, %select_n3A_200 : i32
          %add3A_204 = arith.addi %select_n3A_203, %select_n3A_16 : i32
          %add3A_205 = arith.constant 1 : i32
          %add3A_206 = arith.addi %select_n3A_203, %add3A_205 : i32
          %select_n3A_207 = arith.constant true
          %select_n3A_208 = arith.select %select_n3A_207, %add3A_206, %select_n3A_203 : i32
          %eq3A_209 = arith.cmpi eq, %select_n3A_208, %select_n3A : i32
          %select_n3A_210 = arith.constant 0 : i32
          %select_n3A_211 = arith.select %eq3A_209, %select_n3A_210, %select_n3A_208 : i32
          %add3A_212 = arith.addi %select_n3A_211, %select_n3A_16 : i32
          %ne3A = arith.cmpi ne, %add3A_186, %add3A_204 : i32
          %or3A = arith.constant false
          %or3A_213 = arith.ori %or3A, %ne3A : i1
          %or3A_214 = arith.constant false
          %or3A_215 = arith.ori %or3A_213, %or3A_214 : i1
          %sub3A_216 = arith.constant 2 : i32
          %sub3A_217 = arith.subi %mul3A_180, %sub3A_216 : i32
          %add3A_218 = arith.constant 1 : i32
          %add3A_219 = arith.addi %sub3A_217, %add3A_218 : i32
          %ge3A = arith.cmpi sge, %while3A_173, %add3A_219 : i32
          %not3A = arith.constant true
          %not3A_220 = arith.xori %ge3A, %not3A : i1
          %and3A = arith.andi %or3A_215, %not3A_220 : i1
          %convert_element_type3A_221 = arith.extui %and3A : i1 to i32
          %cond3A_222 = arith.constant 0 : i32
          %cond3A_223 = arith.cmpi ne, %convert_element_type3A_221, %cond3A_222 : i32
          scf.if %cond3A_223 {
            "tpu.trace_start"() <{level = 10 : i32, message = "ep_copy_in"}> : () -> ()
            %rem3A_336 = arith.constant 2 : i32
            %rem3A_337 = arith.remui %while3A_174, %rem3A_336 : i32
            %mul3A_338 = arith.constant 128 : i32
            %mul3A_339 = arith.muli %mul3A_338, %add3A_204 : i32
            %dma_start3A_340 = arith.constant 0 : i32
            %dma_start3A_341 = arith.constant 0 : i32
            %dma_start3A_342 = tpu.memref_slice %run_scoped3A[%rem3A_337, %dma_start3A_340, %dma_start3A_341] : memref<2x128x32xf32, #tpu.memory_space<vmem>> -> memref<1x128x32xf32, #tpu.memory_space<vmem>>
            %dma_start3A_343 = tpu.memref_squeeze %dma_start3A_342 : memref<1x128x32xf32, #tpu.memory_space<vmem>> -> memref<128x32xf32, #tpu.memory_space<vmem>>
            %dma_start3A_344 = arith.constant 0 : i32
            %dma_start3A_345 = tpu.memref_slice %arg2[%mul3A_339, %dma_start3A_344] : memref<320000x32xf32, #tpu.memory_space<hbm>> -> memref<128x32xf32, #tpu.memory_space<hbm>>
            %dma_start3A_346 = tpu.memref_slice %run_scoped3A_24[%rem3A_337] : memref<2x!tpu.dma_semaphore, #tpu.memory_space<semaphore_mem>> -> memref<1x!tpu.dma_semaphore, #tpu.memory_space<semaphore_mem>>
            %dma_start3A_347 = tpu.memref_squeeze %dma_start3A_346 : memref<1x!tpu.dma_semaphore, #tpu.memory_space<semaphore_mem>> -> memref<!tpu.dma_semaphore, #tpu.memory_space<semaphore_mem>>
            %dma_start3A_348 = arith.constant 0 : i32
            %dma_start3A_349 = arith.constant 0 : i32
            %dma_start3A_350 = tpu.memref_slice %run_scoped3A[%rem3A_337, %dma_start3A_348, %dma_start3A_349] : memref<2x128x32xf32, #tpu.memory_space<vmem>> -> memref<1x128x32xf32, #tpu.memory_space<vmem>>
            %dma_start3A_351 = tpu.memref_squeeze %dma_start3A_350 : memref<1x128x32xf32, #tpu.memory_space<vmem>> -> memref<128x32xf32, #tpu.memory_space<vmem>>
            %dma_start3A_352 = arith.constant 0 : i32
            %dma_start3A_353 = tpu.memref_slice %arg2[%mul3A_339, %dma_start3A_352] : memref<320000x32xf32, #tpu.memory_space<hbm>> -> memref<128x32xf32, #tpu.memory_space<hbm>>
            tpu.enqueue_dma source(%dma_start3A_353 : memref<128x32xf32, #tpu.memory_space<hbm>>) target(%dma_start3A_351 : memref<128x32xf32, #tpu.memory_space<vmem>>) target_semaphore(%dma_start3A_347 : memref<!tpu.dma_semaphore, #tpu.memory_space<semaphore_mem>>)
            "tpu.trace_stop"() : () -> ()
          } else {
          }
          %and3A_224 = arith.constant true
          %and3A_225 = arith.andi %and3A, %and3A_224 : i1
          %add3A_226 = arith.constant 1 : i32
          %add3A_227 = arith.addi %while3A_174, %add3A_226 : i32
          %select_n3A_228 = arith.select %and3A_225, %add3A_227, %while3A_174 : i32
          %ne3A_229 = arith.cmpi ne, %add3A_186, %add3A_204 : i32
          %or3A_230 = arith.constant false
          %or3A_231 = arith.ori %or3A_230, %ne3A_229 : i1
          %sub3A_232 = arith.constant 2 : i32
          %sub3A_233 = arith.subi %mul3A_180, %sub3A_232 : i32
          %add3A_234 = arith.constant 1 : i32
          %add3A_235 = arith.addi %sub3A_233, %add3A_234 : i32
          %ge3A_236 = arith.cmpi sge, %while3A_173, %add3A_235 : i32
          %not3A_237 = arith.constant true
          %not3A_238 = arith.xori %ge3A_236, %not3A_237 : i1
          %and3A_239 = arith.andi %or3A_231, %not3A_238 : i1
          %convert_element_type3A_240 = arith.extui %and3A_239 : i1 to i32
          %cond3A_241 = arith.constant 0 : i32
          %cond3A_242 = arith.cmpi ne, %convert_element_type3A_240, %cond3A_241 : i32
          scf.if %cond3A_242 {
            "tpu.trace_start"() <{level = 10 : i32, message = "ep_copy_in"}> : () -> ()
            %rem3A_336 = arith.constant 2 : i32
            %rem3A_337 = arith.remui %while3A_176, %rem3A_336 : i32
            %mul3A_338 = arith.constant 128 : i32
            %mul3A_339 = arith.muli %mul3A_338, %add3A_204 : i32
            %dma_start3A_340 = arith.constant 0 : i32
            %dma_start3A_341 = arith.constant 0 : i32
            %dma_start3A_342 = tpu.memref_slice %run_scoped3A_25[%rem3A_337, %dma_start3A_340, %dma_start3A_341] : memref<2x1x128xi32, #tpu.memory_space<vmem>> -> memref<1x1x128xi32, #tpu.memory_space<vmem>>
            %dma_start3A_343 = tpu.memref_squeeze %dma_start3A_342 : memref<1x1x128xi32, #tpu.memory_space<vmem>> -> memref<1x128xi32, #tpu.memory_space<vmem>>
            %dma_start3A_344 = arith.constant 1 : i32
            %dma_start3A_345 = tpu.memref_slice %arg3[%dma_start3A_344, %mul3A_339] : memref<2x320000xi32, #tpu.memory_space<hbm>> -> memref<1x128xi32, #tpu.memory_space<hbm>>
            %dma_start3A_346 = tpu.memref_slice %run_scoped3A_26[%rem3A_337] : memref<2x!tpu.dma_semaphore, #tpu.memory_space<semaphore_mem>> -> memref<1x!tpu.dma_semaphore, #tpu.memory_space<semaphore_mem>>
            %dma_start3A_347 = tpu.memref_squeeze %dma_start3A_346 : memref<1x!tpu.dma_semaphore, #tpu.memory_space<semaphore_mem>> -> memref<!tpu.dma_semaphore, #tpu.memory_space<semaphore_mem>>
            %dma_start3A_348 = arith.constant 0 : i32
            %dma_start3A_349 = arith.constant 0 : i32
            %dma_start3A_350 = tpu.memref_slice %run_scoped3A_25[%rem3A_337, %dma_start3A_348, %dma_start3A_349] : memref<2x1x128xi32, #tpu.memory_space<vmem>> -> memref<1x1x128xi32, #tpu.memory_space<vmem>>
            %dma_start3A_351 = tpu.memref_squeeze %dma_start3A_350 : memref<1x1x128xi32, #tpu.memory_space<vmem>> -> memref<1x128xi32, #tpu.memory_space<vmem>>
            %dma_start3A_352 = arith.constant 1 : i32
            %dma_start3A_353 = tpu.memref_slice %arg3[%dma_start3A_352, %mul3A_339] : memref<2x320000xi32, #tpu.memory_space<hbm>> -> memref<1x128xi32, #tpu.memory_space<hbm>>
            tpu.enqueue_dma source(%dma_start3A_353 : memref<1x128xi32, #tpu.memory_space<hbm>>) target(%dma_start3A_351 : memref<1x128xi32, #tpu.memory_space<vmem>>) target_semaphore(%dma_start3A_347 : memref<!tpu.dma_semaphore, #tpu.memory_space<semaphore_mem>>)
            "tpu.trace_stop"() : () -> ()
          } else {
          }
          %and3A_243 = arith.constant true
          %and3A_244 = arith.andi %and3A_239, %and3A_243 : i1
          %add3A_245 = arith.constant 1 : i32
          %add3A_246 = arith.addi %while3A_176, %add3A_245 : i32
          %select_n3A_247 = arith.select %and3A_244, %add3A_246, %while3A_176 : i32
          %ne3A_248 = arith.cmpi ne, %add3A_186, %add3A_196 : i32
          %or3A_249 = arith.constant false
          %or3A_250 = arith.ori %or3A_249, %ne3A_248 : i1
          %or3A_251 = arith.constant false
          %or3A_252 = arith.ori %or3A_250, %or3A_251 : i1
          %or3A_253 = arith.ori %or3A_252, %eq3A_182 : i1
          %convert_element_type3A_254 = arith.extui %or3A_253 : i1 to i32
          %cond3A_255 = arith.constant 0 : i32
          %cond3A_256 = arith.cmpi ne, %convert_element_type3A_254, %cond3A_255 : i32
          scf.if %cond3A_256 {
            "tpu.trace_start"() <{level = 10 : i32, message = "ep_wait_in"}> : () -> ()
            %mul3A_336 = arith.constant 128 : i32
            %mul3A_337 = arith.muli %mul3A_336, %add3A_186 : i32
            %rem3A_338 = arith.constant 2 : i32
            %rem3A_339 = arith.remui %while3A_175, %rem3A_338 : i32
            %dma_wait3A = arith.constant 0 : i32
            %dma_wait3A_340 = arith.constant 0 : i32
            %dma_wait3A_341 = tpu.memref_slice %run_scoped3A[%rem3A_339, %dma_wait3A, %dma_wait3A_340] : memref<2x128x32xf32, #tpu.memory_space<vmem>> -> memref<1x128x32xf32, #tpu.memory_space<vmem>>
            %dma_wait3A_342 = tpu.memref_squeeze %dma_wait3A_341 : memref<1x128x32xf32, #tpu.memory_space<vmem>> -> memref<128x32xf32, #tpu.memory_space<vmem>>
            %dma_wait3A_343 = arith.constant 0 : i32
            %dma_wait3A_344 = tpu.memref_slice %arg2[%mul3A_337, %dma_wait3A_343] : memref<320000x32xf32, #tpu.memory_space<hbm>> -> memref<128x32xf32, #tpu.memory_space<hbm>>
            %dma_wait3A_345 = tpu.memref_slice %run_scoped3A_24[%rem3A_339] : memref<2x!tpu.dma_semaphore, #tpu.memory_space<semaphore_mem>> -> memref<1x!tpu.dma_semaphore, #tpu.memory_space<semaphore_mem>>
            %dma_wait3A_346 = tpu.memref_squeeze %dma_wait3A_345 : memref<1x!tpu.dma_semaphore, #tpu.memory_space<semaphore_mem>> -> memref<!tpu.dma_semaphore, #tpu.memory_space<semaphore_mem>>
            %dma_wait3A_347 = arith.constant 0 : i32
            %dma_wait3A_348 = arith.constant 0 : i32
            %dma_wait3A_349 = tpu.memref_slice %run_scoped3A[%rem3A_339, %dma_wait3A_347, %dma_wait3A_348] : memref<2x128x32xf32, #tpu.memory_space<vmem>> -> memref<1x128x32xf32, #tpu.memory_space<vmem>>
            %dma_wait3A_350 = tpu.memref_squeeze %dma_wait3A_349 : memref<1x128x32xf32, #tpu.memory_space<vmem>> -> memref<128x32xf32, #tpu.memory_space<vmem>>
            %dma_wait3A_351 = arith.constant 0 : i32
            %dma_wait3A_352 = tpu.memref_slice %arg2[%mul3A_337, %dma_wait3A_351] : memref<320000x32xf32, #tpu.memory_space<hbm>> -> memref<128x32xf32, #tpu.memory_space<hbm>>
            tpu.wait_dma2 semaphore(%dma_wait3A_346 : memref<!tpu.dma_semaphore, #tpu.memory_space<semaphore_mem>>) src(%dma_wait3A_352 : memref<128x32xf32, #tpu.memory_space<hbm>>) dst(%dma_wait3A_350 : memref<128x32xf32, #tpu.memory_space<vmem>>)
            "tpu.trace_stop"() : () -> ()
          } else {
          }
          %ne3A_257 = arith.cmpi ne, %add3A_186, %add3A_196 : i32
          %or3A_258 = arith.constant false
          %or3A_259 = arith.ori %or3A_258, %ne3A_257 : i1
          %or3A_260 = arith.ori %or3A_259, %eq3A_182 : i1
          %convert_element_type3A_261 = arith.extui %or3A_260 : i1 to i32
          %cond3A_262 = arith.constant 0 : i32
          %cond3A_263 = arith.cmpi ne, %convert_element_type3A_261, %cond3A_262 : i32
          scf.if %cond3A_263 {
            "tpu.trace_start"() <{level = 10 : i32, message = "ep_wait_in"}> : () -> ()
            %mul3A_336 = arith.constant 128 : i32
            %mul3A_337 = arith.muli %mul3A_336, %add3A_186 : i32
            %rem3A_338 = arith.constant 2 : i32
            %rem3A_339 = arith.remui %while3A_177, %rem3A_338 : i32
            %dma_wait3A = arith.constant 0 : i32
            %dma_wait3A_340 = arith.constant 0 : i32
            %dma_wait3A_341 = tpu.memref_slice %run_scoped3A_25[%rem3A_339, %dma_wait3A, %dma_wait3A_340] : memref<2x1x128xi32, #tpu.memory_space<vmem>> -> memref<1x1x128xi32, #tpu.memory_space<vmem>>
            %dma_wait3A_342 = tpu.memref_squeeze %dma_wait3A_341 : memref<1x1x128xi32, #tpu.memory_space<vmem>> -> memref<1x128xi32, #tpu.memory_space<vmem>>
            %dma_wait3A_343 = arith.constant 1 : i32
            %dma_wait3A_344 = tpu.memref_slice %arg3[%dma_wait3A_343, %mul3A_337] : memref<2x320000xi32, #tpu.memory_space<hbm>> -> memref<1x128xi32, #tpu.memory_space<hbm>>
            %dma_wait3A_345 = tpu.memref_slice %run_scoped3A_26[%rem3A_339] : memref<2x!tpu.dma_semaphore, #tpu.memory_space<semaphore_mem>> -> memref<1x!tpu.dma_semaphore, #tpu.memory_space<semaphore_mem>>
            %dma_wait3A_346 = tpu.memref_squeeze %dma_wait3A_345 : memref<1x!tpu.dma_semaphore, #tpu.memory_space<semaphore_mem>> -> memref<!tpu.dma_semaphore, #tpu.memory_space<semaphore_mem>>
            %dma_wait3A_347 = arith.constant 0 : i32
            %dma_wait3A_348 = arith.constant 0 : i32
            %dma_wait3A_349 = tpu.memref_slice %run_scoped3A_25[%rem3A_339, %dma_wait3A_347, %dma_wait3A_348] : memref<2x1x128xi32, #tpu.memory_space<vmem>> -> memref<1x1x128xi32, #tpu.memory_space<vmem>>
            %dma_wait3A_350 = tpu.memref_squeeze %dma_wait3A_349 : memref<1x1x128xi32, #tpu.memory_space<vmem>> -> memref<1x128xi32, #tpu.memory_space<vmem>>
            %dma_wait3A_351 = arith.constant 1 : i32
            %dma_wait3A_352 = tpu.memref_slice %arg3[%dma_wait3A_351, %mul3A_337] : memref<2x320000xi32, #tpu.memory_space<hbm>> -> memref<1x128xi32, #tpu.memory_space<hbm>>
            tpu.wait_dma2 semaphore(%dma_wait3A_346 : memref<!tpu.dma_semaphore, #tpu.memory_space<semaphore_mem>>) src(%dma_wait3A_352 : memref<1x128xi32, #tpu.memory_space<hbm>>) dst(%dma_wait3A_350 : memref<1x128xi32, #tpu.memory_space<vmem>>)
            "tpu.trace_stop"() : () -> ()
          } else {
          }
          %rem3A_264 = arith.constant 2 : i32
          %rem3A_265 = arith.remui %while3A_175, %rem3A_264 : i32
          %rem3A_266 = arith.constant 2 : i32
          %rem3A_267 = arith.remui %while3A_177, %rem3A_266 : i32
          %run_scoped3A_268 = arith.constant 0 : i32
          "tpu.trace_start"() <{level = 10 : i32, message = "ep_run_kernel"}> : () -> ()
          "tpu.region"() ({
            %run_scoped3A_336 = tpu.sem_alloc : memref<!tpu.dma_semaphore, #tpu.memory_space<semaphore_mem>>
            %dma_start3A_337 = arith.constant 0 : i32
            %dma_start3A_338 = arith.constant 0 : i32
            %dma_start3A_339 = tpu.memref_slice %run_scoped3A[%rem3A_265, %dma_start3A_337, %dma_start3A_338] : memref<2x128x32xf32, #tpu.memory_space<vmem>> -> memref<1x128x32xf32, #tpu.memory_space<vmem>>
            %dma_start3A_340 = tpu.memref_squeeze %dma_start3A_339 : memref<1x128x32xf32, #tpu.memory_space<vmem>> -> memref<128x32xf32, #tpu.memory_space<vmem>>
            %dma_start3A_341 = arith.constant 0 : i32
            %dma_start3A_342 = arith.constant 0 : i32
            %dma_start3A_343 = tpu.memref_slice %run_scoped3A_25[%rem3A_267, %dma_start3A_341, %dma_start3A_342] : memref<2x1x128xi32, #tpu.memory_space<vmem>> -> memref<1x1x128xi32, #tpu.memory_space<vmem>>
            %dma_start3A_344 = tpu.memref_squeeze %dma_start3A_343 : memref<1x1x128xi32, #tpu.memory_space<vmem>> -> memref<1x128xi32, #tpu.memory_space<vmem>>
            %dma_start3A_345 = arith.constant 0 : i32
            %dma_start3A_346 = tpu.memref_slice %dma_start3A_344[%run_scoped3A_268, %dma_start3A_345] : memref<1x128xi32, #tpu.memory_space<vmem>> -> memref<1x128xi32, #tpu.memory_space<vmem>>
            %dma_start3A_347 = tpu.memref_squeeze %dma_start3A_346 : memref<1x128xi32, #tpu.memory_space<vmem>> -> memref<128xi32, #tpu.memory_space<vmem>>
            %dma_start3A_348 = arith.constant 0 : i32
            %dma_start3A_349 = arith.constant 0 : i32
            %dma_start3A_350 = tpu.memref_slice %arg6[%dma_start3A_348, %dma_start3A_349] : memref<10000x32xf32, #tpu.memory_space<vmem_shared>> -> memref<10000x32xf32, #tpu.memory_space<vmem_shared>>
            tpu.enqueue_indirect_dma source(%dma_start3A_340 : memref<128x32xf32, #tpu.memory_space<vmem>>) target(%dma_start3A_350 : memref<10000x32xf32, #tpu.memory_space<vmem_shared>>) offsets(%dma_start3A_347 : memref<128xi32, #tpu.memory_space<vmem>>) semaphore(%run_scoped3A_336 : memref<!tpu.dma_semaphore, #tpu.memory_space<semaphore_mem>>) {add = true}
            %dma_wait3A = arith.constant 0 : i32
            %dma_wait3A_351 = arith.constant 0 : i32
            %dma_wait3A_352 = tpu.memref_slice %run_scoped3A[%rem3A_265, %dma_wait3A, %dma_wait3A_351] : memref<2x128x32xf32, #tpu.memory_space<vmem>> -> memref<1x128x32xf32, #tpu.memory_space<vmem>>
            %dma_wait3A_353 = tpu.memref_squeeze %dma_wait3A_352 : memref<1x128x32xf32, #tpu.memory_space<vmem>> -> memref<128x32xf32, #tpu.memory_space<vmem>>
            %dma_wait3A_354 = arith.constant 0 : i32
            %dma_wait3A_355 = arith.constant 0 : i32
            %dma_wait3A_356 = tpu.memref_slice %run_scoped3A_25[%rem3A_267, %dma_wait3A_354, %dma_wait3A_355] : memref<2x1x128xi32, #tpu.memory_space<vmem>> -> memref<1x1x128xi32, #tpu.memory_space<vmem>>
            %dma_wait3A_357 = tpu.memref_squeeze %dma_wait3A_356 : memref<1x1x128xi32, #tpu.memory_space<vmem>> -> memref<1x128xi32, #tpu.memory_space<vmem>>
            %dma_wait3A_358 = arith.constant 0 : i32
            %dma_wait3A_359 = tpu.memref_slice %dma_wait3A_357[%run_scoped3A_268, %dma_wait3A_358] : memref<1x128xi32, #tpu.memory_space<vmem>> -> memref<1x128xi32, #tpu.memory_space<vmem>>
            %dma_wait3A_360 = tpu.memref_squeeze %dma_wait3A_359 : memref<1x128xi32, #tpu.memory_space<vmem>> -> memref<128xi32, #tpu.memory_space<vmem>>
            %dma_wait3A_361 = arith.constant 0 : i32
            %dma_wait3A_362 = arith.constant 0 : i32
            %dma_wait3A_363 = tpu.memref_slice %arg6[%dma_wait3A_361, %dma_wait3A_362] : memref<10000x32xf32, #tpu.memory_space<vmem_shared>> -> memref<10000x32xf32, #tpu.memory_space<vmem_shared>>
            tpu.wait_indirect_dma semaphore(%run_scoped3A_336 : memref<!tpu.dma_semaphore, #tpu.memory_space<semaphore_mem>>) src(%dma_wait3A_353 : memref<128x32xf32, #tpu.memory_space<vmem>>) dst(%dma_wait3A_363 : memref<10000x32xf32, #tpu.memory_space<vmem_shared>>)
            tpu.yield
          }) : () -> ()
          "tpu.trace_stop"() : () -> ()
          %ne3A_269 = arith.cmpi ne, %add3A_186, %add3A_204 : i32
          %or3A_270 = arith.constant false
          %or3A_271 = arith.ori %or3A_270, %ne3A_269 : i1
          %or3A_272 = arith.constant false
          %or3A_273 = arith.ori %or3A_271, %or3A_272 : i1
          %or3A_274 = arith.ori %or3A_273, %eq3A_185 : i1
          %convert_element_type3A_275 = arith.extui %or3A_274 : i1 to i32
          %cond3A_276 = arith.constant 0 : i32
          %cond3A_277 = arith.cmpi ne, %convert_element_type3A_275, %cond3A_276 : i32
          scf.if %cond3A_277 {
          } else {
          }
          %and3A_278 = arith.constant false
          %and3A_279 = arith.andi %or3A_274, %and3A_278 : i1
          %ne3A_280 = arith.cmpi ne, %add3A_186, %add3A_204 : i32
          %or3A_281 = arith.constant false
          %or3A_282 = arith.ori %or3A_281, %ne3A_280 : i1
          %or3A_283 = arith.ori %or3A_282, %eq3A_185 : i1
          %convert_element_type3A_284 = arith.extui %or3A_283 : i1 to i32
          %cond3A_285 = arith.constant 0 : i32
          %cond3A_286 = arith.cmpi ne, %convert_element_type3A_284, %cond3A_285 : i32
          scf.if %cond3A_286 {
          } else {
          }
          %and3A_287 = arith.constant false
          %and3A_288 = arith.andi %or3A_283, %and3A_287 : i1
          %ne3A_289 = arith.cmpi ne, %add3A_186, %add3A_196 : i32
          %or3A_290 = arith.constant false
          %or3A_291 = arith.ori %or3A_290, %ne3A_289 : i1
          %or3A_292 = arith.constant false
          %or3A_293 = arith.ori %or3A_291, %or3A_292 : i1
          %not3A_294 = arith.constant true
          %not3A_295 = arith.xori %eq3A_182, %not3A_294 : i1
          %and3A_296 = arith.andi %or3A_293, %not3A_295 : i1
          %convert_element_type3A_297 = arith.extui %and3A_296 : i1 to i32
          %cond3A_298 = arith.constant 0 : i32
          %cond3A_299 = arith.cmpi ne, %convert_element_type3A_297, %cond3A_298 : i32
          scf.if %cond3A_299 {
          } else {
          }
          %and3A_300 = arith.constant false
          %and3A_301 = arith.andi %and3A_296, %and3A_300 : i1
          %ne3A_302 = arith.cmpi ne, %add3A_186, %add3A_196 : i32
          %or3A_303 = arith.constant false
          %or3A_304 = arith.ori %or3A_303, %ne3A_302 : i1
          %not3A_305 = arith.constant true
          %not3A_306 = arith.xori %eq3A_182, %not3A_305 : i1
          %and3A_307 = arith.andi %or3A_304, %not3A_306 : i1
          %convert_element_type3A_308 = arith.extui %and3A_307 : i1 to i32
          %cond3A_309 = arith.constant 0 : i32
          %cond3A_310 = arith.cmpi ne, %convert_element_type3A_308, %cond3A_309 : i32
          scf.if %cond3A_310 {
          } else {
          }
          %and3A_311 = arith.constant false
          %and3A_312 = arith.andi %and3A_307, %and3A_311 : i1
          %ne3A_313 = arith.cmpi ne, %add3A_186, %add3A_204 : i32
          %or3A_314 = arith.constant false
          %or3A_315 = arith.ori %or3A_314, %ne3A_313 : i1
          %or3A_316 = arith.constant false
          %or3A_317 = arith.ori %or3A_315, %or3A_316 : i1
          %or3A_318 = arith.ori %or3A_317, %eq3A_185 : i1
          %add3A_319 = arith.constant 1 : i32
          %add3A_320 = arith.addi %while3A_175, %add3A_319 : i32
          %select_n3A_321 = arith.select %or3A_318, %add3A_320, %while3A_175 : i32
          %ne3A_322 = arith.cmpi ne, %add3A_186, %add3A_204 : i32
          %or3A_323 = arith.constant false
          %or3A_324 = arith.ori %or3A_323, %ne3A_322 : i1
          %or3A_325 = arith.ori %or3A_324, %eq3A_185 : i1
          %add3A_326 = arith.constant 1 : i32
          %add3A_327 = arith.addi %while3A_177, %add3A_326 : i32
          %select_n3A_328 = arith.select %or3A_325, %add3A_327, %while3A_177 : i32
          %add3A_329 = arith.constant 1 : i32
          %add3A_330 = arith.addi %while3A_178, %add3A_329 : i32
          %select_n3A_331 = arith.constant true
          %select_n3A_332 = arith.select %select_n3A_331, %add3A_330, %while3A_178 : i32
          %eq3A_333 = arith.cmpi eq, %select_n3A_332, %select_n3A : i32
          %select_n3A_334 = arith.constant 0 : i32
          %select_n3A_335 = arith.select %eq3A_333, %select_n3A_334, %select_n3A_332 : i32
          scf.yield %select_n3A_228, %select_n3A_321, %select_n3A_247, %select_n3A_328, %select_n3A_335 : i32, i32, i32, i32, i32
        }
        %sub3A_122 = arith.constant 1 : i32
        %sub3A_123 = arith.subi %while3A_121#4, %sub3A_122 : i32
        %select_n3A_124 = arith.constant true
        %select_n3A_125 = arith.select %select_n3A_124, %sub3A_123, %while3A_121#4 : i32
        %eq3A_126 = arith.constant -1 : i32
        %eq3A_127 = arith.cmpi eq, %select_n3A_125, %eq3A_126 : i32
        %sub3A_128 = arith.constant 1 : i32
        %sub3A_129 = arith.subi %select_n3A, %sub3A_128 : i32
        %select_n3A_130 = arith.select %eq3A_127, %sub3A_129, %select_n3A_125 : i32
        %sub3A_131 = arith.constant 1 : i32
        %sub3A_132 = arith.subi %mul3A_18, %sub3A_131 : i32
        %mul3A_133 = arith.constant 1 : i32
        %mul3A_134 = arith.muli %mul3A_133, %select_n3A : i32
        %eq3A_135 = arith.constant 0 : i32
        %eq3A_136 = arith.cmpi eq, %sub3A_132, %eq3A_135 : i32
        %sub3A_137 = arith.constant 1 : i32
        %sub3A_138 = arith.subi %mul3A_134, %sub3A_137 : i32
        %eq3A_139 = arith.cmpi eq, %sub3A_132, %sub3A_138 : i32
        %add3A_140 = arith.addi %select_n3A_130, %select_n3A_16 : i32
        %sub3A_141 = arith.constant 1 : i32
        %sub3A_142 = arith.subi %select_n3A_130, %sub3A_141 : i32
        %select_n3A_143 = arith.constant true
        %select_n3A_144 = arith.select %select_n3A_143, %sub3A_142, %select_n3A_130 : i32
        %eq3A_145 = arith.constant -1 : i32
        %eq3A_146 = arith.cmpi eq, %select_n3A_144, %eq3A_145 : i32
        %sub3A_147 = arith.constant 1 : i32
        %sub3A_148 = arith.subi %select_n3A, %sub3A_147 : i32
        %select_n3A_149 = arith.select %eq3A_146, %sub3A_148, %select_n3A_144 : i32
        %add3A_150 = arith.addi %select_n3A_149, %select_n3A_16 : i32
        %add3A_151 = arith.constant 1 : i32
        %add3A_152 = arith.addi %select_n3A_130, %add3A_151 : i32
        %select_n3A_153 = arith.constant true
        %select_n3A_154 = arith.select %select_n3A_153, %add3A_152, %select_n3A_130 : i32
        %eq3A_155 = arith.cmpi eq, %select_n3A_154, %select_n3A : i32
        %select_n3A_156 = arith.constant 0 : i32
        %select_n3A_157 = arith.select %eq3A_155, %select_n3A_156, %select_n3A_154 : i32
        %add3A_158 = arith.addi %select_n3A_157, %select_n3A_16 : i32
        %add3A_159 = arith.constant 1 : i32
        %add3A_160 = arith.addi %select_n3A_157, %add3A_159 : i32
        %select_n3A_161 = arith.constant true
        %select_n3A_162 = arith.select %select_n3A_161, %add3A_160, %select_n3A_157 : i32
        %eq3A_163 = arith.cmpi eq, %select_n3A_162, %select_n3A : i32
        %select_n3A_164 = arith.constant 0 : i32
        %select_n3A_165 = arith.select %eq3A_163, %select_n3A_164, %select_n3A_162 : i32
        %add3A_166 = arith.addi %select_n3A_165, %select_n3A_16 : i32
        %convert_element_type3A_167 = arith.extui %eq3A_139 : i1 to i32
        %cond3A_168 = arith.constant 0 : i32
        %cond3A_169 = arith.cmpi ne, %convert_element_type3A_167, %cond3A_168 : i32
        scf.if %cond3A_169 {
        } else {
        }
        %convert_element_type3A_170 = arith.extui %eq3A_139 : i1 to i32
        %cond3A_171 = arith.constant 0 : i32
        %cond3A_172 = arith.cmpi ne, %convert_element_type3A_170, %cond3A_171 : i32
        scf.if %cond3A_172 {
        } else {
        }
      } else {
      }
      tpu.yield
    }) : () -> ()
    %barrier3A_19 = arith.constant 0 : index
    tpu.barrier barrier_id(%barrier3A_19)
    %mul3A_20 = arith.constant 625 : i32
    %mul3A_21 = arith.muli %arg1, %mul3A_20 : i32
    %mul3A_22 = arith.constant 625 : i32
    %mul3A_23 = arith.muli %arg1, %mul3A_22 : i32
    "tpu.region"() ({
      %run_scoped3A = tpu.sem_alloc : memref<!tpu.dma_semaphore, #tpu.memory_space<semaphore_mem>>
      %dma_start3A = arith.constant 0 : i32
      %dma_start3A_24 = arith.constant 0 : i32
      %dma_start3A_25 = tpu.memref_slice %arg5[%arg0, %dma_start3A, %dma_start3A_24] : memref<2x10000x32xf32, #tpu.memory_space<hbm>> -> memref<1x10000x32xf32, #tpu.memory_space<hbm>>
      %dma_start3A_26 = tpu.memref_squeeze %dma_start3A_25 : memref<1x10000x32xf32, #tpu.memory_space<hbm>> -> memref<10000x32xf32, #tpu.memory_space<hbm>>
      %dma_start3A_27 = arith.constant 0 : i32
      %dma_start3A_28 = tpu.memref_slice %dma_start3A_26[%mul3A_23, %dma_start3A_27] : memref<10000x32xf32, #tpu.memory_space<hbm>> -> memref<625x32xf32, #tpu.memory_space<hbm>>
      %dma_start3A_29 = arith.constant 0 : i32
      %dma_start3A_30 = tpu.memref_slice %arg6[%mul3A_21, %dma_start3A_29] : memref<10000x32xf32, #tpu.memory_space<vmem_shared>> -> memref<625x32xf32, #tpu.memory_space<vmem_shared>>
      tpu.enqueue_dma source(%dma_start3A_30 : memref<625x32xf32, #tpu.memory_space<vmem_shared>>) target(%dma_start3A_28 : memref<625x32xf32, #tpu.memory_space<hbm>>) target_semaphore(%run_scoped3A : memref<!tpu.dma_semaphore, #tpu.memory_space<semaphore_mem>>)
      %dma_wait3A = arith.constant 0 : i32
      %dma_wait3A_31 = arith.constant 0 : i32
      %dma_wait3A_32 = tpu.memref_slice %arg5[%arg0, %dma_wait3A, %dma_wait3A_31] : memref<2x10000x32xf32, #tpu.memory_space<hbm>> -> memref<1x10000x32xf32, #tpu.memory_space<hbm>>
      %dma_wait3A_33 = tpu.memref_squeeze %dma_wait3A_32 : memref<1x10000x32xf32, #tpu.memory_space<hbm>> -> memref<10000x32xf32, #tpu.memory_space<hbm>>
      %dma_wait3A_34 = arith.constant 0 : i32
      %dma_wait3A_35 = tpu.memref_slice %dma_wait3A_33[%mul3A_23, %dma_wait3A_34] : memref<10000x32xf32, #tpu.memory_space<hbm>> -> memref<625x32xf32, #tpu.memory_space<hbm>>
      %dma_wait3A_36 = arith.constant 0 : i32
      %dma_wait3A_37 = tpu.memref_slice %arg6[%mul3A_21, %dma_wait3A_36] : memref<10000x32xf32, #tpu.memory_space<vmem_shared>> -> memref<625x32xf32, #tpu.memory_space<vmem_shared>>
      tpu.wait_dma2 semaphore(%run_scoped3A : memref<!tpu.dma_semaphore, #tpu.memory_space<semaphore_mem>>) src(%dma_wait3A_37 : memref<625x32xf32, #tpu.memory_space<vmem_shared>>) dst(%dma_wait3A_35 : memref<625x32xf32, #tpu.memory_space<hbm>>)
      tpu.yield
    }) : () -> ()
    return
  }
}

module attributes {stable_mosaic.version = 14 : i64} {
  func.func @body(%arg0: i32, %arg1: memref<1000x128xf32, #tpu.memory_space<vmem>>, %arg2: memref<1000x3xf32, #tpu.memory_space<vmem>>, %arg3: memref<128x16xf32, #tpu.memory_space<vmem>>, %arg4: memref<128x16xf32, #tpu.memory_space<vmem>>, %arg5: memref<1000x32xf32, #tpu.memory_space<vmem>>, %arg6: memref<1000x32xf32, #tpu.memory_space<vmem>>) attributes {dimension_semantics = [#tpu.dimension_semantics<arbitrary>], iteration_bounds = array<i64: 10>, scalar_prefetch = 0 : i64, scratch_operands = 0 : i64, tpu.core_type = #tpu.core_type<tc>, window_params = [{transform_indices = @transform_0, window_bounds = array<i64: 1000, 128>}, {transform_indices = @transform_1, window_bounds = array<i64: 1000, 3>}, {pipeline_mode = #tpu.pipeline_mode<synchronous>, transform_indices = @transform_2, window_bounds = array<i64: 128, 16>}, {pipeline_mode = #tpu.pipeline_mode<synchronous>, transform_indices = @transform_3, window_bounds = array<i64: 128, 16>}, {transform_indices = @transform_4, window_bounds = array<i64: 1000, 32>}, {transform_indices = @transform_5, window_bounds = array<i64: 1000, 32>}]} {
    %get3A = arith.constant 0 : index
    %get3A_0 = arith.constant 0 : index
    %get3A_1 = vector.load %arg1[%get3A, %get3A_0] : memref<1000x128xf32, #tpu.memory_space<vmem>>, vector<1000x128xf32>
    %get3A_2 = arith.constant 0 : index
    %get3A_3 = arith.constant 0 : index
    %get3A_4 = vector.load %arg2[%get3A_2, %get3A_3] : memref<1000x3xf32, #tpu.memory_space<vmem>>, vector<1000x3xf32>
    %broadcast_in_dim3A = arith.constant 0.000000e+00 : f32
    %broadcast_in_dim3A_5 = vector.broadcast %broadcast_in_dim3A : f32 to vector<1000x13xf32>
    %get3A_6 = arith.constant 0 : index
    %get3A_7 = arith.constant 0 : index
    %get3A_8 = vector.load %arg3[%get3A_6, %get3A_7] : memref<128x16xf32, #tpu.memory_space<vmem>>, vector<128x16xf32>
    %dot_general3A = arith.constant dense<0.000000e+00> : vector<1000x16xf32>
    %dot_general3A_9 = tpu.matmul %get3A_1, %get3A_8, %dot_general3A {dimension_numbers = #tpu.dot_dimension_numbers<[1], [0], [0], [1], [0, 0, 1, 1], [], []>, transpose_lhs_hint = false} : vector<1000x128xf32>, vector<128x16xf32>, vector<1000x16xf32> -> vector<1000x16xf32>
    %get3A_10 = arith.constant 0 : index
    %get3A_11 = arith.constant 0 : index
    %get3A_12 = vector.load %arg4[%get3A_10, %get3A_11] : memref<128x16xf32, #tpu.memory_space<vmem>>, vector<128x16xf32>
    %dot_general3A_13 = arith.constant dense<0.000000e+00> : vector<1000x16xf32>
    %dot_general3A_14 = tpu.matmul %get3A_1, %get3A_12, %dot_general3A_13 {dimension_numbers = #tpu.dot_dimension_numbers<[1], [0], [0], [1], [0, 0, 1, 1], [], []>, transpose_lhs_hint = false} : vector<1000x128xf32>, vector<128x16xf32>, vector<1000x16xf32> -> vector<1000x16xf32>
    %concatenate3A = tpu.concatenate %dot_general3A_9, %get3A_4, %broadcast_in_dim3A_5 in 1 : vector<1000x16xf32>, vector<1000x3xf32>, vector<1000x13xf32> -> vector<1000x32xf32>
    %swap3A = arith.constant 0 : index
    %swap3A_15 = arith.constant 0 : index
    %swap3A_16 = vector.load %arg5[%swap3A, %swap3A_15] : memref<1000x32xf32, #tpu.memory_space<vmem>>, vector<1000x32xf32>
    tpu.vector_store %arg5[%swap3A, %swap3A_15], %concatenate3A {strides = array<i32>} : memref<1000x32xf32, #tpu.memory_space<vmem>>, vector<1000x32xf32>,
    %neg3A = arith.constant 0.000000e+00 : f32
    %neg3A_17 = vector.broadcast %neg3A : f32 to vector<1000x3xf32>
    %neg3A_18 = arith.subf %neg3A_17, %get3A_4 : vector<1000x3xf32>
    %concatenate3A_19 = tpu.concatenate %dot_general3A_14, %neg3A_18, %broadcast_in_dim3A_5 in 1 : vector<1000x16xf32>, vector<1000x3xf32>, vector<1000x13xf32> -> vector<1000x32xf32>
    %swap3A_20 = arith.constant 0 : index
    %swap3A_21 = arith.constant 0 : index
    %swap3A_22 = vector.load %arg6[%swap3A_20, %swap3A_21] : memref<1000x32xf32, #tpu.memory_space<vmem>>, vector<1000x32xf32>
    tpu.vector_store %arg6[%swap3A_20, %swap3A_21], %concatenate3A_19 {strides = array<i32>} : memref<1000x32xf32, #tpu.memory_space<vmem>>, vector<1000x32xf32>,
    return
  }
  func.func @transform_0(%arg0: i32) -> (i32, i32) {
    %c0_i32 = arith.constant 0 : i32
    %c0_i32_0 = arith.constant 0 : i32
    return %arg0, %c0_i32 : i32, i32
  }
  func.func @transform_1(%arg0: i32) -> (i32, i32) {
    %c0_i32 = arith.constant 0 : i32
    %c0_i32_0 = arith.constant 0 : i32
    return %arg0, %c0_i32 : i32, i32
  }
  func.func @transform_2(%arg0: i32) -> (i32, i32) {
    %c0_i32 = arith.constant 0 : i32
    %c0_i32_0 = arith.constant 0 : i32
    %c0_i32_1 = arith.constant 0 : i32
    return %c0_i32, %c0_i32_0 : i32, i32
  }
  func.func @transform_3(%arg0: i32) -> (i32, i32) {
    %c0_i32 = arith.constant 0 : i32
    %c0_i32_0 = arith.constant 0 : i32
    %c0_i32_1 = arith.constant 0 : i32
    return %c0_i32, %c0_i32_0 : i32, i32
  }
  func.func @transform_4(%arg0: i32) -> (i32, i32) {
    %c0_i32 = arith.constant 0 : i32
    %c0_i32_0 = arith.constant 0 : i32
    return %arg0, %c0_i32 : i32, i32
  }
  func.func @transform_5(%arg0: i32) -> (i32, i32) {
    %c0_i32 = arith.constant 0 : i32
    %c0_i32_0 = arith.constant 0 : i32
    return %arg0, %c0_i32 : i32, i32
  }
}

module attributes {stable_mosaic.version = 14 : i64} {
  func.func @body(%arg0: memref<1x16xf32, #tpu.memory_space<vmem>>, %arg1: memref<4x16xf32, #tpu.memory_space<vmem>>, %arg2: memref<16x16xf32, #tpu.memory_space<vmem>>, %arg3: memref<16x16xf32, #tpu.memory_space<vmem>>, %arg4: memref<16x1xf32, #tpu.memory_space<vmem>>, %arg5: memref<1x16xf32, #tpu.memory_space<vmem>>, %arg6: memref<1x16xf32, #tpu.memory_space<vmem>>, %arg7: memref<1x16xf32, #tpu.memory_space<vmem>>, %arg8: memref<1x1xf32, #tpu.memory_space<vmem>>, %arg9: memref<1x16xf32, #tpu.memory_space<vmem>>, %arg10: memref<4x16xf32, #tpu.memory_space<vmem>>, %arg11: memref<16x16xf32, #tpu.memory_space<vmem>>, %arg12: memref<16x16xf32, #tpu.memory_space<vmem>>, %arg13: memref<16x1xf32, #tpu.memory_space<vmem>>, %arg14: memref<1x16xf32, #tpu.memory_space<vmem>>, %arg15: memref<1x16xf32, #tpu.memory_space<vmem>>, %arg16: memref<1x16xf32, #tpu.memory_space<vmem>>, %arg17: memref<1x1xf32, #tpu.memory_space<vmem>>, %arg18: memref<16x128xf32, #tpu.memory_space<vmem>>, %arg19: memref<128x128xf32, #tpu.memory_space<vmem>>, %arg20: memref<128x128xf32, #tpu.memory_space<vmem>>, %arg21: memref<128x128xf32, #tpu.memory_space<vmem>>, %arg22: memref<128x128xf32, #tpu.memory_space<vmem>>, %arg23: memref<1x128xf32, #tpu.memory_space<vmem>>, %arg24: memref<1x128xf32, #tpu.memory_space<vmem>>, %arg25: memref<1x128xf32, #tpu.memory_space<vmem>>, %arg26: memref<1x128xf32, #tpu.memory_space<vmem>>, %arg27: memref<16x128xf32, #tpu.memory_space<vmem>>, %arg28: memref<128x128xf32, #tpu.memory_space<vmem>>, %arg29: memref<128x128xf32, #tpu.memory_space<vmem>>, %arg30: memref<128x128xf32, #tpu.memory_space<vmem>>, %arg31: memref<128x128xf32, #tpu.memory_space<vmem>>, %arg32: memref<1x128xf32, #tpu.memory_space<vmem>>, %arg33: memref<1x128xf32, #tpu.memory_space<vmem>>, %arg34: memref<1x128xf32, #tpu.memory_space<vmem>>, %arg35: memref<1x128xf32, #tpu.memory_space<vmem>>) attributes {dimension_semantics = [], scalar_prefetch = 0 : i64, scratch_operands = 0 : i64, tpu.core_type = #tpu.core_type<tc>} {
    %get3A = arith.constant 0 : index
    %get3A_0 = arith.constant 0 : index
    %get3A_1 = vector.load %arg0[%get3A, %get3A_0] : memref<1x16xf32, #tpu.memory_space<vmem>>, vector<1x16xf32>
    %get3A_2 = arith.constant 0 : index
    %get3A_3 = arith.constant 0 : index
    %get3A_4 = vector.load %arg1[%get3A_2, %get3A_3] : memref<4x16xf32, #tpu.memory_space<vmem>>, vector<4x16xf32>
    %get3A_5 = arith.constant 0 : index
    %get3A_6 = arith.constant 0 : index
    %get3A_7 = vector.load %arg2[%get3A_5, %get3A_6] : memref<16x16xf32, #tpu.memory_space<vmem>>, vector<16x16xf32>
    %get3A_8 = arith.constant 0 : index
    %get3A_9 = arith.constant 0 : index
    %get3A_10 = vector.load %arg3[%get3A_8, %get3A_9] : memref<16x16xf32, #tpu.memory_space<vmem>>, vector<16x16xf32>
    %get3A_11 = arith.constant 0 : index
    %get3A_12 = arith.constant 0 : index
    %get3A_13 = vector.load %arg4[%get3A_11, %get3A_12] : memref<16x1xf32, #tpu.memory_space<vmem>>, vector<16x1xf32>
    %get3A_14 = arith.constant 0 : index
    %get3A_15 = arith.constant 0 : index
    %get3A_16 = vector.load %arg5[%get3A_14, %get3A_15] : memref<1x16xf32, #tpu.memory_space<vmem>>, vector<1x16xf32>
    %get3A_17 = arith.constant 0 : index
    %get3A_18 = arith.constant 0 : index
    %get3A_19 = vector.load %arg6[%get3A_17, %get3A_18] : memref<1x16xf32, #tpu.memory_space<vmem>>, vector<1x16xf32>
    %get3A_20 = arith.constant 0 : index
    %get3A_21 = arith.constant 0 : index
    %get3A_22 = vector.load %arg7[%get3A_20, %get3A_21] : memref<1x16xf32, #tpu.memory_space<vmem>>, vector<1x16xf32>
    %get3A_23 = arith.constant 0 : index
    %get3A_24 = arith.constant 0 : index
    %get3A_25 = vector.load %arg8[%get3A_23, %get3A_24] : memref<1x1xf32, #tpu.memory_space<vmem>>, vector<1x1xf32>
    %get3A_26 = arith.constant 0 : index
    %get3A_27 = arith.constant 0 : index
    %get3A_28 = vector.load %arg9[%get3A_26, %get3A_27] : memref<1x16xf32, #tpu.memory_space<vmem>>, vector<1x16xf32>
    %get3A_29 = arith.constant 0 : index
    %get3A_30 = arith.constant 0 : index
    %get3A_31 = vector.load %arg10[%get3A_29, %get3A_30] : memref<4x16xf32, #tpu.memory_space<vmem>>, vector<4x16xf32>
    %get3A_32 = arith.constant 0 : index
    %get3A_33 = arith.constant 0 : index
    %get3A_34 = vector.load %arg11[%get3A_32, %get3A_33] : memref<16x16xf32, #tpu.memory_space<vmem>>, vector<16x16xf32>
    %get3A_35 = arith.constant 0 : index
    %get3A_36 = arith.constant 0 : index
    %get3A_37 = vector.load %arg12[%get3A_35, %get3A_36] : memref<16x16xf32, #tpu.memory_space<vmem>>, vector<16x16xf32>
    %get3A_38 = arith.constant 0 : index
    %get3A_39 = arith.constant 0 : index
    %get3A_40 = vector.load %arg13[%get3A_38, %get3A_39] : memref<16x1xf32, #tpu.memory_space<vmem>>, vector<16x1xf32>
    %get3A_41 = arith.constant 0 : index
    %get3A_42 = arith.constant 0 : index
    %get3A_43 = vector.load %arg14[%get3A_41, %get3A_42] : memref<1x16xf32, #tpu.memory_space<vmem>>, vector<1x16xf32>
    %get3A_44 = arith.constant 0 : index
    %get3A_45 = arith.constant 0 : index
    %get3A_46 = vector.load %arg15[%get3A_44, %get3A_45] : memref<1x16xf32, #tpu.memory_space<vmem>>, vector<1x16xf32>
    %get3A_47 = arith.constant 0 : index
    %get3A_48 = arith.constant 0 : index
    %get3A_49 = vector.load %arg16[%get3A_47, %get3A_48] : memref<1x16xf32, #tpu.memory_space<vmem>>, vector<1x16xf32>
    %get3A_50 = arith.constant 0 : index
    %get3A_51 = arith.constant 0 : index
    %get3A_52 = vector.load %arg17[%get3A_50, %get3A_51] : memref<1x1xf32, #tpu.memory_space<vmem>>, vector<1x1xf32>
    %broadcast_in_dim3A = vector.shape_cast %get3A_1 : vector<1x16xf32> to vector<1x16xf32>
    %broadcast_in_dim3A_53 = vector.broadcast %broadcast_in_dim3A : vector<1x16xf32> to vector<3x16xf32>
    %broadcast_in_dim3A_54 = vector.shape_cast %get3A_13 : vector<16x1xf32> to vector<16x1xf32>
    %broadcast_in_dim3A_55 = vector.broadcast %broadcast_in_dim3A_54 : vector<16x1xf32> to vector<16x3xf32>
    %broadcast_in_dim3A_56 = vector.shape_cast %get3A_25 : vector<1x1xf32> to vector<1x1xf32>
    %broadcast_in_dim3A_57 = vector.broadcast %broadcast_in_dim3A_56 : vector<1x1xf32> to vector<1x3xf32>
    %broadcast_in_dim3A_58 = arith.constant 0.000000e+00 : f32
    %broadcast_in_dim3A_59 = vector.broadcast %broadcast_in_dim3A_58 : f32 to vector<4x112xf32>
    %concatenate3A = tpu.concatenate %get3A_4, %broadcast_in_dim3A_59 in 1 : vector<4x16xf32>, vector<4x112xf32> -> vector<4x128xf32>
    %broadcast_in_dim3A_60 = arith.constant 0.000000e+00 : f32
    %broadcast_in_dim3A_61 = vector.broadcast %broadcast_in_dim3A_60 : f32 to vector<12x128xf32>
    %concatenate3A_62 = tpu.concatenate %concatenate3A, %broadcast_in_dim3A_61 in 0 : vector<4x128xf32>, vector<12x128xf32> -> vector<16x128xf32>
    %add3A = arith.constant 0.000000e+00 : f32
    %add3A_63 = vector.broadcast %add3A : f32 to vector<16x128xf32>
    %add3A_64 = arith.addf %add3A_63, %concatenate3A_62 : vector<16x128xf32>
    %broadcast_in_dim3A_65 = arith.constant 0.000000e+00 : f32
    %broadcast_in_dim3A_66 = vector.broadcast %broadcast_in_dim3A_65 : f32 to vector<4x32xf32>
    %broadcast_in_dim3A_67 = arith.constant 0.000000e+00 : f32
    %broadcast_in_dim3A_68 = vector.broadcast %broadcast_in_dim3A_67 : f32 to vector<4x80xf32>
    %concatenate3A_69 = tpu.concatenate %broadcast_in_dim3A_66, %get3A_4, %broadcast_in_dim3A_68 in 1 : vector<4x32xf32>, vector<4x16xf32>, vector<4x80xf32> -> vector<4x128xf32>
    %broadcast_in_dim3A_70 = arith.constant 0.000000e+00 : f32
    %broadcast_in_dim3A_71 = vector.broadcast %broadcast_in_dim3A_70 : f32 to vector<4x128xf32>
    %broadcast_in_dim3A_72 = arith.constant 0.000000e+00 : f32
    %broadcast_in_dim3A_73 = vector.broadcast %broadcast_in_dim3A_72 : f32 to vector<8x128xf32>
    %concatenate3A_74 = tpu.concatenate %broadcast_in_dim3A_71, %concatenate3A_69, %broadcast_in_dim3A_73 in 0 : vector<4x128xf32>, vector<4x128xf32>, vector<8x128xf32> -> vector<16x128xf32>
    %add3A_75 = arith.addf %add3A_64, %concatenate3A_74 : vector<16x128xf32>
    %broadcast_in_dim3A_76 = arith.constant 0.000000e+00 : f32
    %broadcast_in_dim3A_77 = vector.broadcast %broadcast_in_dim3A_76 : f32 to vector<4x64xf32>
    %broadcast_in_dim3A_78 = arith.constant 0.000000e+00 : f32
    %broadcast_in_dim3A_79 = vector.broadcast %broadcast_in_dim3A_78 : f32 to vector<4x48xf32>
    %concatenate3A_80 = tpu.concatenate %broadcast_in_dim3A_77, %get3A_4, %broadcast_in_dim3A_79 in 1 : vector<4x64xf32>, vector<4x16xf32>, vector<4x48xf32> -> vector<4x128xf32>
    %broadcast_in_dim3A_81 = arith.constant 0.000000e+00 : f32
    %broadcast_in_dim3A_82 = vector.broadcast %broadcast_in_dim3A_81 : f32 to vector<8x128xf32>
    %broadcast_in_dim3A_83 = arith.constant 0.000000e+00 : f32
    %broadcast_in_dim3A_84 = vector.broadcast %broadcast_in_dim3A_83 : f32 to vector<4x128xf32>
    %concatenate3A_85 = tpu.concatenate %broadcast_in_dim3A_82, %concatenate3A_80, %broadcast_in_dim3A_84 in 0 : vector<8x128xf32>, vector<4x128xf32>, vector<4x128xf32> -> vector<16x128xf32>
    %add3A_86 = arith.addf %add3A_75, %concatenate3A_85 : vector<16x128xf32>
    %broadcast_in_dim3A_87 = arith.constant 0.000000e+00 : f32
    %broadcast_in_dim3A_88 = vector.broadcast %broadcast_in_dim3A_87 : f32 to vector<4x96xf32>
    %broadcast_in_dim3A_89 = arith.constant 0.000000e+00 : f32
    %broadcast_in_dim3A_90 = vector.broadcast %broadcast_in_dim3A_89 : f32 to vector<4x16xf32>
    %concatenate3A_91 = tpu.concatenate %broadcast_in_dim3A_88, %get3A_4, %broadcast_in_dim3A_90 in 1 : vector<4x96xf32>, vector<4x16xf32>, vector<4x16xf32> -> vector<4x128xf32>
    %broadcast_in_dim3A_92 = arith.constant 0.000000e+00 : f32
    %broadcast_in_dim3A_93 = vector.broadcast %broadcast_in_dim3A_92 : f32 to vector<12x128xf32>
    %concatenate3A_94 = tpu.concatenate %broadcast_in_dim3A_93, %concatenate3A_91 in 0 : vector<12x128xf32>, vector<4x128xf32> -> vector<16x128xf32>
    %add3A_95 = arith.addf %add3A_86, %concatenate3A_94 : vector<16x128xf32>
    %broadcast_in_dim3A_96 = arith.constant 0.000000e+00 : f32
    %broadcast_in_dim3A_97 = vector.broadcast %broadcast_in_dim3A_96 : f32 to vector<3x112xf32>
    %concatenate3A_98 = tpu.concatenate %broadcast_in_dim3A_53, %broadcast_in_dim3A_97 in 1 : vector<3x16xf32>, vector<3x112xf32> -> vector<3x128xf32>
    %broadcast_in_dim3A_99 = arith.constant 0.000000e+00 : f32
    %broadcast_in_dim3A_100 = vector.broadcast %broadcast_in_dim3A_99 : f32 to vector<16x128xf32>
    %broadcast_in_dim3A_101 = arith.constant 0.000000e+00 : f32
    %broadcast_in_dim3A_102 = vector.broadcast %broadcast_in_dim3A_101 : f32 to vector<109x128xf32>
    %concatenate3A_103 = tpu.concatenate %broadcast_in_dim3A_100, %concatenate3A_98, %broadcast_in_dim3A_102 in 0 : vector<16x128xf32>, vector<3x128xf32>, vector<109x128xf32> -> vector<128x128xf32>
    %add3A_104 = arith.constant 0.000000e+00 : f32
    %add3A_105 = vector.broadcast %add3A_104 : f32 to vector<128x128xf32>
    %add3A_106 = arith.addf %add3A_105, %concatenate3A_103 : vector<128x128xf32>
    %broadcast_in_dim3A_107 = arith.constant 0.000000e+00 : f32
    %broadcast_in_dim3A_108 = vector.broadcast %broadcast_in_dim3A_107 : f32 to vector<3x32xf32>
    %broadcast_in_dim3A_109 = arith.constant 0.000000e+00 : f32
    %broadcast_in_dim3A_110 = vector.broadcast %broadcast_in_dim3A_109 : f32 to vector<3x80xf32>
    %concatenate3A_111 = tpu.concatenate %broadcast_in_dim3A_108, %broadcast_in_dim3A_53, %broadcast_in_dim3A_110 in 1 : vector<3x32xf32>, vector<3x16xf32>, vector<3x80xf32> -> vector<3x128xf32>
    %broadcast_in_dim3A_112 = arith.constant 0.000000e+00 : f32
    %broadcast_in_dim3A_113 = vector.broadcast %broadcast_in_dim3A_112 : f32 to vector<48x128xf32>
    %broadcast_in_dim3A_114 = arith.constant 0.000000e+00 : f32
    %broadcast_in_dim3A_115 = vector.broadcast %broadcast_in_dim3A_114 : f32 to vector<77x128xf32>
    %concatenate3A_116 = tpu.concatenate %broadcast_in_dim3A_113, %concatenate3A_111, %broadcast_in_dim3A_115 in 0 : vector<48x128xf32>, vector<3x128xf32>, vector<77x128xf32> -> vector<128x128xf32>
    %add3A_117 = arith.addf %add3A_106, %concatenate3A_116 : vector<128x128xf32>
    %broadcast_in_dim3A_118 = arith.constant 0.000000e+00 : f32
    %broadcast_in_dim3A_119 = vector.broadcast %broadcast_in_dim3A_118 : f32 to vector<3x64xf32>
    %broadcast_in_dim3A_120 = arith.constant 0.000000e+00 : f32
    %broadcast_in_dim3A_121 = vector.broadcast %broadcast_in_dim3A_120 : f32 to vector<3x48xf32>
    %concatenate3A_122 = tpu.concatenate %broadcast_in_dim3A_119, %broadcast_in_dim3A_53, %broadcast_in_dim3A_121 in 1 : vector<3x64xf32>, vector<3x16xf32>, vector<3x48xf32> -> vector<3x128xf32>
    %broadcast_in_dim3A_123 = arith.constant 0.000000e+00 : f32
    %broadcast_in_dim3A_124 = vector.broadcast %broadcast_in_dim3A_123 : f32 to vector<80x128xf32>
    %broadcast_in_dim3A_125 = arith.constant 0.000000e+00 : f32
    %broadcast_in_dim3A_126 = vector.broadcast %broadcast_in_dim3A_125 : f32 to vector<45x128xf32>
    %concatenate3A_127 = tpu.concatenate %broadcast_in_dim3A_124, %concatenate3A_122, %broadcast_in_dim3A_126 in 0 : vector<80x128xf32>, vector<3x128xf32>, vector<45x128xf32> -> vector<128x128xf32>
    %add3A_128 = arith.addf %add3A_117, %concatenate3A_127 : vector<128x128xf32>
    %broadcast_in_dim3A_129 = arith.constant 0.000000e+00 : f32
    %broadcast_in_dim3A_130 = vector.broadcast %broadcast_in_dim3A_129 : f32 to vector<3x96xf32>
    %broadcast_in_dim3A_131 = arith.constant 0.000000e+00 : f32
    %broadcast_in_dim3A_132 = vector.broadcast %broadcast_in_dim3A_131 : f32 to vector<3x16xf32>
    %concatenate3A_133 = tpu.concatenate %broadcast_in_dim3A_130, %broadcast_in_dim3A_53, %broadcast_in_dim3A_132 in 1 : vector<3x96xf32>, vector<3x16xf32>, vector<3x16xf32> -> vector<3x128xf32>
    %broadcast_in_dim3A_134 = arith.constant 0.000000e+00 : f32
    %broadcast_in_dim3A_135 = vector.broadcast %broadcast_in_dim3A_134 : f32 to vector<112x128xf32>
    %broadcast_in_dim3A_136 = arith.constant 0.000000e+00 : f32
    %broadcast_in_dim3A_137 = vector.broadcast %broadcast_in_dim3A_136 : f32 to vector<13x128xf32>
    %concatenate3A_138 = tpu.concatenate %broadcast_in_dim3A_135, %concatenate3A_133, %broadcast_in_dim3A_137 in 0 : vector<112x128xf32>, vector<3x128xf32>, vector<13x128xf32> -> vector<128x128xf32>
    %add3A_139 = arith.addf %add3A_128, %concatenate3A_138 : vector<128x128xf32>
    %broadcast_in_dim3A_140 = arith.constant 0.000000e+00 : f32
    %broadcast_in_dim3A_141 = vector.broadcast %broadcast_in_dim3A_140 : f32 to vector<16x112xf32>
    %concatenate3A_142 = tpu.concatenate %get3A_7, %broadcast_in_dim3A_141 in 1 : vector<16x16xf32>, vector<16x112xf32> -> vector<16x128xf32>
    %broadcast_in_dim3A_143 = arith.constant 0.000000e+00 : f32
    %broadcast_in_dim3A_144 = vector.broadcast %broadcast_in_dim3A_143 : f32 to vector<112x128xf32>
    %concatenate3A_145 = tpu.concatenate %concatenate3A_142, %broadcast_in_dim3A_144 in 0 : vector<16x128xf32>, vector<112x128xf32> -> vector<128x128xf32>
    %add3A_146 = arith.constant 0.000000e+00 : f32
    %add3A_147 = vector.broadcast %add3A_146 : f32 to vector<128x128xf32>
    %add3A_148 = arith.addf %add3A_147, %concatenate3A_145 : vector<128x128xf32>
    %broadcast_in_dim3A_149 = arith.constant 0.000000e+00 : f32
    %broadcast_in_dim3A_150 = vector.broadcast %broadcast_in_dim3A_149 : f32 to vector<16x32xf32>
    %broadcast_in_dim3A_151 = arith.constant 0.000000e+00 : f32
    %broadcast_in_dim3A_152 = vector.broadcast %broadcast_in_dim3A_151 : f32 to vector<16x80xf32>
    %concatenate3A_153 = tpu.concatenate %broadcast_in_dim3A_150, %get3A_7, %broadcast_in_dim3A_152 in 1 : vector<16x32xf32>, vector<16x16xf32>, vector<16x80xf32> -> vector<16x128xf32>
    %broadcast_in_dim3A_154 = arith.constant 0.000000e+00 : f32
    %broadcast_in_dim3A_155 = vector.broadcast %broadcast_in_dim3A_154 : f32 to vector<32x128xf32>
    %broadcast_in_dim3A_156 = arith.constant 0.000000e+00 : f32
    %broadcast_in_dim3A_157 = vector.broadcast %broadcast_in_dim3A_156 : f32 to vector<80x128xf32>
    %concatenate3A_158 = tpu.concatenate %broadcast_in_dim3A_155, %concatenate3A_153, %broadcast_in_dim3A_157 in 0 : vector<32x128xf32>, vector<16x128xf32>, vector<80x128xf32> -> vector<128x128xf32>
    %add3A_159 = arith.addf %add3A_148, %concatenate3A_158 : vector<128x128xf32>
    %broadcast_in_dim3A_160 = arith.constant 0.000000e+00 : f32
    %broadcast_in_dim3A_161 = vector.broadcast %broadcast_in_dim3A_160 : f32 to vector<16x64xf32>
    %broadcast_in_dim3A_162 = arith.constant 0.000000e+00 : f32
    %broadcast_in_dim3A_163 = vector.broadcast %broadcast_in_dim3A_162 : f32 to vector<16x48xf32>
    %concatenate3A_164 = tpu.concatenate %broadcast_in_dim3A_161, %get3A_7, %broadcast_in_dim3A_163 in 1 : vector<16x64xf32>, vector<16x16xf32>, vector<16x48xf32> -> vector<16x128xf32>
    %broadcast_in_dim3A_165 = arith.constant 0.000000e+00 : f32
    %broadcast_in_dim3A_166 = vector.broadcast %broadcast_in_dim3A_165 : f32 to vector<64x128xf32>
    %broadcast_in_dim3A_167 = arith.constant 0.000000e+00 : f32
    %broadcast_in_dim3A_168 = vector.broadcast %broadcast_in_dim3A_167 : f32 to vector<48x128xf32>
    %concatenate3A_169 = tpu.concatenate %broadcast_in_dim3A_166, %concatenate3A_164, %broadcast_in_dim3A_168 in 0 : vector<64x128xf32>, vector<16x128xf32>, vector<48x128xf32> -> vector<128x128xf32>
    %add3A_170 = arith.addf %add3A_159, %concatenate3A_169 : vector<128x128xf32>
    %broadcast_in_dim3A_171 = arith.constant 0.000000e+00 : f32
    %broadcast_in_dim3A_172 = vector.broadcast %broadcast_in_dim3A_171 : f32 to vector<16x96xf32>
    %broadcast_in_dim3A_173 = arith.constant 0.000000e+00 : f32
    %broadcast_in_dim3A_174 = vector.broadcast %broadcast_in_dim3A_173 : f32 to vector<16x16xf32>
    %concatenate3A_175 = tpu.concatenate %broadcast_in_dim3A_172, %get3A_7, %broadcast_in_dim3A_174 in 1 : vector<16x96xf32>, vector<16x16xf32>, vector<16x16xf32> -> vector<16x128xf32>
    %broadcast_in_dim3A_176 = arith.constant 0.000000e+00 : f32
    %broadcast_in_dim3A_177 = vector.broadcast %broadcast_in_dim3A_176 : f32 to vector<96x128xf32>
    %broadcast_in_dim3A_178 = arith.constant 0.000000e+00 : f32
    %broadcast_in_dim3A_179 = vector.broadcast %broadcast_in_dim3A_178 : f32 to vector<16x128xf32>
    %concatenate3A_180 = tpu.concatenate %broadcast_in_dim3A_177, %concatenate3A_175, %broadcast_in_dim3A_179 in 0 : vector<96x128xf32>, vector<16x128xf32>, vector<16x128xf32> -> vector<128x128xf32>
    %add3A_181 = arith.addf %add3A_170, %concatenate3A_180 : vector<128x128xf32>
    %broadcast_in_dim3A_182 = arith.constant 0.000000e+00 : f32
    %broadcast_in_dim3A_183 = vector.broadcast %broadcast_in_dim3A_182 : f32 to vector<16x112xf32>
    %concatenate3A_184 = tpu.concatenate %get3A_10, %broadcast_in_dim3A_183 in 1 : vector<16x16xf32>, vector<16x112xf32> -> vector<16x128xf32>
    %broadcast_in_dim3A_185 = arith.constant 0.000000e+00 : f32
    %broadcast_in_dim3A_186 = vector.broadcast %broadcast_in_dim3A_185 : f32 to vector<112x128xf32>
    %concatenate3A_187 = tpu.concatenate %concatenate3A_184, %broadcast_in_dim3A_186 in 0 : vector<16x128xf32>, vector<112x128xf32> -> vector<128x128xf32>
    %add3A_188 = arith.constant 0.000000e+00 : f32
    %add3A_189 = vector.broadcast %add3A_188 : f32 to vector<128x128xf32>
    %add3A_190 = arith.addf %add3A_189, %concatenate3A_187 : vector<128x128xf32>
    %broadcast_in_dim3A_191 = arith.constant 0.000000e+00 : f32
    %broadcast_in_dim3A_192 = vector.broadcast %broadcast_in_dim3A_191 : f32 to vector<16x32xf32>
    %broadcast_in_dim3A_193 = arith.constant 0.000000e+00 : f32
    %broadcast_in_dim3A_194 = vector.broadcast %broadcast_in_dim3A_193 : f32 to vector<16x80xf32>
    %concatenate3A_195 = tpu.concatenate %broadcast_in_dim3A_192, %get3A_10, %broadcast_in_dim3A_194 in 1 : vector<16x32xf32>, vector<16x16xf32>, vector<16x80xf32> -> vector<16x128xf32>
    %broadcast_in_dim3A_196 = arith.constant 0.000000e+00 : f32
    %broadcast_in_dim3A_197 = vector.broadcast %broadcast_in_dim3A_196 : f32 to vector<32x128xf32>
    %broadcast_in_dim3A_198 = arith.constant 0.000000e+00 : f32
    %broadcast_in_dim3A_199 = vector.broadcast %broadcast_in_dim3A_198 : f32 to vector<80x128xf32>
    %concatenate3A_200 = tpu.concatenate %broadcast_in_dim3A_197, %concatenate3A_195, %broadcast_in_dim3A_199 in 0 : vector<32x128xf32>, vector<16x128xf32>, vector<80x128xf32> -> vector<128x128xf32>
    %add3A_201 = arith.addf %add3A_190, %concatenate3A_200 : vector<128x128xf32>
    %broadcast_in_dim3A_202 = arith.constant 0.000000e+00 : f32
    %broadcast_in_dim3A_203 = vector.broadcast %broadcast_in_dim3A_202 : f32 to vector<16x64xf32>
    %broadcast_in_dim3A_204 = arith.constant 0.000000e+00 : f32
    %broadcast_in_dim3A_205 = vector.broadcast %broadcast_in_dim3A_204 : f32 to vector<16x48xf32>
    %concatenate3A_206 = tpu.concatenate %broadcast_in_dim3A_203, %get3A_10, %broadcast_in_dim3A_205 in 1 : vector<16x64xf32>, vector<16x16xf32>, vector<16x48xf32> -> vector<16x128xf32>
    %broadcast_in_dim3A_207 = arith.constant 0.000000e+00 : f32
    %broadcast_in_dim3A_208 = vector.broadcast %broadcast_in_dim3A_207 : f32 to vector<64x128xf32>
    %broadcast_in_dim3A_209 = arith.constant 0.000000e+00 : f32
    %broadcast_in_dim3A_210 = vector.broadcast %broadcast_in_dim3A_209 : f32 to vector<48x128xf32>
    %concatenate3A_211 = tpu.concatenate %broadcast_in_dim3A_208, %concatenate3A_206, %broadcast_in_dim3A_210 in 0 : vector<64x128xf32>, vector<16x128xf32>, vector<48x128xf32> -> vector<128x128xf32>
    %add3A_212 = arith.addf %add3A_201, %concatenate3A_211 : vector<128x128xf32>
    %broadcast_in_dim3A_213 = arith.constant 0.000000e+00 : f32
    %broadcast_in_dim3A_214 = vector.broadcast %broadcast_in_dim3A_213 : f32 to vector<16x96xf32>
    %broadcast_in_dim3A_215 = arith.constant 0.000000e+00 : f32
    %broadcast_in_dim3A_216 = vector.broadcast %broadcast_in_dim3A_215 : f32 to vector<16x16xf32>
    %concatenate3A_217 = tpu.concatenate %broadcast_in_dim3A_214, %get3A_10, %broadcast_in_dim3A_216 in 1 : vector<16x96xf32>, vector<16x16xf32>, vector<16x16xf32> -> vector<16x128xf32>
    %broadcast_in_dim3A_218 = arith.constant 0.000000e+00 : f32
    %broadcast_in_dim3A_219 = vector.broadcast %broadcast_in_dim3A_218 : f32 to vector<96x128xf32>
    %broadcast_in_dim3A_220 = arith.constant 0.000000e+00 : f32
    %broadcast_in_dim3A_221 = vector.broadcast %broadcast_in_dim3A_220 : f32 to vector<16x128xf32>
    %concatenate3A_222 = tpu.concatenate %broadcast_in_dim3A_219, %concatenate3A_217, %broadcast_in_dim3A_221 in 0 : vector<96x128xf32>, vector<16x128xf32>, vector<16x128xf32> -> vector<128x128xf32>
    %add3A_223 = arith.addf %add3A_212, %concatenate3A_222 : vector<128x128xf32>
    %broadcast_in_dim3A_224 = arith.constant 0.000000e+00 : f32
    %broadcast_in_dim3A_225 = vector.broadcast %broadcast_in_dim3A_224 : f32 to vector<16x16xf32>
    %broadcast_in_dim3A_226 = arith.constant 0.000000e+00 : f32
    %broadcast_in_dim3A_227 = vector.broadcast %broadcast_in_dim3A_226 : f32 to vector<16x109xf32>
    %concatenate3A_228 = tpu.concatenate %broadcast_in_dim3A_225, %broadcast_in_dim3A_55, %broadcast_in_dim3A_227 in 1 : vector<16x16xf32>, vector<16x3xf32>, vector<16x109xf32> -> vector<16x128xf32>
    %broadcast_in_dim3A_229 = arith.constant 0.000000e+00 : f32
    %broadcast_in_dim3A_230 = vector.broadcast %broadcast_in_dim3A_229 : f32 to vector<112x128xf32>
    %concatenate3A_231 = tpu.concatenate %concatenate3A_228, %broadcast_in_dim3A_230 in 0 : vector<16x128xf32>, vector<112x128xf32> -> vector<128x128xf32>
    %add3A_232 = arith.constant 0.000000e+00 : f32
    %add3A_233 = vector.broadcast %add3A_232 : f32 to vector<128x128xf32>
    %add3A_234 = arith.addf %add3A_233, %concatenate3A_231 : vector<128x128xf32>
    %broadcast_in_dim3A_235 = arith.constant 0.000000e+00 : f32
    %broadcast_in_dim3A_236 = vector.broadcast %broadcast_in_dim3A_235 : f32 to vector<16x48xf32>
    %broadcast_in_dim3A_237 = arith.constant 0.000000e+00 : f32
    %broadcast_in_dim3A_238 = vector.broadcast %broadcast_in_dim3A_237 : f32 to vector<16x77xf32>
    %concatenate3A_239 = tpu.concatenate %broadcast_in_dim3A_236, %broadcast_in_dim3A_55, %broadcast_in_dim3A_238 in 1 : vector<16x48xf32>, vector<16x3xf32>, vector<16x77xf32> -> vector<16x128xf32>
    %broadcast_in_dim3A_240 = arith.constant 0.000000e+00 : f32
    %broadcast_in_dim3A_241 = vector.broadcast %broadcast_in_dim3A_240 : f32 to vector<32x128xf32>
    %broadcast_in_dim3A_242 = arith.constant 0.000000e+00 : f32
    %broadcast_in_dim3A_243 = vector.broadcast %broadcast_in_dim3A_242 : f32 to vector<80x128xf32>
    %concatenate3A_244 = tpu.concatenate %broadcast_in_dim3A_241, %concatenate3A_239, %broadcast_in_dim3A_243 in 0 : vector<32x128xf32>, vector<16x128xf32>, vector<80x128xf32> -> vector<128x128xf32>
    %add3A_245 = arith.addf %add3A_234, %concatenate3A_244 : vector<128x128xf32>
    %broadcast_in_dim3A_246 = arith.constant 0.000000e+00 : f32
    %broadcast_in_dim3A_247 = vector.broadcast %broadcast_in_dim3A_246 : f32 to vector<16x80xf32>
    %broadcast_in_dim3A_248 = arith.constant 0.000000e+00 : f32
    %broadcast_in_dim3A_249 = vector.broadcast %broadcast_in_dim3A_248 : f32 to vector<16x45xf32>
    %concatenate3A_250 = tpu.concatenate %broadcast_in_dim3A_247, %broadcast_in_dim3A_55, %broadcast_in_dim3A_249 in 1 : vector<16x80xf32>, vector<16x3xf32>, vector<16x45xf32> -> vector<16x128xf32>
    %broadcast_in_dim3A_251 = arith.constant 0.000000e+00 : f32
    %broadcast_in_dim3A_252 = vector.broadcast %broadcast_in_dim3A_251 : f32 to vector<64x128xf32>
    %broadcast_in_dim3A_253 = arith.constant 0.000000e+00 : f32
    %broadcast_in_dim3A_254 = vector.broadcast %broadcast_in_dim3A_253 : f32 to vector<48x128xf32>
    %concatenate3A_255 = tpu.concatenate %broadcast_in_dim3A_252, %concatenate3A_250, %broadcast_in_dim3A_254 in 0 : vector<64x128xf32>, vector<16x128xf32>, vector<48x128xf32> -> vector<128x128xf32>
    %add3A_256 = arith.addf %add3A_245, %concatenate3A_255 : vector<128x128xf32>
    %broadcast_in_dim3A_257 = arith.constant 0.000000e+00 : f32
    %broadcast_in_dim3A_258 = vector.broadcast %broadcast_in_dim3A_257 : f32 to vector<16x112xf32>
    %broadcast_in_dim3A_259 = arith.constant 0.000000e+00 : f32
    %broadcast_in_dim3A_260 = vector.broadcast %broadcast_in_dim3A_259 : f32 to vector<16x13xf32>
    %concatenate3A_261 = tpu.concatenate %broadcast_in_dim3A_258, %broadcast_in_dim3A_55, %broadcast_in_dim3A_260 in 1 : vector<16x112xf32>, vector<16x3xf32>, vector<16x13xf32> -> vector<16x128xf32>
    %broadcast_in_dim3A_262 = arith.constant 0.000000e+00 : f32
    %broadcast_in_dim3A_263 = vector.broadcast %broadcast_in_dim3A_262 : f32 to vector<96x128xf32>
    %broadcast_in_dim3A_264 = arith.constant 0.000000e+00 : f32
    %broadcast_in_dim3A_265 = vector.broadcast %broadcast_in_dim3A_264 : f32 to vector<16x128xf32>
    %concatenate3A_266 = tpu.concatenate %broadcast_in_dim3A_263, %concatenate3A_261, %broadcast_in_dim3A_265 in 0 : vector<96x128xf32>, vector<16x128xf32>, vector<16x128xf32> -> vector<128x128xf32>
    %add3A_267 = arith.addf %add3A_256, %concatenate3A_266 : vector<128x128xf32>
    %broadcast_in_dim3A_268 = arith.constant 0.000000e+00 : f32
    %broadcast_in_dim3A_269 = vector.broadcast %broadcast_in_dim3A_268 : f32 to vector<1x112xf32>
    %concatenate3A_270 = tpu.concatenate %get3A_16, %broadcast_in_dim3A_269 in 1 : vector<1x16xf32>, vector<1x112xf32> -> vector<1x128xf32>
    %add3A_271 = arith.constant 0.000000e+00 : f32
    %add3A_272 = vector.broadcast %add3A_271 : f32 to vector<1x128xf32>
    %add3A_273 = arith.addf %add3A_272, %concatenate3A_270 : vector<1x128xf32>
    %broadcast_in_dim3A_274 = arith.constant 0.000000e+00 : f32
    %broadcast_in_dim3A_275 = vector.broadcast %broadcast_in_dim3A_274 : f32 to vector<1x32xf32>
    %broadcast_in_dim3A_276 = arith.constant 0.000000e+00 : f32
    %broadcast_in_dim3A_277 = vector.broadcast %broadcast_in_dim3A_276 : f32 to vector<1x80xf32>
    %concatenate3A_278 = tpu.concatenate %broadcast_in_dim3A_275, %get3A_16, %broadcast_in_dim3A_277 in 1 : vector<1x32xf32>, vector<1x16xf32>, vector<1x80xf32> -> vector<1x128xf32>
    %add3A_279 = arith.addf %add3A_273, %concatenate3A_278 : vector<1x128xf32>
    %broadcast_in_dim3A_280 = arith.constant 0.000000e+00 : f32
    %broadcast_in_dim3A_281 = vector.broadcast %broadcast_in_dim3A_280 : f32 to vector<1x64xf32>
    %broadcast_in_dim3A_282 = arith.constant 0.000000e+00 : f32
    %broadcast_in_dim3A_283 = vector.broadcast %broadcast_in_dim3A_282 : f32 to vector<1x48xf32>
    %concatenate3A_284 = tpu.concatenate %broadcast_in_dim3A_281, %get3A_16, %broadcast_in_dim3A_283 in 1 : vector<1x64xf32>, vector<1x16xf32>, vector<1x48xf32> -> vector<1x128xf32>
    %add3A_285 = arith.addf %add3A_279, %concatenate3A_284 : vector<1x128xf32>
    %broadcast_in_dim3A_286 = arith.constant 0.000000e+00 : f32
    %broadcast_in_dim3A_287 = vector.broadcast %broadcast_in_dim3A_286 : f32 to vector<1x96xf32>
    %broadcast_in_dim3A_288 = arith.constant 0.000000e+00 : f32
    %broadcast_in_dim3A_289 = vector.broadcast %broadcast_in_dim3A_288 : f32 to vector<1x16xf32>
    %concatenate3A_290 = tpu.concatenate %broadcast_in_dim3A_287, %get3A_16, %broadcast_in_dim3A_289 in 1 : vector<1x96xf32>, vector<1x16xf32>, vector<1x16xf32> -> vector<1x128xf32>
    %add3A_291 = arith.addf %add3A_285, %concatenate3A_290 : vector<1x128xf32>
    %broadcast_in_dim3A_292 = arith.constant 0.000000e+00 : f32
    %broadcast_in_dim3A_293 = vector.broadcast %broadcast_in_dim3A_292 : f32 to vector<1x112xf32>
    %concatenate3A_294 = tpu.concatenate %get3A_19, %broadcast_in_dim3A_293 in 1 : vector<1x16xf32>, vector<1x112xf32> -> vector<1x128xf32>
    %add3A_295 = arith.constant 0.000000e+00 : f32
    %add3A_296 = vector.broadcast %add3A_295 : f32 to vector<1x128xf32>
    %add3A_297 = arith.addf %add3A_296, %concatenate3A_294 : vector<1x128xf32>
    %broadcast_in_dim3A_298 = arith.constant 0.000000e+00 : f32
    %broadcast_in_dim3A_299 = vector.broadcast %broadcast_in_dim3A_298 : f32 to vector<1x32xf32>
    %broadcast_in_dim3A_300 = arith.constant 0.000000e+00 : f32
    %broadcast_in_dim3A_301 = vector.broadcast %broadcast_in_dim3A_300 : f32 to vector<1x80xf32>
    %concatenate3A_302 = tpu.concatenate %broadcast_in_dim3A_299, %get3A_19, %broadcast_in_dim3A_301 in 1 : vector<1x32xf32>, vector<1x16xf32>, vector<1x80xf32> -> vector<1x128xf32>
    %add3A_303 = arith.addf %add3A_297, %concatenate3A_302 : vector<1x128xf32>
    %broadcast_in_dim3A_304 = arith.constant 0.000000e+00 : f32
    %broadcast_in_dim3A_305 = vector.broadcast %broadcast_in_dim3A_304 : f32 to vector<1x64xf32>
    %broadcast_in_dim3A_306 = arith.constant 0.000000e+00 : f32
    %broadcast_in_dim3A_307 = vector.broadcast %broadcast_in_dim3A_306 : f32 to vector<1x48xf32>
    %concatenate3A_308 = tpu.concatenate %broadcast_in_dim3A_305, %get3A_19, %broadcast_in_dim3A_307 in 1 : vector<1x64xf32>, vector<1x16xf32>, vector<1x48xf32> -> vector<1x128xf32>
    %add3A_309 = arith.addf %add3A_303, %concatenate3A_308 : vector<1x128xf32>
    %broadcast_in_dim3A_310 = arith.constant 0.000000e+00 : f32
    %broadcast_in_dim3A_311 = vector.broadcast %broadcast_in_dim3A_310 : f32 to vector<1x96xf32>
    %broadcast_in_dim3A_312 = arith.constant 0.000000e+00 : f32
    %broadcast_in_dim3A_313 = vector.broadcast %broadcast_in_dim3A_312 : f32 to vector<1x16xf32>
    %concatenate3A_314 = tpu.concatenate %broadcast_in_dim3A_311, %get3A_19, %broadcast_in_dim3A_313 in 1 : vector<1x96xf32>, vector<1x16xf32>, vector<1x16xf32> -> vector<1x128xf32>
    %add3A_315 = arith.addf %add3A_309, %concatenate3A_314 : vector<1x128xf32>
    %broadcast_in_dim3A_316 = arith.constant 0.000000e+00 : f32
    %broadcast_in_dim3A_317 = vector.broadcast %broadcast_in_dim3A_316 : f32 to vector<1x112xf32>
    %concatenate3A_318 = tpu.concatenate %get3A_22, %broadcast_in_dim3A_317 in 1 : vector<1x16xf32>, vector<1x112xf32> -> vector<1x128xf32>
    %add3A_319 = arith.constant 0.000000e+00 : f32
    %add3A_320 = vector.broadcast %add3A_319 : f32 to vector<1x128xf32>
    %add3A_321 = arith.addf %add3A_320, %concatenate3A_318 : vector<1x128xf32>
    %broadcast_in_dim3A_322 = arith.constant 0.000000e+00 : f32
    %broadcast_in_dim3A_323 = vector.broadcast %broadcast_in_dim3A_322 : f32 to vector<1x32xf32>
    %broadcast_in_dim3A_324 = arith.constant 0.000000e+00 : f32
    %broadcast_in_dim3A_325 = vector.broadcast %broadcast_in_dim3A_324 : f32 to vector<1x80xf32>
    %concatenate3A_326 = tpu.concatenate %broadcast_in_dim3A_323, %get3A_22, %broadcast_in_dim3A_325 in 1 : vector<1x32xf32>, vector<1x16xf32>, vector<1x80xf32> -> vector<1x128xf32>
    %add3A_327 = arith.addf %add3A_321, %concatenate3A_326 : vector<1x128xf32>
    %broadcast_in_dim3A_328 = arith.constant 0.000000e+00 : f32
    %broadcast_in_dim3A_329 = vector.broadcast %broadcast_in_dim3A_328 : f32 to vector<1x64xf32>
    %broadcast_in_dim3A_330 = arith.constant 0.000000e+00 : f32
    %broadcast_in_dim3A_331 = vector.broadcast %broadcast_in_dim3A_330 : f32 to vector<1x48xf32>
    %concatenate3A_332 = tpu.concatenate %broadcast_in_dim3A_329, %get3A_22, %broadcast_in_dim3A_331 in 1 : vector<1x64xf32>, vector<1x16xf32>, vector<1x48xf32> -> vector<1x128xf32>
    %add3A_333 = arith.addf %add3A_327, %concatenate3A_332 : vector<1x128xf32>
    %broadcast_in_dim3A_334 = arith.constant 0.000000e+00 : f32
    %broadcast_in_dim3A_335 = vector.broadcast %broadcast_in_dim3A_334 : f32 to vector<1x96xf32>
    %broadcast_in_dim3A_336 = arith.constant 0.000000e+00 : f32
    %broadcast_in_dim3A_337 = vector.broadcast %broadcast_in_dim3A_336 : f32 to vector<1x16xf32>
    %concatenate3A_338 = tpu.concatenate %broadcast_in_dim3A_335, %get3A_22, %broadcast_in_dim3A_337 in 1 : vector<1x96xf32>, vector<1x16xf32>, vector<1x16xf32> -> vector<1x128xf32>
    %add3A_339 = arith.addf %add3A_333, %concatenate3A_338 : vector<1x128xf32>
    %broadcast_in_dim3A_340 = arith.constant 0.000000e+00 : f32
    %broadcast_in_dim3A_341 = vector.broadcast %broadcast_in_dim3A_340 : f32 to vector<1x16xf32>
    %broadcast_in_dim3A_342 = arith.constant 0.000000e+00 : f32
    %broadcast_in_dim3A_343 = vector.broadcast %broadcast_in_dim3A_342 : f32 to vector<1x109xf32>
    %concatenate3A_344 = tpu.concatenate %broadcast_in_dim3A_341, %broadcast_in_dim3A_57, %broadcast_in_dim3A_343 in 1 : vector<1x16xf32>, vector<1x3xf32>, vector<1x109xf32> -> vector<1x128xf32>
    %add3A_345 = arith.constant 0.000000e+00 : f32
    %add3A_346 = vector.broadcast %add3A_345 : f32 to vector<1x128xf32>
    %add3A_347 = arith.addf %add3A_346, %concatenate3A_344 : vector<1x128xf32>
    %broadcast_in_dim3A_348 = arith.constant 0.000000e+00 : f32
    %broadcast_in_dim3A_349 = vector.broadcast %broadcast_in_dim3A_348 : f32 to vector<1x48xf32>
    %broadcast_in_dim3A_350 = arith.constant 0.000000e+00 : f32
    %broadcast_in_dim3A_351 = vector.broadcast %broadcast_in_dim3A_350 : f32 to vector<1x77xf32>
    %concatenate3A_352 = tpu.concatenate %broadcast_in_dim3A_349, %broadcast_in_dim3A_57, %broadcast_in_dim3A_351 in 1 : vector<1x48xf32>, vector<1x3xf32>, vector<1x77xf32> -> vector<1x128xf32>
    %add3A_353 = arith.addf %add3A_347, %concatenate3A_352 : vector<1x128xf32>
    %broadcast_in_dim3A_354 = arith.constant 0.000000e+00 : f32
    %broadcast_in_dim3A_355 = vector.broadcast %broadcast_in_dim3A_354 : f32 to vector<1x80xf32>
    %broadcast_in_dim3A_356 = arith.constant 0.000000e+00 : f32
    %broadcast_in_dim3A_357 = vector.broadcast %broadcast_in_dim3A_356 : f32 to vector<1x45xf32>
    %concatenate3A_358 = tpu.concatenate %broadcast_in_dim3A_355, %broadcast_in_dim3A_57, %broadcast_in_dim3A_357 in 1 : vector<1x80xf32>, vector<1x3xf32>, vector<1x45xf32> -> vector<1x128xf32>
    %add3A_359 = arith.addf %add3A_353, %concatenate3A_358 : vector<1x128xf32>
    %broadcast_in_dim3A_360 = arith.constant 0.000000e+00 : f32
    %broadcast_in_dim3A_361 = vector.broadcast %broadcast_in_dim3A_360 : f32 to vector<1x112xf32>
    %broadcast_in_dim3A_362 = arith.constant 0.000000e+00 : f32
    %broadcast_in_dim3A_363 = vector.broadcast %broadcast_in_dim3A_362 : f32 to vector<1x13xf32>
    %concatenate3A_364 = tpu.concatenate %broadcast_in_dim3A_361, %broadcast_in_dim3A_57, %broadcast_in_dim3A_363 in 1 : vector<1x112xf32>, vector<1x3xf32>, vector<1x13xf32> -> vector<1x128xf32>
    %add3A_365 = arith.addf %add3A_359, %concatenate3A_364 : vector<1x128xf32>
    %broadcast_in_dim3A_366 = vector.shape_cast %get3A_28 : vector<1x16xf32> to vector<1x16xf32>
    %broadcast_in_dim3A_367 = vector.broadcast %broadcast_in_dim3A_366 : vector<1x16xf32> to vector<3x16xf32>
    %broadcast_in_dim3A_368 = vector.shape_cast %get3A_40 : vector<16x1xf32> to vector<16x1xf32>
    %broadcast_in_dim3A_369 = vector.broadcast %broadcast_in_dim3A_368 : vector<16x1xf32> to vector<16x3xf32>
    %broadcast_in_dim3A_370 = vector.shape_cast %get3A_52 : vector<1x1xf32> to vector<1x1xf32>
    %broadcast_in_dim3A_371 = vector.broadcast %broadcast_in_dim3A_370 : vector<1x1xf32> to vector<1x3xf32>
    %broadcast_in_dim3A_372 = arith.constant 0.000000e+00 : f32
    %broadcast_in_dim3A_373 = vector.broadcast %broadcast_in_dim3A_372 : f32 to vector<4x112xf32>
    %concatenate3A_374 = tpu.concatenate %get3A_31, %broadcast_in_dim3A_373 in 1 : vector<4x16xf32>, vector<4x112xf32> -> vector<4x128xf32>
    %broadcast_in_dim3A_375 = arith.constant 0.000000e+00 : f32
    %broadcast_in_dim3A_376 = vector.broadcast %broadcast_in_dim3A_375 : f32 to vector<12x128xf32>
    %concatenate3A_377 = tpu.concatenate %concatenate3A_374, %broadcast_in_dim3A_376 in 0 : vector<4x128xf32>, vector<12x128xf32> -> vector<16x128xf32>
    %add3A_378 = arith.constant 0.000000e+00 : f32
    %add3A_379 = vector.broadcast %add3A_378 : f32 to vector<16x128xf32>
    %add3A_380 = arith.addf %add3A_379, %concatenate3A_377 : vector<16x128xf32>
    %broadcast_in_dim3A_381 = arith.constant 0.000000e+00 : f32
    %broadcast_in_dim3A_382 = vector.broadcast %broadcast_in_dim3A_381 : f32 to vector<4x32xf32>
    %broadcast_in_dim3A_383 = arith.constant 0.000000e+00 : f32
    %broadcast_in_dim3A_384 = vector.broadcast %broadcast_in_dim3A_383 : f32 to vector<4x80xf32>
    %concatenate3A_385 = tpu.concatenate %broadcast_in_dim3A_382, %get3A_31, %broadcast_in_dim3A_384 in 1 : vector<4x32xf32>, vector<4x16xf32>, vector<4x80xf32> -> vector<4x128xf32>
    %broadcast_in_dim3A_386 = arith.constant 0.000000e+00 : f32
    %broadcast_in_dim3A_387 = vector.broadcast %broadcast_in_dim3A_386 : f32 to vector<4x128xf32>
    %broadcast_in_dim3A_388 = arith.constant 0.000000e+00 : f32
    %broadcast_in_dim3A_389 = vector.broadcast %broadcast_in_dim3A_388 : f32 to vector<8x128xf32>
    %concatenate3A_390 = tpu.concatenate %broadcast_in_dim3A_387, %concatenate3A_385, %broadcast_in_dim3A_389 in 0 : vector<4x128xf32>, vector<4x128xf32>, vector<8x128xf32> -> vector<16x128xf32>
    %add3A_391 = arith.addf %add3A_380, %concatenate3A_390 : vector<16x128xf32>
    %broadcast_in_dim3A_392 = arith.constant 0.000000e+00 : f32
    %broadcast_in_dim3A_393 = vector.broadcast %broadcast_in_dim3A_392 : f32 to vector<4x64xf32>
    %broadcast_in_dim3A_394 = arith.constant 0.000000e+00 : f32
    %broadcast_in_dim3A_395 = vector.broadcast %broadcast_in_dim3A_394 : f32 to vector<4x48xf32>
    %concatenate3A_396 = tpu.concatenate %broadcast_in_dim3A_393, %get3A_31, %broadcast_in_dim3A_395 in 1 : vector<4x64xf32>, vector<4x16xf32>, vector<4x48xf32> -> vector<4x128xf32>
    %broadcast_in_dim3A_397 = arith.constant 0.000000e+00 : f32
    %broadcast_in_dim3A_398 = vector.broadcast %broadcast_in_dim3A_397 : f32 to vector<8x128xf32>
    %broadcast_in_dim3A_399 = arith.constant 0.000000e+00 : f32
    %broadcast_in_dim3A_400 = vector.broadcast %broadcast_in_dim3A_399 : f32 to vector<4x128xf32>
    %concatenate3A_401 = tpu.concatenate %broadcast_in_dim3A_398, %concatenate3A_396, %broadcast_in_dim3A_400 in 0 : vector<8x128xf32>, vector<4x128xf32>, vector<4x128xf32> -> vector<16x128xf32>
    %add3A_402 = arith.addf %add3A_391, %concatenate3A_401 : vector<16x128xf32>
    %broadcast_in_dim3A_403 = arith.constant 0.000000e+00 : f32
    %broadcast_in_dim3A_404 = vector.broadcast %broadcast_in_dim3A_403 : f32 to vector<4x96xf32>
    %broadcast_in_dim3A_405 = arith.constant 0.000000e+00 : f32
    %broadcast_in_dim3A_406 = vector.broadcast %broadcast_in_dim3A_405 : f32 to vector<4x16xf32>
    %concatenate3A_407 = tpu.concatenate %broadcast_in_dim3A_404, %get3A_31, %broadcast_in_dim3A_406 in 1 : vector<4x96xf32>, vector<4x16xf32>, vector<4x16xf32> -> vector<4x128xf32>
    %broadcast_in_dim3A_408 = arith.constant 0.000000e+00 : f32
    %broadcast_in_dim3A_409 = vector.broadcast %broadcast_in_dim3A_408 : f32 to vector<12x128xf32>
    %concatenate3A_410 = tpu.concatenate %broadcast_in_dim3A_409, %concatenate3A_407 in 0 : vector<12x128xf32>, vector<4x128xf32> -> vector<16x128xf32>
    %add3A_411 = arith.addf %add3A_402, %concatenate3A_410 : vector<16x128xf32>
    %broadcast_in_dim3A_412 = arith.constant 0.000000e+00 : f32
    %broadcast_in_dim3A_413 = vector.broadcast %broadcast_in_dim3A_412 : f32 to vector<3x112xf32>
    %concatenate3A_414 = tpu.concatenate %broadcast_in_dim3A_367, %broadcast_in_dim3A_413 in 1 : vector<3x16xf32>, vector<3x112xf32> -> vector<3x128xf32>
    %broadcast_in_dim3A_415 = arith.constant 0.000000e+00 : f32
    %broadcast_in_dim3A_416 = vector.broadcast %broadcast_in_dim3A_415 : f32 to vector<16x128xf32>
    %broadcast_in_dim3A_417 = arith.constant 0.000000e+00 : f32
    %broadcast_in_dim3A_418 = vector.broadcast %broadcast_in_dim3A_417 : f32 to vector<109x128xf32>
    %concatenate3A_419 = tpu.concatenate %broadcast_in_dim3A_416, %concatenate3A_414, %broadcast_in_dim3A_418 in 0 : vector<16x128xf32>, vector<3x128xf32>, vector<109x128xf32> -> vector<128x128xf32>
    %add3A_420 = arith.constant 0.000000e+00 : f32
    %add3A_421 = vector.broadcast %add3A_420 : f32 to vector<128x128xf32>
    %add3A_422 = arith.addf %add3A_421, %concatenate3A_419 : vector<128x128xf32>
    %broadcast_in_dim3A_423 = arith.constant 0.000000e+00 : f32
    %broadcast_in_dim3A_424 = vector.broadcast %broadcast_in_dim3A_423 : f32 to vector<3x32xf32>
    %broadcast_in_dim3A_425 = arith.constant 0.000000e+00 : f32
    %broadcast_in_dim3A_426 = vector.broadcast %broadcast_in_dim3A_425 : f32 to vector<3x80xf32>
    %concatenate3A_427 = tpu.concatenate %broadcast_in_dim3A_424, %broadcast_in_dim3A_367, %broadcast_in_dim3A_426 in 1 : vector<3x32xf32>, vector<3x16xf32>, vector<3x80xf32> -> vector<3x128xf32>
    %broadcast_in_dim3A_428 = arith.constant 0.000000e+00 : f32
    %broadcast_in_dim3A_429 = vector.broadcast %broadcast_in_dim3A_428 : f32 to vector<48x128xf32>
    %broadcast_in_dim3A_430 = arith.constant 0.000000e+00 : f32
    %broadcast_in_dim3A_431 = vector.broadcast %broadcast_in_dim3A_430 : f32 to vector<77x128xf32>
    %concatenate3A_432 = tpu.concatenate %broadcast_in_dim3A_429, %concatenate3A_427, %broadcast_in_dim3A_431 in 0 : vector<48x128xf32>, vector<3x128xf32>, vector<77x128xf32> -> vector<128x128xf32>
    %add3A_433 = arith.addf %add3A_422, %concatenate3A_432 : vector<128x128xf32>
    %broadcast_in_dim3A_434 = arith.constant 0.000000e+00 : f32
    %broadcast_in_dim3A_435 = vector.broadcast %broadcast_in_dim3A_434 : f32 to vector<3x64xf32>
    %broadcast_in_dim3A_436 = arith.constant 0.000000e+00 : f32
    %broadcast_in_dim3A_437 = vector.broadcast %broadcast_in_dim3A_436 : f32 to vector<3x48xf32>
    %concatenate3A_438 = tpu.concatenate %broadcast_in_dim3A_435, %broadcast_in_dim3A_367, %broadcast_in_dim3A_437 in 1 : vector<3x64xf32>, vector<3x16xf32>, vector<3x48xf32> -> vector<3x128xf32>
    %broadcast_in_dim3A_439 = arith.constant 0.000000e+00 : f32
    %broadcast_in_dim3A_440 = vector.broadcast %broadcast_in_dim3A_439 : f32 to vector<80x128xf32>
    %broadcast_in_dim3A_441 = arith.constant 0.000000e+00 : f32
    %broadcast_in_dim3A_442 = vector.broadcast %broadcast_in_dim3A_441 : f32 to vector<45x128xf32>
    %concatenate3A_443 = tpu.concatenate %broadcast_in_dim3A_440, %concatenate3A_438, %broadcast_in_dim3A_442 in 0 : vector<80x128xf32>, vector<3x128xf32>, vector<45x128xf32> -> vector<128x128xf32>
    %add3A_444 = arith.addf %add3A_433, %concatenate3A_443 : vector<128x128xf32>
    %broadcast_in_dim3A_445 = arith.constant 0.000000e+00 : f32
    %broadcast_in_dim3A_446 = vector.broadcast %broadcast_in_dim3A_445 : f32 to vector<3x96xf32>
    %broadcast_in_dim3A_447 = arith.constant 0.000000e+00 : f32
    %broadcast_in_dim3A_448 = vector.broadcast %broadcast_in_dim3A_447 : f32 to vector<3x16xf32>
    %concatenate3A_449 = tpu.concatenate %broadcast_in_dim3A_446, %broadcast_in_dim3A_367, %broadcast_in_dim3A_448 in 1 : vector<3x96xf32>, vector<3x16xf32>, vector<3x16xf32> -> vector<3x128xf32>
    %broadcast_in_dim3A_450 = arith.constant 0.000000e+00 : f32
    %broadcast_in_dim3A_451 = vector.broadcast %broadcast_in_dim3A_450 : f32 to vector<112x128xf32>
    %broadcast_in_dim3A_452 = arith.constant 0.000000e+00 : f32
    %broadcast_in_dim3A_453 = vector.broadcast %broadcast_in_dim3A_452 : f32 to vector<13x128xf32>
    %concatenate3A_454 = tpu.concatenate %broadcast_in_dim3A_451, %concatenate3A_449, %broadcast_in_dim3A_453 in 0 : vector<112x128xf32>, vector<3x128xf32>, vector<13x128xf32> -> vector<128x128xf32>
    %add3A_455 = arith.addf %add3A_444, %concatenate3A_454 : vector<128x128xf32>
    %broadcast_in_dim3A_456 = arith.constant 0.000000e+00 : f32
    %broadcast_in_dim3A_457 = vector.broadcast %broadcast_in_dim3A_456 : f32 to vector<16x112xf32>
    %concatenate3A_458 = tpu.concatenate %get3A_34, %broadcast_in_dim3A_457 in 1 : vector<16x16xf32>, vector<16x112xf32> -> vector<16x128xf32>
    %broadcast_in_dim3A_459 = arith.constant 0.000000e+00 : f32
    %broadcast_in_dim3A_460 = vector.broadcast %broadcast_in_dim3A_459 : f32 to vector<112x128xf32>
    %concatenate3A_461 = tpu.concatenate %concatenate3A_458, %broadcast_in_dim3A_460 in 0 : vector<16x128xf32>, vector<112x128xf32> -> vector<128x128xf32>
    %add3A_462 = arith.constant 0.000000e+00 : f32
    %add3A_463 = vector.broadcast %add3A_462 : f32 to vector<128x128xf32>
    %add3A_464 = arith.addf %add3A_463, %concatenate3A_461 : vector<128x128xf32>
    %broadcast_in_dim3A_465 = arith.constant 0.000000e+00 : f32
    %broadcast_in_dim3A_466 = vector.broadcast %broadcast_in_dim3A_465 : f32 to vector<16x32xf32>
    %broadcast_in_dim3A_467 = arith.constant 0.000000e+00 : f32
    %broadcast_in_dim3A_468 = vector.broadcast %broadcast_in_dim3A_467 : f32 to vector<16x80xf32>
    %concatenate3A_469 = tpu.concatenate %broadcast_in_dim3A_466, %get3A_34, %broadcast_in_dim3A_468 in 1 : vector<16x32xf32>, vector<16x16xf32>, vector<16x80xf32> -> vector<16x128xf32>
    %broadcast_in_dim3A_470 = arith.constant 0.000000e+00 : f32
    %broadcast_in_dim3A_471 = vector.broadcast %broadcast_in_dim3A_470 : f32 to vector<32x128xf32>
    %broadcast_in_dim3A_472 = arith.constant 0.000000e+00 : f32
    %broadcast_in_dim3A_473 = vector.broadcast %broadcast_in_dim3A_472 : f32 to vector<80x128xf32>
    %concatenate3A_474 = tpu.concatenate %broadcast_in_dim3A_471, %concatenate3A_469, %broadcast_in_dim3A_473 in 0 : vector<32x128xf32>, vector<16x128xf32>, vector<80x128xf32> -> vector<128x128xf32>
    %add3A_475 = arith.addf %add3A_464, %concatenate3A_474 : vector<128x128xf32>
    %broadcast_in_dim3A_476 = arith.constant 0.000000e+00 : f32
    %broadcast_in_dim3A_477 = vector.broadcast %broadcast_in_dim3A_476 : f32 to vector<16x64xf32>
    %broadcast_in_dim3A_478 = arith.constant 0.000000e+00 : f32
    %broadcast_in_dim3A_479 = vector.broadcast %broadcast_in_dim3A_478 : f32 to vector<16x48xf32>
    %concatenate3A_480 = tpu.concatenate %broadcast_in_dim3A_477, %get3A_34, %broadcast_in_dim3A_479 in 1 : vector<16x64xf32>, vector<16x16xf32>, vector<16x48xf32> -> vector<16x128xf32>
    %broadcast_in_dim3A_481 = arith.constant 0.000000e+00 : f32
    %broadcast_in_dim3A_482 = vector.broadcast %broadcast_in_dim3A_481 : f32 to vector<64x128xf32>
    %broadcast_in_dim3A_483 = arith.constant 0.000000e+00 : f32
    %broadcast_in_dim3A_484 = vector.broadcast %broadcast_in_dim3A_483 : f32 to vector<48x128xf32>
    %concatenate3A_485 = tpu.concatenate %broadcast_in_dim3A_482, %concatenate3A_480, %broadcast_in_dim3A_484 in 0 : vector<64x128xf32>, vector<16x128xf32>, vector<48x128xf32> -> vector<128x128xf32>
    %add3A_486 = arith.addf %add3A_475, %concatenate3A_485 : vector<128x128xf32>
    %broadcast_in_dim3A_487 = arith.constant 0.000000e+00 : f32
    %broadcast_in_dim3A_488 = vector.broadcast %broadcast_in_dim3A_487 : f32 to vector<16x96xf32>
    %broadcast_in_dim3A_489 = arith.constant 0.000000e+00 : f32
    %broadcast_in_dim3A_490 = vector.broadcast %broadcast_in_dim3A_489 : f32 to vector<16x16xf32>
    %concatenate3A_491 = tpu.concatenate %broadcast_in_dim3A_488, %get3A_34, %broadcast_in_dim3A_490 in 1 : vector<16x96xf32>, vector<16x16xf32>, vector<16x16xf32> -> vector<16x128xf32>
    %broadcast_in_dim3A_492 = arith.constant 0.000000e+00 : f32
    %broadcast_in_dim3A_493 = vector.broadcast %broadcast_in_dim3A_492 : f32 to vector<96x128xf32>
    %broadcast_in_dim3A_494 = arith.constant 0.000000e+00 : f32
    %broadcast_in_dim3A_495 = vector.broadcast %broadcast_in_dim3A_494 : f32 to vector<16x128xf32>
    %concatenate3A_496 = tpu.concatenate %broadcast_in_dim3A_493, %concatenate3A_491, %broadcast_in_dim3A_495 in 0 : vector<96x128xf32>, vector<16x128xf32>, vector<16x128xf32> -> vector<128x128xf32>
    %add3A_497 = arith.addf %add3A_486, %concatenate3A_496 : vector<128x128xf32>
    %broadcast_in_dim3A_498 = arith.constant 0.000000e+00 : f32
    %broadcast_in_dim3A_499 = vector.broadcast %broadcast_in_dim3A_498 : f32 to vector<16x112xf32>
    %concatenate3A_500 = tpu.concatenate %get3A_37, %broadcast_in_dim3A_499 in 1 : vector<16x16xf32>, vector<16x112xf32> -> vector<16x128xf32>
    %broadcast_in_dim3A_501 = arith.constant 0.000000e+00 : f32
    %broadcast_in_dim3A_502 = vector.broadcast %broadcast_in_dim3A_501 : f32 to vector<112x128xf32>
    %concatenate3A_503 = tpu.concatenate %concatenate3A_500, %broadcast_in_dim3A_502 in 0 : vector<16x128xf32>, vector<112x128xf32> -> vector<128x128xf32>
    %add3A_504 = arith.constant 0.000000e+00 : f32
    %add3A_505 = vector.broadcast %add3A_504 : f32 to vector<128x128xf32>
    %add3A_506 = arith.addf %add3A_505, %concatenate3A_503 : vector<128x128xf32>
    %broadcast_in_dim3A_507 = arith.constant 0.000000e+00 : f32
    %broadcast_in_dim3A_508 = vector.broadcast %broadcast_in_dim3A_507 : f32 to vector<16x32xf32>
    %broadcast_in_dim3A_509 = arith.constant 0.000000e+00 : f32
    %broadcast_in_dim3A_510 = vector.broadcast %broadcast_in_dim3A_509 : f32 to vector<16x80xf32>
    %concatenate3A_511 = tpu.concatenate %broadcast_in_dim3A_508, %get3A_37, %broadcast_in_dim3A_510 in 1 : vector<16x32xf32>, vector<16x16xf32>, vector<16x80xf32> -> vector<16x128xf32>
    %broadcast_in_dim3A_512 = arith.constant 0.000000e+00 : f32
    %broadcast_in_dim3A_513 = vector.broadcast %broadcast_in_dim3A_512 : f32 to vector<32x128xf32>
    %broadcast_in_dim3A_514 = arith.constant 0.000000e+00 : f32
    %broadcast_in_dim3A_515 = vector.broadcast %broadcast_in_dim3A_514 : f32 to vector<80x128xf32>
    %concatenate3A_516 = tpu.concatenate %broadcast_in_dim3A_513, %concatenate3A_511, %broadcast_in_dim3A_515 in 0 : vector<32x128xf32>, vector<16x128xf32>, vector<80x128xf32> -> vector<128x128xf32>
    %add3A_517 = arith.addf %add3A_506, %concatenate3A_516 : vector<128x128xf32>
    %broadcast_in_dim3A_518 = arith.constant 0.000000e+00 : f32
    %broadcast_in_dim3A_519 = vector.broadcast %broadcast_in_dim3A_518 : f32 to vector<16x64xf32>
    %broadcast_in_dim3A_520 = arith.constant 0.000000e+00 : f32
    %broadcast_in_dim3A_521 = vector.broadcast %broadcast_in_dim3A_520 : f32 to vector<16x48xf32>
    %concatenate3A_522 = tpu.concatenate %broadcast_in_dim3A_519, %get3A_37, %broadcast_in_dim3A_521 in 1 : vector<16x64xf32>, vector<16x16xf32>, vector<16x48xf32> -> vector<16x128xf32>
    %broadcast_in_dim3A_523 = arith.constant 0.000000e+00 : f32
    %broadcast_in_dim3A_524 = vector.broadcast %broadcast_in_dim3A_523 : f32 to vector<64x128xf32>
    %broadcast_in_dim3A_525 = arith.constant 0.000000e+00 : f32
    %broadcast_in_dim3A_526 = vector.broadcast %broadcast_in_dim3A_525 : f32 to vector<48x128xf32>
    %concatenate3A_527 = tpu.concatenate %broadcast_in_dim3A_524, %concatenate3A_522, %broadcast_in_dim3A_526 in 0 : vector<64x128xf32>, vector<16x128xf32>, vector<48x128xf32> -> vector<128x128xf32>
    %add3A_528 = arith.addf %add3A_517, %concatenate3A_527 : vector<128x128xf32>
    %broadcast_in_dim3A_529 = arith.constant 0.000000e+00 : f32
    %broadcast_in_dim3A_530 = vector.broadcast %broadcast_in_dim3A_529 : f32 to vector<16x96xf32>
    %broadcast_in_dim3A_531 = arith.constant 0.000000e+00 : f32
    %broadcast_in_dim3A_532 = vector.broadcast %broadcast_in_dim3A_531 : f32 to vector<16x16xf32>
    %concatenate3A_533 = tpu.concatenate %broadcast_in_dim3A_530, %get3A_37, %broadcast_in_dim3A_532 in 1 : vector<16x96xf32>, vector<16x16xf32>, vector<16x16xf32> -> vector<16x128xf32>
    %broadcast_in_dim3A_534 = arith.constant 0.000000e+00 : f32
    %broadcast_in_dim3A_535 = vector.broadcast %broadcast_in_dim3A_534 : f32 to vector<96x128xf32>
    %broadcast_in_dim3A_536 = arith.constant 0.000000e+00 : f32
    %broadcast_in_dim3A_537 = vector.broadcast %broadcast_in_dim3A_536 : f32 to vector<16x128xf32>
    %concatenate3A_538 = tpu.concatenate %broadcast_in_dim3A_535, %concatenate3A_533, %broadcast_in_dim3A_537 in 0 : vector<96x128xf32>, vector<16x128xf32>, vector<16x128xf32> -> vector<128x128xf32>
    %add3A_539 = arith.addf %add3A_528, %concatenate3A_538 : vector<128x128xf32>
    %broadcast_in_dim3A_540 = arith.constant 0.000000e+00 : f32
    %broadcast_in_dim3A_541 = vector.broadcast %broadcast_in_dim3A_540 : f32 to vector<16x16xf32>
    %broadcast_in_dim3A_542 = arith.constant 0.000000e+00 : f32
    %broadcast_in_dim3A_543 = vector.broadcast %broadcast_in_dim3A_542 : f32 to vector<16x109xf32>
    %concatenate3A_544 = tpu.concatenate %broadcast_in_dim3A_541, %broadcast_in_dim3A_369, %broadcast_in_dim3A_543 in 1 : vector<16x16xf32>, vector<16x3xf32>, vector<16x109xf32> -> vector<16x128xf32>
    %broadcast_in_dim3A_545 = arith.constant 0.000000e+00 : f32
    %broadcast_in_dim3A_546 = vector.broadcast %broadcast_in_dim3A_545 : f32 to vector<112x128xf32>
    %concatenate3A_547 = tpu.concatenate %concatenate3A_544, %broadcast_in_dim3A_546 in 0 : vector<16x128xf32>, vector<112x128xf32> -> vector<128x128xf32>
    %add3A_548 = arith.constant 0.000000e+00 : f32
    %add3A_549 = vector.broadcast %add3A_548 : f32 to vector<128x128xf32>
    %add3A_550 = arith.addf %add3A_549, %concatenate3A_547 : vector<128x128xf32>
    %broadcast_in_dim3A_551 = arith.constant 0.000000e+00 : f32
    %broadcast_in_dim3A_552 = vector.broadcast %broadcast_in_dim3A_551 : f32 to vector<16x48xf32>
    %broadcast_in_dim3A_553 = arith.constant 0.000000e+00 : f32
    %broadcast_in_dim3A_554 = vector.broadcast %broadcast_in_dim3A_553 : f32 to vector<16x77xf32>
    %concatenate3A_555 = tpu.concatenate %broadcast_in_dim3A_552, %broadcast_in_dim3A_369, %broadcast_in_dim3A_554 in 1 : vector<16x48xf32>, vector<16x3xf32>, vector<16x77xf32> -> vector<16x128xf32>
    %broadcast_in_dim3A_556 = arith.constant 0.000000e+00 : f32
    %broadcast_in_dim3A_557 = vector.broadcast %broadcast_in_dim3A_556 : f32 to vector<32x128xf32>
    %broadcast_in_dim3A_558 = arith.constant 0.000000e+00 : f32
    %broadcast_in_dim3A_559 = vector.broadcast %broadcast_in_dim3A_558 : f32 to vector<80x128xf32>
    %concatenate3A_560 = tpu.concatenate %broadcast_in_dim3A_557, %concatenate3A_555, %broadcast_in_dim3A_559 in 0 : vector<32x128xf32>, vector<16x128xf32>, vector<80x128xf32> -> vector<128x128xf32>
    %add3A_561 = arith.addf %add3A_550, %concatenate3A_560 : vector<128x128xf32>
    %broadcast_in_dim3A_562 = arith.constant 0.000000e+00 : f32
    %broadcast_in_dim3A_563 = vector.broadcast %broadcast_in_dim3A_562 : f32 to vector<16x80xf32>
    %broadcast_in_dim3A_564 = arith.constant 0.000000e+00 : f32
    %broadcast_in_dim3A_565 = vector.broadcast %broadcast_in_dim3A_564 : f32 to vector<16x45xf32>
    %concatenate3A_566 = tpu.concatenate %broadcast_in_dim3A_563, %broadcast_in_dim3A_369, %broadcast_in_dim3A_565 in 1 : vector<16x80xf32>, vector<16x3xf32>, vector<16x45xf32> -> vector<16x128xf32>
    %broadcast_in_dim3A_567 = arith.constant 0.000000e+00 : f32
    %broadcast_in_dim3A_568 = vector.broadcast %broadcast_in_dim3A_567 : f32 to vector<64x128xf32>
    %broadcast_in_dim3A_569 = arith.constant 0.000000e+00 : f32
    %broadcast_in_dim3A_570 = vector.broadcast %broadcast_in_dim3A_569 : f32 to vector<48x128xf32>
    %concatenate3A_571 = tpu.concatenate %broadcast_in_dim3A_568, %concatenate3A_566, %broadcast_in_dim3A_570 in 0 : vector<64x128xf32>, vector<16x128xf32>, vector<48x128xf32> -> vector<128x128xf32>
    %add3A_572 = arith.addf %add3A_561, %concatenate3A_571 : vector<128x128xf32>
    %broadcast_in_dim3A_573 = arith.constant 0.000000e+00 : f32
    %broadcast_in_dim3A_574 = vector.broadcast %broadcast_in_dim3A_573 : f32 to vector<16x112xf32>
    %broadcast_in_dim3A_575 = arith.constant 0.000000e+00 : f32
    %broadcast_in_dim3A_576 = vector.broadcast %broadcast_in_dim3A_575 : f32 to vector<16x13xf32>
    %concatenate3A_577 = tpu.concatenate %broadcast_in_dim3A_574, %broadcast_in_dim3A_369, %broadcast_in_dim3A_576 in 1 : vector<16x112xf32>, vector<16x3xf32>, vector<16x13xf32> -> vector<16x128xf32>
    %broadcast_in_dim3A_578 = arith.constant 0.000000e+00 : f32
    %broadcast_in_dim3A_579 = vector.broadcast %broadcast_in_dim3A_578 : f32 to vector<96x128xf32>
    %broadcast_in_dim3A_580 = arith.constant 0.000000e+00 : f32
    %broadcast_in_dim3A_581 = vector.broadcast %broadcast_in_dim3A_580 : f32 to vector<16x128xf32>
    %concatenate3A_582 = tpu.concatenate %broadcast_in_dim3A_579, %concatenate3A_577, %broadcast_in_dim3A_581 in 0 : vector<96x128xf32>, vector<16x128xf32>, vector<16x128xf32> -> vector<128x128xf32>
    %add3A_583 = arith.addf %add3A_572, %concatenate3A_582 : vector<128x128xf32>
    %broadcast_in_dim3A_584 = arith.constant 0.000000e+00 : f32
    %broadcast_in_dim3A_585 = vector.broadcast %broadcast_in_dim3A_584 : f32 to vector<1x112xf32>
    %concatenate3A_586 = tpu.concatenate %get3A_43, %broadcast_in_dim3A_585 in 1 : vector<1x16xf32>, vector<1x112xf32> -> vector<1x128xf32>
    %add3A_587 = arith.constant 0.000000e+00 : f32
    %add3A_588 = vector.broadcast %add3A_587 : f32 to vector<1x128xf32>
    %add3A_589 = arith.addf %add3A_588, %concatenate3A_586 : vector<1x128xf32>
    %broadcast_in_dim3A_590 = arith.constant 0.000000e+00 : f32
    %broadcast_in_dim3A_591 = vector.broadcast %broadcast_in_dim3A_590 : f32 to vector<1x32xf32>
    %broadcast_in_dim3A_592 = arith.constant 0.000000e+00 : f32
    %broadcast_in_dim3A_593 = vector.broadcast %broadcast_in_dim3A_592 : f32 to vector<1x80xf32>
    %concatenate3A_594 = tpu.concatenate %broadcast_in_dim3A_591, %get3A_43, %broadcast_in_dim3A_593 in 1 : vector<1x32xf32>, vector<1x16xf32>, vector<1x80xf32> -> vector<1x128xf32>
    %add3A_595 = arith.addf %add3A_589, %concatenate3A_594 : vector<1x128xf32>
    %broadcast_in_dim3A_596 = arith.constant 0.000000e+00 : f32
    %broadcast_in_dim3A_597 = vector.broadcast %broadcast_in_dim3A_596 : f32 to vector<1x64xf32>
    %broadcast_in_dim3A_598 = arith.constant 0.000000e+00 : f32
    %broadcast_in_dim3A_599 = vector.broadcast %broadcast_in_dim3A_598 : f32 to vector<1x48xf32>
    %concatenate3A_600 = tpu.concatenate %broadcast_in_dim3A_597, %get3A_43, %broadcast_in_dim3A_599 in 1 : vector<1x64xf32>, vector<1x16xf32>, vector<1x48xf32> -> vector<1x128xf32>
    %add3A_601 = arith.addf %add3A_595, %concatenate3A_600 : vector<1x128xf32>
    %broadcast_in_dim3A_602 = arith.constant 0.000000e+00 : f32
    %broadcast_in_dim3A_603 = vector.broadcast %broadcast_in_dim3A_602 : f32 to vector<1x96xf32>
    %broadcast_in_dim3A_604 = arith.constant 0.000000e+00 : f32
    %broadcast_in_dim3A_605 = vector.broadcast %broadcast_in_dim3A_604 : f32 to vector<1x16xf32>
    %concatenate3A_606 = tpu.concatenate %broadcast_in_dim3A_603, %get3A_43, %broadcast_in_dim3A_605 in 1 : vector<1x96xf32>, vector<1x16xf32>, vector<1x16xf32> -> vector<1x128xf32>
    %add3A_607 = arith.addf %add3A_601, %concatenate3A_606 : vector<1x128xf32>
    %broadcast_in_dim3A_608 = arith.constant 0.000000e+00 : f32
    %broadcast_in_dim3A_609 = vector.broadcast %broadcast_in_dim3A_608 : f32 to vector<1x112xf32>
    %concatenate3A_610 = tpu.concatenate %get3A_46, %broadcast_in_dim3A_609 in 1 : vector<1x16xf32>, vector<1x112xf32> -> vector<1x128xf32>
    %add3A_611 = arith.constant 0.000000e+00 : f32
    %add3A_612 = vector.broadcast %add3A_611 : f32 to vector<1x128xf32>
    %add3A_613 = arith.addf %add3A_612, %concatenate3A_610 : vector<1x128xf32>
    %broadcast_in_dim3A_614 = arith.constant 0.000000e+00 : f32
    %broadcast_in_dim3A_615 = vector.broadcast %broadcast_in_dim3A_614 : f32 to vector<1x32xf32>
    %broadcast_in_dim3A_616 = arith.constant 0.000000e+00 : f32
    %broadcast_in_dim3A_617 = vector.broadcast %broadcast_in_dim3A_616 : f32 to vector<1x80xf32>
    %concatenate3A_618 = tpu.concatenate %broadcast_in_dim3A_615, %get3A_46, %broadcast_in_dim3A_617 in 1 : vector<1x32xf32>, vector<1x16xf32>, vector<1x80xf32> -> vector<1x128xf32>
    %add3A_619 = arith.addf %add3A_613, %concatenate3A_618 : vector<1x128xf32>
    %broadcast_in_dim3A_620 = arith.constant 0.000000e+00 : f32
    %broadcast_in_dim3A_621 = vector.broadcast %broadcast_in_dim3A_620 : f32 to vector<1x64xf32>
    %broadcast_in_dim3A_622 = arith.constant 0.000000e+00 : f32
    %broadcast_in_dim3A_623 = vector.broadcast %broadcast_in_dim3A_622 : f32 to vector<1x48xf32>
    %concatenate3A_624 = tpu.concatenate %broadcast_in_dim3A_621, %get3A_46, %broadcast_in_dim3A_623 in 1 : vector<1x64xf32>, vector<1x16xf32>, vector<1x48xf32> -> vector<1x128xf32>
    %add3A_625 = arith.addf %add3A_619, %concatenate3A_624 : vector<1x128xf32>
    %broadcast_in_dim3A_626 = arith.constant 0.000000e+00 : f32
    %broadcast_in_dim3A_627 = vector.broadcast %broadcast_in_dim3A_626 : f32 to vector<1x96xf32>
    %broadcast_in_dim3A_628 = arith.constant 0.000000e+00 : f32
    %broadcast_in_dim3A_629 = vector.broadcast %broadcast_in_dim3A_628 : f32 to vector<1x16xf32>
    %concatenate3A_630 = tpu.concatenate %broadcast_in_dim3A_627, %get3A_46, %broadcast_in_dim3A_629 in 1 : vector<1x96xf32>, vector<1x16xf32>, vector<1x16xf32> -> vector<1x128xf32>
    %add3A_631 = arith.addf %add3A_625, %concatenate3A_630 : vector<1x128xf32>
    %broadcast_in_dim3A_632 = arith.constant 0.000000e+00 : f32
    %broadcast_in_dim3A_633 = vector.broadcast %broadcast_in_dim3A_632 : f32 to vector<1x112xf32>
    %concatenate3A_634 = tpu.concatenate %get3A_49, %broadcast_in_dim3A_633 in 1 : vector<1x16xf32>, vector<1x112xf32> -> vector<1x128xf32>
    %add3A_635 = arith.constant 0.000000e+00 : f32
    %add3A_636 = vector.broadcast %add3A_635 : f32 to vector<1x128xf32>
    %add3A_637 = arith.addf %add3A_636, %concatenate3A_634 : vector<1x128xf32>
    %broadcast_in_dim3A_638 = arith.constant 0.000000e+00 : f32
    %broadcast_in_dim3A_639 = vector.broadcast %broadcast_in_dim3A_638 : f32 to vector<1x32xf32>
    %broadcast_in_dim3A_640 = arith.constant 0.000000e+00 : f32
    %broadcast_in_dim3A_641 = vector.broadcast %broadcast_in_dim3A_640 : f32 to vector<1x80xf32>
    %concatenate3A_642 = tpu.concatenate %broadcast_in_dim3A_639, %get3A_49, %broadcast_in_dim3A_641 in 1 : vector<1x32xf32>, vector<1x16xf32>, vector<1x80xf32> -> vector<1x128xf32>
    %add3A_643 = arith.addf %add3A_637, %concatenate3A_642 : vector<1x128xf32>
    %broadcast_in_dim3A_644 = arith.constant 0.000000e+00 : f32
    %broadcast_in_dim3A_645 = vector.broadcast %broadcast_in_dim3A_644 : f32 to vector<1x64xf32>
    %broadcast_in_dim3A_646 = arith.constant 0.000000e+00 : f32
    %broadcast_in_dim3A_647 = vector.broadcast %broadcast_in_dim3A_646 : f32 to vector<1x48xf32>
    %concatenate3A_648 = tpu.concatenate %broadcast_in_dim3A_645, %get3A_49, %broadcast_in_dim3A_647 in 1 : vector<1x64xf32>, vector<1x16xf32>, vector<1x48xf32> -> vector<1x128xf32>
    %add3A_649 = arith.addf %add3A_643, %concatenate3A_648 : vector<1x128xf32>
    %broadcast_in_dim3A_650 = arith.constant 0.000000e+00 : f32
    %broadcast_in_dim3A_651 = vector.broadcast %broadcast_in_dim3A_650 : f32 to vector<1x96xf32>
    %broadcast_in_dim3A_652 = arith.constant 0.000000e+00 : f32
    %broadcast_in_dim3A_653 = vector.broadcast %broadcast_in_dim3A_652 : f32 to vector<1x16xf32>
    %concatenate3A_654 = tpu.concatenate %broadcast_in_dim3A_651, %get3A_49, %broadcast_in_dim3A_653 in 1 : vector<1x96xf32>, vector<1x16xf32>, vector<1x16xf32> -> vector<1x128xf32>
    %add3A_655 = arith.addf %add3A_649, %concatenate3A_654 : vector<1x128xf32>
    %broadcast_in_dim3A_656 = arith.constant 0.000000e+00 : f32
    %broadcast_in_dim3A_657 = vector.broadcast %broadcast_in_dim3A_656 : f32 to vector<1x16xf32>
    %broadcast_in_dim3A_658 = arith.constant 0.000000e+00 : f32
    %broadcast_in_dim3A_659 = vector.broadcast %broadcast_in_dim3A_658 : f32 to vector<1x109xf32>
    %concatenate3A_660 = tpu.concatenate %broadcast_in_dim3A_657, %broadcast_in_dim3A_371, %broadcast_in_dim3A_659 in 1 : vector<1x16xf32>, vector<1x3xf32>, vector<1x109xf32> -> vector<1x128xf32>
    %add3A_661 = arith.constant 0.000000e+00 : f32
    %add3A_662 = vector.broadcast %add3A_661 : f32 to vector<1x128xf32>
    %add3A_663 = arith.addf %add3A_662, %concatenate3A_660 : vector<1x128xf32>
    %broadcast_in_dim3A_664 = arith.constant 0.000000e+00 : f32
    %broadcast_in_dim3A_665 = vector.broadcast %broadcast_in_dim3A_664 : f32 to vector<1x48xf32>
    %broadcast_in_dim3A_666 = arith.constant 0.000000e+00 : f32
    %broadcast_in_dim3A_667 = vector.broadcast %broadcast_in_dim3A_666 : f32 to vector<1x77xf32>
    %concatenate3A_668 = tpu.concatenate %broadcast_in_dim3A_665, %broadcast_in_dim3A_371, %broadcast_in_dim3A_667 in 1 : vector<1x48xf32>, vector<1x3xf32>, vector<1x77xf32> -> vector<1x128xf32>
    %add3A_669 = arith.addf %add3A_663, %concatenate3A_668 : vector<1x128xf32>
    %broadcast_in_dim3A_670 = arith.constant 0.000000e+00 : f32
    %broadcast_in_dim3A_671 = vector.broadcast %broadcast_in_dim3A_670 : f32 to vector<1x80xf32>
    %broadcast_in_dim3A_672 = arith.constant 0.000000e+00 : f32
    %broadcast_in_dim3A_673 = vector.broadcast %broadcast_in_dim3A_672 : f32 to vector<1x45xf32>
    %concatenate3A_674 = tpu.concatenate %broadcast_in_dim3A_671, %broadcast_in_dim3A_371, %broadcast_in_dim3A_673 in 1 : vector<1x80xf32>, vector<1x3xf32>, vector<1x45xf32> -> vector<1x128xf32>
    %add3A_675 = arith.addf %add3A_669, %concatenate3A_674 : vector<1x128xf32>
    %broadcast_in_dim3A_676 = arith.constant 0.000000e+00 : f32
    %broadcast_in_dim3A_677 = vector.broadcast %broadcast_in_dim3A_676 : f32 to vector<1x112xf32>
    %broadcast_in_dim3A_678 = arith.constant 0.000000e+00 : f32
    %broadcast_in_dim3A_679 = vector.broadcast %broadcast_in_dim3A_678 : f32 to vector<1x13xf32>
    %concatenate3A_680 = tpu.concatenate %broadcast_in_dim3A_677, %broadcast_in_dim3A_371, %broadcast_in_dim3A_679 in 1 : vector<1x112xf32>, vector<1x3xf32>, vector<1x13xf32> -> vector<1x128xf32>
    %add3A_681 = arith.addf %add3A_675, %concatenate3A_680 : vector<1x128xf32>
    %swap3A = arith.constant 0 : index
    %swap3A_682 = arith.constant 0 : index
    %swap3A_683 = vector.load %arg18[%swap3A, %swap3A_682] : memref<16x128xf32, #tpu.memory_space<vmem>>, vector<16x128xf32>
    tpu.vector_store %arg18[%swap3A, %swap3A_682], %add3A_95 {strides = array<i32>} : memref<16x128xf32, #tpu.memory_space<vmem>>, vector<16x128xf32>,
    %swap3A_684 = arith.constant 0 : index
    %swap3A_685 = arith.constant 0 : index
    %swap3A_686 = vector.load %arg19[%swap3A_684, %swap3A_685] : memref<128x128xf32, #tpu.memory_space<vmem>>, vector<128x128xf32>
    tpu.vector_store %arg19[%swap3A_684, %swap3A_685], %add3A_139 {strides = array<i32>} : memref<128x128xf32, #tpu.memory_space<vmem>>, vector<128x128xf32>,
    %swap3A_687 = arith.constant 0 : index
    %swap3A_688 = arith.constant 0 : index
    %swap3A_689 = vector.load %arg20[%swap3A_687, %swap3A_688] : memref<128x128xf32, #tpu.memory_space<vmem>>, vector<128x128xf32>
    tpu.vector_store %arg20[%swap3A_687, %swap3A_688], %add3A_181 {strides = array<i32>} : memref<128x128xf32, #tpu.memory_space<vmem>>, vector<128x128xf32>,
    %swap3A_690 = arith.constant 0 : index
    %swap3A_691 = arith.constant 0 : index
    %swap3A_692 = vector.load %arg21[%swap3A_690, %swap3A_691] : memref<128x128xf32, #tpu.memory_space<vmem>>, vector<128x128xf32>
    tpu.vector_store %arg21[%swap3A_690, %swap3A_691], %add3A_223 {strides = array<i32>} : memref<128x128xf32, #tpu.memory_space<vmem>>, vector<128x128xf32>,
    %swap3A_693 = arith.constant 0 : index
    %swap3A_694 = arith.constant 0 : index
    %swap3A_695 = vector.load %arg22[%swap3A_693, %swap3A_694] : memref<128x128xf32, #tpu.memory_space<vmem>>, vector<128x128xf32>
    tpu.vector_store %arg22[%swap3A_693, %swap3A_694], %add3A_267 {strides = array<i32>} : memref<128x128xf32, #tpu.memory_space<vmem>>, vector<128x128xf32>,
    %swap3A_696 = arith.constant 0 : index
    %swap3A_697 = arith.constant 0 : index
    %swap3A_698 = vector.load %arg23[%swap3A_696, %swap3A_697] : memref<1x128xf32, #tpu.memory_space<vmem>>, vector<1x128xf32>
    tpu.vector_store %arg23[%swap3A_696, %swap3A_697], %add3A_291 {strides = array<i32>} : memref<1x128xf32, #tpu.memory_space<vmem>>, vector<1x128xf32>,
    %swap3A_699 = arith.constant 0 : index
    %swap3A_700 = arith.constant 0 : index
    %swap3A_701 = vector.load %arg24[%swap3A_699, %swap3A_700] : memref<1x128xf32, #tpu.memory_space<vmem>>, vector<1x128xf32>
    tpu.vector_store %arg24[%swap3A_699, %swap3A_700], %add3A_315 {strides = array<i32>} : memref<1x128xf32, #tpu.memory_space<vmem>>, vector<1x128xf32>,
    %swap3A_702 = arith.constant 0 : index
    %swap3A_703 = arith.constant 0 : index
    %swap3A_704 = vector.load %arg25[%swap3A_702, %swap3A_703] : memref<1x128xf32, #tpu.memory_space<vmem>>, vector<1x128xf32>
    tpu.vector_store %arg25[%swap3A_702, %swap3A_703], %add3A_339 {strides = array<i32>} : memref<1x128xf32, #tpu.memory_space<vmem>>, vector<1x128xf32>,
    %swap3A_705 = arith.constant 0 : index
    %swap3A_706 = arith.constant 0 : index
    %swap3A_707 = vector.load %arg26[%swap3A_705, %swap3A_706] : memref<1x128xf32, #tpu.memory_space<vmem>>, vector<1x128xf32>
    tpu.vector_store %arg26[%swap3A_705, %swap3A_706], %add3A_365 {strides = array<i32>} : memref<1x128xf32, #tpu.memory_space<vmem>>, vector<1x128xf32>,
    %swap3A_708 = arith.constant 0 : index
    %swap3A_709 = arith.constant 0 : index
    %swap3A_710 = vector.load %arg27[%swap3A_708, %swap3A_709] : memref<16x128xf32, #tpu.memory_space<vmem>>, vector<16x128xf32>
    tpu.vector_store %arg27[%swap3A_708, %swap3A_709], %add3A_411 {strides = array<i32>} : memref<16x128xf32, #tpu.memory_space<vmem>>, vector<16x128xf32>,
    %swap3A_711 = arith.constant 0 : index
    %swap3A_712 = arith.constant 0 : index
    %swap3A_713 = vector.load %arg28[%swap3A_711, %swap3A_712] : memref<128x128xf32, #tpu.memory_space<vmem>>, vector<128x128xf32>
    tpu.vector_store %arg28[%swap3A_711, %swap3A_712], %add3A_455 {strides = array<i32>} : memref<128x128xf32, #tpu.memory_space<vmem>>, vector<128x128xf32>,
    %swap3A_714 = arith.constant 0 : index
    %swap3A_715 = arith.constant 0 : index
    %swap3A_716 = vector.load %arg29[%swap3A_714, %swap3A_715] : memref<128x128xf32, #tpu.memory_space<vmem>>, vector<128x128xf32>
    tpu.vector_store %arg29[%swap3A_714, %swap3A_715], %add3A_497 {strides = array<i32>} : memref<128x128xf32, #tpu.memory_space<vmem>>, vector<128x128xf32>,
    %swap3A_717 = arith.constant 0 : index
    %swap3A_718 = arith.constant 0 : index
    %swap3A_719 = vector.load %arg30[%swap3A_717, %swap3A_718] : memref<128x128xf32, #tpu.memory_space<vmem>>, vector<128x128xf32>
    tpu.vector_store %arg30[%swap3A_717, %swap3A_718], %add3A_539 {strides = array<i32>} : memref<128x128xf32, #tpu.memory_space<vmem>>, vector<128x128xf32>,
    %swap3A_720 = arith.constant 0 : index
    %swap3A_721 = arith.constant 0 : index
    %swap3A_722 = vector.load %arg31[%swap3A_720, %swap3A_721] : memref<128x128xf32, #tpu.memory_space<vmem>>, vector<128x128xf32>
    tpu.vector_store %arg31[%swap3A_720, %swap3A_721], %add3A_583 {strides = array<i32>} : memref<128x128xf32, #tpu.memory_space<vmem>>, vector<128x128xf32>,
    %swap3A_723 = arith.constant 0 : index
    %swap3A_724 = arith.constant 0 : index
    %swap3A_725 = vector.load %arg32[%swap3A_723, %swap3A_724] : memref<1x128xf32, #tpu.memory_space<vmem>>, vector<1x128xf32>
    tpu.vector_store %arg32[%swap3A_723, %swap3A_724], %add3A_607 {strides = array<i32>} : memref<1x128xf32, #tpu.memory_space<vmem>>, vector<1x128xf32>,
    %swap3A_726 = arith.constant 0 : index
    %swap3A_727 = arith.constant 0 : index
    %swap3A_728 = vector.load %arg33[%swap3A_726, %swap3A_727] : memref<1x128xf32, #tpu.memory_space<vmem>>, vector<1x128xf32>
    tpu.vector_store %arg33[%swap3A_726, %swap3A_727], %add3A_631 {strides = array<i32>} : memref<1x128xf32, #tpu.memory_space<vmem>>, vector<1x128xf32>,
    %swap3A_729 = arith.constant 0 : index
    %swap3A_730 = arith.constant 0 : index
    %swap3A_731 = vector.load %arg34[%swap3A_729, %swap3A_730] : memref<1x128xf32, #tpu.memory_space<vmem>>, vector<1x128xf32>
    tpu.vector_store %arg34[%swap3A_729, %swap3A_730], %add3A_655 {strides = array<i32>} : memref<1x128xf32, #tpu.memory_space<vmem>>, vector<1x128xf32>,
    %swap3A_732 = arith.constant 0 : index
    %swap3A_733 = arith.constant 0 : index
    %swap3A_734 = vector.load %arg35[%swap3A_732, %swap3A_733] : memref<1x128xf32, #tpu.memory_space<vmem>>, vector<1x128xf32>
    tpu.vector_store %arg35[%swap3A_732, %swap3A_733], %add3A_681 {strides = array<i32>} : memref<1x128xf32, #tpu.memory_space<vmem>>, vector<1x128xf32>,
    return
  }
}

module attributes {stable_mosaic.version = 14 : i64} {
  func.func @body(%arg0: i32, %arg1: memref<1000x128xf32, #tpu.memory_space<vmem>>, %arg2: memref<1000x16xf32, #tpu.memory_space<vmem>>, %arg3: memref<16x128xf32, #tpu.memory_space<vmem>>, %arg4: memref<128x128xf32, #tpu.memory_space<vmem>>, %arg5: memref<128x128xf32, #tpu.memory_space<vmem>>, %arg6: memref<128x128xf32, #tpu.memory_space<vmem>>, %arg7: memref<128x128xf32, #tpu.memory_space<vmem>>, %arg8: memref<1x128xf32, #tpu.memory_space<vmem>>, %arg9: memref<1x128xf32, #tpu.memory_space<vmem>>, %arg10: memref<1x128xf32, #tpu.memory_space<vmem>>, %arg11: memref<1x128xf32, #tpu.memory_space<vmem>>, %arg12: memref<1000x128xf32, #tpu.memory_space<vmem>>) attributes {dimension_semantics = [#tpu.dimension_semantics<arbitrary>], iteration_bounds = array<i64: 80>, scalar_prefetch = 0 : i64, scratch_operands = 0 : i64, tpu.core_type = #tpu.core_type<tc>, window_params = [{transform_indices = @transform_0, window_bounds = array<i64: 1000, 128>}, {transform_indices = @transform_1, window_bounds = array<i64: 1000, 16>}, {pipeline_mode = #tpu.pipeline_mode<synchronous>, transform_indices = @transform_2, window_bounds = array<i64: 16, 128>}, {pipeline_mode = #tpu.pipeline_mode<synchronous>, transform_indices = @transform_3, window_bounds = array<i64: 128, 128>}, {pipeline_mode = #tpu.pipeline_mode<synchronous>, transform_indices = @transform_4, window_bounds = array<i64: 128, 128>}, {pipeline_mode = #tpu.pipeline_mode<synchronous>, transform_indices = @transform_5, window_bounds = array<i64: 128, 128>}, {pipeline_mode = #tpu.pipeline_mode<synchronous>, transform_indices = @transform_6, window_bounds = array<i64: 128, 128>}, {pipeline_mode = #tpu.pipeline_mode<synchronous>, transform_indices = @transform_7, window_bounds = array<i64: 1, 128>}, {pipeline_mode = #tpu.pipeline_mode<synchronous>, transform_indices = @transform_8, window_bounds = array<i64: 1, 128>}, {pipeline_mode = #tpu.pipeline_mode<synchronous>, transform_indices = @transform_9, window_bounds = array<i64: 1, 128>}, {pipeline_mode = #tpu.pipeline_mode<synchronous>, transform_indices = @transform_10, window_bounds = array<i64: 1, 128>}, {transform_indices = @transform_11, window_bounds = array<i64: 1000, 128>}]} {
    %get3A = arith.constant 0 : index
    %get3A_0 = arith.constant 0 : index
    %get3A_1 = vector.load %arg1[%get3A, %get3A_0] : memref<1000x128xf32, #tpu.memory_space<vmem>>, vector<1000x128xf32>
    %get3A_2 = arith.constant 0 : index
    %get3A_3 = arith.constant 0 : index
    %get3A_4 = vector.load %arg2[%get3A_2, %get3A_3] : memref<1000x16xf32, #tpu.memory_space<vmem>>, vector<1000x16xf32>
    %get3A_5 = arith.constant 0 : index
    %get3A_6 = arith.constant 0 : index
    %get3A_7 = vector.load %arg3[%get3A_5, %get3A_6] : memref<16x128xf32, #tpu.memory_space<vmem>>, vector<16x128xf32>
    %dot_general3A = arith.constant dense<0.000000e+00> : vector<1000x128xf32>
    %dot_general3A_8 = tpu.matmul %get3A_4, %get3A_7, %dot_general3A {dimension_numbers = #tpu.dot_dimension_numbers<[1], [0], [0], [1], [0, 0, 1, 1], [], []>, transpose_lhs_hint = false} : vector<1000x16xf32>, vector<16x128xf32>, vector<1000x128xf32> -> vector<1000x128xf32>
    %add3A = arith.addf %get3A_1, %dot_general3A_8 : vector<1000x128xf32>
    %mul3A = arith.mulf %get3A_1, %get3A_1 : vector<1000x128xf32>
    %get3A_9 = arith.constant 0 : index
    %get3A_10 = arith.constant 0 : index
    %get3A_11 = vector.load %arg4[%get3A_9, %get3A_10] : memref<128x128xf32, #tpu.memory_space<vmem>>, vector<128x128xf32>
    %dot_general3A_12 = arith.constant dense<0.000000e+00> : vector<1000x128xf32>
    %dot_general3A_13 = tpu.matmul %mul3A, %get3A_11, %dot_general3A_12 {dimension_numbers = #tpu.dot_dimension_numbers<[1], [0], [0], [1], [0, 0, 1, 1], [], []>, transpose_lhs_hint = false} : vector<1000x128xf32>, vector<128x128xf32>, vector<1000x128xf32> -> vector<1000x128xf32>
    %add3A_14 = arith.addf %add3A, %dot_general3A_13 : vector<1000x128xf32>
    %get3A_15 = arith.constant 0 : index
    %get3A_16 = arith.constant 0 : index
    %get3A_17 = vector.load %arg8[%get3A_15, %get3A_16] : memref<1x128xf32, #tpu.memory_space<vmem>>, vector<1x128xf32>
    %add3A_18 = vector.broadcast %get3A_17 : vector<1x128xf32> to vector<1000x128xf32>
    %add3A_19 = arith.addf %add3A_14, %add3A_18 : vector<1000x128xf32>
    %logistic3A = arith.negf %add3A_19 : vector<1000x128xf32>
    %logistic3A_20 = math.exp %logistic3A : vector<1000x128xf32>
    %logistic3A_21 = arith.constant 1.000000e+00 : f32
    %logistic3A_22 = vector.broadcast %logistic3A_21 : f32 to vector<1000x128xf32>
    %logistic3A_23 = arith.addf %logistic3A_22, %logistic3A_20 : vector<1000x128xf32>
    %logistic3A_24 = arith.divf %logistic3A_22, %logistic3A_23 : vector<1000x128xf32>
    %mul3A_25 = arith.mulf %add3A_19, %logistic3A_24 : vector<1000x128xf32>
    %get3A_26 = arith.constant 0 : index
    %get3A_27 = arith.constant 0 : index
    %get3A_28 = vector.load %arg5[%get3A_26, %get3A_27] : memref<128x128xf32, #tpu.memory_space<vmem>>, vector<128x128xf32>
    %dot_general3A_29 = arith.constant dense<0.000000e+00> : vector<1000x128xf32>
    %dot_general3A_30 = tpu.matmul %mul3A_25, %get3A_28, %dot_general3A_29 {dimension_numbers = #tpu.dot_dimension_numbers<[1], [0], [0], [1], [0, 0, 1, 1], [], []>, transpose_lhs_hint = false} : vector<1000x128xf32>, vector<128x128xf32>, vector<1000x128xf32> -> vector<1000x128xf32>
    %get3A_31 = arith.constant 0 : index
    %get3A_32 = arith.constant 0 : index
    %get3A_33 = vector.load %arg9[%get3A_31, %get3A_32] : memref<1x128xf32, #tpu.memory_space<vmem>>, vector<1x128xf32>
    %add3A_34 = vector.broadcast %get3A_33 : vector<1x128xf32> to vector<1000x128xf32>
    %add3A_35 = arith.addf %dot_general3A_30, %add3A_34 : vector<1000x128xf32>
    %logistic3A_36 = arith.negf %add3A_35 : vector<1000x128xf32>
    %logistic3A_37 = math.exp %logistic3A_36 : vector<1000x128xf32>
    %logistic3A_38 = arith.constant 1.000000e+00 : f32
    %logistic3A_39 = vector.broadcast %logistic3A_38 : f32 to vector<1000x128xf32>
    %logistic3A_40 = arith.addf %logistic3A_39, %logistic3A_37 : vector<1000x128xf32>
    %logistic3A_41 = arith.divf %logistic3A_39, %logistic3A_40 : vector<1000x128xf32>
    %mul3A_42 = arith.mulf %add3A_35, %logistic3A_41 : vector<1000x128xf32>
    %get3A_43 = arith.constant 0 : index
    %get3A_44 = arith.constant 0 : index
    %get3A_45 = vector.load %arg6[%get3A_43, %get3A_44] : memref<128x128xf32, #tpu.memory_space<vmem>>, vector<128x128xf32>
    %dot_general3A_46 = arith.constant dense<0.000000e+00> : vector<1000x128xf32>
    %dot_general3A_47 = tpu.matmul %mul3A_42, %get3A_45, %dot_general3A_46 {dimension_numbers = #tpu.dot_dimension_numbers<[1], [0], [0], [1], [0, 0, 1, 1], [], []>, transpose_lhs_hint = false} : vector<1000x128xf32>, vector<128x128xf32>, vector<1000x128xf32> -> vector<1000x128xf32>
    %get3A_48 = arith.constant 0 : index
    %get3A_49 = arith.constant 0 : index
    %get3A_50 = vector.load %arg10[%get3A_48, %get3A_49] : memref<1x128xf32, #tpu.memory_space<vmem>>, vector<1x128xf32>
    %add3A_51 = vector.broadcast %get3A_50 : vector<1x128xf32> to vector<1000x128xf32>
    %add3A_52 = arith.addf %dot_general3A_47, %add3A_51 : vector<1000x128xf32>
    %logistic3A_53 = arith.negf %add3A_52 : vector<1000x128xf32>
    %logistic3A_54 = math.exp %logistic3A_53 : vector<1000x128xf32>
    %logistic3A_55 = arith.constant 1.000000e+00 : f32
    %logistic3A_56 = vector.broadcast %logistic3A_55 : f32 to vector<1000x128xf32>
    %logistic3A_57 = arith.addf %logistic3A_56, %logistic3A_54 : vector<1000x128xf32>
    %logistic3A_58 = arith.divf %logistic3A_56, %logistic3A_57 : vector<1000x128xf32>
    %mul3A_59 = arith.mulf %add3A_52, %logistic3A_58 : vector<1000x128xf32>
    %get3A_60 = arith.constant 0 : index
    %get3A_61 = arith.constant 0 : index
    %get3A_62 = vector.load %arg7[%get3A_60, %get3A_61] : memref<128x128xf32, #tpu.memory_space<vmem>>, vector<128x128xf32>
    %dot_general3A_63 = arith.constant dense<0.000000e+00> : vector<1000x128xf32>
    %dot_general3A_64 = tpu.matmul %mul3A_59, %get3A_62, %dot_general3A_63 {dimension_numbers = #tpu.dot_dimension_numbers<[1], [0], [0], [1], [0, 0, 1, 1], [], []>, transpose_lhs_hint = false} : vector<1000x128xf32>, vector<128x128xf32>, vector<1000x128xf32> -> vector<1000x128xf32>
    %get3A_65 = arith.constant 0 : index
    %get3A_66 = arith.constant 0 : index
    %get3A_67 = vector.load %arg11[%get3A_65, %get3A_66] : memref<1x128xf32, #tpu.memory_space<vmem>>, vector<1x128xf32>
    %add3A_68 = vector.broadcast %get3A_67 : vector<1x128xf32> to vector<1000x128xf32>
    %add3A_69 = arith.addf %dot_general3A_64, %add3A_68 : vector<1000x128xf32>
    %mul3A_70 = arith.mulf %get3A_1, %add3A_69 : vector<1000x128xf32>
    %add3A_71 = arith.addf %mul3A_42, %mul3A_70 : vector<1000x128xf32>
    %swap3A = arith.constant 0 : index
    %swap3A_72 = arith.constant 0 : index
    %swap3A_73 = vector.load %arg12[%swap3A, %swap3A_72] : memref<1000x128xf32, #tpu.memory_space<vmem>>, vector<1000x128xf32>
    tpu.vector_store %arg12[%swap3A, %swap3A_72], %add3A_71 {strides = array<i32>} : memref<1000x128xf32, #tpu.memory_space<vmem>>, vector<1000x128xf32>,
    return
  }
  func.func @transform_0(%arg0: i32) -> (i32, i32) {
    %c0_i32 = arith.constant 0 : i32
    %c0_i32_0 = arith.constant 0 : i32
    return %arg0, %c0_i32 : i32, i32
  }
  func.func @transform_1(%arg0: i32) -> (i32, i32) {
    %c0_i32 = arith.constant 0 : i32
    %c0_i32_0 = arith.constant 0 : i32
    return %arg0, %c0_i32 : i32, i32
  }
  func.func @transform_2(%arg0: i32) -> (i32, i32) {
    %c0_i32 = arith.constant 0 : i32
    %c0_i32_0 = arith.constant 0 : i32
    %c0_i32_1 = arith.constant 0 : i32
    return %c0_i32, %c0_i32_0 : i32, i32
  }
  func.func @transform_3(%arg0: i32) -> (i32, i32) {
    %c0_i32 = arith.constant 0 : i32
    %c0_i32_0 = arith.constant 0 : i32
    %c0_i32_1 = arith.constant 0 : i32
    return %c0_i32, %c0_i32_0 : i32, i32
  }
  func.func @transform_4(%arg0: i32) -> (i32, i32) {
    %c0_i32 = arith.constant 0 : i32
    %c0_i32_0 = arith.constant 0 : i32
    %c0_i32_1 = arith.constant 0 : i32
    return %c0_i32, %c0_i32_0 : i32, i32
  }
  func.func @transform_5(%arg0: i32) -> (i32, i32) {
    %c0_i32 = arith.constant 0 : i32
    %c0_i32_0 = arith.constant 0 : i32
    %c0_i32_1 = arith.constant 0 : i32
    return %c0_i32, %c0_i32_0 : i32, i32
  }
  func.func @transform_6(%arg0: i32) -> (i32, i32) {
    %c0_i32 = arith.constant 0 : i32
    %c0_i32_0 = arith.constant 0 : i32
    %c0_i32_1 = arith.constant 0 : i32
    return %c0_i32, %c0_i32_0 : i32, i32
  }
  func.func @transform_7(%arg0: i32) -> (i32, i32) {
    %c0_i32 = arith.constant 0 : i32
    %c0_i32_0 = arith.constant 0 : i32
    %c0_i32_1 = arith.constant 0 : i32
    return %c0_i32, %c0_i32_0 : i32, i32
  }
  func.func @transform_8(%arg0: i32) -> (i32, i32) {
    %c0_i32 = arith.constant 0 : i32
    %c0_i32_0 = arith.constant 0 : i32
    %c0_i32_1 = arith.constant 0 : i32
    return %c0_i32, %c0_i32_0 : i32, i32
  }
  func.func @transform_9(%arg0: i32) -> (i32, i32) {
    %c0_i32 = arith.constant 0 : i32
    %c0_i32_0 = arith.constant 0 : i32
    %c0_i32_1 = arith.constant 0 : i32
    return %c0_i32, %c0_i32_0 : i32, i32
  }
  func.func @transform_10(%arg0: i32) -> (i32, i32) {
    %c0_i32 = arith.constant 0 : i32
    %c0_i32_0 = arith.constant 0 : i32
    %c0_i32_1 = arith.constant 0 : i32
    return %c0_i32, %c0_i32_0 : i32, i32
  }
  func.func @transform_11(%arg0: i32) -> (i32, i32) {
    %c0_i32 = arith.constant 0 : i32
    %c0_i32_0 = arith.constant 0 : i32
    return %arg0, %c0_i32 : i32, i32
  }
}

module attributes {stable_mosaic.version = 14 : i64} {
  func.func @body(%arg0: i32, %arg1: memref<1000x128xf32, #tpu.memory_space<vmem>>, %arg2: memref<1000x3xf32, #tpu.memory_space<vmem>>, %arg3: memref<2x1000x32xf32, #tpu.memory_space<vmem>>, %arg4: memref<128x128xf32, #tpu.memory_space<vmem>>, %arg5: memref<16x128xf32, #tpu.memory_space<vmem>>, %arg6: memref<1x128xf32, #tpu.memory_space<vmem>>, %arg7: memref<128x128xf32, #tpu.memory_space<vmem>>, %arg8: memref<1x128xf32, #tpu.memory_space<vmem>>, %arg9: memref<128x16xf32, #tpu.memory_space<vmem>>, %arg10: memref<128x16xf32, #tpu.memory_space<vmem>>, %arg11: memref<1000x128xf32, #tpu.memory_space<vmem>>, %arg12: memref<1000x32xf32, #tpu.memory_space<vmem>>, %arg13: memref<1000x32xf32, #tpu.memory_space<vmem>>) attributes {dimension_semantics = [#tpu.dimension_semantics<arbitrary>], iteration_bounds = array<i64: 10>, scalar_prefetch = 0 : i64, scratch_operands = 0 : i64, tpu.core_type = #tpu.core_type<tc>, window_params = [{transform_indices = @transform_0, window_bounds = array<i64: 1000, 128>}, {transform_indices = @transform_1, window_bounds = array<i64: 1000, 3>}, {transform_indices = @transform_2, window_bounds = array<i64: 2, 1000, 32>}, {pipeline_mode = #tpu.pipeline_mode<synchronous>, transform_indices = @transform_3, window_bounds = array<i64: 128, 128>}, {pipeline_mode = #tpu.pipeline_mode<synchronous>, transform_indices = @transform_4, window_bounds = array<i64: 16, 128>}, {pipeline_mode = #tpu.pipeline_mode<synchronous>, transform_indices = @transform_5, window_bounds = array<i64: 1, 128>}, {pipeline_mode = #tpu.pipeline_mode<synchronous>, transform_indices = @transform_6, window_bounds = array<i64: 128, 128>}, {pipeline_mode = #tpu.pipeline_mode<synchronous>, transform_indices = @transform_7, window_bounds = array<i64: 1, 128>}, {pipeline_mode = #tpu.pipeline_mode<synchronous>, transform_indices = @transform_8, window_bounds = array<i64: 128, 16>}, {pipeline_mode = #tpu.pipeline_mode<synchronous>, transform_indices = @transform_9, window_bounds = array<i64: 128, 16>}, {transform_indices = @transform_10, window_bounds = array<i64: 1000, 128>}, {transform_indices = @transform_11, window_bounds = array<i64: 1000, 32>}, {transform_indices = @transform_12, window_bounds = array<i64: 1000, 32>}]} {
    %get3A = arith.constant 0 : index
    %get3A_0 = arith.constant 0 : index
    %get3A_1 = vector.load %arg1[%get3A, %get3A_0] : memref<1000x128xf32, #tpu.memory_space<vmem>>, vector<1000x128xf32>
    %get3A_2 = arith.constant 0 : index
    %get3A_3 = arith.constant 0 : index
    %get3A_4 = vector.load %arg2[%get3A_2, %get3A_3] : memref<1000x3xf32, #tpu.memory_space<vmem>>, vector<1000x3xf32>
    %get3A_5 = arith.constant 0 : index
    %get3A_6 = arith.constant 0 : index
    %get3A_7 = arith.constant 0 : index
    %get3A_8 = vector.load %arg3[%get3A_5, %get3A_6, %get3A_7] : memref<2x1000x32xf32, #tpu.memory_space<vmem>>, vector<1x1000x32xf32>
    %get3A_9 = vector.shape_cast %get3A_8 : vector<1x1000x32xf32> to vector<1000x32xf32>
    %get3A_10 = arith.constant 1 : index
    %get3A_11 = arith.constant 0 : index
    %get3A_12 = arith.constant 0 : index
    %get3A_13 = vector.load %arg3[%get3A_10, %get3A_11, %get3A_12] : memref<2x1000x32xf32, #tpu.memory_space<vmem>>, vector<1x1000x32xf32>
    %get3A_14 = vector.shape_cast %get3A_13 : vector<1x1000x32xf32> to vector<1000x32xf32>
    %add3A = arith.addf %get3A_9, %get3A_14 : vector<1000x32xf32>
    %slice3A = vector.extract_strided_slice %add3A {offsets = [0, 0], sizes = [1000, 16], strides = [1, 1]} : vector<1000x32xf32> to vector<1000x16xf32>
    %slice3A_15 = vector.extract_strided_slice %add3A {offsets = [0, 16], sizes = [1000, 3], strides = [1, 1]} : vector<1000x32xf32> to vector<1000x3xf32>
    %get3A_16 = arith.constant 0 : index
    %get3A_17 = arith.constant 0 : index
    %get3A_18 = vector.load %arg4[%get3A_16, %get3A_17] : memref<128x128xf32, #tpu.memory_space<vmem>>, vector<128x128xf32>
    %dot_general3A = arith.constant dense<0.000000e+00> : vector<1000x128xf32>
    %dot_general3A_19 = tpu.matmul %get3A_1, %get3A_18, %dot_general3A {dimension_numbers = #tpu.dot_dimension_numbers<[1], [0], [0], [1], [0, 0, 1, 1], [], []>, transpose_lhs_hint = false} : vector<1000x128xf32>, vector<128x128xf32>, vector<1000x128xf32> -> vector<1000x128xf32>
    %get3A_20 = arith.constant 0 : index
    %get3A_21 = arith.constant 0 : index
    %get3A_22 = vector.load %arg5[%get3A_20, %get3A_21] : memref<16x128xf32, #tpu.memory_space<vmem>>, vector<16x128xf32>
    %dot_general3A_23 = arith.constant dense<0.000000e+00> : vector<1000x128xf32>
    %dot_general3A_24 = tpu.matmul %slice3A, %get3A_22, %dot_general3A_23 {dimension_numbers = #tpu.dot_dimension_numbers<[1], [0], [0], [1], [0, 0, 1, 1], [], []>, transpose_lhs_hint = false} : vector<1000x16xf32>, vector<16x128xf32>, vector<1000x128xf32> -> vector<1000x128xf32>
    %add3A_25 = arith.addf %dot_general3A_19, %dot_general3A_24 : vector<1000x128xf32>
    %get3A_26 = arith.constant 0 : index
    %get3A_27 = arith.constant 0 : index
    %get3A_28 = vector.load %arg6[%get3A_26, %get3A_27] : memref<1x128xf32, #tpu.memory_space<vmem>>, vector<1x128xf32>
    %add3A_29 = vector.broadcast %get3A_28 : vector<1x128xf32> to vector<1000x128xf32>
    %add3A_30 = arith.addf %add3A_25, %add3A_29 : vector<1000x128xf32>
    %logistic3A = arith.negf %add3A_30 : vector<1000x128xf32>
    %logistic3A_31 = math.exp %logistic3A : vector<1000x128xf32>
    %logistic3A_32 = arith.constant 1.000000e+00 : f32
    %logistic3A_33 = vector.broadcast %logistic3A_32 : f32 to vector<1000x128xf32>
    %logistic3A_34 = arith.addf %logistic3A_33, %logistic3A_31 : vector<1000x128xf32>
    %logistic3A_35 = arith.divf %logistic3A_33, %logistic3A_34 : vector<1000x128xf32>
    %mul3A = arith.mulf %add3A_30, %logistic3A_35 : vector<1000x128xf32>
    %get3A_36 = arith.constant 0 : index
    %get3A_37 = arith.constant 0 : index
    %get3A_38 = vector.load %arg7[%get3A_36, %get3A_37] : memref<128x128xf32, #tpu.memory_space<vmem>>, vector<128x128xf32>
    %dot_general3A_39 = arith.constant dense<0.000000e+00> : vector<1000x128xf32>
    %dot_general3A_40 = tpu.matmul %mul3A, %get3A_38, %dot_general3A_39 {dimension_numbers = #tpu.dot_dimension_numbers<[1], [0], [0], [1], [0, 0, 1, 1], [], []>, transpose_lhs_hint = false} : vector<1000x128xf32>, vector<128x128xf32>, vector<1000x128xf32> -> vector<1000x128xf32>
    %get3A_41 = arith.constant 0 : index
    %get3A_42 = arith.constant 0 : index
    %get3A_43 = vector.load %arg8[%get3A_41, %get3A_42] : memref<1x128xf32, #tpu.memory_space<vmem>>, vector<1x128xf32>
    %add3A_44 = vector.broadcast %get3A_43 : vector<1x128xf32> to vector<1000x128xf32>
    %add3A_45 = arith.addf %dot_general3A_40, %add3A_44 : vector<1000x128xf32>
    %add3A_46 = arith.addf %get3A_1, %add3A_45 : vector<1000x128xf32>
    %add3A_47 = arith.addf %get3A_4, %slice3A_15 : vector<1000x3xf32>
    %swap3A = arith.constant 0 : index
    %swap3A_48 = arith.constant 0 : index
    %swap3A_49 = vector.load %arg11[%swap3A, %swap3A_48] : memref<1000x128xf32, #tpu.memory_space<vmem>>, vector<1000x128xf32>
    tpu.vector_store %arg11[%swap3A, %swap3A_48], %add3A_46 {strides = array<i32>} : memref<1000x128xf32, #tpu.memory_space<vmem>>, vector<1000x128xf32>,
    %broadcast_in_dim3A = arith.constant 0.000000e+00 : f32
    %broadcast_in_dim3A_50 = vector.broadcast %broadcast_in_dim3A : f32 to vector<1000x13xf32>
    %get3A_51 = arith.constant 0 : index
    %get3A_52 = arith.constant 0 : index
    %get3A_53 = vector.load %arg9[%get3A_51, %get3A_52] : memref<128x16xf32, #tpu.memory_space<vmem>>, vector<128x16xf32>
    %dot_general3A_54 = arith.constant dense<0.000000e+00> : vector<1000x16xf32>
    %dot_general3A_55 = tpu.matmul %add3A_46, %get3A_53, %dot_general3A_54 {dimension_numbers = #tpu.dot_dimension_numbers<[1], [0], [0], [1], [0, 0, 1, 1], [], []>, transpose_lhs_hint = false} : vector<1000x128xf32>, vector<128x16xf32>, vector<1000x16xf32> -> vector<1000x16xf32>
    %get3A_56 = arith.constant 0 : index
    %get3A_57 = arith.constant 0 : index
    %get3A_58 = vector.load %arg10[%get3A_56, %get3A_57] : memref<128x16xf32, #tpu.memory_space<vmem>>, vector<128x16xf32>
    %dot_general3A_59 = arith.constant dense<0.000000e+00> : vector<1000x16xf32>
    %dot_general3A_60 = tpu.matmul %add3A_46, %get3A_58, %dot_general3A_59 {dimension_numbers = #tpu.dot_dimension_numbers<[1], [0], [0], [1], [0, 0, 1, 1], [], []>, transpose_lhs_hint = false} : vector<1000x128xf32>, vector<128x16xf32>, vector<1000x16xf32> -> vector<1000x16xf32>
    %concatenate3A = tpu.concatenate %dot_general3A_55, %add3A_47, %broadcast_in_dim3A_50 in 1 : vector<1000x16xf32>, vector<1000x3xf32>, vector<1000x13xf32> -> vector<1000x32xf32>
    %swap3A_61 = arith.constant 0 : index
    %swap3A_62 = arith.constant 0 : index
    %swap3A_63 = vector.load %arg12[%swap3A_61, %swap3A_62] : memref<1000x32xf32, #tpu.memory_space<vmem>>, vector<1000x32xf32>
    tpu.vector_store %arg12[%swap3A_61, %swap3A_62], %concatenate3A {strides = array<i32>} : memref<1000x32xf32, #tpu.memory_space<vmem>>, vector<1000x32xf32>,
    %neg3A = arith.constant 0.000000e+00 : f32
    %neg3A_64 = vector.broadcast %neg3A : f32 to vector<1000x3xf32>
    %neg3A_65 = arith.subf %neg3A_64, %add3A_47 : vector<1000x3xf32>
    %concatenate3A_66 = tpu.concatenate %dot_general3A_60, %neg3A_65, %broadcast_in_dim3A_50 in 1 : vector<1000x16xf32>, vector<1000x3xf32>, vector<1000x13xf32> -> vector<1000x32xf32>
    %swap3A_67 = arith.constant 0 : index
    %swap3A_68 = arith.constant 0 : index
    %swap3A_69 = vector.load %arg13[%swap3A_67, %swap3A_68] : memref<1000x32xf32, #tpu.memory_space<vmem>>, vector<1000x32xf32>
    tpu.vector_store %arg13[%swap3A_67, %swap3A_68], %concatenate3A_66 {strides = array<i32>} : memref<1000x32xf32, #tpu.memory_space<vmem>>, vector<1000x32xf32>,
    return
  }
  func.func @transform_0(%arg0: i32) -> (i32, i32) {
    %c0_i32 = arith.constant 0 : i32
    %c0_i32_0 = arith.constant 0 : i32
    return %arg0, %c0_i32 : i32, i32
  }
  func.func @transform_1(%arg0: i32) -> (i32, i32) {
    %c0_i32 = arith.constant 0 : i32
    %c0_i32_0 = arith.constant 0 : i32
    return %arg0, %c0_i32 : i32, i32
  }
  func.func @transform_2(%arg0: i32) -> (i32, i32, i32) {
    %c0_i32 = arith.constant 0 : i32
    %c0_i32_0 = arith.constant 0 : i32
    %c0_i32_1 = arith.constant 0 : i32
    return %c0_i32, %arg0, %c0_i32_0 : i32, i32, i32
  }
  func.func @transform_3(%arg0: i32) -> (i32, i32) {
    %c0_i32 = arith.constant 0 : i32
    %c0_i32_0 = arith.constant 0 : i32
    %c0_i32_1 = arith.constant 0 : i32
    return %c0_i32, %c0_i32_0 : i32, i32
  }
  func.func @transform_4(%arg0: i32) -> (i32, i32) {
    %c0_i32 = arith.constant 0 : i32
    %c0_i32_0 = arith.constant 0 : i32
    %c0_i32_1 = arith.constant 0 : i32
    return %c0_i32, %c0_i32_0 : i32, i32
  }
  func.func @transform_5(%arg0: i32) -> (i32, i32) {
    %c0_i32 = arith.constant 0 : i32
    %c0_i32_0 = arith.constant 0 : i32
    %c0_i32_1 = arith.constant 0 : i32
    return %c0_i32, %c0_i32_0 : i32, i32
  }
  func.func @transform_6(%arg0: i32) -> (i32, i32) {
    %c0_i32 = arith.constant 0 : i32
    %c0_i32_0 = arith.constant 0 : i32
    %c0_i32_1 = arith.constant 0 : i32
    return %c0_i32, %c0_i32_0 : i32, i32
  }
  func.func @transform_7(%arg0: i32) -> (i32, i32) {
    %c0_i32 = arith.constant 0 : i32
    %c0_i32_0 = arith.constant 0 : i32
    %c0_i32_1 = arith.constant 0 : i32
    return %c0_i32, %c0_i32_0 : i32, i32
  }
  func.func @transform_8(%arg0: i32) -> (i32, i32) {
    %c0_i32 = arith.constant 0 : i32
    %c0_i32_0 = arith.constant 0 : i32
    %c0_i32_1 = arith.constant 0 : i32
    return %c0_i32, %c0_i32_0 : i32, i32
  }
  func.func @transform_9(%arg0: i32) -> (i32, i32) {
    %c0_i32 = arith.constant 0 : i32
    %c0_i32_0 = arith.constant 0 : i32
    %c0_i32_1 = arith.constant 0 : i32
    return %c0_i32, %c0_i32_0 : i32, i32
  }
  func.func @transform_10(%arg0: i32) -> (i32, i32) {
    %c0_i32 = arith.constant 0 : i32
    %c0_i32_0 = arith.constant 0 : i32
    return %arg0, %c0_i32 : i32, i32
  }
  func.func @transform_11(%arg0: i32) -> (i32, i32) {
    %c0_i32 = arith.constant 0 : i32
    %c0_i32_0 = arith.constant 0 : i32
    return %arg0, %c0_i32 : i32, i32
  }
  func.func @transform_12(%arg0: i32) -> (i32, i32) {
    %c0_i32 = arith.constant 0 : i32
    %c0_i32_0 = arith.constant 0 : i32
    return %arg0, %c0_i32 : i32, i32
  }
}

module attributes {stable_mosaic.version = 14 : i64} {
  func.func @body(%arg0: i32, %arg1: memref<1000x128xf32, #tpu.memory_space<vmem>>, %arg2: memref<2x1000x32xf32, #tpu.memory_space<vmem>>, %arg3: memref<128x128xf32, #tpu.memory_space<vmem>>, %arg4: memref<16x128xf32, #tpu.memory_space<vmem>>, %arg5: memref<1x128xf32, #tpu.memory_space<vmem>>, %arg6: memref<128x128xf32, #tpu.memory_space<vmem>>, %arg7: memref<1x128xf32, #tpu.memory_space<vmem>>, %arg8: memref<128x16xf32, #tpu.memory_space<vmem>>, %arg9: memref<1x16xf32, #tpu.memory_space<vmem>>, %arg10: memref<1000x16xf32, #tpu.memory_space<vmem>>) attributes {dimension_semantics = [#tpu.dimension_semantics<arbitrary>], iteration_bounds = array<i64: 10>, scalar_prefetch = 0 : i64, scratch_operands = 0 : i64, tpu.core_type = #tpu.core_type<tc>, window_params = [{transform_indices = @transform_0, window_bounds = array<i64: 1000, 128>}, {transform_indices = @transform_1, window_bounds = array<i64: 2, 1000, 32>}, {pipeline_mode = #tpu.pipeline_mode<synchronous>, transform_indices = @transform_2, window_bounds = array<i64: 128, 128>}, {pipeline_mode = #tpu.pipeline_mode<synchronous>, transform_indices = @transform_3, window_bounds = array<i64: 16, 128>}, {pipeline_mode = #tpu.pipeline_mode<synchronous>, transform_indices = @transform_4, window_bounds = array<i64: 1, 128>}, {pipeline_mode = #tpu.pipeline_mode<synchronous>, transform_indices = @transform_5, window_bounds = array<i64: 128, 128>}, {pipeline_mode = #tpu.pipeline_mode<synchronous>, transform_indices = @transform_6, window_bounds = array<i64: 1, 128>}, {pipeline_mode = #tpu.pipeline_mode<synchronous>, transform_indices = @transform_7, window_bounds = array<i64: 128, 16>}, {pipeline_mode = #tpu.pipeline_mode<synchronous>, transform_indices = @transform_8, window_bounds = array<i64: 1, 16>}, {transform_indices = @transform_9, window_bounds = array<i64: 1000, 16>}]} {
    %get3A = arith.constant 0 : index
    %get3A_0 = arith.constant 0 : index
    %get3A_1 = vector.load %arg1[%get3A, %get3A_0] : memref<1000x128xf32, #tpu.memory_space<vmem>>, vector<1000x128xf32>
    %get3A_2 = arith.constant 0 : index
    %get3A_3 = arith.constant 0 : index
    %get3A_4 = arith.constant 0 : index
    %get3A_5 = vector.load %arg2[%get3A_2, %get3A_3, %get3A_4] : memref<2x1000x32xf32, #tpu.memory_space<vmem>>, vector<1x1000x32xf32>
    %get3A_6 = vector.shape_cast %get3A_5 : vector<1x1000x32xf32> to vector<1000x32xf32>
    %get3A_7 = arith.constant 1 : index
    %get3A_8 = arith.constant 0 : index
    %get3A_9 = arith.constant 0 : index
    %get3A_10 = vector.load %arg2[%get3A_7, %get3A_8, %get3A_9] : memref<2x1000x32xf32, #tpu.memory_space<vmem>>, vector<1x1000x32xf32>
    %get3A_11 = vector.shape_cast %get3A_10 : vector<1x1000x32xf32> to vector<1000x32xf32>
    %add3A = arith.addf %get3A_6, %get3A_11 : vector<1000x32xf32>
    %slice3A = vector.extract_strided_slice %add3A {offsets = [0, 0], sizes = [1000, 16], strides = [1, 1]} : vector<1000x32xf32> to vector<1000x16xf32>
    %get3A_12 = arith.constant 0 : index
    %get3A_13 = arith.constant 0 : index
    %get3A_14 = vector.load %arg3[%get3A_12, %get3A_13] : memref<128x128xf32, #tpu.memory_space<vmem>>, vector<128x128xf32>
    %dot_general3A = arith.constant dense<0.000000e+00> : vector<1000x128xf32>
    %dot_general3A_15 = tpu.matmul %get3A_1, %get3A_14, %dot_general3A {dimension_numbers = #tpu.dot_dimension_numbers<[1], [0], [0], [1], [0, 0, 1, 1], [], []>, transpose_lhs_hint = false} : vector<1000x128xf32>, vector<128x128xf32>, vector<1000x128xf32> -> vector<1000x128xf32>
    %get3A_16 = arith.constant 0 : index
    %get3A_17 = arith.constant 0 : index
    %get3A_18 = vector.load %arg4[%get3A_16, %get3A_17] : memref<16x128xf32, #tpu.memory_space<vmem>>, vector<16x128xf32>
    %dot_general3A_19 = arith.constant dense<0.000000e+00> : vector<1000x128xf32>
    %dot_general3A_20 = tpu.matmul %slice3A, %get3A_18, %dot_general3A_19 {dimension_numbers = #tpu.dot_dimension_numbers<[1], [0], [0], [1], [0, 0, 1, 1], [], []>, transpose_lhs_hint = false} : vector<1000x16xf32>, vector<16x128xf32>, vector<1000x128xf32> -> vector<1000x128xf32>
    %add3A_21 = arith.addf %dot_general3A_15, %dot_general3A_20 : vector<1000x128xf32>
    %get3A_22 = arith.constant 0 : index
    %get3A_23 = arith.constant 0 : index
    %get3A_24 = vector.load %arg5[%get3A_22, %get3A_23] : memref<1x128xf32, #tpu.memory_space<vmem>>, vector<1x128xf32>
    %add3A_25 = vector.broadcast %get3A_24 : vector<1x128xf32> to vector<1000x128xf32>
    %add3A_26 = arith.addf %add3A_21, %add3A_25 : vector<1000x128xf32>
    %logistic3A = arith.negf %add3A_26 : vector<1000x128xf32>
    %logistic3A_27 = math.exp %logistic3A : vector<1000x128xf32>
    %logistic3A_28 = arith.constant 1.000000e+00 : f32
    %logistic3A_29 = vector.broadcast %logistic3A_28 : f32 to vector<1000x128xf32>
    %logistic3A_30 = arith.addf %logistic3A_29, %logistic3A_27 : vector<1000x128xf32>
    %logistic3A_31 = arith.divf %logistic3A_29, %logistic3A_30 : vector<1000x128xf32>
    %mul3A = arith.mulf %add3A_26, %logistic3A_31 : vector<1000x128xf32>
    %get3A_32 = arith.constant 0 : index
    %get3A_33 = arith.constant 0 : index
    %get3A_34 = vector.load %arg6[%get3A_32, %get3A_33] : memref<128x128xf32, #tpu.memory_space<vmem>>, vector<128x128xf32>
    %dot_general3A_35 = arith.constant dense<0.000000e+00> : vector<1000x128xf32>
    %dot_general3A_36 = tpu.matmul %mul3A, %get3A_34, %dot_general3A_35 {dimension_numbers = #tpu.dot_dimension_numbers<[1], [0], [0], [1], [0, 0, 1, 1], [], []>, transpose_lhs_hint = false} : vector<1000x128xf32>, vector<128x128xf32>, vector<1000x128xf32> -> vector<1000x128xf32>
    %get3A_37 = arith.constant 0 : index
    %get3A_38 = arith.constant 0 : index
    %get3A_39 = vector.load %arg7[%get3A_37, %get3A_38] : memref<1x128xf32, #tpu.memory_space<vmem>>, vector<1x128xf32>
    %add3A_40 = vector.broadcast %get3A_39 : vector<1x128xf32> to vector<1000x128xf32>
    %add3A_41 = arith.addf %dot_general3A_36, %add3A_40 : vector<1000x128xf32>
    %add3A_42 = arith.addf %get3A_1, %add3A_41 : vector<1000x128xf32>
    %get3A_43 = arith.constant 0 : index
    %get3A_44 = arith.constant 0 : index
    %get3A_45 = vector.load %arg8[%get3A_43, %get3A_44] : memref<128x16xf32, #tpu.memory_space<vmem>>, vector<128x16xf32>
    %dot_general3A_46 = arith.constant dense<0.000000e+00> : vector<1000x16xf32>
    %dot_general3A_47 = tpu.matmul %add3A_42, %get3A_45, %dot_general3A_46 {dimension_numbers = #tpu.dot_dimension_numbers<[1], [0], [0], [1], [0, 0, 1, 1], [], []>, transpose_lhs_hint = false} : vector<1000x128xf32>, vector<128x16xf32>, vector<1000x16xf32> -> vector<1000x16xf32>
    %get3A_48 = arith.constant 0 : index
    %get3A_49 = arith.constant 0 : index
    %get3A_50 = vector.load %arg9[%get3A_48, %get3A_49] : memref<1x16xf32, #tpu.memory_space<vmem>>, vector<1x16xf32>
    %add3A_51 = vector.broadcast %get3A_50 : vector<1x16xf32> to vector<1000x16xf32>
    %add3A_52 = arith.addf %dot_general3A_47, %add3A_51 : vector<1000x16xf32>
    %swap3A = arith.constant 0 : index
    %swap3A_53 = arith.constant 0 : index
    %swap3A_54 = vector.load %arg10[%swap3A, %swap3A_53] : memref<1000x16xf32, #tpu.memory_space<vmem>>, vector<1000x16xf32>
    tpu.vector_store %arg10[%swap3A, %swap3A_53], %add3A_52 {strides = array<i32>} : memref<1000x16xf32, #tpu.memory_space<vmem>>, vector<1000x16xf32>,
    return
  }
  func.func @transform_0(%arg0: i32) -> (i32, i32) {
    %c0_i32 = arith.constant 0 : i32
    %c0_i32_0 = arith.constant 0 : i32
    return %arg0, %c0_i32 : i32, i32
  }
  func.func @transform_1(%arg0: i32) -> (i32, i32, i32) {
    %c0_i32 = arith.constant 0 : i32
    %c0_i32_0 = arith.constant 0 : i32
    %c0_i32_1 = arith.constant 0 : i32
    return %c0_i32, %arg0, %c0_i32_0 : i32, i32, i32
  }
  func.func @transform_2(%arg0: i32) -> (i32, i32) {
    %c0_i32 = arith.constant 0 : i32
    %c0_i32_0 = arith.constant 0 : i32
    %c0_i32_1 = arith.constant 0 : i32
    return %c0_i32, %c0_i32_0 : i32, i32
  }
  func.func @transform_3(%arg0: i32) -> (i32, i32) {
    %c0_i32 = arith.constant 0 : i32
    %c0_i32_0 = arith.constant 0 : i32
    %c0_i32_1 = arith.constant 0 : i32
    return %c0_i32, %c0_i32_0 : i32, i32
  }
  func.func @transform_4(%arg0: i32) -> (i32, i32) {
    %c0_i32 = arith.constant 0 : i32
    %c0_i32_0 = arith.constant 0 : i32
    %c0_i32_1 = arith.constant 0 : i32
    return %c0_i32, %c0_i32_0 : i32, i32
  }
  func.func @transform_5(%arg0: i32) -> (i32, i32) {
    %c0_i32 = arith.constant 0 : i32
    %c0_i32_0 = arith.constant 0 : i32
    %c0_i32_1 = arith.constant 0 : i32
    return %c0_i32, %c0_i32_0 : i32, i32
  }
  func.func @transform_6(%arg0: i32) -> (i32, i32) {
    %c0_i32 = arith.constant 0 : i32
    %c0_i32_0 = arith.constant 0 : i32
    %c0_i32_1 = arith.constant 0 : i32
    return %c0_i32, %c0_i32_0 : i32, i32
  }
  func.func @transform_7(%arg0: i32) -> (i32, i32) {
    %c0_i32 = arith.constant 0 : i32
    %c0_i32_0 = arith.constant 0 : i32
    %c0_i32_1 = arith.constant 0 : i32
    return %c0_i32, %c0_i32_0 : i32, i32
  }
  func.func @transform_8(%arg0: i32) -> (i32, i32) {
    %c0_i32 = arith.constant 0 : i32
    %c0_i32_0 = arith.constant 0 : i32
    %c0_i32_1 = arith.constant 0 : i32
    return %c0_i32, %c0_i32_0 : i32, i32
  }
  func.func @transform_9(%arg0: i32) -> (i32, i32) {
    %c0_i32 = arith.constant 0 : i32
    %c0_i32_0 = arith.constant 0 : i32
    return %arg0, %c0_i32 : i32, i32
  }
}

</mosaic_0001>

<sc_bundles>
// kernel: kernel.12.cloned.1.call-start
scs
__scs_entry_jumppad:
0x0: {  	(pc) =	sbr.rel $0x88, $3  }
0x1: {  	(tag) =	ssettag $0x0;
	lr =	simm.s32 $0x1  }
0x2: {  	[smem:$0x3F83] =	sst lr;
	_ =	strace $0xD0000000  }
0x3: {  	_ = 	snop  }
0x4: {  	_ = 	snop  }
0x5: {  	_ = 	snop  }
0x6: {  	_ = 	snop  }
0x7: {  	_ = 	snop  }
__scs_overlays_trampoline_lowered:
0x8: {  	[smem:$0x3F92] =	sst s0  }
0x9: {  	[smem:$0x3F93] =	sst s1  }
0xa: {  	[smem:$0x3F94] =	sst s2  }
0xb: {  	[smem:$0x3F95] =	sst s3  }
0xc: {  	[smem:$0x3F96] =	sst s4  }
0xd: {  	[smem:$0x3F97] =	sst s5  }
0xe: {  	[smem:$0x3F98] =	sst s6  }
0xf: {  	[smem:$0x3F99] =	sst s7  }
0x10: {  	[smem:$0x3F9A] =	sst s8  }
0x11: {  	[smem:$0x3F9B] =	sst s9;
	s0 =	simm.s32 @!p0 $0x0  }
0x12: {  	s1 =	sld [smem:$0x3F81];
	s0 =	simm.s32 @p0 $0x1  }
0x13: {  	[smem:$0x3F9C] =	sst s0;
	s0 =	simm.s32 @!p1 $0x0  }
0x14: {  	s2 =	sld [smem:$0x3F80];
	s0 =	simm.s32 @p1 $0x1  }
0x15: {  	[smem:$0x3F9D] =	sst s0;
	s0 =	simm.s32 @!p2 $0x0  }
0x16: {  	s3 =	sld [smem:$0x3FDB];
	s0 =	simm.s32 @p2 $0x1  }
0x17: {  	s4 =	simm.s32 $0x1BF5;
	[smem:$0x3F9F] =	sst s0  }
0x18: {  	s0 =	sld [smem:$0x3F82];
	_ =	swait.ge [sflag:s4], $0x0  }
0x19: {  	s7 =	sld [smem:$0x3F83]  }
0x1a: {  	s8 =	sadd.s32 $0xFFFFE003, lr  }
0x1b: {  	s9 =	sadd.s32 $0xFFFFFEF7, lr;
	s5 =	simm.s32 $0xFFFFFFFF;
	p2 =	slt.u32 s8, $0xFFFFF086  }
0x1c: {  	p1 =	slt.u32 s9, $0xF7A;
	s5 =	simm.s32 @!p2 $0x0  }
0x1d: {  	s5 =	simm.s32 @p1 $0x1;
	p0 =	seq.s32 s7, s2  }
0x1e: {  	s7 =	smul.u32 @!p0 $0xF7A, s2;
	p2 =	seq.s32 @!p0 s5, $0x0  }
0x1f: {  	s9 =	smul.u32 $0xF7A, s1;
	s8 =	simm.s32 @!p0 $0x1BF5;
	p2 =	por !p2, p0  }
0x20: {  	[sflag:s8] =	ssyncset.s32 @!p0 $0xFFFFF086;
	s6 =	sadd.s32 @!p0 s3, s7;
	s7 =	simm.s32 @!p0 $0x108  }
0x21: {  	s3 =	sadd.s32 s3, s9;
	s6 =	sadd.s32 @!p0 $0x88, s6;
	s7 =	simm.s32 @p2 $0x1082  }
0x22: {  	[simem:s7], [sflag:s8] =	dma.local @!p0 [hbm:s6], $0xF7A  }
0x23: {  	s9 =	sor.u32 $0xD0000000, s2;
	s6 =	simm.s32 $0x108;
	_ =	swait.ge @!p0 [sflag:s8], $0x0  }
0x24: {  	s3 =	sadd.s32 $0x88, s3;
	s6 =	simm.s32 @!p1 $0x1082;
	[sflag:s4] =	ssyncset.s32 $0xFFFFF086  }
0x25: {  	[simem:s6], [sflag:s4] =	dma.local [hbm:s3], $0xF7A  }
0x26: {  	[smem:$0x3F83] =	sst s1;
	(tag) =	ssettag s2;
	_ =	strace s9  }
0x27: {  	s1 =	sld [smem:$0x3F93]  }
0x28: {  	s2 =	sld [smem:$0x3F94]  }
0x29: {  	s4 =	sld [smem:$0x3F96]  }
0x2a: {  	p0 =	seq.s32 s5, $0x0;
	s5 =	sld [smem:$0x3F97]  }
0x2b: {  	s6 =	sld [smem:$0x3F98]  }
0x2c: {  	s7 =	sld [smem:$0x3F99]  }
0x2d: {  	s3 =	simm.s32 $0x108;
	s8 =	sld [smem:$0x3F9A]  }
0x2e: {  	s3 =	simm.s32 @!p0 $0x1082;
	s9 =	sld [smem:$0x3F9B]  }
0x2f: {  	lr =	sadd.s32 s0, s3;
	s0 =	sld [smem:$0x3F92]  }
0x30: {  	s3 =	sld [smem:$0x3F95]  }
0x31: {  	[smem:$0x3F9E] =	sst s10  }
0x32: {  	s10 =	sld [smem:$0x3F9C];
	_ =	sdelay $0x3  }
0x33: {  	p0 =	seq.s32 s10, $0x1;
	s10 =	sld [smem:$0x3F9E];
	_ =	sdelay $0x3  }
0x34: {  	[smem:$0x3F9E] =	sst s10  }
0x35: {  	s10 =	sld [smem:$0x3F9D];
	_ =	sdelay $0x3  }
0x36: {  	p1 =	seq.s32 s10, $0x1;
	s10 =	sld [smem:$0x3F9E];
	_ =	sdelay $0x3  }
0x37: {  	[smem:$0x3F9E] =	sst s10  }
0x38: {  	s10 =	sld [smem:$0x3F9F]  }
0x39: {  	_ = 	snop;
	(pc) =	sbr.ind lr, $3  }
0x3a: {  	_ = 	snop  }
0x3b: {  	_ = 	snop  }
0x3c: {  	p2 =	seq.s32 s10, $0x1;
	s10 =	sld [smem:$0x3F9E]  }
0x3d: {  	_ =	shalt  }
0x3e: {  	_ =	shalt  }
0x3f: {  	_ =	shalt  }
0x40: {  	_ =	shalt  }
0x41: {  	_ =	shalt  }
0x42: {  	_ =	shalt  }
0x43: {  	_ =	shalt  }
0x44: {  	_ =	shalt  }
0x45: {  	_ =	shalt  }
0x46: {  	_ =	shalt  }
0x47: {  	_ =	shalt  }
0x48: {  	_ =	shalt  }
0x49: {  	_ =	shalt  }
0x4a: {  	_ =	shalt  }
0x4b: {  	_ =	shalt  }
0x4c: {  	_ =	shalt  }
0x4d: {  	_ =	shalt  }
0x4e: {  	_ =	shalt  }
0x4f: {  	_ =	shalt  }
0x50: {  	_ =	shalt  }
0x51: {  	_ =	shalt  }
0x52: {  	_ =	shalt  }
0x53: {  	_ =	shalt  }
0x54: {  	_ =	shalt  }
0x55: {  	_ =	shalt  }
0x56: {  	_ =	shalt  }
0x57: {  	_ =	shalt  }
0x58: {  	_ =	shalt  }
0x59: {  	_ =	shalt  }
0x5a: {  	_ =	shalt  }
0x5b: {  	_ =	shalt  }
0x5c: {  	_ =	shalt  }
0x5d: {  	_ =	shalt  }
0x5e: {  	_ =	shalt  }
0x5f: {  	_ =	shalt  }
0x60: {  	_ =	shalt  }
0x61: {  	_ =	shalt  }
0x62: {  	_ =	shalt  }
0x63: {  	_ =	shalt  }
0x64: {  	_ =	shalt  }
0x65: {  	_ =	shalt  }
0x66: {  	_ =	shalt  }
0x67: {  	_ =	shalt  }
0x68: {  	_ =	shalt  }
0x69: {  	_ =	shalt  }
0x6a: {  	_ =	shalt  }
0x6b: {  	_ =	shalt  }
0x6c: {  	_ =	shalt  }
0x6d: {  	_ =	shalt  }
0x6e: {  	_ =	shalt  }
0x6f: {  	_ =	shalt  }
0x70: {  	_ =	shalt  }
0x71: {  	_ =	shalt  }
0x72: {  	_ =	shalt  }
0x73: {  	_ =	shalt  }
0x74: {  	_ =	shalt  }
0x75: {  	_ =	shalt  }
0x76: {  	_ =	shalt  }
0x77: {  	_ =	shalt  }
0x78: {  	_ =	shalt  }
0x79: {  	_ =	shalt  }
0x7a: {  	_ =	shalt  }
0x7b: {  	_ =	shalt  }
0x7c: {  	_ =	shalt  }
0x7d: {  	_ =	shalt  }
0x7e: {  	_ =	shalt  }
0x7f: {  	_ =	shalt  }
0x80: {  	_ =	shalt  }
0x81: {  	_ =	shalt  }
0x82: {  	_ =	shalt  }
0x83: {  	_ =	shalt  }
0x84: {  	_ =	shalt  }
0x85: {  	_ =	shalt  }
0x86: {  	_ =	shalt  }
0x87: {  	_ =	shalt  }
.Lfunc_end0:
.L_simem_size_0:
called_computation_lowered:
.L_overlay_start_0:
0x88: {  	s2 =	sld [smem:$0x3FD9]  }
0x89: {  	s3 =	sld [smem:$0x3FFE];
	_ =	sdelay $0x1  }
0x8a: {  	s1 =	srdreg.scid  }
0x8b: {  	s0 =	sand.u32 $0x1, s1  }
0x8c: {  	s16 =	sshll.u32 s0, $0xA;
	s2 =	sadd.s32 s3, s2  }
0x8d: {  	s2 =	sadd.s32 s2, s16  }
0x8e: {  	[smem:$0x3FAA] =	sst s2  }
0x8f: {  	_ = 	snop  }
0x90: {  	(tm) =	ssettm $0x1  }
0x91: {  	s17 =	sld [smem:$0x3FFB];
	_ =	sdelay $0x3  }
0x92: {  	_ =	strace s17  }
0x93: {  	s2 =	sld [smem:$0x3FFC];
	_ =	sdelay $0x3  }
0x94: {  	_ =	strace s2  }
0x95: {  	s2 =	sld [smem:$0x3FFD];
	_ =	sdelay $0x3  }
0x96: {  	_ =	strace s2  }
0x97: {  	_ =	strace $0x8FFFFFFF  }
0x98: {  	s18 =	sld [smem:$0x3FDB];
	_ =	sdelay $0x1  }
0x99: {  	s19 =	simm.s32 $_scs_section_size  }
0x9a: {  	s4 =	simm.s32 $_size__tile_overlayer_lowered;
	s5 =	simm.s32 $_tile_overlayer_lowered  }
0x9b: {  	s22 =	simm.s32 $0x1BFF;
	s21 =	sshll.u32 s5, $0x1;
	s2 =	sadd.s32 s19, s18  }
0x9c: {  	s6 =	simm.s32 $0x0;
	s20 =	sshll.u32 s4, $0x1;
	s4 =	sadd.s32 s21, s2  }
0x9d: {  	[timem:s6], [sflag:s22] =	dma.local [hbm:s4], s20  }
0x9e: {  	_ =	swait.ge [sflag:s22], s20  }
0x9f: {  	s3 =	ssub.s32 $0x0, s20;
	[sflag:s22] =	ssyncset.done $0x0  }
0xa0: {  	[sflag:s22] =	ssyncadd.s32 s3;
	_ =	sdelay $0x1  }
0xa1: {  	s23 =	simm.s32 $0x1B8B  }
0xa2: {  	_ =	swait.ge [sflag:s23], $0x1  }
0xa3: {  	[sflag:s23] =	ssyncset.done $0x0  }
0xa4: {  	s25 =	simm.s32 $0x1B8E;
	s24 =	sld [smem:$0x3FFE];
	[sflag:s23] =	ssyncadd.s32 $0xFFFFFFFF  }
0xa5: {  	s26 =	simm.s32 $execute0_lowered;
	[smem:$0x3FD2] =	sst s25  }
0xa6: {  	s4 =	sshll.u32 s26, $0x1;
	_ =	strace $0x80000046;
	[dreg:$0x1] =	wrdreg $0xFFFFFFFF  }
0xa7: {  	s28 =	simm.s32 $_size_execute0_lowered;
	s2 =	sadd.s32 s2, s4;
	[dreg:$0x0] =	wrdreg $0x0  }
0xa8: {  	s4 =	sshll.u32 s28, $0x1;
	[dreg:$0x2] =	wrdreg s2  }
0xa9: {  	[dreg:$0x3] =	wrdreg s4  }
0xaa: {  	[dreg:$0x4] =	wrdreg $0xC0  }
0xab: {  	_ =	task [dreg:s6], $0x5FFFF  }
0xac: {  	[dreg:$0x1] =	wrdreg $0xFFFFFFFF  }
0xad: {  	[dreg:$0x0] =	wrdreg $0x60  }
0xae: {  	[dreg:$0x2] =	wrdreg s24  }
0xaf: {  	[dreg:$0x3] =	wrdreg $0x0  }
0xb0: {  	[dreg:$0x4] =	wrdreg $0x4E200  }
0xb1: {  	[dreg:$0x5] =	wrdreg $0x9  }
0xb2: {  	_ =	task.clear_ibuf [dreg:s6], $0x6FFFF;
	_ =	strace $0x90000046  }
0xb3: {  	s29 =	simm.s32 $0x9;
	_ =	strace $0x80000051  }
0xb4: {  	_ =	swait.ge [sflag:s29], $0x1  }
0xb5: {  	[sflag:s29] =	ssyncadd.s32 $0xFFFFFFFF  }
0xb6: {  	_ =	strace $0x90000051  }
0xb7: {  	_ =	sfence  }
0xb8: {  	s30 =	sld [smem:$0x0];
	_ =	sdelay $0x2  }
0xb9: {  	s31 =	sshll.u32 s1, $0xD;
	s1 =	sshrl.u32 s1, $0x2  }
0xba: {  	s3 =	sand.u32 $0x4000, s31;
	s1 =	sadd.s32 s1, s30  }
0xbb: {  	s0 =	sor.u32 s3, s0;
	s1 =	sshll.u32 s1, $0x11  }
0xbc: {  	s0 =	sor.u32 s1, s0  }
0xbd: {  	s0 =	sadd.s32 $0x8F2B, s0  }
0xbe: {  	[sflag:s0] =	ssyncadd.remote.s32 $0x1  }
0xbf: {  	_ =	sfence.sel $0xFFFF  }
0xc0: {  	[dreg:$0x0] =	wrdreg $0xFFFFFFFF;
	(pc) =	sbr.abs _section_cstart, $3  }
0xc1: {  	[dreg:$0x1] =	wrdreg $0xFFFFFFFF  }
0xc2: {  	_ =	task.clear_ibuf [dreg:s6], $0x2FFFF;
	_ =	strace $0x9FFFFFFF  }
0xc3: {  	(tm) =	ssettm $0x7FFFFFFF  }
tec
execute0_lowered:
.L_overlay_start_1:
0x0: {  	(tag) =	ssettag $0x1  }
0x1: {  	s0 =	rddreg [dreg:$0x0]  }
0x2: {  	s19 =	rddreg [dreg:$0x1];
	s2 =	stileid.u32  }
0x3: {  	s3 =	rddreg [dreg:$0x2];
	s16 =	simm.s32 $0x0;
	s4 =	srdreg.scid  }
0x4: {  	s13 =	simm.s32 $0x4F;
	s21 =	simm.s32 $0x7;
	s1 =	smul.u32 $0x4E20, s2  }
0x5: {  	[smem:$0x7FF] =	sst s16;
	s4 =	sand.u32 $0x1, s4;
	s22 =	sadd.s32 $0x41800, s0  }
0x6: {  	s26 =	sshll.u32 s2, $0x6;
	_ =	strace $0x80000047;
	s6 =	sshll.u32 s4, $0x4  }
0x7: {  	s4 =	ssub.s32 $0x2, s4;
	[dreg:$0x5] =	wrdreg s22;
	s5 =	sshrl.u32 s1, $0x3  }
0x8: {  	s6 =	sor.u32 s2, s6;
	s8 =	sshrl.u32 s4, $0x1;
	s24 =	sadd.s32 s1, s19  }
0x9: {  	s2 =	sor.u32 $0x1C01, s26;
	s7 =	sadd.s32 s5, s0;
	s5 =	smov.u32 s3  }
0xa: {  	s0 =	sadd.s32 $0x55200, s0;
	s9 =	smul.u32 $0x4E, s6;
	s23 =	ssub.s32 s4, s8  }
0xb: {  	s4 =	smul.u32 $0x4F, s6;
	p0 =	slt.u32 s6, $0x4;
	[dreg:$0x8] =	wrdreg s2  }
0xc: {  	s30 =	sshrl.u32 s24, $0x3;
	s3 =	simm.s32 $0x1;
	[dreg:$0x4] =	wrdreg s0  }
0xd: {  	s25 =	sadd.s32 $0x2DC00, s7;
	s1 =	sadd.s32 s1, s5;
	[dreg:$0xd] =	wrdreg s30  }
0xe: {  	s29 =	sadd.s32 $0x37A00, s7;
	s6 =	sadd.s32 $0x4, s9;
	[dreg:$0x7] =	wrdreg s25  }
0xf: {  	s0 =	smax.u32 s23, $0x1;
	[dreg:$0xa] =	wrdreg s29;
	s6 =	smov.u32 @p0 s4  }
0x10: {  	[dreg:$0xc] =	wrdreg s0;
	s31 =	sshrl.u32 s1, $0x3;
	s4 =	sshll.u32 s6, $0x4  }
0x11: {  	s24 =	simm.s32 $0x0;
	[dreg:$0xe] =	wrdreg s31;
	s28 =	sadd.s32 s22, s4  }
0x12: {  	s13 =	simm.s32 @!p0 $0x4E;
	[dreg:$0x9] =	wrdreg s28;
	s2 =	sadd.s32 $0x9C40, s28  }
0x13: {  	s20 =	sadd.s32 $0xFFFFFFFF, s13;
	s9 =	simm.s32 $0x80;
	[dreg:$0xb] =	wrdreg s2  }
.LBB2_1:
0x14: {  	s0 =	rddreg [dreg:$0x7]  }
0x15: {  	s1 =	rddreg [dreg:$0x8]  }
0x16: {  	s2 =	rddreg [dreg:$0xd]  }
0x17: {  	[spmem:s2], [sflag:s1] =	dma.local [hbm:s0], $0x9C4  }
0x18: {  	_ =	swait.ge [sflag:s3], $0x9C4  }
0x19: {  	[sflag:s3] =	ssyncset.done $0x0;
	s25 =	rddreg [dreg:$0xa]  }
0x1a: {  	s26 =	rddreg [dreg:$0xe];
	[sflag:s3] =	ssyncadd.s32 $0xFFFFF63C  }
0x1b: {  	[spmem:s26], [sflag:s1] =	dma.local [hbm:s25], $0x9C4  }
0x1c: {  	s29 =	simm.s32 $0x9C40;
	s31 =	simm.s32 $0x9D40;
	_ =	swait.ge [sflag:s3], $0x9C4  }
0x1d: {  	p0 =	seq.s32 s13, $0x1;
	s12 =	simm.s32 $0x1;
	[sflag:s3] =	ssyncset.done $0x0  }
0x1e: {  	p1 =	sne.s32 s13, $0x1;
	p2 =	por $0x1, $0x1;
	[sflag:s3] =	ssyncadd.s32 $0xFFFFF63C  }
0x1f: {  	p3 =	seq.s32 s20, $0x0;
	s12 =	simm.s32 @p0 $0x0;
	[bflag:$0x0] =	sbarrier.arrive $0xFFFF  }
0x20: {  	s0 =	sadd.s32 $0x0, s6;
	p0 =	sne.s32 s12, $0x0;
	_ =	strace $0x80000048  }
.Ltmp0:
0x21: {  	p4 =	por p3, p0;
	s28 =	rddreg [dreg:$0x9];
	(pc) =	sbr.rel @!p1 .LBB2_2-.Ltmp0, $4  }
0x22: {  	[tilespmem:s29], [sflag:$0x1] =	stream.linear.gather [hbm4b:s28+s16], $0x80, $0x200038;
	[tilespmem:$0xBE40] =	vst v63  }
0x23: {  	s17 =	simm.s32 $0x1;
	s8 =	sshll.u32 @p4 s0, $0x9;
	s30 =	rddreg [dreg:$0xb]  }
0x24: {  	[tilespmem:s31], [sflag:$0x3] =	stream.linear.gather [hbm4b:s30+s16], $0x80, $0x200038;
	[tilespmem:$0xBE40] =	vst v63  }
0x25: {  	s17 =	simm.s32 @!p4 $0x0;
	s25 =	simm.s32 $0x1;
	_ =	strace $0x90000048  }
0x26: {  	[dreg:$0xf] =	wrdreg s24;
	s7 =	simm.s32 $0x2  }
0x27: {  	p1 =	por p2, p2;
	p2 =	sle.u32 s20, $0x0;
	s0 =	simm.s32 $0x0  }
0x28: {  	p0 =	sne.s32 s13, $0x2;
	p6 =	por p4, p4;
	s11 =	sand.u32 $0x1, s16  }
0x29: {  	s31 =	simm.s32 $0x1;
	s29 =	simm.s32 $0x0;
	s28 =	simm.s32 $0x0  }
0x2a: {  	s18 =	sand.u32 @!p1 $0x1, s16;
	p5 =	seq.s32 @!p2 s12, $0x0;
	s2 =	sand.u32 $0x80, s0  }
0x2b: {  	s16 =	simm.s32 $0x0;
	s26 =	sand.u32 $0x80, s0;
	s0 =	sadd.s32 $0x1, s12  }
0x2c: {  	p3 =	por p5, p2;
	p4 =	por !p5, p2;
	p5 =	por $0x0, $0x0  }
0x2d: {  	s1 =	sadd.s32 @!p3 s6, s12;
	s4 =	sand.u32 @!p3 $0x1, s3;
	s21 =	simm.s32 @!p3 $0x0  }
0x2e: {  	s16 =	simm.s32 @p4 $0x1;
	_ =	strace @!p3 $0x80000049;
	s10 =	sshll.u32 @!p3 s1, $0x4  }
0x2f: {  	s14 =	sshll.u32 @!p3 s4, $0x7;
	s1 =	sshll.u32 @!p3 s1, $0x7;
	s24 =	sadd.s32 @!p3 $0x3, s4  }
0x30: {  	s16 =	simm.s32 @p2 $0x0;
	s4 =	sadd.s32 @!p3 $0x1, s4;
	s10 =	sand.u32 @!p3 $0x1FFFFFF0, s10  }
0x31: {  	s15 =	sor.u32 @!p3 $0x9C40, s14;
	s1 =	sadd.s32 @!p3 $0x4E200, s1;
	s14 =	sor.u32 @!p3 $0x9D40, s14  }
0x32: {  	s30 =	sadd.s32 $0x1, s16;
	s10 =	sadd.s32 @!p3 s22, s10;
	s1 =	sshrl.u32 @!p3 s1, $0x3  }
0x33: {  	[tilespmem:s15], [sflag:s4] =	stream.linear.gather @!p3 [hbm4b:s10+s21], $0x80, $0x200038;
	[tilespmem:$0xBE40] =	vst v63  }
0x34: {  	s4 =	simm.s32 @!p3 $0x2;
	s1 =	sadd.s32 @!p3 s22, s1;
	s15 =	sshll.u32 s11, $0xC  }
0x35: {  	s10 =	sor.u32 $0x9C40, s26;
	s26 =	simm.s32 $0x0;
	_ =	strace @!p3 $0x90000049  }
0x36: {  	s31 =	smov.u32 @p4 s4;
	s4 =	sadd.s32 $0x3, s11;
	_ =	strace @!p3 $0x8000004A  }
0x37: {  	[tilespmem:s14], [sflag:s24] =	stream.linear.gather @!p3 [hbm4b:s1+s21], $0x80, $0x200038;
	[tilespmem:$0xBE40] =	vst v63  }
0x38: {  	p4 =	seq.s32 s20, $0x1;
	s31 =	smov.u32 @p2 s3;
	_ =	strace @!p3 $0x9000004A  }
0x39: {  	p2 =	por $0x0, $0x0;
	s24 =	sadd.s32 $0x1, s11;
	_ =	strace $0x8000004B  }
0x3a: {  	s1 =	sadd.s32 s6, s12;
	p3 =	seq.s32 s0, s13;
	_ =	swait.ge [sflag:s24], $0x80  }
0x3b: {  	s21 =	simm.s32 $0x1;
	s0 =	simm.s32 @p3 $0x0;
	[sflag:s24] =	ssyncset.done $0x0  }
.Ltmp1:
0x3c: {  	p3 =	sne.s32 s12, s0;
	[sflag:s24] =	ssyncadd.s32 $0xFFFFFF80;
	(pc) =	sbr.rel @!p0 .LBB2_4-.Ltmp1, $4  }
0x3d: {  	p4 =	por p4, p3;
	p3 =	por $0x1, $0x1;
	_ =	strace $0x9000004B  }
0x3e: {  	s24 =	sshll.u32 @p4 s1, $0x9;
	s1 =	simm.s32 @!p3 $0x0;
	_ =	strace $0x8000004C  }
0x3f: {  	s21 =	simm.s32 @!p4 $0x0;
	s1 =	simm.s32 @p3 $0x1;
	_ =	swait.ge [sflag:s4], $0x80  }
0x40: {  	[sflag:s4] =	ssyncset.done $0x0;
	[smem:$0x7FD] =	sst s1;
	s1 =	simm.s32 $0x0  }
.LBB2_5:
0x41: {  	s16 =	smov.u32 s31  }
0x42: {  	[sflag:s4] =	ssyncadd.s32 $0xFFFFFF80;
	s4 =	simm.s32 $0x1;
	s14 =	smov.u32 s25  }
0x43: {  	s25 =	smov.u32 s7;
	s7 =	sadd.s32 $0x1, s7;
	s22 =	smov.u32 s8  }
0x44: {  	s3 =	sor.u32 $0x9D40, s2;
	s2 =	sadd.s32 $0x9E40, s15;
	s29 =	sadd.s32 s17, s29  }
0x45: {  	s4 =	simm.s32 @!p5 $0x0;
	p5 =	por p1, p1;
	p1 =	por p2, p2  }
0x46: {  	p2 =	por p6, p6;
	_ =	strace $0x9000004C;
	s23 =	sshll.u32 s29, $0x7  }
0x47: {  	p0 =	sne.s32 s13, s7;
	p6 =	por p4, p4;
	s26 =	sadd.s32 s4, s26  }
0x48: {  	_ =	strace $0x8000004D;
	s8 =	simm.s32 @!p0 $0x0;
	s4 =	sand.u32 $0x80, s23  }
0x49: {  	[tilespmem:s2], [sflag:$0x7] =	stream.indirect.gather [spmem:s19], $0x20, s3, s9, $0x2000b8;
	[tilespmem:$0xBE40] =	vst v63  }
0x4a: {  	s23 =	smov.u32 s24;
	s18 =	sadd.s32 @!p5 $0x5, s18;
	s3 =	simm.s32 $0x7  }
0x4b: {  	s8 =	simm.s32 @p0 $0x1;
	p0 =	sge.u32 s14, s20;
	_ =	swait.ge [sflag:s3], $0x1000  }
0x4c: {  	[dreg:$0x6] =	wrdreg s4;
	p3 =	seq.s32 @!p0 s12, s0;
	[sflag:s3] =	ssyncset.done $0x0  }
0x4d: {  	[smem:$0x7FC] =	sst s8;
	s8 =	smov.u32 s17;
	[sflag:s3] =	ssyncadd.s32 $0xFFFFF000  }
0x4e: {  	[tilespmem:s2], [sflag:$0x7] =	stream.indirect.gather.add.f32 [spmem:s5], $0x20, s10, s9, $0x2000b8;
	[tilespmem:$0xBE40] =	vst v63  }
0x4f: {  	s17 =	smov.u32 s21;
	p4 =	por p3, p0;
	_ =	swait.ge [sflag:s3], $0x1000  }
0x50: {  	p3 =	por !p3, p0;
	s28 =	sadd.s32 s8, s28;
	[sflag:s3] =	ssyncset.done $0x0  }
0x51: {  	s1 =	sadd.s32 s8, s1;
	s21 =	sadd.s32 @!p4 s6, s0;
	[sflag:s3] =	ssyncadd.s32 $0xFFFFF000  }
0x52: {  	s10 =	sadd.s32 @p2 $0x5, s11;
	s11 =	sand.u32 @p2 $0x1FFFFE00, s22;
	_ =	strace $0x9000004D  }
0x53: {  	s22 =	sand.u32 @!p4 $0x1, s31;
	s24 =	sshll.u32 @!p4 s21, $0x4;
	_ =	strace @p2 $0x8000004E  }
0x54: {  	s9 =	smov.u32 s20;
	s20 =	smov.u32 s13;
	s12 =	rddreg [dreg:$0x4]  }
0x55: {  	s13 =	smov.u32 s6;
	s3 =	simm.s32 @p2 $0x0;
	s11 =	sadd.s32 @p2 s12, s11  }
0x56: {  	[hbm4b:s11+s3] =	stream.linear.scatter @p2 [tilespmem:s2], [sflag:s10], $0x1000, $0x200038;
	[tilespmem:$0xBE40] =	vst v63  }
0x57: {  	s6 =	smov.u32 s5;
	s8 =	rddreg [dreg:$0x5];
	_ =	strace @p2 $0x9000004E  }
0x58: {  	s5 =	smov.u32 s19;
	s19 =	sshll.u32 @!p4 s22, $0x7;
	_ =	strace @!p5 $0x8000004F  }
0x59: {  	s24 =	sand.u32 @!p4 $0x1FFFFFF0, s24;
	s22 =	sadd.s32 @!p4 $0x1, s22;
	_ =	swait.ge @!p5 [sflag:s18], $0x1000  }
0x5a: {  	s12 =	sand.u32 @!p4 $0x1, s30;
	s2 =	sor.u32 @!p4 $0x9C40, s19;
	[sflag:s18] =	ssyncset.done @!p5 $0x0  }
0x5b: {  	s3 =	sadd.s32 @!p4 s8, s24;
	s10 =	simm.s32 @!p4 $0x0;
	[sflag:s18] =	ssyncadd.s32 @!p5 $0xFFFFF000  }
0x5c: {  	s11 =	sshll.u32 @!p4 s21, $0x7;
	s19 =	sshll.u32 @!p4 s12, $0x7;
	_ =	strace @!p5 $0x9000004F  }
0x5d: {  	s12 =	sadd.s32 @!p4 $0x3, s12;
	s11 =	sadd.s32 @!p4 $0x4E200, s11;
	_ =	strace @!p4 $0x80000049  }
0x5e: {  	[tilespmem:s2], [sflag:s22] =	stream.linear.gather @!p4 [hbm4b:s3+s10], $0x80, $0x200038;
	[tilespmem:$0xBE40] =	vst v63  }
0x5f: {  	s19 =	sor.u32 @!p4 $0x9D40, s19;
	s11 =	sshrl.u32 @!p4 s11, $0x3;
	_ =	strace @!p4 $0x90000049  }
0x60: {  	s24 =	sadd.s32 @!p4 s8, s11;
	s18 =	sadd.s32 @!p4 $0x1, s31;
	_ =	strace @!p4 $0x8000004A  }
0x61: {  	[tilespmem:s19], [sflag:s12] =	stream.linear.gather @!p4 [hbm4b:s24+s10], $0x80, $0x200038;
	[tilespmem:$0xBE40] =	vst v63  }
0x62: {  	s4 =	sand.u32 $0x1, s1;
	s31 =	smov.u32 @p3 s18;
	_ =	strace @!p4 $0x9000004A  }
0x63: {  	s31 =	smov.u32 @p0 s16;
	s16 =	sadd.s32 $0x1, s4;
	_ =	strace $0x8000004B  }
0x64: {  	s21 =	simm.s32 $0x0;
	_ =	swait.ge [sflag:s16], $0x80  }
0x65: {  	s21 =	simm.s32 @p3 $0x1;
	s22 =	sand.u32 $0x1, s29;
	[sflag:s16] =	ssyncset.done $0x0  }
0x66: {  	s21 =	simm.s32 @p0 $0x0;
	s4 =	sadd.s32 $0x3, s22;
	[sflag:s16] =	ssyncadd.s32 $0xFFFFFF80  }
0x67: {  	s19 =	smov.u32 s5;
	s5 =	smov.u32 s6;
	_ =	strace $0x9000004B  }
0x68: {  	s6 =	smov.u32 s13;
	s13 =	smov.u32 s20;
	_ =	strace $0x8000004C  }
0x69: {  	s12 =	smov.u32 s0;
	s0 =	sadd.s32 $0x1, s0;
	_ =	swait.ge [sflag:s4], $0x80  }
0x6a: {  	s8 =	smov.u32 s23;
	p0 =	seq.s32 s0, s13;
	s23 =	sld [smem:$0x7FC]  }
0x6b: {  	s15 =	sand.u32 @!p1 $0x1, s26;
	s20 =	smov.u32 s9;
	s0 =	simm.s32 @p0 $0x0  }
0x6c: {  	p2 =	seq.s32 s25, $0x0;
	p4 =	seq.s32 s20, s25;
	p0 =	sne.s32 s12, s0  }
0x6d: {  	s11 =	sand.u32 $0x1, s28;
	p4 =	por p4, p0;
	p0 =	seq.s32 s23, $0x1  }
.Ltmp2:
0x6e: {  	s30 =	sadd.s32 s30, s21;
	s21 =	sshll.u32 s1, $0x7;
	(pc) =	sbr.rel @p0 .LBB2_5-.Ltmp2, $4  }
0x6f: {  	s18 =	smov.u32 s15;
	s15 =	sshll.u32 s11, $0xC;
	p5 =	sne.s32 s14, $0x0  }
0x70: {  	s3 =	sand.u32 $0x80, s21;
	s21 =	simm.s32 $0x1;
	s2 =	sadd.s32 s6, s12  }
0x71: {  	s9 =	simm.s32 $0x80;
	s10 =	sor.u32 $0x9C40, s3;
	s24 =	sshll.u32 @p4 s2, $0x9  }
0x72: {  	s21 =	simm.s32 @!p4 $0x0;
	s2 =	rddreg [dreg:$0x6];
	[sflag:s4] =	ssyncset.done $0x0  }
0x73: {  	s7 =	smov.u32 s8;
	s14 =	smov.u32 s12  }
0x74: {  	s8 =	smov.u32 s24;
	s12 =	smov.u32 s0;
	s22 =	rddreg [dreg:$0x5]  }
0x75: {  	s16 =	simm.s32 $0x0;
	s21 =	simm.s32 $0x7;
	s24 =	rddreg [dreg:$0xf]  }
.LBB2_7:
0x76: {  	s0 =	sld [smem:$0x7FD];
	_ =	sdelay $0x2  }
0x77: {  	p3 =	seq.s32 s0, $0x1  }
0x78: {  	[sflag:s4] =	ssyncadd.s32 @p3 $0xFFFFFF80  }
0x79: {  	_ =	strace @p3 $0x9000004C  }
0x7a: {  	s0 =	sor.u32 @p3 $0x9D40, s2;
	s2 =	sadd.s32 @p3 $0x9E40, s15;
	_ =	strace @p3 $0x8000004D  }
0x7b: {  	[tilespmem:s2], [sflag:$0x7] =	stream.indirect.gather @p3 [spmem:s19], $0x20, s0, s9, $0x2000b8;
	[tilespmem:$0xBE40] =	vst v63  }
0x7c: {  	_ =	swait.ge @p3 [sflag:s21], $0x1000  }
0x7d: {  	[sflag:s21] =	ssyncset.done @p3 $0x0  }
0x7e: {  	[sflag:s21] =	ssyncadd.s32 @p3 $0xFFFFF000  }
0x7f: {  	[tilespmem:s2], [sflag:$0x7] =	stream.indirect.gather.add.f32 @p3 [spmem:s5], $0x20, s10, s9, $0x2000b8;
	[tilespmem:$0xBE40] =	vst v63  }
0x80: {  	_ =	swait.ge @p3 [sflag:s21], $0x1000  }
0x81: {  	[sflag:s21] =	ssyncset.done @p3 $0x0  }
0x82: {  	p0 =	por @p3 p6, p6;
	[sflag:s21] =	ssyncadd.s32 @p3 $0xFFFFF000  }
0x83: {  	p0 =	por !p0, !p3;
	_ =	strace @p3 $0x9000004D  }
0x84: {  	s3 =	smov.u32 @p3 s7;
	p1 =	por @p3 p1, p1;
	_ =	strace @!p0 $0x8000004E  }
0x85: {  	p6 =	sge.u32 s25, s20;
	s3 =	sand.u32 @!p0 $0x1FFFFE00, s3;
	s0 =	rddreg [dreg:$0x4]  }
0x86: {  	s4 =	sadd.s32 @!p0 $0x5, s11;
	s0 =	sadd.s32 @!p0 s0, s3;
	s3 =	simm.s32 @!p0 $0x0  }
0x87: {  	[hbm4b:s0+s3] =	stream.linear.scatter @!p0 [tilespmem:s2], [sflag:s4], $0x1000, $0x200038;
	[tilespmem:$0xBE40] =	vst v63  }
0x88: {  	p1 =	por p1, !p3;
	_ =	strace @!p0 $0x9000004E;
	p0 =	seq.s32 @!p6 s14, s12  }
0x89: {  	s0 =	sadd.s32 @!p1 $0x5, s18;
	p0 =	por p0, p6;
	_ =	strace @!p1 $0x8000004F  }
0x8a: {  	s2 =	sadd.s32 @!p0 s6, s12;
	_ =	swait.ge @!p1 [sflag:s0], $0x1000  }
0x8b: {  	s3 =	sand.u32 @!p0 $0x1, s31;
	s4 =	sshll.u32 @!p0 s2, $0x4;
	[sflag:s0] =	ssyncset.done @!p1 $0x0  }
0x8c: {  	s7 =	sshll.u32 @!p0 s3, $0x7;
	s4 =	sand.u32 @!p0 $0x1FFFFFF0, s4;
	[sflag:s0] =	ssyncadd.s32 @!p1 $0xFFFFF000  }
0x8d: {  	s3 =	sadd.s32 @!p0 $0x1, s3;
	s0 =	sor.u32 @!p0 $0x9C40, s7;
	_ =	strace @!p1 $0x9000004F  }
0x8e: {  	s7 =	simm.s32 @!p0 $0x0;
	s4 =	sadd.s32 @!p0 s22, s4;
	_ =	strace @!p0 $0x80000049  }
0x8f: {  	[tilespmem:s0], [sflag:s3] =	stream.linear.gather @!p0 [hbm4b:s4+s7], $0x80, $0x200038;
	[tilespmem:$0xBE40] =	vst v63  }
0x90: {  	s0 =	sshll.u32 @!p0 s2, $0x7;
	s2 =	sand.u32 @!p0 $0x1, s30  }
0x91: {  	s0 =	sadd.s32 @!p0 $0x4E200, s0;
	s3 =	sshll.u32 @!p0 s2, $0x7  }
0x92: {  	_ =	strace @!p0 $0x90000049;
	s2 =	sadd.s32 @!p0 $0x3, s2;
	s0 =	sshrl.u32 @!p0 s0, $0x3  }
0x93: {  	s3 =	sor.u32 @!p0 $0x9D40, s3;
	_ =	strace @!p0 $0x8000004A;
	s0 =	sadd.s32 @!p0 s22, s0  }
0x94: {  	[tilespmem:s3], [sflag:s2] =	stream.linear.gather @!p0 [hbm4b:s0+s7], $0x80, $0x200038;
	[tilespmem:$0xBE40] =	vst v63  }
0x95: {  	s0 =	smov.u32 @p3 s17  }
0x96: {  	s2 =	simm.s32 $0x0;
	s1 =	sadd.s32 @p3 s0, s1  }
0x97: {  	s2 =	smov.u32 @p3 s1  }
0x98: {  	_ =	strace @!p0 $0x9000004A;
	s1 =	sand.u32 $0x1, s2  }
0x99: {  	_ =	strace $0x8000004B;
	s1 =	sadd.s32 $0x1, s1  }
0x9a: {  	_ =	swait.ge [sflag:s1], $0x80  }
0x9b: {  	s4 =	simm.s32 $0x0;
	s3 =	sadd.s32 @p3 s17, s29;
	[sflag:s1] =	ssyncset.done $0x0  }
0x9c: {  	s4 =	smov.u32 @p3 s3;
	[sflag:s1] =	ssyncadd.s32 $0xFFFFFF80  }
0x9d: {  	s18 =	sand.u32 $0x1, s4;
	_ =	strace $0x9000004B  }
0x9e: {  	s1 =	sadd.s32 $0x3, s18;
	_ =	strace $0x8000004C  }
0x9f: {  	s0 =	sadd.s32 @p3 s0, s28;
	s3 =	simm.s32 $0x0;
	_ =	swait.ge [sflag:s1], $0x80  }
0xa0: {  	s3 =	smov.u32 @p3 s0;
	[sflag:s1] =	ssyncset.done $0x0  }
0xa1: {  	s23 =	sshll.u32 s4, $0x7;
	s3 =	sand.u32 $0x1, s3;
	[sflag:s1] =	ssyncadd.s32 $0xFFFFFF80  }
0xa2: {  	s0 =	sand.u32 $0x80, s23;
	s28 =	sshll.u32 s3, $0xC;
	_ =	strace $0x9000004C  }
0xa3: {  	s0 =	sor.u32 $0x9D40, s0;
	s1 =	sadd.s32 $0x9E40, s28;
	_ =	strace $0x8000004D  }
0xa4: {  	[tilespmem:s1], [sflag:$0x7] =	stream.indirect.gather [spmem:s19], $0x20, s0, s9, $0x2000b8;
	[tilespmem:$0xBE40] =	vst v63  }
0xa5: {  	s29 =	sshll.u32 s2, $0x7;
	_ =	swait.ge [sflag:s21], $0x1000  }
0xa6: {  	s0 =	sand.u32 $0x80, s29;
	[sflag:s21] =	ssyncset.done $0x0  }
0xa7: {  	s0 =	sor.u32 $0x9C40, s0;
	[sflag:s21] =	ssyncadd.s32 $0xFFFFF000  }
0xa8: {  	[tilespmem:s1], [sflag:$0x7] =	stream.indirect.gather.add.f32 [spmem:s5], $0x20, s0, s9, $0x2000b8;
	[tilespmem:$0xBE40] =	vst v63  }
0xa9: {  	_ =	swait.ge [sflag:s21], $0x1000  }
0xaa: {  	[sflag:s21] =	ssyncset.done $0x0  }
0xab: {  	p6 =	por p4, p4;
	[sflag:s21] =	ssyncadd.s32 $0xFFFFF000  }
0xac: {  	p0 =	por p6, p6;
	_ =	strace $0x9000004D  }
0xad: {  	_ =	strace @p0 $0x8000004E  }
0xae: {  	s2 =	sand.u32 @p0 $0x1FFFFE00, s8;
	s0 =	rddreg [dreg:$0x4]  }
0xaf: {  	s3 =	sadd.s32 @p0 $0x5, s3;
	s0 =	sadd.s32 @p0 s0, s2;
	s2 =	simm.s32 @p0 $0x0  }
0xb0: {  	[hbm4b:s0+s2] =	stream.linear.scatter @p0 [tilespmem:s1], [sflag:s3], $0x1000, $0x200038;
	[tilespmem:$0xBE40] =	vst v63  }
0xb1: {  	p1 =	por !p5, !p3;
	s0 =	simm.s32 $0x1  }
0xb2: {  	s0 =	simm.s32 @p1 $0x0  }
0xb3: {  	s1 =	simm.s32 $0x0;
	s0 =	sadd.s32 @p3 s0, s26  }
0xb4: {  	p1 =	por p2, p2;
	s1 =	smov.u32 @p3 s0  }
0xb5: {  	_ =	strace @p0 $0x9000004E;
	s0 =	sand.u32 @!p1 $0x1, s1;
	p1 =	por p1, p1  }
0xb6: {  	s0 =	sadd.s32 @!p1 $0x5, s0;
	_ =	strace @!p1 $0x8000004F  }
0xb7: {  	s2 =	simm.s32 $0x1;
	p0 =	sne.s32 s25, $0x0;
	_ =	swait.ge @!p1 [sflag:s0], $0x1000  }
0xb8: {  	s2 =	simm.s32 @!p0 $0x0;
	[sflag:s0] =	ssyncset.done @!p1 $0x0  }
0xb9: {  	s1 =	sadd.s32 s2, s1;
	[sflag:s0] =	ssyncadd.s32 @!p1 $0xFFFFF000  }
0xba: {  	s30 =	sand.u32 $0x1, s1;
	_ =	strace @!p1 $0x9000004F  }
0xbb: {  	s0 =	sadd.s32 $0x5, s30;
	_ =	strace $0x80000050  }
0xbc: {  	_ =	swait.ge [sflag:s0], $0x1000  }
0xbd: {  	s24 =	sadd.s32 $0x1, s24;
	s31 =	rddreg [dreg:$0xc]  }
0xbe: {  	p0 =	sne.s32 s24, s31  }
.Ltmp3:
0xbf: {  	_ = 	snop;
	(pc) =	sbr.rel @p0 .LBB2_1-.Ltmp3, $4  }
.Ltmp4:
0xc0: {  	_ = 	snop;
	(pc) =	sbr.rel @!p0 .LBB2_8-.Ltmp4, $4  }
0xc1: {  	[sflag:s0] =	ssyncset.done $0x0  }
0xc2: {  	[sflag:s0] =	ssyncadd.s32 $0xFFFFF000  }
0xc3: {  	s3 =	simm.s32 $0x1;
	_ =	strace $0x90000050  }
0xc4: {  	_ = 	snop  }
.LBB2_2:
.Ltmp5:
0xc5: {  	(pc) =	sbr.rel .LBB2_7-.Ltmp5, $4  }
0xc6: {  	p0 =	por $0x0, $0x0;
	s25 =	simm.s32 $0x0;
	s26 =	simm.s32 $0x0  }
0xc7: {  	s29 =	simm.s32 $0x0;
	s28 =	simm.s32 $0x0;
	s0 =	simm.s32 @!p0 $0x0  }
0xc8: {  	s1 =	simm.s32 $0x0;
	s14 =	simm.s32 $0x0;
	s0 =	simm.s32 @p0 $0x1  }
0xc9: {  	s31 =	simm.s32 $0x1;
	s30 =	simm.s32 $0x1;
	[smem:$0x7FD] =	sst s0  }
.LBB2_4:
.Ltmp6:
0xca: {  	(pc) =	sbr.rel .LBB2_7-.Ltmp6, $4  }
0xcb: {  	s7 =	smov.u32 s8;
	s26 =	simm.s32 $0x0;
	s14 =	smov.u32 s12  }
0xcc: {  	s29 =	simm.s32 $0x0;
	s8 =	smov.u32 s24;
	s28 =	simm.s32 $0x0  }
0xcd: {  	s1 =	simm.s32 $0x0;
	s12 =	smov.u32 s0;
	s22 =	rddreg [dreg:$0x5]  }
0xce: {  	s16 =	simm.s32 $0x0;
	s21 =	simm.s32 $0x7;
	s24 =	rddreg [dreg:$0xf]  }
.LBB2_8:
0xcf: {  	_ =	sfence.sel $0x180000  }
0xd0: {  	[bflag:$0x0] =	sbarrier.arrive $0xFFFF  }
0xd1: {  	_ =	strace $0x90000047  }
0xd2: {  	s0 =	stileid.u32;
	[bflag:$0x2] =	sbarrier.arrive $0xFFFF  }
0xd3: {  	p0 =	sne.s32 s0, $0x0;
	s0 =	rddreg [dreg:$0x3]  }
0xd4: {  	s0 =	sadd.s32 @!p0 $0x100000, s0  }
0xd5: {  	[sflag:s0] =	ssyncadd.tile.s32 @!p0 $0x1;
	_ =	shalt  }
.Lfunc_end2:
_tile_overlayer_lowered:
.L_overlay_start_2:
0xd6: {  	(tag) =	ssettag $0x2  }
0xd7: {  	s0 =	rddreg [dreg:$0x0];
	s2 =	stileid.u32  }
0xd8: {  	s1 =	rddreg [dreg:$0x1];
	p0 =	sne.s32 s2, $0x0  }
0xd9: {  	s3 =	rddreg [dreg:$0x2];
	[bflag:$0x3] =	sbarrier.arrive $0xFFFF;
	s2 =	simm.s32 @!p0 $0x1C01  }
0xda: {  	[timem:s3], [sflag:s2] =	dma.local @!p0 [hbm:s0], s1  }
0xdb: {  	s0 =	simm.s32 @!p0 $0x1  }
0xdc: {  	_ =	swait.ge @!p0 [sflag:s0], s1  }
0xdd: {  	s1 =	ssub.s32 @!p0 $0x0, s1;
	[sflag:s0] =	ssyncset.done @!p0 $0x0  }
0xde: {  	[sflag:s0] =	ssyncadd.s32 @!p0 s1  }
0xdf: {  	[bflag:$0x3] =	sbarrier.arrive $0xFFFF  }
0xe0: {  	_ =	shalt  }

// kernel: kernel.15.cloned.1.call-start
scs
__scs_entry_jumppad:
0x0: {  	(pc) =	sbr.rel $0x88, $3  }
0x1: {  	(tag) =	ssettag $0x0;
	lr =	simm.s32 $0x1  }
0x2: {  	[smem:$0x3F83] =	sst lr;
	_ =	strace $0xD0000000  }
0x3: {  	_ = 	snop  }
0x4: {  	_ = 	snop  }
0x5: {  	_ = 	snop  }
0x6: {  	_ = 	snop  }
0x7: {  	_ = 	snop  }
__scs_overlays_trampoline_lowered:
0x8: {  	[smem:$0x3F92] =	sst s0  }
0x9: {  	[smem:$0x3F93] =	sst s1  }
0xa: {  	[smem:$0x3F94] =	sst s2  }
0xb: {  	[smem:$0x3F95] =	sst s3  }
0xc: {  	[smem:$0x3F96] =	sst s4  }
0xd: {  	[smem:$0x3F97] =	sst s5  }
0xe: {  	[smem:$0x3F98] =	sst s6  }
0xf: {  	[smem:$0x3F99] =	sst s7  }
0x10: {  	[smem:$0x3F9A] =	sst s8  }
0x11: {  	[smem:$0x3F9B] =	sst s9;
	s0 =	simm.s32 @!p0 $0x0  }
0x12: {  	s1 =	sld [smem:$0x3F81];
	s0 =	simm.s32 @p0 $0x1  }
0x13: {  	[smem:$0x3F9C] =	sst s0;
	s0 =	simm.s32 @!p1 $0x0  }
0x14: {  	s2 =	sld [smem:$0x3F80];
	s0 =	simm.s32 @p1 $0x1  }
0x15: {  	[smem:$0x3F9D] =	sst s0;
	s0 =	simm.s32 @!p2 $0x0  }
0x16: {  	s3 =	sld [smem:$0x3FDB];
	s0 =	simm.s32 @p2 $0x1  }
0x17: {  	s4 =	simm.s32 $0x1BF5;
	[smem:$0x3F9F] =	sst s0  }
0x18: {  	s0 =	sld [smem:$0x3F82];
	_ =	swait.ge [sflag:s4], $0x0  }
0x19: {  	s7 =	sld [smem:$0x3F83]  }
0x1a: {  	s8 =	sadd.s32 $0xFFFFE003, lr  }
0x1b: {  	s9 =	sadd.s32 $0xFFFFFEF7, lr;
	s5 =	simm.s32 $0xFFFFFFFF;
	p2 =	slt.u32 s8, $0xFFFFF086  }
0x1c: {  	p1 =	slt.u32 s9, $0xF7A;
	s5 =	simm.s32 @!p2 $0x0  }
0x1d: {  	s5 =	simm.s32 @p1 $0x1;
	p0 =	seq.s32 s7, s2  }
0x1e: {  	s7 =	smul.u32 @!p0 $0xF7A, s2;
	p2 =	seq.s32 @!p0 s5, $0x0  }
0x1f: {  	s9 =	smul.u32 $0xF7A, s1;
	s8 =	simm.s32 @!p0 $0x1BF5;
	p2 =	por !p2, p0  }
0x20: {  	[sflag:s8] =	ssyncset.s32 @!p0 $0xFFFFF086;
	s6 =	sadd.s32 @!p0 s3, s7;
	s7 =	simm.s32 @!p0 $0x108  }
0x21: {  	s3 =	sadd.s32 s3, s9;
	s6 =	sadd.s32 @!p0 $0x88, s6;
	s7 =	simm.s32 @p2 $0x1082  }
0x22: {  	[simem:s7], [sflag:s8] =	dma.local @!p0 [hbm:s6], $0xF7A  }
0x23: {  	s9 =	sor.u32 $0xD0000000, s2;
	s6 =	simm.s32 $0x108;
	_ =	swait.ge @!p0 [sflag:s8], $0x0  }
0x24: {  	s3 =	sadd.s32 $0x88, s3;
	s6 =	simm.s32 @!p1 $0x1082;
	[sflag:s4] =	ssyncset.s32 $0xFFFFF086  }
0x25: {  	[simem:s6], [sflag:s4] =	dma.local [hbm:s3], $0xF7A  }
0x26: {  	[smem:$0x3F83] =	sst s1;
	(tag) =	ssettag s2;
	_ =	strace s9  }
0x27: {  	s1 =	sld [smem:$0x3F93]  }
0x28: {  	s2 =	sld [smem:$0x3F94]  }
0x29: {  	s4 =	sld [smem:$0x3F96]  }
0x2a: {  	p0 =	seq.s32 s5, $0x0;
	s5 =	sld [smem:$0x3F97]  }
0x2b: {  	s6 =	sld [smem:$0x3F98]  }
0x2c: {  	s7 =	sld [smem:$0x3F99]  }
0x2d: {  	s3 =	simm.s32 $0x108;
	s8 =	sld [smem:$0x3F9A]  }
0x2e: {  	s3 =	simm.s32 @!p0 $0x1082;
	s9 =	sld [smem:$0x3F9B]  }
0x2f: {  	lr =	sadd.s32 s0, s3;
	s0 =	sld [smem:$0x3F92]  }
0x30: {  	s3 =	sld [smem:$0x3F95]  }
0x31: {  	[smem:$0x3F9E] =	sst s10  }
0x32: {  	s10 =	sld [smem:$0x3F9C];
	_ =	sdelay $0x3  }
0x33: {  	p0 =	seq.s32 s10, $0x1;
	s10 =	sld [smem:$0x3F9E];
	_ =	sdelay $0x3  }
0x34: {  	[smem:$0x3F9E] =	sst s10  }
0x35: {  	s10 =	sld [smem:$0x3F9D];
	_ =	sdelay $0x3  }
0x36: {  	p1 =	seq.s32 s10, $0x1;
	s10 =	sld [smem:$0x3F9E];
	_ =	sdelay $0x3  }
0x37: {  	[smem:$0x3F9E] =	sst s10  }
0x38: {  	s10 =	sld [smem:$0x3F9F]  }
0x39: {  	_ = 	snop;
	(pc) =	sbr.ind lr, $3  }
0x3a: {  	_ = 	snop  }
0x3b: {  	_ = 	snop  }
0x3c: {  	p2 =	seq.s32 s10, $0x1;
	s10 =	sld [smem:$0x3F9E]  }
0x3d: {  	_ =	shalt  }
0x3e: {  	_ =	shalt  }
0x3f: {  	_ =	shalt  }
0x40: {  	_ =	shalt  }
0x41: {  	_ =	shalt  }
0x42: {  	_ =	shalt  }
0x43: {  	_ =	shalt  }
0x44: {  	_ =	shalt  }
0x45: {  	_ =	shalt  }
0x46: {  	_ =	shalt  }
0x47: {  	_ =	shalt  }
0x48: {  	_ =	shalt  }
0x49: {  	_ =	shalt  }
0x4a: {  	_ =	shalt  }
0x4b: {  	_ =	shalt  }
0x4c: {  	_ =	shalt  }
0x4d: {  	_ =	shalt  }
0x4e: {  	_ =	shalt  }
0x4f: {  	_ =	shalt  }
0x50: {  	_ =	shalt  }
0x51: {  	_ =	shalt  }
0x52: {  	_ =	shalt  }
0x53: {  	_ =	shalt  }
0x54: {  	_ =	shalt  }
0x55: {  	_ =	shalt  }
0x56: {  	_ =	shalt  }
0x57: {  	_ =	shalt  }
0x58: {  	_ =	shalt  }
0x59: {  	_ =	shalt  }
0x5a: {  	_ =	shalt  }
0x5b: {  	_ =	shalt  }
0x5c: {  	_ =	shalt  }
0x5d: {  	_ =	shalt  }
0x5e: {  	_ =	shalt  }
0x5f: {  	_ =	shalt  }
0x60: {  	_ =	shalt  }
0x61: {  	_ =	shalt  }
0x62: {  	_ =	shalt  }
0x63: {  	_ =	shalt  }
0x64: {  	_ =	shalt  }
0x65: {  	_ =	shalt  }
0x66: {  	_ =	shalt  }
0x67: {  	_ =	shalt  }
0x68: {  	_ =	shalt  }
0x69: {  	_ =	shalt  }
0x6a: {  	_ =	shalt  }
0x6b: {  	_ =	shalt  }
0x6c: {  	_ =	shalt  }
0x6d: {  	_ =	shalt  }
0x6e: {  	_ =	shalt  }
0x6f: {  	_ =	shalt  }
0x70: {  	_ =	shalt  }
0x71: {  	_ =	shalt  }
0x72: {  	_ =	shalt  }
0x73: {  	_ =	shalt  }
0x74: {  	_ =	shalt  }
0x75: {  	_ =	shalt  }
0x76: {  	_ =	shalt  }
0x77: {  	_ =	shalt  }
0x78: {  	_ =	shalt  }
0x79: {  	_ =	shalt  }
0x7a: {  	_ =	shalt  }
0x7b: {  	_ =	shalt  }
0x7c: {  	_ =	shalt  }
0x7d: {  	_ =	shalt  }
0x7e: {  	_ =	shalt  }
0x7f: {  	_ =	shalt  }
0x80: {  	_ =	shalt  }
0x81: {  	_ =	shalt  }
0x82: {  	_ =	shalt  }
0x83: {  	_ =	shalt  }
0x84: {  	_ =	shalt  }
0x85: {  	_ =	shalt  }
0x86: {  	_ =	shalt  }
0x87: {  	_ =	shalt  }
.Lfunc_end0:
.L_simem_size_0:
called_computation.1_lowered:
.L_overlay_start_0:
0x88: {  	s2 =	sld [smem:$0x3FD9]  }
0x89: {  	s3 =	sld [smem:$0x3FFE];
	_ =	sdelay $0x1  }
0x8a: {  	s1 =	srdreg.scid  }
0x8b: {  	s0 =	sand.u32 $0x1, s1  }
0x8c: {  	s17 =	sshll.u32 s0, $0xA;
	s2 =	sadd.s32 s3, s2  }
0x8d: {  	s2 =	sadd.s32 s2, s17  }
0x8e: {  	[smem:$0x3FAA] =	sst s2  }
0x8f: {  	_ = 	snop  }
0x90: {  	s2 =	sld [smem:$0x3FD0];
	(tm) =	ssettm $0x1  }
0x91: {  	s18 =	sld [smem:$0x3FFB];
	_ =	sdelay $0x3  }
0x92: {  	_ =	strace s18  }
0x93: {  	s3 =	sld [smem:$0x3FFC];
	_ =	sdelay $0x3  }
0x94: {  	_ =	strace s3  }
0x95: {  	s3 =	sld [smem:$0x3FFD];
	_ =	sdelay $0x3  }
0x96: {  	_ =	strace s3  }
0x97: {  	_ =	strace $0x8FFFFFFF  }
0x98: {  	s19 =	sld [smem:$0x3FDB];
	_ =	sdelay $0x1  }
0x99: {  	s4 =	simm.s32 $_scs_section_size  }
0x9a: {  	s5 =	simm.s32 $_size__tile_overlayer_lowered;
	s6 =	simm.s32 $_tile_overlayer_lowered  }
0x9b: {  	s22 =	simm.s32 $0x1BFF;
	s21 =	sshll.u32 s6, $0x1;
	s3 =	sadd.s32 s4, s19  }
0x9c: {  	s7 =	simm.s32 $0x0;
	s20 =	sshll.u32 s5, $0x1;
	s5 =	sadd.s32 s21, s3  }
0x9d: {  	[timem:s7], [sflag:s22] =	dma.local [hbm:s5], s20  }
0x9e: {  	_ =	swait.ge [sflag:s22], s20  }
0x9f: {  	s4 =	ssub.s32 $0x0, s20;
	[sflag:s22] =	ssyncset.done $0x0  }
0xa0: {  	[sflag:s22] =	ssyncadd.s32 s4;
	_ =	sdelay $0x1  }
0xa1: {  	s23 =	simm.s32 $0x1B8B  }
0xa2: {  	_ =	swait.ge [sflag:s23], $0x1  }
0xa3: {  	[sflag:s23] =	ssyncset.done $0x0  }
0xa4: {  	s25 =	simm.s32 $0x1B8E;
	s24 =	sld [smem:$0x3FFE];
	[sflag:s23] =	ssyncadd.s32 $0xFFFFFFFF  }
0xa5: {  	s26 =	simm.s32 $execute0_lowered;
	[smem:$0x3FD2] =	sst s25  }
0xa6: {  	s5 =	sshll.u32 s26, $0x1;
	_ =	strace $0x80000052;
	[dreg:$0x1] =	wrdreg $0xFFFFFFFF  }
0xa7: {  	s28 =	simm.s32 $_size_execute0_lowered;
	s3 =	sadd.s32 s3, s5;
	[dreg:$0x0] =	wrdreg $0x0  }
0xa8: {  	s5 =	sshll.u32 s28, $0x1;
	[dreg:$0x2] =	wrdreg s3  }
0xa9: {  	[dreg:$0x3] =	wrdreg s5  }
0xaa: {  	[dreg:$0x4] =	wrdreg $0xC0  }
0xab: {  	_ =	task [dreg:s7], $0x5FFFF  }
0xac: {  	[dreg:$0x1] =	wrdreg $0xFFFFFFFF  }
0xad: {  	[dreg:$0x0] =	wrdreg $0x60  }
0xae: {  	[dreg:$0x2] =	wrdreg s24  }
0xaf: {  	[dreg:$0x3] =	wrdreg s2  }
0xb0: {  	[dreg:$0x4] =	wrdreg $0x0  }
0xb1: {  	[dreg:$0x5] =	wrdreg $0x9  }
0xb2: {  	_ =	task.clear_ibuf [dreg:s7], $0x6FFFF;
	_ =	strace $0x90000052  }
0xb3: {  	s29 =	simm.s32 $0x9;
	_ =	strace $0x8000005A  }
0xb4: {  	_ =	swait.ge [sflag:s29], $0x1  }
0xb5: {  	[sflag:s29] =	ssyncadd.s32 $0xFFFFFFFF  }
0xb6: {  	_ =	strace $0x9000005A  }
0xb7: {  	_ =	sfence  }
0xb8: {  	s30 =	sld [smem:$0x0];
	_ =	sdelay $0x2  }
0xb9: {  	s31 =	sshll.u32 s1, $0xD;
	s1 =	sshrl.u32 s1, $0x2  }
0xba: {  	s3 =	sand.u32 $0x4000, s31;
	s1 =	sadd.s32 s1, s30  }
0xbb: {  	s0 =	sor.u32 s3, s0;
	s1 =	sshll.u32 s1, $0x11  }
0xbc: {  	s0 =	sor.u32 s1, s0  }
0xbd: {  	s0 =	sadd.s32 $0x8F2B, s0  }
0xbe: {  	[sflag:s0] =	ssyncadd.remote.s32 $0x1  }
0xbf: {  	_ =	sfence.sel $0xFFFF  }
0xc0: {  	[dreg:$0x0] =	wrdreg $0xFFFFFFFF;
	(pc) =	sbr.abs _section_cstart, $3  }
0xc1: {  	[dreg:$0x1] =	wrdreg $0xFFFFFFFF  }
0xc2: {  	_ =	task.clear_ibuf [dreg:s7], $0x2FFFF;
	_ =	strace $0x9FFFFFFF  }
0xc3: {  	(tm) =	ssettm $0x7FFFFFFF  }
tec
execute0_lowered:
.L_overlay_start_1:
0x0: {  	(tag) =	ssettag $0x1  }
0x1: {  	s7 =	rddreg [dreg:$0x0]  }
0x2: {  	s1 =	rddreg [dreg:$0x1]  }
0x3: {  	s2 =	rddreg [dreg:$0x2]  }
0x4: {  	s3 =	simm.s32 $0x0;
	s4 =	srdreg.scid;
	s0 =	stileid.u32  }
0x5: {  	s17 =	simm.s32 $0x5;
	s18 =	simm.s32 $0x1;
	[smem:$0x7FF] =	sst s3  }
0x6: {  	s5 =	sadd.s32 $0x18DA00, s7;
	s6 =	sand.u32 $0x1, s4;
	s12 =	smul.u32 $0x4E20, s0  }
0x7: {  	s29 =	sshll.u32 s0, $0x6;
	_ =	strace $0x80000053;
	s8 =	smul.u32 $0x9C40, s6  }
0x8: {  	s9 =	sshll.u32 s6, $0x4;
	s10 =	ssub.s32 $0x2, s6;
	s6 =	sadd.s32 $0x41800, s7  }
0x9: {  	s9 =	sor.u32 s0, s9;
	s11 =	sshrl.u32 s10, $0x1;
	s30 =	sadd.s32 s12, s2  }
0xa: {  	s20 =	sshrl.u32 s12, $0x3;
	s13 =	smul.u32 $0x4E, s9;
	s15 =	ssub.s32 s10, s11  }
0xb: {  	s10 =	smul.u32 $0x4F, s9;
	p0 =	slt.u32 s9, $0x4;
	s9 =	simm.s32 $0x4F  }
0xc: {  	s14 =	sadd.s32 s8, s7;
	s8 =	sor.u32 $0x1C01, s29;
	s9 =	simm.s32 @!p0 $0x4E  }
0xd: {  	s19 =	sadd.s32 $0x2DC00, s14;
	s12 =	smax.u32 s15, $0x1;
	s14 =	simm.s32 $0x4E20  }
0xe: {  	s15 =	simm.s32 $0x6E20;
	s7 =	sadd.s32 $0x4, s13;
	s16 =	sadd.s32 $0xFFFFFFFF, s9  }
0xf: {  	s13 =	sshrl.u32 s30, $0x3;
	s19 =	sadd.s32 s20, s19;
	s7 =	smov.u32 @p0 s10  }
0x10: {  	s20 =	simm.s32 $0x0;
	s10 =	sshll.u32 s7, $0x9;
	s31 =	sshll.u32 s7, $0x4  }
0x11: {  	[dreg:$0x4] =	wrdreg s16;
	s10 =	sand.u32 $0x1FFFFE00, s10;
	s11 =	sadd.s32 s31, s6  }
0x12: {  	s16 =	simm.s32 $0x80;
	s10 =	sadd.s32 s5, s10;
	s11 =	sadd.s32 $0x9C40, s11  }
.LBB2_1:
0x13: {  	[spmem:s13], [sflag:s8] =	dma.local [hbm:s1], $0x9C4  }
0x14: {  	_ =	swait.ge [sflag:s18], $0x9C4  }
0x15: {  	[sflag:s18] =	ssyncset.done $0x0  }
0x16: {  	[sflag:s18] =	ssyncadd.s32 $0xFFFFF63C  }
0x17: {  	[bflag:$0x0] =	sbarrier.arrive $0xFFFF  }
0x18: {  	s23 =	simm.s32 $0x0;
	_ =	strace $0x80000054  }
0x19: {  	[tilespmem:s14], [sflag:$0x1] =	stream.linear.gather [hbm4b:s10+s3], $0x1000, $0x200038;
	[tilespmem:$0x6F20] =	vst v63  }
0x1a: {  	s21 =	simm.s32 $0x0;
	s24 =	simm.s32 $0x1;
	s22 =	simm.s32 $0x0  }
0x1b: {  	[tilespmem:s15], [sflag:$0x3] =	stream.linear.gather [hbm4b:s11+s3], $0x80, $0x200038;
	[tilespmem:$0x6F20] =	vst v63  }
0x1c: {  	s26 =	simm.s32 $0x1;
	s25 =	simm.s32 $0x0;
	_ =	strace $0x90000054  }
.LBB2_2:
0x1d: {  	s28 =	smov.u32 s23;
	s23 =	sadd.s32 $0x1, s23  }
0x1e: {  	p0 =	seq.s32 s23, s9  }
0x1f: {  	s23 =	simm.s32 @p0 $0x0  }
0x20: {  	p0 =	seq.s32 s28, s23  }
0x21: {  	s29 =	smov.u32 s26;
	s26 =	sadd.s32 @!p0 s7, s23  }
0x22: {  	s30 =	sand.u32 @!p0 $0x1, s29;
	_ =	strace @!p0 $0x80000055;
	s0 =	sshll.u32 @!p0 s26, $0x9  }
0x23: {  	s4 =	simm.s32 @!p0 $0x0;
	s31 =	sshll.u32 @!p0 s30, $0xC;
	s0 =	sand.u32 @!p0 $0x1FFFFE00, s0  }
0x24: {  	s30 =	sadd.s32 @!p0 $0x1, s30;
	s31 =	sor.u32 @!p0 $0x4E20, s31;
	s0 =	sadd.s32 @!p0 s5, s0  }
0x25: {  	[tilespmem:s31], [sflag:s30] =	stream.linear.gather @!p0 [hbm4b:s0+s4], $0x1000, $0x200038;
	[tilespmem:$0x6F20] =	vst v63  }
0x26: {  	s0 =	sshll.u32 @!p0 s26, $0x7  }
0x27: {  	s26 =	sand.u32 @!p0 $0x1, s24;
	_ =	strace @!p0 $0x90000055;
	s0 =	sadd.s32 @!p0 $0x4E200, s0  }
0x28: {  	s30 =	sshll.u32 @!p0 s26, $0x7;
	s26 =	sadd.s32 @!p0 $0x3, s26;
	s0 =	sshrl.u32 @!p0 s0, $0x3  }
0x29: {  	_ =	strace @!p0 $0x80000056;
	s30 =	sor.u32 @!p0 $0x6E20, s30;
	s0 =	sadd.s32 @!p0 s6, s0  }
0x2a: {  	[tilespmem:s30], [sflag:s26] =	stream.linear.gather @!p0 [hbm4b:s0+s4], $0x80, $0x200038;
	[tilespmem:$0x6F20] =	vst v63  }
0x2b: {  	s31 =	sand.u32 $0x1, s22;
	_ =	strace @!p0 $0x90000056  }
0x2c: {  	s0 =	sadd.s32 $0x1, s31;
	_ =	strace $0x80000057  }
0x2d: {  	_ =	swait.ge [sflag:s0], $0x1000  }
0x2e: {  	[sflag:s0] =	ssyncset.done $0x0  }
0x2f: {  	[sflag:s0] =	ssyncadd.s32 $0xFFFFF000  }
0x30: {  	s4 =	sand.u32 $0x1, s21;
	_ =	strace $0x90000057  }
0x31: {  	s0 =	sadd.s32 $0x3, s4;
	_ =	strace $0x80000058  }
0x32: {  	_ =	swait.ge [sflag:s0], $0x80  }
0x33: {  	[sflag:s0] =	ssyncset.done $0x0  }
0x34: {  	s26 =	sshll.u32 s22, $0xC;
	s30 =	sshll.u32 s21, $0x7;
	[sflag:s0] =	ssyncadd.s32 $0xFFFFFF80  }
0x35: {  	s4 =	sand.u32 $0x80, s30;
	s0 =	sand.u32 $0x1000, s26;
	_ =	strace $0x90000058  }
0x36: {  	s4 =	sor.u32 $0x6E20, s4;
	s0 =	sor.u32 $0x4E20, s0;
	_ =	strace $0x80000059  }
0x37: {  	[spmem:s2] =	stream.indirect.scatter.add.f32 [tilespmem:s0], [sflag:$0x5], $0x20, s4, s16, $0x2000b8;
	[tilespmem:$0x6F20] =	vst v63  }
0x38: {  	_ =	swait.ge [sflag:s17], $0x1000  }
0x39: {  	[sflag:s17] =	ssyncset.done $0x0  }
0x3a: {  	[sflag:s17] =	ssyncadd.s32 $0xFFFFF000  }
0x3b: {  	s25 =	sadd.s32 $0x1, s25;
	_ =	strace $0x90000059  }
0x3c: {  	s26 =	sadd.s32 @!p0 $0x1, s29;
	s4 =	simm.s32 @!p0 $0x1;
	s31 =	rddreg [dreg:$0x4]  }
0x3d: {  	s26 =	smov.u32 @p0 s29;
	s4 =	simm.s32 @p0 $0x0;
	p0 =	sne.s32 s31, s25  }
.Ltmp0:
0x3e: {  	_ = 	snop;
	(pc) =	sbr.rel @p0 .LBB2_2-.Ltmp0, $4  }
0x3f: {  	_ = 	snop  }
0x40: {  	p1 =	sne.s32 s28, s23;
	s28 =	simm.s32 $0x1  }
0x41: {  	s28 =	simm.s32 @!p1 $0x0  }
0x42: {  	s22 =	sadd.s32 s28, s22;
	s21 =	sadd.s32 s28, s21;
	s24 =	sadd.s32 s24, s4  }
0x43: {  	s0 =	sand.u32 $0x1, s22  }
0x44: {  	_ =	strace $0x80000057;
	s0 =	sadd.s32 $0x1, s0  }
0x45: {  	_ =	swait.ge [sflag:s0], $0x1000  }
0x46: {  	[sflag:s0] =	ssyncset.done $0x0  }
0x47: {  	[sflag:s0] =	ssyncadd.s32 $0xFFFFF000  }
0x48: {  	s30 =	sand.u32 $0x1, s21;
	_ =	strace $0x90000057  }
0x49: {  	s0 =	sadd.s32 $0x3, s30;
	_ =	strace $0x80000058  }
0x4a: {  	_ =	swait.ge [sflag:s0], $0x80  }
0x4b: {  	[sflag:s0] =	ssyncset.done $0x0  }
0x4c: {  	s31 =	sshll.u32 s22, $0xC;
	s4 =	sshll.u32 s21, $0x7;
	[sflag:s0] =	ssyncadd.s32 $0xFFFFFF80  }
0x4d: {  	s4 =	sand.u32 $0x80, s4;
	s0 =	sand.u32 $0x1000, s31;
	_ =	strace $0x90000058  }
0x4e: {  	s4 =	sor.u32 $0x6E20, s4;
	s0 =	sor.u32 $0x4E20, s0;
	_ =	strace $0x80000059  }
0x4f: {  	[spmem:s2] =	stream.indirect.scatter.add.f32 [tilespmem:s0], [sflag:$0x5], $0x20, s4, s16, $0x2000b8;
	[tilespmem:$0x6F20] =	vst v63  }
0x50: {  	_ =	swait.ge [sflag:s17], $0x1000  }
0x51: {  	[sflag:s17] =	ssyncset.done $0x0  }
0x52: {  	s20 =	sadd.s32 $0x1, s20;
	[sflag:s17] =	ssyncadd.s32 $0xFFFFF000  }
0x53: {  	p0 =	sne.s32 s20, s12;
	_ =	strace $0x90000059  }
.Ltmp1:
0x54: {  	[bflag:$0x0] =	sbarrier.arrive $0xFFFF;
	(pc) =	sbr.rel @p0 .LBB2_1-.Ltmp1, $4  }
0x55: {  	[hbm:s19], [sflag:s8] =	dma.local [spmem:s13], $0x9C4  }
0x56: {  	_ =	swait.ge [sflag:s18], $0x9C4  }
0x57: {  	[sflag:s18] =	ssyncset.done $0x0  }
0x58: {  	[sflag:s18] =	ssyncadd.s32 $0xFFFFF63C  }
0x59: {  	_ =	sfence.sel $0x180000  }
0x5a: {  	[bflag:$0x0] =	sbarrier.arrive $0xFFFF  }
0x5b: {  	_ =	strace $0x90000053  }
0x5c: {  	s0 =	stileid.u32;
	[bflag:$0x2] =	sbarrier.arrive $0xFFFF  }
0x5d: {  	p0 =	sne.s32 s0, $0x0;
	s0 =	rddreg [dreg:$0x3]  }
0x5e: {  	s0 =	sadd.s32 @!p0 $0x100000, s0  }
0x5f: {  	[sflag:s0] =	ssyncadd.tile.s32 @!p0 $0x1;
	_ =	shalt  }
.Lfunc_end2:
_tile_overlayer_lowered:
.L_overlay_start_2:
0x60: {  	(tag) =	ssettag $0x2  }
0x61: {  	s0 =	rddreg [dreg:$0x0];
	s2 =	stileid.u32  }
0x62: {  	s1 =	rddreg [dreg:$0x1];
	p0 =	sne.s32 s2, $0x0  }
0x63: {  	s3 =	rddreg [dreg:$0x2];
	[bflag:$0x3] =	sbarrier.arrive $0xFFFF;
	s2 =	simm.s32 @!p0 $0x1C01  }
0x64: {  	[timem:s3], [sflag:s2] =	dma.local @!p0 [hbm:s0], s1  }
0x65: {  	s0 =	simm.s32 @!p0 $0x1  }
0x66: {  	_ =	swait.ge @!p0 [sflag:s0], s1  }
0x67: {  	s1 =	ssub.s32 @!p0 $0x0, s1;
	[sflag:s0] =	ssyncset.done @!p0 $0x0  }
0x68: {  	[sflag:s0] =	ssyncadd.s32 @!p0 s1  }
0x69: {  	[bflag:$0x3] =	sbarrier.arrive $0xFFFF  }
0x6a: {  	_ =	shalt  }

// kernel: kernel.18.cloned.1.call-start
scs
__scs_entry_jumppad:
0x0: {  	(pc) =	sbr.rel $0x88, $3  }
0x1: {  	(tag) =	ssettag $0x0;
	lr =	simm.s32 $0x1  }
0x2: {  	[smem:$0x3F83] =	sst lr;
	_ =	strace $0xD0000000  }
0x3: {  	_ = 	snop  }
0x4: {  	_ = 	snop  }
0x5: {  	_ = 	snop  }
0x6: {  	_ = 	snop  }
0x7: {  	_ = 	snop  }
__scs_overlays_trampoline_lowered:
0x8: {  	[smem:$0x3F92] =	sst s0  }
0x9: {  	[smem:$0x3F93] =	sst s1  }
0xa: {  	[smem:$0x3F94] =	sst s2  }
0xb: {  	[smem:$0x3F95] =	sst s3  }
0xc: {  	[smem:$0x3F96] =	sst s4  }
0xd: {  	[smem:$0x3F97] =	sst s5  }
0xe: {  	[smem:$0x3F98] =	sst s6  }
0xf: {  	[smem:$0x3F99] =	sst s7  }
0x10: {  	[smem:$0x3F9A] =	sst s8  }
0x11: {  	[smem:$0x3F9B] =	sst s9;
	s0 =	simm.s32 @!p0 $0x0  }
0x12: {  	s1 =	sld [smem:$0x3F81];
	s0 =	simm.s32 @p0 $0x1  }
0x13: {  	[smem:$0x3F9C] =	sst s0;
	s0 =	simm.s32 @!p1 $0x0  }
0x14: {  	s2 =	sld [smem:$0x3F80];
	s0 =	simm.s32 @p1 $0x1  }
0x15: {  	[smem:$0x3F9D] =	sst s0;
	s0 =	simm.s32 @!p2 $0x0  }
0x16: {  	s3 =	sld [smem:$0x3FDB];
	s0 =	simm.s32 @p2 $0x1  }
0x17: {  	s4 =	simm.s32 $0x1BF5;
	[smem:$0x3F9F] =	sst s0  }
0x18: {  	s0 =	sld [smem:$0x3F82];
	_ =	swait.ge [sflag:s4], $0x0  }
0x19: {  	s7 =	sld [smem:$0x3F83]  }
0x1a: {  	s8 =	sadd.s32 $0xFFFFE003, lr  }
0x1b: {  	s9 =	sadd.s32 $0xFFFFFEF7, lr;
	s5 =	simm.s32 $0xFFFFFFFF;
	p2 =	slt.u32 s8, $0xFFFFF086  }
0x1c: {  	p1 =	slt.u32 s9, $0xF7A;
	s5 =	simm.s32 @!p2 $0x0  }
0x1d: {  	s5 =	simm.s32 @p1 $0x1;
	p0 =	seq.s32 s7, s2  }
0x1e: {  	s7 =	smul.u32 @!p0 $0xF7A, s2;
	p2 =	seq.s32 @!p0 s5, $0x0  }
0x1f: {  	s9 =	smul.u32 $0xF7A, s1;
	s8 =	simm.s32 @!p0 $0x1BF5;
	p2 =	por !p2, p0  }
0x20: {  	[sflag:s8] =	ssyncset.s32 @!p0 $0xFFFFF086;
	s6 =	sadd.s32 @!p0 s3, s7;
	s7 =	simm.s32 @!p0 $0x108  }
0x21: {  	s3 =	sadd.s32 s3, s9;
	s6 =	sadd.s32 @!p0 $0x88, s6;
	s7 =	simm.s32 @p2 $0x1082  }
0x22: {  	[simem:s7], [sflag:s8] =	dma.local @!p0 [hbm:s6], $0xF7A  }
0x23: {  	s9 =	sor.u32 $0xD0000000, s2;
	s6 =	simm.s32 $0x108;
	_ =	swait.ge @!p0 [sflag:s8], $0x0  }
0x24: {  	s3 =	sadd.s32 $0x88, s3;
	s6 =	simm.s32 @!p1 $0x1082;
	[sflag:s4] =	ssyncset.s32 $0xFFFFF086  }
0x25: {  	[simem:s6], [sflag:s4] =	dma.local [hbm:s3], $0xF7A  }
0x26: {  	[smem:$0x3F83] =	sst s1;
	(tag) =	ssettag s2;
	_ =	strace s9  }
0x27: {  	s1 =	sld [smem:$0x3F93]  }
0x28: {  	s2 =	sld [smem:$0x3F94]  }
0x29: {  	s4 =	sld [smem:$0x3F96]  }
0x2a: {  	p0 =	seq.s32 s5, $0x0;
	s5 =	sld [smem:$0x3F97]  }
0x2b: {  	s6 =	sld [smem:$0x3F98]  }
0x2c: {  	s7 =	sld [smem:$0x3F99]  }
0x2d: {  	s3 =	simm.s32 $0x108;
	s8 =	sld [smem:$0x3F9A]  }
0x2e: {  	s3 =	simm.s32 @!p0 $0x1082;
	s9 =	sld [smem:$0x3F9B]  }
0x2f: {  	lr =	sadd.s32 s0, s3;
	s0 =	sld [smem:$0x3F92]  }
0x30: {  	s3 =	sld [smem:$0x3F95]  }
0x31: {  	[smem:$0x3F9E] =	sst s10  }
0x32: {  	s10 =	sld [smem:$0x3F9C];
	_ =	sdelay $0x3  }
0x33: {  	p0 =	seq.s32 s10, $0x1;
	s10 =	sld [smem:$0x3F9E];
	_ =	sdelay $0x3  }
0x34: {  	[smem:$0x3F9E] =	sst s10  }
0x35: {  	s10 =	sld [smem:$0x3F9D];
	_ =	sdelay $0x3  }
0x36: {  	p1 =	seq.s32 s10, $0x1;
	s10 =	sld [smem:$0x3F9E];
	_ =	sdelay $0x3  }
0x37: {  	[smem:$0x3F9E] =	sst s10  }
0x38: {  	s10 =	sld [smem:$0x3F9F]  }
0x39: {  	_ = 	snop;
	(pc) =	sbr.ind lr, $3  }
0x3a: {  	_ = 	snop  }
0x3b: {  	_ = 	snop  }
0x3c: {  	p2 =	seq.s32 s10, $0x1;
	s10 =	sld [smem:$0x3F9E]  }
0x3d: {  	_ =	shalt  }
0x3e: {  	_ =	shalt  }
0x3f: {  	_ =	shalt  }
0x40: {  	_ =	shalt  }
0x41: {  	_ =	shalt  }
0x42: {  	_ =	shalt  }
0x43: {  	_ =	shalt  }
0x44: {  	_ =	shalt  }
0x45: {  	_ =	shalt  }
0x46: {  	_ =	shalt  }
0x47: {  	_ =	shalt  }
0x48: {  	_ =	shalt  }
0x49: {  	_ =	shalt  }
0x4a: {  	_ =	shalt  }
0x4b: {  	_ =	shalt  }
0x4c: {  	_ =	shalt  }
0x4d: {  	_ =	shalt  }
0x4e: {  	_ =	shalt  }
0x4f: {  	_ =	shalt  }
0x50: {  	_ =	shalt  }
0x51: {  	_ =	shalt  }
0x52: {  	_ =	shalt  }
0x53: {  	_ =	shalt  }
0x54: {  	_ =	shalt  }
0x55: {  	_ =	shalt  }
0x56: {  	_ =	shalt  }
0x57: {  	_ =	shalt  }
0x58: {  	_ =	shalt  }
0x59: {  	_ =	shalt  }
0x5a: {  	_ =	shalt  }
0x5b: {  	_ =	shalt  }
0x5c: {  	_ =	shalt  }
0x5d: {  	_ =	shalt  }
0x5e: {  	_ =	shalt  }
0x5f: {  	_ =	shalt  }
0x60: {  	_ =	shalt  }
0x61: {  	_ =	shalt  }
0x62: {  	_ =	shalt  }
0x63: {  	_ =	shalt  }
0x64: {  	_ =	shalt  }
0x65: {  	_ =	shalt  }
0x66: {  	_ =	shalt  }
0x67: {  	_ =	shalt  }
0x68: {  	_ =	shalt  }
0x69: {  	_ =	shalt  }
0x6a: {  	_ =	shalt  }
0x6b: {  	_ =	shalt  }
0x6c: {  	_ =	shalt  }
0x6d: {  	_ =	shalt  }
0x6e: {  	_ =	shalt  }
0x6f: {  	_ =	shalt  }
0x70: {  	_ =	shalt  }
0x71: {  	_ =	shalt  }
0x72: {  	_ =	shalt  }
0x73: {  	_ =	shalt  }
0x74: {  	_ =	shalt  }
0x75: {  	_ =	shalt  }
0x76: {  	_ =	shalt  }
0x77: {  	_ =	shalt  }
0x78: {  	_ =	shalt  }
0x79: {  	_ =	shalt  }
0x7a: {  	_ =	shalt  }
0x7b: {  	_ =	shalt  }
0x7c: {  	_ =	shalt  }
0x7d: {  	_ =	shalt  }
0x7e: {  	_ =	shalt  }
0x7f: {  	_ =	shalt  }
0x80: {  	_ =	shalt  }
0x81: {  	_ =	shalt  }
0x82: {  	_ =	shalt  }
0x83: {  	_ =	shalt  }
0x84: {  	_ =	shalt  }
0x85: {  	_ =	shalt  }
0x86: {  	_ =	shalt  }
0x87: {  	_ =	shalt  }
.Lfunc_end0:
.L_simem_size_0:
called_computation.2_lowered:
.L_overlay_start_0:
0x88: {  	s2 =	sld [smem:$0x3FD9]  }
0x89: {  	s3 =	sld [smem:$0x3FFE];
	_ =	sdelay $0x1  }
0x8a: {  	s1 =	srdreg.scid  }
0x8b: {  	s0 =	sand.u32 $0x1, s1  }
0x8c: {  	s16 =	sshll.u32 s0, $0xA;
	s2 =	sadd.s32 s3, s2  }
0x8d: {  	s2 =	sadd.s32 s2, s16  }
0x8e: {  	[smem:$0x3FAA] =	sst s2  }
0x8f: {  	_ = 	snop  }
0x90: {  	(tm) =	ssettm $0x1  }
0x91: {  	s17 =	sld [smem:$0x3FFB];
	_ =	sdelay $0x3  }
0x92: {  	_ =	strace s17  }
0x93: {  	s2 =	sld [smem:$0x3FFC];
	_ =	sdelay $0x3  }
0x94: {  	_ =	strace s2  }
0x95: {  	s2 =	sld [smem:$0x3FFD];
	_ =	sdelay $0x3  }
0x96: {  	_ =	strace s2  }
0x97: {  	_ =	strace $0x8FFFFFFF  }
0x98: {  	s18 =	sld [smem:$0x3FDB];
	_ =	sdelay $0x1  }
0x99: {  	s19 =	simm.s32 $_scs_section_size  }
0x9a: {  	s4 =	simm.s32 $_size__tile_overlayer_lowered;
	s5 =	simm.s32 $_tile_overlayer_lowered  }
0x9b: {  	s22 =	simm.s32 $0x1BFF;
	s21 =	sshll.u32 s5, $0x1;
	s2 =	sadd.s32 s19, s18  }
0x9c: {  	s6 =	simm.s32 $0x0;
	s20 =	sshll.u32 s4, $0x1;
	s4 =	sadd.s32 s21, s2  }
0x9d: {  	[timem:s6], [sflag:s22] =	dma.local [hbm:s4], s20  }
0x9e: {  	_ =	swait.ge [sflag:s22], s20  }
0x9f: {  	s3 =	ssub.s32 $0x0, s20;
	[sflag:s22] =	ssyncset.done $0x0  }
0xa0: {  	[sflag:s22] =	ssyncadd.s32 s3;
	_ =	sdelay $0x1  }
0xa1: {  	s23 =	simm.s32 $0x1B8B  }
0xa2: {  	_ =	swait.ge [sflag:s23], $0x1  }
0xa3: {  	[sflag:s23] =	ssyncset.done $0x0  }
0xa4: {  	s25 =	simm.s32 $0x1B8E;
	s24 =	sld [smem:$0x3FFE];
	[sflag:s23] =	ssyncadd.s32 $0xFFFFFFFF  }
0xa5: {  	s26 =	simm.s32 $execute0_lowered;
	[smem:$0x3FD2] =	sst s25  }
0xa6: {  	s4 =	sshll.u32 s26, $0x1;
	_ =	strace $0x8000005B;
	[dreg:$0x1] =	wrdreg $0xFFFFFFFF  }
0xa7: {  	s28 =	simm.s32 $_size_execute0_lowered;
	s2 =	sadd.s32 s2, s4;
	[dreg:$0x0] =	wrdreg $0x0  }
0xa8: {  	s4 =	sshll.u32 s28, $0x1;
	[dreg:$0x2] =	wrdreg s2  }
0xa9: {  	[dreg:$0x3] =	wrdreg s4  }
0xaa: {  	[dreg:$0x4] =	wrdreg $0xC0  }
0xab: {  	_ =	task [dreg:s6], $0x5FFFF  }
0xac: {  	[dreg:$0x1] =	wrdreg $0xFFFFFFFF  }
0xad: {  	[dreg:$0x0] =	wrdreg $0x60  }
0xae: {  	[dreg:$0x2] =	wrdreg s24  }
0xaf: {  	[dreg:$0x3] =	wrdreg $0x0  }
0xb0: {  	[dreg:$0x4] =	wrdreg $0x4E200  }
0xb1: {  	[dreg:$0x5] =	wrdreg $0x9  }
0xb2: {  	_ =	task.clear_ibuf [dreg:s6], $0x6FFFF;
	_ =	strace $0x9000005B  }
0xb3: {  	s29 =	simm.s32 $0x9;
	_ =	strace $0x80000066  }
0xb4: {  	_ =	swait.ge [sflag:s29], $0x1  }
0xb5: {  	[sflag:s29] =	ssyncadd.s32 $0xFFFFFFFF  }
0xb6: {  	_ =	strace $0x90000066  }
0xb7: {  	_ =	sfence  }
0xb8: {  	s30 =	sld [smem:$0x0];
	_ =	sdelay $0x2  }
0xb9: {  	s31 =	sshll.u32 s1, $0xD;
	s1 =	sshrl.u32 s1, $0x2  }
0xba: {  	s3 =	sand.u32 $0x4000, s31;
	s1 =	sadd.s32 s1, s30  }
0xbb: {  	s0 =	sor.u32 s3, s0;
	s1 =	sshll.u32 s1, $0x11  }
0xbc: {  	s0 =	sor.u32 s1, s0  }
0xbd: {  	s0 =	sadd.s32 $0x8F2B, s0  }
0xbe: {  	[sflag:s0] =	ssyncadd.remote.s32 $0x1  }
0xbf: {  	_ =	sfence.sel $0xFFFF  }
0xc0: {  	[dreg:$0x0] =	wrdreg $0xFFFFFFFF;
	(pc) =	sbr.abs _section_cstart, $3  }
0xc1: {  	[dreg:$0x1] =	wrdreg $0xFFFFFFFF  }
0xc2: {  	_ =	task.clear_ibuf [dreg:s6], $0x2FFFF;
	_ =	strace $0x9FFFFFFF  }
0xc3: {  	(tm) =	ssettm $0x7FFFFFFF  }
tec
execute0_lowered:
.L_overlay_start_1:
0x0: {  	(tag) =	ssettag $0x1  }
0x1: {  	s0 =	rddreg [dreg:$0x0]  }
0x2: {  	s19 =	rddreg [dreg:$0x1];
	s2 =	stileid.u32  }
0x3: {  	s3 =	rddreg [dreg:$0x2];
	s16 =	simm.s32 $0x0;
	s4 =	srdreg.scid  }
0x4: {  	s13 =	simm.s32 $0x4F;
	s21 =	simm.s32 $0x7;
	s1 =	smul.u32 $0x4E20, s2  }
0x5: {  	[smem:$0x7FF] =	sst s16;
	s4 =	sand.u32 $0x1, s4;
	s22 =	sadd.s32 $0x41800, s0  }
0x6: {  	s26 =	sshll.u32 s2, $0x6;
	_ =	strace $0x8000005C;
	s6 =	sshll.u32 s4, $0x4  }
0x7: {  	s4 =	ssub.s32 $0x2, s4;
	[dreg:$0x5] =	wrdreg s22;
	s5 =	sshrl.u32 s1, $0x3  }
0x8: {  	s6 =	sor.u32 s2, s6;
	s8 =	sshrl.u32 s4, $0x1;
	s24 =	sadd.s32 s1, s19  }
0x9: {  	s2 =	sor.u32 $0x1C01, s26;
	s7 =	sadd.s32 s5, s0;
	s5 =	smov.u32 s3  }
0xa: {  	s0 =	sadd.s32 $0x55200, s0;
	s9 =	smul.u32 $0x4E, s6;
	s23 =	ssub.s32 s4, s8  }
0xb: {  	s4 =	smul.u32 $0x4F, s6;
	p0 =	slt.u32 s6, $0x4;
	[dreg:$0x8] =	wrdreg s2  }
0xc: {  	s30 =	sshrl.u32 s24, $0x3;
	s3 =	simm.s32 $0x1;
	[dreg:$0x4] =	wrdreg s0  }
0xd: {  	s25 =	sadd.s32 $0x6A00, s7;
	s1 =	sadd.s32 s1, s5;
	[dreg:$0xd] =	wrdreg s30  }
0xe: {  	s29 =	sadd.s32 $0x10800, s7;
	s6 =	sadd.s32 $0x4, s9;
	[dreg:$0x7] =	wrdreg s25  }
0xf: {  	s0 =	smax.u32 s23, $0x1;
	[dreg:$0xa] =	wrdreg s29;
	s6 =	smov.u32 @p0 s4  }
0x10: {  	[dreg:$0xc] =	wrdreg s0;
	s31 =	sshrl.u32 s1, $0x3;
	s4 =	sshll.u32 s6, $0x4  }
0x11: {  	s24 =	simm.s32 $0x0;
	[dreg:$0xe] =	wrdreg s31;
	s28 =	sadd.s32 s22, s4  }
0x12: {  	s13 =	simm.s32 @!p0 $0x4E;
	[dreg:$0x9] =	wrdreg s28;
	s2 =	sadd.s32 $0x9C40, s28  }
0x13: {  	s20 =	sadd.s32 $0xFFFFFFFF, s13;
	s9 =	simm.s32 $0x80;
	[dreg:$0xb] =	wrdreg s2  }
.LBB2_1:
0x14: {  	s0 =	rddreg [dreg:$0x7]  }
0x15: {  	s1 =	rddreg [dreg:$0x8]  }
0x16: {  	s2 =	rddreg [dreg:$0xd]  }
0x17: {  	[spmem:s2], [sflag:s1] =	dma.local [hbm:s0], $0x9C4  }
0x18: {  	_ =	swait.ge [sflag:s3], $0x9C4  }
0x19: {  	[sflag:s3] =	ssyncset.done $0x0;
	s25 =	rddreg [dreg:$0xa]  }
0x1a: {  	s26 =	rddreg [dreg:$0xe];
	[sflag:s3] =	ssyncadd.s32 $0xFFFFF63C  }
0x1b: {  	[spmem:s26], [sflag:s1] =	dma.local [hbm:s25], $0x9C4  }
0x1c: {  	s29 =	simm.s32 $0x9C40;
	s31 =	simm.s32 $0x9D40;
	_ =	swait.ge [sflag:s3], $0x9C4  }
0x1d: {  	p0 =	seq.s32 s13, $0x1;
	s12 =	simm.s32 $0x1;
	[sflag:s3] =	ssyncset.done $0x0  }
0x1e: {  	p1 =	sne.s32 s13, $0x1;
	p2 =	por $0x1, $0x1;
	[sflag:s3] =	ssyncadd.s32 $0xFFFFF63C  }
0x1f: {  	p3 =	seq.s32 s20, $0x0;
	s12 =	simm.s32 @p0 $0x0;
	[bflag:$0x0] =	sbarrier.arrive $0xFFFF  }
0x20: {  	s0 =	sadd.s32 $0x0, s6;
	p0 =	sne.s32 s12, $0x0;
	_ =	strace $0x8000005D  }
.Ltmp0:
0x21: {  	p4 =	por p3, p0;
	s28 =	rddreg [dreg:$0x9];
	(pc) =	sbr.rel @!p1 .LBB2_2-.Ltmp0, $4  }
0x22: {  	[tilespmem:s29], [sflag:$0x1] =	stream.linear.gather [hbm4b:s28+s16], $0x80, $0x200038;
	[tilespmem:$0xBE40] =	vst v63  }
0x23: {  	s17 =	simm.s32 $0x1;
	s8 =	sshll.u32 @p4 s0, $0x9;
	s30 =	rddreg [dreg:$0xb]  }
0x24: {  	[tilespmem:s31], [sflag:$0x3] =	stream.linear.gather [hbm4b:s30+s16], $0x80, $0x200038;
	[tilespmem:$0xBE40] =	vst v63  }
0x25: {  	s17 =	simm.s32 @!p4 $0x0;
	s25 =	simm.s32 $0x1;
	_ =	strace $0x9000005D  }
0x26: {  	[dreg:$0xf] =	wrdreg s24;
	s7 =	simm.s32 $0x2  }
0x27: {  	p1 =	por p2, p2;
	p2 =	sle.u32 s20, $0x0;
	s0 =	simm.s32 $0x0  }
0x28: {  	p0 =	sne.s32 s13, $0x2;
	p6 =	por p4, p4;
	s11 =	sand.u32 $0x1, s16  }
0x29: {  	s31 =	simm.s32 $0x1;
	s29 =	simm.s32 $0x0;
	s28 =	simm.s32 $0x0  }
0x2a: {  	s18 =	sand.u32 @!p1 $0x1, s16;
	p5 =	seq.s32 @!p2 s12, $0x0;
	s2 =	sand.u32 $0x80, s0  }
0x2b: {  	s16 =	simm.s32 $0x0;
	s26 =	sand.u32 $0x80, s0;
	s0 =	sadd.s32 $0x1, s12  }
0x2c: {  	p3 =	por p5, p2;
	p4 =	por !p5, p2;
	p5 =	por $0x0, $0x0  }
0x2d: {  	s1 =	sadd.s32 @!p3 s6, s12;
	s4 =	sand.u32 @!p3 $0x1, s3;
	s21 =	simm.s32 @!p3 $0x0  }
0x2e: {  	s16 =	simm.s32 @p4 $0x1;
	_ =	strace @!p3 $0x8000005E;
	s10 =	sshll.u32 @!p3 s1, $0x4  }
0x2f: {  	s14 =	sshll.u32 @!p3 s4, $0x7;
	s1 =	sshll.u32 @!p3 s1, $0x7;
	s24 =	sadd.s32 @!p3 $0x3, s4  }
0x30: {  	s16 =	simm.s32 @p2 $0x0;
	s4 =	sadd.s32 @!p3 $0x1, s4;
	s10 =	sand.u32 @!p3 $0x1FFFFFF0, s10  }
0x31: {  	s15 =	sor.u32 @!p3 $0x9C40, s14;
	s1 =	sadd.s32 @!p3 $0x4E200, s1;
	s14 =	sor.u32 @!p3 $0x9D40, s14  }
0x32: {  	s30 =	sadd.s32 $0x1, s16;
	s10 =	sadd.s32 @!p3 s22, s10;
	s1 =	sshrl.u32 @!p3 s1, $0x3  }
0x33: {  	[tilespmem:s15], [sflag:s4] =	stream.linear.gather @!p3 [hbm4b:s10+s21], $0x80, $0x200038;
	[tilespmem:$0xBE40] =	vst v63  }
0x34: {  	s4 =	simm.s32 @!p3 $0x2;
	s1 =	sadd.s32 @!p3 s22, s1;
	s15 =	sshll.u32 s11, $0xC  }
0x35: {  	s10 =	sor.u32 $0x9C40, s26;
	s26 =	simm.s32 $0x0;
	_ =	strace @!p3 $0x9000005E  }
0x36: {  	s31 =	smov.u32 @p4 s4;
	s4 =	sadd.s32 $0x3, s11;
	_ =	strace @!p3 $0x8000005F  }
0x37: {  	[tilespmem:s14], [sflag:s24] =	stream.linear.gather @!p3 [hbm4b:s1+s21], $0x80, $0x200038;
	[tilespmem:$0xBE40] =	vst v63  }
0x38: {  	p4 =	seq.s32 s20, $0x1;
	s31 =	smov.u32 @p2 s3;
	_ =	strace @!p3 $0x9000005F  }
0x39: {  	p2 =	por $0x0, $0x0;
	s24 =	sadd.s32 $0x1, s11;
	_ =	strace $0x80000060  }
0x3a: {  	s1 =	sadd.s32 s6, s12;
	p3 =	seq.s32 s0, s13;
	_ =	swait.ge [sflag:s24], $0x80  }
0x3b: {  	s21 =	simm.s32 $0x1;
	s0 =	simm.s32 @p3 $0x0;
	[sflag:s24] =	ssyncset.done $0x0  }
.Ltmp1:
0x3c: {  	p3 =	sne.s32 s12, s0;
	[sflag:s24] =	ssyncadd.s32 $0xFFFFFF80;
	(pc) =	sbr.rel @!p0 .LBB2_4-.Ltmp1, $4  }
0x3d: {  	p4 =	por p4, p3;
	p3 =	por $0x1, $0x1;
	_ =	strace $0x90000060  }
0x3e: {  	s24 =	sshll.u32 @p4 s1, $0x9;
	s1 =	simm.s32 @!p3 $0x0;
	_ =	strace $0x80000061  }
0x3f: {  	s21 =	simm.s32 @!p4 $0x0;
	s1 =	simm.s32 @p3 $0x1;
	_ =	swait.ge [sflag:s4], $0x80  }
0x40: {  	[sflag:s4] =	ssyncset.done $0x0;
	[smem:$0x7FD] =	sst s1;
	s1 =	simm.s32 $0x0  }
.LBB2_5:
0x41: {  	s16 =	smov.u32 s31  }
0x42: {  	[sflag:s4] =	ssyncadd.s32 $0xFFFFFF80;
	s4 =	simm.s32 $0x1;
	s14 =	smov.u32 s25  }
0x43: {  	s25 =	smov.u32 s7;
	s7 =	sadd.s32 $0x1, s7;
	s22 =	smov.u32 s8  }
0x44: {  	s3 =	sor.u32 $0x9D40, s2;
	s2 =	sadd.s32 $0x9E40, s15;
	s29 =	sadd.s32 s17, s29  }
0x45: {  	s4 =	simm.s32 @!p5 $0x0;
	p5 =	por p1, p1;
	p1 =	por p2, p2  }
0x46: {  	p2 =	por p6, p6;
	_ =	strace $0x90000061;
	s23 =	sshll.u32 s29, $0x7  }
0x47: {  	p0 =	sne.s32 s13, s7;
	p6 =	por p4, p4;
	s26 =	sadd.s32 s4, s26  }
0x48: {  	_ =	strace $0x80000062;
	s8 =	simm.s32 @!p0 $0x0;
	s4 =	sand.u32 $0x80, s23  }
0x49: {  	[tilespmem:s2], [sflag:$0x7] =	stream.indirect.gather [spmem:s19], $0x20, s3, s9, $0x2000b8;
	[tilespmem:$0xBE40] =	vst v63  }
0x4a: {  	s23 =	smov.u32 s24;
	s18 =	sadd.s32 @!p5 $0x5, s18;
	s3 =	simm.s32 $0x7  }
0x4b: {  	s8 =	simm.s32 @p0 $0x1;
	p0 =	sge.u32 s14, s20;
	_ =	swait.ge [sflag:s3], $0x1000  }
0x4c: {  	[dreg:$0x6] =	wrdreg s4;
	p3 =	seq.s32 @!p0 s12, s0;
	[sflag:s3] =	ssyncset.done $0x0  }
0x4d: {  	[smem:$0x7FC] =	sst s8;
	s8 =	smov.u32 s17;
	[sflag:s3] =	ssyncadd.s32 $0xFFFFF000  }
0x4e: {  	[tilespmem:s2], [sflag:$0x7] =	stream.indirect.gather.add.f32 [spmem:s5], $0x20, s10, s9, $0x2000b8;
	[tilespmem:$0xBE40] =	vst v63  }
0x4f: {  	s17 =	smov.u32 s21;
	p4 =	por p3, p0;
	_ =	swait.ge [sflag:s3], $0x1000  }
0x50: {  	p3 =	por !p3, p0;
	s28 =	sadd.s32 s8, s28;
	[sflag:s3] =	ssyncset.done $0x0  }
0x51: {  	s1 =	sadd.s32 s8, s1;
	s21 =	sadd.s32 @!p4 s6, s0;
	[sflag:s3] =	ssyncadd.s32 $0xFFFFF000  }
0x52: {  	s10 =	sadd.s32 @p2 $0x5, s11;
	s11 =	sand.u32 @p2 $0x1FFFFE00, s22;
	_ =	strace $0x90000062  }
0x53: {  	s22 =	sand.u32 @!p4 $0x1, s31;
	s24 =	sshll.u32 @!p4 s21, $0x4;
	_ =	strace @p2 $0x80000063  }
0x54: {  	s9 =	smov.u32 s20;
	s20 =	smov.u32 s13;
	s12 =	rddreg [dreg:$0x4]  }
0x55: {  	s13 =	smov.u32 s6;
	s3 =	simm.s32 @p2 $0x0;
	s11 =	sadd.s32 @p2 s12, s11  }
0x56: {  	[hbm4b:s11+s3] =	stream.linear.scatter @p2 [tilespmem:s2], [sflag:s10], $0x1000, $0x200038;
	[tilespmem:$0xBE40] =	vst v63  }
0x57: {  	s6 =	smov.u32 s5;
	s8 =	rddreg [dreg:$0x5];
	_ =	strace @p2 $0x90000063  }
0x58: {  	s5 =	smov.u32 s19;
	s19 =	sshll.u32 @!p4 s22, $0x7;
	_ =	strace @!p5 $0x80000064  }
0x59: {  	s24 =	sand.u32 @!p4 $0x1FFFFFF0, s24;
	s22 =	sadd.s32 @!p4 $0x1, s22;
	_ =	swait.ge @!p5 [sflag:s18], $0x1000  }
0x5a: {  	s12 =	sand.u32 @!p4 $0x1, s30;
	s2 =	sor.u32 @!p4 $0x9C40, s19;
	[sflag:s18] =	ssyncset.done @!p5 $0x0  }
0x5b: {  	s3 =	sadd.s32 @!p4 s8, s24;
	s10 =	simm.s32 @!p4 $0x0;
	[sflag:s18] =	ssyncadd.s32 @!p5 $0xFFFFF000  }
0x5c: {  	s11 =	sshll.u32 @!p4 s21, $0x7;
	s19 =	sshll.u32 @!p4 s12, $0x7;
	_ =	strace @!p5 $0x90000064  }
0x5d: {  	s12 =	sadd.s32 @!p4 $0x3, s12;
	s11 =	sadd.s32 @!p4 $0x4E200, s11;
	_ =	strace @!p4 $0x8000005E  }
0x5e: {  	[tilespmem:s2], [sflag:s22] =	stream.linear.gather @!p4 [hbm4b:s3+s10], $0x80, $0x200038;
	[tilespmem:$0xBE40] =	vst v63  }
0x5f: {  	s19 =	sor.u32 @!p4 $0x9D40, s19;
	s11 =	sshrl.u32 @!p4 s11, $0x3;
	_ =	strace @!p4 $0x9000005E  }
0x60: {  	s24 =	sadd.s32 @!p4 s8, s11;
	s18 =	sadd.s32 @!p4 $0x1, s31;
	_ =	strace @!p4 $0x8000005F  }
0x61: {  	[tilespmem:s19], [sflag:s12] =	stream.linear.gather @!p4 [hbm4b:s24+s10], $0x80, $0x200038;
	[tilespmem:$0xBE40] =	vst v63  }
0x62: {  	s4 =	sand.u32 $0x1, s1;
	s31 =	smov.u32 @p3 s18;
	_ =	strace @!p4 $0x9000005F  }
0x63: {  	s31 =	smov.u32 @p0 s16;
	s16 =	sadd.s32 $0x1, s4;
	_ =	strace $0x80000060  }
0x64: {  	s21 =	simm.s32 $0x0;
	_ =	swait.ge [sflag:s16], $0x80  }
0x65: {  	s21 =	simm.s32 @p3 $0x1;
	s22 =	sand.u32 $0x1, s29;
	[sflag:s16] =	ssyncset.done $0x0  }
0x66: {  	s21 =	simm.s32 @p0 $0x0;
	s4 =	sadd.s32 $0x3, s22;
	[sflag:s16] =	ssyncadd.s32 $0xFFFFFF80  }
0x67: {  	s19 =	smov.u32 s5;
	s5 =	smov.u32 s6;
	_ =	strace $0x90000060  }
0x68: {  	s6 =	smov.u32 s13;
	s13 =	smov.u32 s20;
	_ =	strace $0x80000061  }
0x69: {  	s12 =	smov.u32 s0;
	s0 =	sadd.s32 $0x1, s0;
	_ =	swait.ge [sflag:s4], $0x80  }
0x6a: {  	s8 =	smov.u32 s23;
	p0 =	seq.s32 s0, s13;
	s23 =	sld [smem:$0x7FC]  }
0x6b: {  	s15 =	sand.u32 @!p1 $0x1, s26;
	s20 =	smov.u32 s9;
	s0 =	simm.s32 @p0 $0x0  }
0x6c: {  	p2 =	seq.s32 s25, $0x0;
	p4 =	seq.s32 s20, s25;
	p0 =	sne.s32 s12, s0  }
0x6d: {  	s11 =	sand.u32 $0x1, s28;
	p4 =	por p4, p0;
	p0 =	seq.s32 s23, $0x1  }
.Ltmp2:
0x6e: {  	s30 =	sadd.s32 s30, s21;
	s21 =	sshll.u32 s1, $0x7;
	(pc) =	sbr.rel @p0 .LBB2_5-.Ltmp2, $4  }
0x6f: {  	s18 =	smov.u32 s15;
	s15 =	sshll.u32 s11, $0xC;
	p5 =	sne.s32 s14, $0x0  }
0x70: {  	s3 =	sand.u32 $0x80, s21;
	s21 =	simm.s32 $0x1;
	s2 =	sadd.s32 s6, s12  }
0x71: {  	s9 =	simm.s32 $0x80;
	s10 =	sor.u32 $0x9C40, s3;
	s24 =	sshll.u32 @p4 s2, $0x9  }
0x72: {  	s21 =	simm.s32 @!p4 $0x0;
	s2 =	rddreg [dreg:$0x6];
	[sflag:s4] =	ssyncset.done $0x0  }
0x73: {  	s7 =	smov.u32 s8;
	s14 =	smov.u32 s12  }
0x74: {  	s8 =	smov.u32 s24;
	s12 =	smov.u32 s0;
	s22 =	rddreg [dreg:$0x5]  }
0x75: {  	s16 =	simm.s32 $0x0;
	s21 =	simm.s32 $0x7;
	s24 =	rddreg [dreg:$0xf]  }
.LBB2_7:
0x76: {  	s0 =	sld [smem:$0x7FD];
	_ =	sdelay $0x2  }
0x77: {  	p3 =	seq.s32 s0, $0x1  }
0x78: {  	[sflag:s4] =	ssyncadd.s32 @p3 $0xFFFFFF80  }
0x79: {  	_ =	strace @p3 $0x90000061  }
0x7a: {  	s0 =	sor.u32 @p3 $0x9D40, s2;
	s2 =	sadd.s32 @p3 $0x9E40, s15;
	_ =	strace @p3 $0x80000062  }
0x7b: {  	[tilespmem:s2], [sflag:$0x7] =	stream.indirect.gather @p3 [spmem:s19], $0x20, s0, s9, $0x2000b8;
	[tilespmem:$0xBE40] =	vst v63  }
0x7c: {  	_ =	swait.ge @p3 [sflag:s21], $0x1000  }
0x7d: {  	[sflag:s21] =	ssyncset.done @p3 $0x0  }
0x7e: {  	[sflag:s21] =	ssyncadd.s32 @p3 $0xFFFFF000  }
0x7f: {  	[tilespmem:s2], [sflag:$0x7] =	stream.indirect.gather.add.f32 @p3 [spmem:s5], $0x20, s10, s9, $0x2000b8;
	[tilespmem:$0xBE40] =	vst v63  }
0x80: {  	_ =	swait.ge @p3 [sflag:s21], $0x1000  }
0x81: {  	[sflag:s21] =	ssyncset.done @p3 $0x0  }
0x82: {  	p0 =	por @p3 p6, p6;
	[sflag:s21] =	ssyncadd.s32 @p3 $0xFFFFF000  }
0x83: {  	p0 =	por !p0, !p3;
	_ =	strace @p3 $0x90000062  }
0x84: {  	s3 =	smov.u32 @p3 s7;
	p1 =	por @p3 p1, p1;
	_ =	strace @!p0 $0x80000063  }
0x85: {  	p6 =	sge.u32 s25, s20;
	s3 =	sand.u32 @!p0 $0x1FFFFE00, s3;
	s0 =	rddreg [dreg:$0x4]  }
0x86: {  	s4 =	sadd.s32 @!p0 $0x5, s11;
	s0 =	sadd.s32 @!p0 s0, s3;
	s3 =	simm.s32 @!p0 $0x0  }
0x87: {  	[hbm4b:s0+s3] =	stream.linear.scatter @!p0 [tilespmem:s2], [sflag:s4], $0x1000, $0x200038;
	[tilespmem:$0xBE40] =	vst v63  }
0x88: {  	p1 =	por p1, !p3;
	_ =	strace @!p0 $0x90000063;
	p0 =	seq.s32 @!p6 s14, s12  }
0x89: {  	s0 =	sadd.s32 @!p1 $0x5, s18;
	p0 =	por p0, p6;
	_ =	strace @!p1 $0x80000064  }
0x8a: {  	s2 =	sadd.s32 @!p0 s6, s12;
	_ =	swait.ge @!p1 [sflag:s0], $0x1000  }
0x8b: {  	s3 =	sand.u32 @!p0 $0x1, s31;
	s4 =	sshll.u32 @!p0 s2, $0x4;
	[sflag:s0] =	ssyncset.done @!p1 $0x0  }
0x8c: {  	s7 =	sshll.u32 @!p0 s3, $0x7;
	s4 =	sand.u32 @!p0 $0x1FFFFFF0, s4;
	[sflag:s0] =	ssyncadd.s32 @!p1 $0xFFFFF000  }
0x8d: {  	s3 =	sadd.s32 @!p0 $0x1, s3;
	s0 =	sor.u32 @!p0 $0x9C40, s7;
	_ =	strace @!p1 $0x90000064  }
0x8e: {  	s7 =	simm.s32 @!p0 $0x0;
	s4 =	sadd.s32 @!p0 s22, s4;
	_ =	strace @!p0 $0x8000005E  }
0x8f: {  	[tilespmem:s0], [sflag:s3] =	stream.linear.gather @!p0 [hbm4b:s4+s7], $0x80, $0x200038;
	[tilespmem:$0xBE40] =	vst v63  }
0x90: {  	s0 =	sshll.u32 @!p0 s2, $0x7;
	s2 =	sand.u32 @!p0 $0x1, s30  }
0x91: {  	s0 =	sadd.s32 @!p0 $0x4E200, s0;
	s3 =	sshll.u32 @!p0 s2, $0x7  }
0x92: {  	_ =	strace @!p0 $0x9000005E;
	s2 =	sadd.s32 @!p0 $0x3, s2;
	s0 =	sshrl.u32 @!p0 s0, $0x3  }
0x93: {  	s3 =	sor.u32 @!p0 $0x9D40, s3;
	_ =	strace @!p0 $0x8000005F;
	s0 =	sadd.s32 @!p0 s22, s0  }
0x94: {  	[tilespmem:s3], [sflag:s2] =	stream.linear.gather @!p0 [hbm4b:s0+s7], $0x80, $0x200038;
	[tilespmem:$0xBE40] =	vst v63  }
0x95: {  	s0 =	smov.u32 @p3 s17  }
0x96: {  	s2 =	simm.s32 $0x0;
	s1 =	sadd.s32 @p3 s0, s1  }
0x97: {  	s2 =	smov.u32 @p3 s1  }
0x98: {  	_ =	strace @!p0 $0x9000005F;
	s1 =	sand.u32 $0x1, s2  }
0x99: {  	_ =	strace $0x80000060;
	s1 =	sadd.s32 $0x1, s1  }
0x9a: {  	_ =	swait.ge [sflag:s1], $0x80  }
0x9b: {  	s4 =	simm.s32 $0x0;
	s3 =	sadd.s32 @p3 s17, s29;
	[sflag:s1] =	ssyncset.done $0x0  }
0x9c: {  	s4 =	smov.u32 @p3 s3;
	[sflag:s1] =	ssyncadd.s32 $0xFFFFFF80  }
0x9d: {  	s18 =	sand.u32 $0x1, s4;
	_ =	strace $0x90000060  }
0x9e: {  	s1 =	sadd.s32 $0x3, s18;
	_ =	strace $0x80000061  }
0x9f: {  	s0 =	sadd.s32 @p3 s0, s28;
	s3 =	simm.s32 $0x0;
	_ =	swait.ge [sflag:s1], $0x80  }
0xa0: {  	s3 =	smov.u32 @p3 s0;
	[sflag:s1] =	ssyncset.done $0x0  }
0xa1: {  	s23 =	sshll.u32 s4, $0x7;
	s3 =	sand.u32 $0x1, s3;
	[sflag:s1] =	ssyncadd.s32 $0xFFFFFF80  }
0xa2: {  	s0 =	sand.u32 $0x80, s23;
	s28 =	sshll.u32 s3, $0xC;
	_ =	strace $0x90000061  }
0xa3: {  	s0 =	sor.u32 $0x9D40, s0;
	s1 =	sadd.s32 $0x9E40, s28;
	_ =	strace $0x80000062  }
0xa4: {  	[tilespmem:s1], [sflag:$0x7] =	stream.indirect.gather [spmem:s19], $0x20, s0, s9, $0x2000b8;
	[tilespmem:$0xBE40] =	vst v63  }
0xa5: {  	s29 =	sshll.u32 s2, $0x7;
	_ =	swait.ge [sflag:s21], $0x1000  }
0xa6: {  	s0 =	sand.u32 $0x80, s29;
	[sflag:s21] =	ssyncset.done $0x0  }
0xa7: {  	s0 =	sor.u32 $0x9C40, s0;
	[sflag:s21] =	ssyncadd.s32 $0xFFFFF000  }
0xa8: {  	[tilespmem:s1], [sflag:$0x7] =	stream.indirect.gather.add.f32 [spmem:s5], $0x20, s0, s9, $0x2000b8;
	[tilespmem:$0xBE40] =	vst v63  }
0xa9: {  	_ =	swait.ge [sflag:s21], $0x1000  }
0xaa: {  	[sflag:s21] =	ssyncset.done $0x0  }
0xab: {  	p6 =	por p4, p4;
	[sflag:s21] =	ssyncadd.s32 $0xFFFFF000  }
0xac: {  	p0 =	por p6, p6;
	_ =	strace $0x90000062  }
0xad: {  	_ =	strace @p0 $0x80000063  }
0xae: {  	s2 =	sand.u32 @p0 $0x1FFFFE00, s8;
	s0 =	rddreg [dreg:$0x4]  }
0xaf: {  	s3 =	sadd.s32 @p0 $0x5, s3;
	s0 =	sadd.s32 @p0 s0, s2;
	s2 =	simm.s32 @p0 $0x0  }
0xb0: {  	[hbm4b:s0+s2] =	stream.linear.scatter @p0 [tilespmem:s1], [sflag:s3], $0x1000, $0x200038;
	[tilespmem:$0xBE40] =	vst v63  }
0xb1: {  	p1 =	por !p5, !p3;
	s0 =	simm.s32 $0x1  }
0xb2: {  	s0 =	simm.s32 @p1 $0x0  }
0xb3: {  	s1 =	simm.s32 $0x0;
	s0 =	sadd.s32 @p3 s0, s26  }
0xb4: {  	p1 =	por p2, p2;
	s1 =	smov.u32 @p3 s0  }
0xb5: {  	_ =	strace @p0 $0x90000063;
	s0 =	sand.u32 @!p1 $0x1, s1;
	p1 =	por p1, p1  }
0xb6: {  	s0 =	sadd.s32 @!p1 $0x5, s0;
	_ =	strace @!p1 $0x80000064  }
0xb7: {  	s2 =	simm.s32 $0x1;
	p0 =	sne.s32 s25, $0x0;
	_ =	swait.ge @!p1 [sflag:s0], $0x1000  }
0xb8: {  	s2 =	simm.s32 @!p0 $0x0;
	[sflag:s0] =	ssyncset.done @!p1 $0x0  }
0xb9: {  	s1 =	sadd.s32 s2, s1;
	[sflag:s0] =	ssyncadd.s32 @!p1 $0xFFFFF000  }
0xba: {  	s30 =	sand.u32 $0x1, s1;
	_ =	strace @!p1 $0x90000064  }
0xbb: {  	s0 =	sadd.s32 $0x5, s30;
	_ =	strace $0x80000065  }
0xbc: {  	_ =	swait.ge [sflag:s0], $0x1000  }
0xbd: {  	s24 =	sadd.s32 $0x1, s24;
	s31 =	rddreg [dreg:$0xc]  }
0xbe: {  	p0 =	sne.s32 s24, s31  }
.Ltmp3:
0xbf: {  	_ = 	snop;
	(pc) =	sbr.rel @p0 .LBB2_1-.Ltmp3, $4  }
.Ltmp4:
0xc0: {  	_ = 	snop;
	(pc) =	sbr.rel @!p0 .LBB2_8-.Ltmp4, $4  }
0xc1: {  	[sflag:s0] =	ssyncset.done $0x0  }
0xc2: {  	[sflag:s0] =	ssyncadd.s32 $0xFFFFF000  }
0xc3: {  	s3 =	simm.s32 $0x1;
	_ =	strace $0x90000065  }
0xc4: {  	_ = 	snop  }
.LBB2_2:
.Ltmp5:
0xc5: {  	(pc) =	sbr.rel .LBB2_7-.Ltmp5, $4  }
0xc6: {  	p0 =	por $0x0, $0x0;
	s25 =	simm.s32 $0x0;
	s26 =	simm.s32 $0x0  }
0xc7: {  	s29 =	simm.s32 $0x0;
	s28 =	simm.s32 $0x0;
	s0 =	simm.s32 @!p0 $0x0  }
0xc8: {  	s1 =	simm.s32 $0x0;
	s14 =	simm.s32 $0x0;
	s0 =	simm.s32 @p0 $0x1  }
0xc9: {  	s31 =	simm.s32 $0x1;
	s30 =	simm.s32 $0x1;
	[smem:$0x7FD] =	sst s0  }
.LBB2_4:
.Ltmp6:
0xca: {  	(pc) =	sbr.rel .LBB2_7-.Ltmp6, $4  }
0xcb: {  	s7 =	smov.u32 s8;
	s26 =	simm.s32 $0x0;
	s14 =	smov.u32 s12  }
0xcc: {  	s29 =	simm.s32 $0x0;
	s8 =	smov.u32 s24;
	s28 =	simm.s32 $0x0  }
0xcd: {  	s1 =	simm.s32 $0x0;
	s12 =	smov.u32 s0;
	s22 =	rddreg [dreg:$0x5]  }
0xce: {  	s16 =	simm.s32 $0x0;
	s21 =	simm.s32 $0x7;
	s24 =	rddreg [dreg:$0xf]  }
.LBB2_8:
0xcf: {  	_ =	sfence.sel $0x180000  }
0xd0: {  	[bflag:$0x0] =	sbarrier.arrive $0xFFFF  }
0xd1: {  	_ =	strace $0x9000005C  }
0xd2: {  	s0 =	stileid.u32;
	[bflag:$0x2] =	sbarrier.arrive $0xFFFF  }
0xd3: {  	p0 =	sne.s32 s0, $0x0;
	s0 =	rddreg [dreg:$0x3]  }
0xd4: {  	s0 =	sadd.s32 @!p0 $0x100000, s0  }
0xd5: {  	[sflag:s0] =	ssyncadd.tile.s32 @!p0 $0x1;
	_ =	shalt  }
.Lfunc_end2:
_tile_overlayer_lowered:
.L_overlay_start_2:
0xd6: {  	(tag) =	ssettag $0x2  }
0xd7: {  	s0 =	rddreg [dreg:$0x0];
	s2 =	stileid.u32  }
0xd8: {  	s1 =	rddreg [dreg:$0x1];
	p0 =	sne.s32 s2, $0x0  }
0xd9: {  	s3 =	rddreg [dreg:$0x2];
	[bflag:$0x3] =	sbarrier.arrive $0xFFFF;
	s2 =	simm.s32 @!p0 $0x1C01  }
0xda: {  	[timem:s3], [sflag:s2] =	dma.local @!p0 [hbm:s0], s1  }
0xdb: {  	s0 =	simm.s32 @!p0 $0x1  }
0xdc: {  	_ =	swait.ge @!p0 [sflag:s0], s1  }
0xdd: {  	s1 =	ssub.s32 @!p0 $0x0, s1;
	[sflag:s0] =	ssyncset.done @!p0 $0x0  }
0xde: {  	[sflag:s0] =	ssyncadd.s32 @!p0 s1  }
0xdf: {  	[bflag:$0x3] =	sbarrier.arrive $0xFFFF  }
0xe0: {  	_ =	shalt  }

// kernel: kernel.21.cloned.1.call-start
scs
__scs_entry_jumppad:
0x0: {  	(pc) =	sbr.rel $0x88, $3  }
0x1: {  	(tag) =	ssettag $0x0;
	lr =	simm.s32 $0x1  }
0x2: {  	[smem:$0x3F83] =	sst lr;
	_ =	strace $0xD0000000  }
0x3: {  	_ = 	snop  }
0x4: {  	_ = 	snop  }
0x5: {  	_ = 	snop  }
0x6: {  	_ = 	snop  }
0x7: {  	_ = 	snop  }
__scs_overlays_trampoline_lowered:
0x8: {  	[smem:$0x3F92] =	sst s0  }
0x9: {  	[smem:$0x3F93] =	sst s1  }
0xa: {  	[smem:$0x3F94] =	sst s2  }
0xb: {  	[smem:$0x3F95] =	sst s3  }
0xc: {  	[smem:$0x3F96] =	sst s4  }
0xd: {  	[smem:$0x3F97] =	sst s5  }
0xe: {  	[smem:$0x3F98] =	sst s6  }
0xf: {  	[smem:$0x3F99] =	sst s7  }
0x10: {  	[smem:$0x3F9A] =	sst s8  }
0x11: {  	[smem:$0x3F9B] =	sst s9;
	s0 =	simm.s32 @!p0 $0x0  }
0x12: {  	s1 =	sld [smem:$0x3F81];
	s0 =	simm.s32 @p0 $0x1  }
0x13: {  	[smem:$0x3F9C] =	sst s0;
	s0 =	simm.s32 @!p1 $0x0  }
0x14: {  	s2 =	sld [smem:$0x3F80];
	s0 =	simm.s32 @p1 $0x1  }
0x15: {  	[smem:$0x3F9D] =	sst s0;
	s0 =	simm.s32 @!p2 $0x0  }
0x16: {  	s3 =	sld [smem:$0x3FDB];
	s0 =	simm.s32 @p2 $0x1  }
0x17: {  	s4 =	simm.s32 $0x1BF5;
	[smem:$0x3F9F] =	sst s0  }
0x18: {  	s0 =	sld [smem:$0x3F82];
	_ =	swait.ge [sflag:s4], $0x0  }
0x19: {  	s7 =	sld [smem:$0x3F83]  }
0x1a: {  	s8 =	sadd.s32 $0xFFFFE003, lr  }
0x1b: {  	s9 =	sadd.s32 $0xFFFFFEF7, lr;
	s5 =	simm.s32 $0xFFFFFFFF;
	p2 =	slt.u32 s8, $0xFFFFF086  }
0x1c: {  	p1 =	slt.u32 s9, $0xF7A;
	s5 =	simm.s32 @!p2 $0x0  }
0x1d: {  	s5 =	simm.s32 @p1 $0x1;
	p0 =	seq.s32 s7, s2  }
0x1e: {  	s7 =	smul.u32 @!p0 $0xF7A, s2;
	p2 =	seq.s32 @!p0 s5, $0x0  }
0x1f: {  	s9 =	smul.u32 $0xF7A, s1;
	s8 =	simm.s32 @!p0 $0x1BF5;
	p2 =	por !p2, p0  }
0x20: {  	[sflag:s8] =	ssyncset.s32 @!p0 $0xFFFFF086;
	s6 =	sadd.s32 @!p0 s3, s7;
	s7 =	simm.s32 @!p0 $0x108  }
0x21: {  	s3 =	sadd.s32 s3, s9;
	s6 =	sadd.s32 @!p0 $0x88, s6;
	s7 =	simm.s32 @p2 $0x1082  }
0x22: {  	[simem:s7], [sflag:s8] =	dma.local @!p0 [hbm:s6], $0xF7A  }
0x23: {  	s9 =	sor.u32 $0xD0000000, s2;
	s6 =	simm.s32 $0x108;
	_ =	swait.ge @!p0 [sflag:s8], $0x0  }
0x24: {  	s3 =	sadd.s32 $0x88, s3;
	s6 =	simm.s32 @!p1 $0x1082;
	[sflag:s4] =	ssyncset.s32 $0xFFFFF086  }
0x25: {  	[simem:s6], [sflag:s4] =	dma.local [hbm:s3], $0xF7A  }
0x26: {  	[smem:$0x3F83] =	sst s1;
	(tag) =	ssettag s2;
	_ =	strace s9  }
0x27: {  	s1 =	sld [smem:$0x3F93]  }
0x28: {  	s2 =	sld [smem:$0x3F94]  }
0x29: {  	s4 =	sld [smem:$0x3F96]  }
0x2a: {  	p0 =	seq.s32 s5, $0x0;
	s5 =	sld [smem:$0x3F97]  }
0x2b: {  	s6 =	sld [smem:$0x3F98]  }
0x2c: {  	s7 =	sld [smem:$0x3F99]  }
0x2d: {  	s3 =	simm.s32 $0x108;
	s8 =	sld [smem:$0x3F9A]  }
0x2e: {  	s3 =	simm.s32 @!p0 $0x1082;
	s9 =	sld [smem:$0x3F9B]  }
0x2f: {  	lr =	sadd.s32 s0, s3;
	s0 =	sld [smem:$0x3F92]  }
0x30: {  	s3 =	sld [smem:$0x3F95]  }
0x31: {  	[smem:$0x3F9E] =	sst s10  }
0x32: {  	s10 =	sld [smem:$0x3F9C];
	_ =	sdelay $0x3  }
0x33: {  	p0 =	seq.s32 s10, $0x1;
	s10 =	sld [smem:$0x3F9E];
	_ =	sdelay $0x3  }
0x34: {  	[smem:$0x3F9E] =	sst s10  }
0x35: {  	s10 =	sld [smem:$0x3F9D];
	_ =	sdelay $0x3  }
0x36: {  	p1 =	seq.s32 s10, $0x1;
	s10 =	sld [smem:$0x3F9E];
	_ =	sdelay $0x3  }
0x37: {  	[smem:$0x3F9E] =	sst s10  }
0x38: {  	s10 =	sld [smem:$0x3F9F]  }
0x39: {  	_ = 	snop;
	(pc) =	sbr.ind lr, $3  }
0x3a: {  	_ = 	snop  }
0x3b: {  	_ = 	snop  }
0x3c: {  	p2 =	seq.s32 s10, $0x1;
	s10 =	sld [smem:$0x3F9E]  }
0x3d: {  	_ =	shalt  }
0x3e: {  	_ =	shalt  }
0x3f: {  	_ =	shalt  }
0x40: {  	_ =	shalt  }
0x41: {  	_ =	shalt  }
0x42: {  	_ =	shalt  }
0x43: {  	_ =	shalt  }
0x44: {  	_ =	shalt  }
0x45: {  	_ =	shalt  }
0x46: {  	_ =	shalt  }
0x47: {  	_ =	shalt  }
0x48: {  	_ =	shalt  }
0x49: {  	_ =	shalt  }
0x4a: {  	_ =	shalt  }
0x4b: {  	_ =	shalt  }
0x4c: {  	_ =	shalt  }
0x4d: {  	_ =	shalt  }
0x4e: {  	_ =	shalt  }
0x4f: {  	_ =	shalt  }
0x50: {  	_ =	shalt  }
0x51: {  	_ =	shalt  }
0x52: {  	_ =	shalt  }
0x53: {  	_ =	shalt  }
0x54: {  	_ =	shalt  }
0x55: {  	_ =	shalt  }
0x56: {  	_ =	shalt  }
0x57: {  	_ =	shalt  }
0x58: {  	_ =	shalt  }
0x59: {  	_ =	shalt  }
0x5a: {  	_ =	shalt  }
0x5b: {  	_ =	shalt  }
0x5c: {  	_ =	shalt  }
0x5d: {  	_ =	shalt  }
0x5e: {  	_ =	shalt  }
0x5f: {  	_ =	shalt  }
0x60: {  	_ =	shalt  }
0x61: {  	_ =	shalt  }
0x62: {  	_ =	shalt  }
0x63: {  	_ =	shalt  }
0x64: {  	_ =	shalt  }
0x65: {  	_ =	shalt  }
0x66: {  	_ =	shalt  }
0x67: {  	_ =	shalt  }
0x68: {  	_ =	shalt  }
0x69: {  	_ =	shalt  }
0x6a: {  	_ =	shalt  }
0x6b: {  	_ =	shalt  }
0x6c: {  	_ =	shalt  }
0x6d: {  	_ =	shalt  }
0x6e: {  	_ =	shalt  }
0x6f: {  	_ =	shalt  }
0x70: {  	_ =	shalt  }
0x71: {  	_ =	shalt  }
0x72: {  	_ =	shalt  }
0x73: {  	_ =	shalt  }
0x74: {  	_ =	shalt  }
0x75: {  	_ =	shalt  }
0x76: {  	_ =	shalt  }
0x77: {  	_ =	shalt  }
0x78: {  	_ =	shalt  }
0x79: {  	_ =	shalt  }
0x7a: {  	_ =	shalt  }
0x7b: {  	_ =	shalt  }
0x7c: {  	_ =	shalt  }
0x7d: {  	_ =	shalt  }
0x7e: {  	_ =	shalt  }
0x7f: {  	_ =	shalt  }
0x80: {  	_ =	shalt  }
0x81: {  	_ =	shalt  }
0x82: {  	_ =	shalt  }
0x83: {  	_ =	shalt  }
0x84: {  	_ =	shalt  }
0x85: {  	_ =	shalt  }
0x86: {  	_ =	shalt  }
0x87: {  	_ =	shalt  }
.Lfunc_end0:
.L_simem_size_0:
called_computation.3_lowered:
.L_overlay_start_0:
0x88: {  	s2 =	sld [smem:$0x3FD9]  }
0x89: {  	s3 =	sld [smem:$0x3FFE];
	_ =	sdelay $0x1  }
0x8a: {  	s1 =	srdreg.scid  }
0x8b: {  	s0 =	sand.u32 $0x1, s1  }
0x8c: {  	s17 =	sshll.u32 s0, $0xA;
	s2 =	sadd.s32 s3, s2  }
0x8d: {  	s2 =	sadd.s32 s2, s17  }
0x8e: {  	[smem:$0x3FAA] =	sst s2  }
0x8f: {  	_ = 	snop  }
0x90: {  	s2 =	sld [smem:$0x3FD0];
	(tm) =	ssettm $0x1  }
0x91: {  	s18 =	sld [smem:$0x3FFB];
	_ =	sdelay $0x3  }
0x92: {  	_ =	strace s18  }
0x93: {  	s3 =	sld [smem:$0x3FFC];
	_ =	sdelay $0x3  }
0x94: {  	_ =	strace s3  }
0x95: {  	s3 =	sld [smem:$0x3FFD];
	_ =	sdelay $0x3  }
0x96: {  	_ =	strace s3  }
0x97: {  	_ =	strace $0x8FFFFFFF  }
0x98: {  	s19 =	sld [smem:$0x3FDB];
	_ =	sdelay $0x1  }
0x99: {  	s4 =	simm.s32 $_scs_section_size  }
0x9a: {  	s5 =	simm.s32 $_size__tile_overlayer_lowered;
	s6 =	simm.s32 $_tile_overlayer_lowered  }
0x9b: {  	s22 =	simm.s32 $0x1BFF;
	s21 =	sshll.u32 s6, $0x1;
	s3 =	sadd.s32 s4, s19  }
0x9c: {  	s7 =	simm.s32 $0x0;
	s20 =	sshll.u32 s5, $0x1;
	s5 =	sadd.s32 s21, s3  }
0x9d: {  	[timem:s7], [sflag:s22] =	dma.local [hbm:s5], s20  }
0x9e: {  	_ =	swait.ge [sflag:s22], s20  }
0x9f: {  	s4 =	ssub.s32 $0x0, s20;
	[sflag:s22] =	ssyncset.done $0x0  }
0xa0: {  	[sflag:s22] =	ssyncadd.s32 s4;
	_ =	sdelay $0x1  }
0xa1: {  	s23 =	simm.s32 $0x1B8B  }
0xa2: {  	_ =	swait.ge [sflag:s23], $0x1  }
0xa3: {  	[sflag:s23] =	ssyncset.done $0x0  }
0xa4: {  	s25 =	simm.s32 $0x1B8E;
	s24 =	sld [smem:$0x3FFE];
	[sflag:s23] =	ssyncadd.s32 $0xFFFFFFFF  }
0xa5: {  	s26 =	simm.s32 $execute0_lowered;
	[smem:$0x3FD2] =	sst s25  }
0xa6: {  	s5 =	sshll.u32 s26, $0x1;
	_ =	strace $0x80000067;
	[dreg:$0x1] =	wrdreg $0xFFFFFFFF  }
0xa7: {  	s28 =	simm.s32 $_size_execute0_lowered;
	s3 =	sadd.s32 s3, s5;
	[dreg:$0x0] =	wrdreg $0x0  }
0xa8: {  	s5 =	sshll.u32 s28, $0x1;
	[dreg:$0x2] =	wrdreg s3  }
0xa9: {  	[dreg:$0x3] =	wrdreg s5  }
0xaa: {  	[dreg:$0x4] =	wrdreg $0xC0  }
0xab: {  	_ =	task [dreg:s7], $0x5FFFF  }
0xac: {  	[dreg:$0x1] =	wrdreg $0xFFFFFFFF  }
0xad: {  	[dreg:$0x0] =	wrdreg $0x60  }
0xae: {  	[dreg:$0x2] =	wrdreg s24  }
0xaf: {  	[dreg:$0x3] =	wrdreg s2  }
0xb0: {  	[dreg:$0x4] =	wrdreg $0x0  }
0xb1: {  	[dreg:$0x5] =	wrdreg $0x9  }
0xb2: {  	_ =	task.clear_ibuf [dreg:s7], $0x6FFFF;
	_ =	strace $0x90000067  }
0xb3: {  	s29 =	simm.s32 $0x9;
	_ =	strace $0x8000006F  }
0xb4: {  	_ =	swait.ge [sflag:s29], $0x1  }
0xb5: {  	[sflag:s29] =	ssyncadd.s32 $0xFFFFFFFF  }
0xb6: {  	_ =	strace $0x9000006F  }
0xb7: {  	_ =	sfence  }
0xb8: {  	s30 =	sld [smem:$0x0];
	_ =	sdelay $0x2  }
0xb9: {  	s31 =	sshll.u32 s1, $0xD;
	s1 =	sshrl.u32 s1, $0x2  }
0xba: {  	s3 =	sand.u32 $0x4000, s31;
	s1 =	sadd.s32 s1, s30  }
0xbb: {  	s0 =	sor.u32 s3, s0;
	s1 =	sshll.u32 s1, $0x11  }
0xbc: {  	s0 =	sor.u32 s1, s0  }
0xbd: {  	s0 =	sadd.s32 $0x8F2B, s0  }
0xbe: {  	[sflag:s0] =	ssyncadd.remote.s32 $0x1  }
0xbf: {  	_ =	sfence.sel $0xFFFF  }
0xc0: {  	[dreg:$0x0] =	wrdreg $0xFFFFFFFF;
	(pc) =	sbr.abs _section_cstart, $3  }
0xc1: {  	[dreg:$0x1] =	wrdreg $0xFFFFFFFF  }
0xc2: {  	_ =	task.clear_ibuf [dreg:s7], $0x2FFFF;
	_ =	strace $0x9FFFFFFF  }
0xc3: {  	(tm) =	ssettm $0x7FFFFFFF  }
tec
execute0_lowered:
.L_overlay_start_1:
0x0: {  	(tag) =	ssettag $0x1  }
0x1: {  	s7 =	rddreg [dreg:$0x0]  }
0x2: {  	s1 =	rddreg [dreg:$0x1]  }
0x3: {  	s2 =	rddreg [dreg:$0x2]  }
0x4: {  	s3 =	simm.s32 $0x0;
	s4 =	srdreg.scid;
	s0 =	stileid.u32  }
0x5: {  	s17 =	simm.s32 $0x5;
	s18 =	simm.s32 $0x1;
	[smem:$0x7FF] =	sst s3  }
0x6: {  	s5 =	sadd.s32 $0x18DA00, s7;
	s6 =	sand.u32 $0x1, s4;
	s12 =	smul.u32 $0x4E20, s0  }
0x7: {  	s29 =	sshll.u32 s0, $0x6;
	_ =	strace $0x80000068;
	s8 =	smul.u32 $0x9C40, s6  }
0x8: {  	s9 =	sshll.u32 s6, $0x4;
	s10 =	ssub.s32 $0x2, s6;
	s6 =	sadd.s32 $0x41800, s7  }
0x9: {  	s9 =	sor.u32 s0, s9;
	s11 =	sshrl.u32 s10, $0x1;
	s30 =	sadd.s32 s12, s2  }
0xa: {  	s20 =	sshrl.u32 s12, $0x3;
	s13 =	smul.u32 $0x4E, s9;
	s15 =	ssub.s32 s10, s11  }
0xb: {  	s10 =	smul.u32 $0x4F, s9;
	p0 =	slt.u32 s9, $0x4;
	s9 =	simm.s32 $0x4F  }
0xc: {  	s14 =	sadd.s32 s8, s7;
	s8 =	sor.u32 $0x1C01, s29;
	s9 =	simm.s32 @!p0 $0x4E  }
0xd: {  	s19 =	sadd.s32 $0x6A00, s14;
	s12 =	smax.u32 s15, $0x1;
	s14 =	simm.s32 $0x4E20  }
0xe: {  	s15 =	simm.s32 $0x6E20;
	s7 =	sadd.s32 $0x4, s13;
	s16 =	sadd.s32 $0xFFFFFFFF, s9  }
0xf: {  	s13 =	sshrl.u32 s30, $0x3;
	s19 =	sadd.s32 s20, s19;
	s7 =	smov.u32 @p0 s10  }
0x10: {  	s20 =	simm.s32 $0x0;
	s10 =	sshll.u32 s7, $0x9;
	s31 =	sshll.u32 s7, $0x4  }
0x11: {  	[dreg:$0x4] =	wrdreg s16;
	s10 =	sand.u32 $0x1FFFFE00, s10;
	s11 =	sadd.s32 s31, s6  }
0x12: {  	s16 =	simm.s32 $0x80;
	s10 =	sadd.s32 s5, s10;
	s11 =	sadd.s32 $0x9C40, s11  }
.LBB2_1:
0x13: {  	[spmem:s13], [sflag:s8] =	dma.local [hbm:s1], $0x9C4  }
0x14: {  	_ =	swait.ge [sflag:s18], $0x9C4  }
0x15: {  	[sflag:s18] =	ssyncset.done $0x0  }
0x16: {  	[sflag:s18] =	ssyncadd.s32 $0xFFFFF63C  }
0x17: {  	[bflag:$0x0] =	sbarrier.arrive $0xFFFF  }
0x18: {  	s23 =	simm.s32 $0x0;
	_ =	strace $0x80000069  }
0x19: {  	[tilespmem:s14], [sflag:$0x1] =	stream.linear.gather [hbm4b:s10+s3], $0x1000, $0x200038;
	[tilespmem:$0x6F20] =	vst v63  }
0x1a: {  	s21 =	simm.s32 $0x0;
	s24 =	simm.s32 $0x1;
	s22 =	simm.s32 $0x0  }
0x1b: {  	[tilespmem:s15], [sflag:$0x3] =	stream.linear.gather [hbm4b:s11+s3], $0x80, $0x200038;
	[tilespmem:$0x6F20] =	vst v63  }
0x1c: {  	s26 =	simm.s32 $0x1;
	s25 =	simm.s32 $0x0;
	_ =	strace $0x90000069  }
.LBB2_2:
0x1d: {  	s28 =	smov.u32 s23;
	s23 =	sadd.s32 $0x1, s23  }
0x1e: {  	p0 =	seq.s32 s23, s9  }
0x1f: {  	s23 =	simm.s32 @p0 $0x0  }
0x20: {  	p0 =	seq.s32 s28, s23  }
0x21: {  	s29 =	smov.u32 s26;
	s26 =	sadd.s32 @!p0 s7, s23  }
0x22: {  	s30 =	sand.u32 @!p0 $0x1, s29;
	_ =	strace @!p0 $0x8000006A;
	s0 =	sshll.u32 @!p0 s26, $0x9  }
0x23: {  	s4 =	simm.s32 @!p0 $0x0;
	s31 =	sshll.u32 @!p0 s30, $0xC;
	s0 =	sand.u32 @!p0 $0x1FFFFE00, s0  }
0x24: {  	s30 =	sadd.s32 @!p0 $0x1, s30;
	s31 =	sor.u32 @!p0 $0x4E20, s31;
	s0 =	sadd.s32 @!p0 s5, s0  }
0x25: {  	[tilespmem:s31], [sflag:s30] =	stream.linear.gather @!p0 [hbm4b:s0+s4], $0x1000, $0x200038;
	[tilespmem:$0x6F20] =	vst v63  }
0x26: {  	s0 =	sshll.u32 @!p0 s26, $0x7  }
0x27: {  	s26 =	sand.u32 @!p0 $0x1, s24;
	_ =	strace @!p0 $0x9000006A;
	s0 =	sadd.s32 @!p0 $0x4E200, s0  }
0x28: {  	s30 =	sshll.u32 @!p0 s26, $0x7;
	s26 =	sadd.s32 @!p0 $0x3, s26;
	s0 =	sshrl.u32 @!p0 s0, $0x3  }
0x29: {  	_ =	strace @!p0 $0x8000006B;
	s30 =	sor.u32 @!p0 $0x6E20, s30;
	s0 =	sadd.s32 @!p0 s6, s0  }
0x2a: {  	[tilespmem:s30], [sflag:s26] =	stream.linear.gather @!p0 [hbm4b:s0+s4], $0x80, $0x200038;
	[tilespmem:$0x6F20] =	vst v63  }
0x2b: {  	s31 =	sand.u32 $0x1, s22;
	_ =	strace @!p0 $0x9000006B  }
0x2c: {  	s0 =	sadd.s32 $0x1, s31;
	_ =	strace $0x8000006C  }
0x2d: {  	_ =	swait.ge [sflag:s0], $0x1000  }
0x2e: {  	[sflag:s0] =	ssyncset.done $0x0  }
0x2f: {  	[sflag:s0] =	ssyncadd.s32 $0xFFFFF000  }
0x30: {  	s4 =	sand.u32 $0x1, s21;
	_ =	strace $0x9000006C  }
0x31: {  	s0 =	sadd.s32 $0x3, s4;
	_ =	strace $0x8000006D  }
0x32: {  	_ =	swait.ge [sflag:s0], $0x80  }
0x33: {  	[sflag:s0] =	ssyncset.done $0x0  }
0x34: {  	s26 =	sshll.u32 s22, $0xC;
	s30 =	sshll.u32 s21, $0x7;
	[sflag:s0] =	ssyncadd.s32 $0xFFFFFF80  }
0x35: {  	s4 =	sand.u32 $0x80, s30;
	s0 =	sand.u32 $0x1000, s26;
	_ =	strace $0x9000006D  }
0x36: {  	s4 =	sor.u32 $0x6E20, s4;
	s0 =	sor.u32 $0x4E20, s0;
	_ =	strace $0x8000006E  }
0x37: {  	[spmem:s2] =	stream.indirect.scatter.add.f32 [tilespmem:s0], [sflag:$0x5], $0x20, s4, s16, $0x2000b8;
	[tilespmem:$0x6F20] =	vst v63  }
0x38: {  	_ =	swait.ge [sflag:s17], $0x1000  }
0x39: {  	[sflag:s17] =	ssyncset.done $0x0  }
0x3a: {  	[sflag:s17] =	ssyncadd.s32 $0xFFFFF000  }
0x3b: {  	s25 =	sadd.s32 $0x1, s25;
	_ =	strace $0x9000006E  }
0x3c: {  	s26 =	sadd.s32 @!p0 $0x1, s29;
	s4 =	simm.s32 @!p0 $0x1;
	s31 =	rddreg [dreg:$0x4]  }
0x3d: {  	s26 =	smov.u32 @p0 s29;
	s4 =	simm.s32 @p0 $0x0;
	p0 =	sne.s32 s31, s25  }
.Ltmp0:
0x3e: {  	_ = 	snop;
	(pc) =	sbr.rel @p0 .LBB2_2-.Ltmp0, $4  }
0x3f: {  	_ = 	snop  }
0x40: {  	p1 =	sne.s32 s28, s23;
	s28 =	simm.s32 $0x1  }
0x41: {  	s28 =	simm.s32 @!p1 $0x0  }
0x42: {  	s22 =	sadd.s32 s28, s22;
	s21 =	sadd.s32 s28, s21;
	s24 =	sadd.s32 s24, s4  }
0x43: {  	s0 =	sand.u32 $0x1, s22  }
0x44: {  	_ =	strace $0x8000006C;
	s0 =	sadd.s32 $0x1, s0  }
0x45: {  	_ =	swait.ge [sflag:s0], $0x1000  }
0x46: {  	[sflag:s0] =	ssyncset.done $0x0  }
0x47: {  	[sflag:s0] =	ssyncadd.s32 $0xFFFFF000  }
0x48: {  	s30 =	sand.u32 $0x1, s21;
	_ =	strace $0x9000006C  }
0x49: {  	s0 =	sadd.s32 $0x3, s30;
	_ =	strace $0x8000006D  }
0x4a: {  	_ =	swait.ge [sflag:s0], $0x80  }
0x4b: {  	[sflag:s0] =	ssyncset.done $0x0  }
0x4c: {  	s31 =	sshll.u32 s22, $0xC;
	s4 =	sshll.u32 s21, $0x7;
	[sflag:s0] =	ssyncadd.s32 $0xFFFFFF80  }
0x4d: {  	s4 =	sand.u32 $0x80, s4;
	s0 =	sand.u32 $0x1000, s31;
	_ =	strace $0x9000006D  }
0x4e: {  	s4 =	sor.u32 $0x6E20, s4;
	s0 =	sor.u32 $0x4E20, s0;
	_ =	strace $0x8000006E  }
0x4f: {  	[spmem:s2] =	stream.indirect.scatter.add.f32 [tilespmem:s0], [sflag:$0x5], $0x20, s4, s16, $0x2000b8;
	[tilespmem:$0x6F20] =	vst v63  }
0x50: {  	_ =	swait.ge [sflag:s17], $0x1000  }
0x51: {  	[sflag:s17] =	ssyncset.done $0x0  }
0x52: {  	s20 =	sadd.s32 $0x1, s20;
	[sflag:s17] =	ssyncadd.s32 $0xFFFFF000  }
0x53: {  	p0 =	sne.s32 s20, s12;
	_ =	strace $0x9000006E  }
.Ltmp1:
0x54: {  	[bflag:$0x0] =	sbarrier.arrive $0xFFFF;
	(pc) =	sbr.rel @p0 .LBB2_1-.Ltmp1, $4  }
0x55: {  	[hbm:s19], [sflag:s8] =	dma.local [spmem:s13], $0x9C4  }
0x56: {  	_ =	swait.ge [sflag:s18], $0x9C4  }
0x57: {  	[sflag:s18] =	ssyncset.done $0x0  }
0x58: {  	[sflag:s18] =	ssyncadd.s32 $0xFFFFF63C  }
0x59: {  	_ =	sfence.sel $0x180000  }
0x5a: {  	[bflag:$0x0] =	sbarrier.arrive $0xFFFF  }
0x5b: {  	_ =	strace $0x90000068  }
0x5c: {  	s0 =	stileid.u32;
	[bflag:$0x2] =	sbarrier.arrive $0xFFFF  }
0x5d: {  	p0 =	sne.s32 s0, $0x0;
	s0 =	rddreg [dreg:$0x3]  }
0x5e: {  	s0 =	sadd.s32 @!p0 $0x100000, s0  }
0x5f: {  	[sflag:s0] =	ssyncadd.tile.s32 @!p0 $0x1;
	_ =	shalt  }
.Lfunc_end2:
_tile_overlayer_lowered:
.L_overlay_start_2:
0x60: {  	(tag) =	ssettag $0x2  }
0x61: {  	s0 =	rddreg [dreg:$0x0];
	s2 =	stileid.u32  }
0x62: {  	s1 =	rddreg [dreg:$0x1];
	p0 =	sne.s32 s2, $0x0  }
0x63: {  	s3 =	rddreg [dreg:$0x2];
	[bflag:$0x3] =	sbarrier.arrive $0xFFFF;
	s2 =	simm.s32 @!p0 $0x1C01  }
0x64: {  	[timem:s3], [sflag:s2] =	dma.local @!p0 [hbm:s0], s1  }
0x65: {  	s0 =	simm.s32 @!p0 $0x1  }
0x66: {  	_ =	swait.ge @!p0 [sflag:s0], s1  }
0x67: {  	s1 =	ssub.s32 @!p0 $0x0, s1;
	[sflag:s0] =	ssyncset.done @!p0 $0x0  }
0x68: {  	[sflag:s0] =	ssyncadd.s32 @!p0 s1  }
0x69: {  	[bflag:$0x3] =	sbarrier.arrive $0xFFFF  }
0x6a: {  	_ =	shalt  }

</sc_bundles>
